<compile_context>
chip_gen: v7x
topology: tpu7x:2x2x1
jax: 0.10.2.dev20260603
libtpu: 0.0.44.dev20260713+nightly
codegen_flags: <defaults>
</compile_context>

<pallas_src>
import functools

import jax
import jax.numpy as jnp
from jax import lax
from jax.experimental import pallas as pl
from jax.experimental.pallas import tpu as pltpu
from jax.experimental.pallas import tpu_sc as plsc

B = 4
N_RED = 2048
N_ORIG = 8192
C = 1024

_info = plsc.get_sparse_core_info()
NC, NS = _info.num_cores, _info.num_subcores
NW = NC * NS

ROWS_TOTAL = B * N_ORIG
ROWS_PER_W = ROWS_TOTAL // NW
K = 32
CH = ROWS_PER_W // K
NBUF = 3


def _body(table_hbm, idx_hbm, out_hbm, idx_v, rows_v, *sems):
    gsem = sems[:NBUF]
    osem = sems[NBUF:]
    wid = lax.axis_index("c") * NS + lax.axis_index("s")
    base = wid * ROWS_PER_W

    pltpu.sync_copy(idx_hbm.at[pl.ds(wid * CH, CH)], idx_v)

    off = jnp.broadcast_to((wid // (NW // B)) * N_RED, (16,)).astype(jnp.int32)

    def add_offset(c):
        for j in range(K // 16):
            sl = (c, pl.ds(j * 16, 16))
            idx_v[sl] = idx_v[sl] + off

    def gather(c):
        return pltpu.async_copy(
            table_hbm.at[idx_v.at[c]], rows_v.at[c % NBUF], gsem[c % NBUF]
        )

    def write_out(c):
        return pltpu.async_copy(
            rows_v.at[c % NBUF], out_hbm.at[pl.ds(base + c * K, K)],
            osem[c % NBUF],
        )

    gh = {}
    wh = {}
    for c in range(NBUF):
        add_offset(c)
        gh[c] = gather(c)
    for c in range(CH):
        if c + NBUF < CH:
            add_offset(c + NBUF)
        gh[c].wait()
        wh[c] = write_out(c)
        if c + NBUF < CH:
            wh[c].wait()
            gh[c + NBUF] = gather(c + NBUF)
    for c in range(CH - NBUF, CH):
        wh[c].wait()


@jax.jit
def _run(table, idx2d):
    mesh = plsc.VectorSubcoreMesh(core_axis_name="c", subcore_axis_name="s")
    f = functools.partial(
        pl.kernel,
        mesh=mesh,
        out_type=jax.ShapeDtypeStruct((ROWS_TOTAL, C), jnp.float32),
        scratch_types=[
            pltpu.VMEM((CH, K), jnp.int32),
            pltpu.VMEM((NBUF, K, C), jnp.float32),
        ]
        + [pltpu.SemaphoreType.DMA] * (2 * NBUF),
    )(_body)
    return f(table, idx2d)


def kernel(x_merged, ownership_map):
    table = x_merged.reshape(B * N_RED, C)
    idx2d = ownership_map.astype(jnp.int32).reshape(NW * CH, K)
    out = _run(table, idx2d)
    return out.reshape(B, N_ORIG, C)

# --- scband reference (transcript-rebuilt; emitter-appended) ---
"""Pipeline reference for scband-merge-dnaunmerge-90288802496788 (READ-ONLY COPY).

The authoritative reference and input builder live on the scoring server;
editing this copy changes nothing except your own understanding.
"""

import jax, jax.numpy as jnp
import numpy as np


def setup_inputs(seed: int = 0) -> dict:
    key = jax.random.key(seed)
    k1, k2 = jax.random.split(key)
    x_merged = jax.random.normal(k1, (4, 2048, 1024), dtype=jnp.float32)
    ownership_map = jax.random.randint(k2, (4, 8192), 0, 2048, dtype=jnp.int64)
    return {"x_merged": x_merged, "ownership_map": ownership_map}


def reference(x_merged, ownership_map):
    # x_merged: [B, N_reduced, C]; ownership_map: [B, N_original]
    # torch.gather(x_merged, 1, indices) with indices expanded over C
    # == take_along_axis on axis 1 with broadcast over the channel dim.
    idx = ownership_map[:, :, None]  # [B, N_original, 1]
    x_unmerged = jnp.take_along_axis(x_merged, idx, axis=1)  # [B, N_original, C]
    return x_unmerged

if __name__ == "__main__":
    import jax
    _d = setup_inputs()
    print(jax.jit(kernel)(*tuple(_d.values())))

</pallas_src>

<mosaic_0001>
#map = affine_map<(d0, d1) -> (0, 0)>
module attributes {stable_mosaic.version = 14 : i64} {
  func.func @_body(%arg0: i32, %arg1: i32, %arg2: memref<8192x1024xf32, #tpu.memory_space<hbm>>, %arg3: memref<1024x32xi32, #tpu.memory_space<hbm>>, %arg4: memref<32768x1024xf32, #tpu.memory_space<hbm>>, %arg5: memref<32x32xi32, #tpu.memory_space<vmem>>, %arg6: memref<3x32x1024xf32, #tpu.memory_space<vmem>>, %arg7: memref<!tpu.dma_semaphore, #tpu.memory_space<semaphore_mem>>, %arg8: memref<!tpu.dma_semaphore, #tpu.memory_space<semaphore_mem>>, %arg9: memref<!tpu.dma_semaphore, #tpu.memory_space<semaphore_mem>>, %arg10: memref<!tpu.dma_semaphore, #tpu.memory_space<semaphore_mem>>, %arg11: memref<!tpu.dma_semaphore, #tpu.memory_space<semaphore_mem>>, %arg12: memref<!tpu.dma_semaphore, #tpu.memory_space<semaphore_mem>>) attributes {dimension_semantics = [#tpu.dimension_semantics<core_parallel>, #tpu.dimension_semantics<subcore_parallel>], iteration_bounds = array<i64: 2, 16>, scalar_prefetch = 0 : i64, scratch_operands = 8 : i64, tpu.core_type = #tpu.core_type<sc_vector_subcore>, window_params = [{transform_indices = #map}, {transform_indices = #map}, {transform_indices = #map}]} {
    %mul3A = arith.constant 16 : i32
    %mul3A_0 = arith.muli %arg0, %mul3A : i32
    %add3A = arith.addi %mul3A_0, %arg1 : i32
    %mul3A_1 = arith.constant 1024 : i32
    %mul3A_2 = arith.muli %add3A, %mul3A_1 : i32
    %mul3A_3 = arith.constant 32 : i32
    %mul3A_4 = arith.muli %add3A, %mul3A_3 : i32
    "tpu.region"() ({
      %run_scoped3A = tpu.sem_alloc : memref<!tpu.dma_semaphore, #tpu.memory_space<semaphore_mem>>
      %dma_start3A_2451 = arith.constant 0 : i32
      %dma_start3A_2452 = tpu.memref_slice %arg3[%mul3A_4, %dma_start3A_2451] : memref<1024x32xi32, #tpu.memory_space<hbm>> -> memref<32x32xi32, #tpu.memory_space<hbm>>
      %dma_start3A_2453 = arith.constant 0 : i32
      %dma_start3A_2454 = tpu.memref_slice %arg3[%mul3A_4, %dma_start3A_2453] : memref<1024x32xi32, #tpu.memory_space<hbm>> -> memref<32x32xi32, #tpu.memory_space<hbm>>
      tpu.enqueue_dma source(%dma_start3A_2454 : memref<32x32xi32, #tpu.memory_space<hbm>>) target(%arg5 : memref<32x32xi32, #tpu.memory_space<vmem>>) target_semaphore(%run_scoped3A : memref<!tpu.dma_semaphore, #tpu.memory_space<semaphore_mem>>)
      %dma_wait3A_2455 = arith.constant 0 : i32
      %dma_wait3A_2456 = tpu.memref_slice %arg3[%mul3A_4, %dma_wait3A_2455] : memref<1024x32xi32, #tpu.memory_space<hbm>> -> memref<32x32xi32, #tpu.memory_space<hbm>>
      %dma_wait3A_2457 = arith.constant 0 : i32
      %dma_wait3A_2458 = tpu.memref_slice %arg3[%mul3A_4, %dma_wait3A_2457] : memref<1024x32xi32, #tpu.memory_space<hbm>> -> memref<32x32xi32, #tpu.memory_space<hbm>>
      tpu.wait_dma2 semaphore(%run_scoped3A : memref<!tpu.dma_semaphore, #tpu.memory_space<semaphore_mem>>) src(%dma_wait3A_2458 : memref<32x32xi32, #tpu.memory_space<hbm>>) dst(%arg5 : memref<32x32xi32, #tpu.memory_space<vmem>>)
      tpu.yield
    }) : () -> ()
    %jit3A = arith.constant 8 : i32
    %div3A = arith.divsi %add3A, %jit3A : i32
    %sign3A = arith.constant 0 : i32
    %sign3A_5 = arith.cmpi sgt, %add3A, %sign3A : i32
    %sign3A_6 = arith.extui %sign3A_5 : i1 to i32
    %sign3A_7 = arith.constant 0 : i32
    %sign3A_8 = arith.cmpi slt, %add3A, %sign3A_7 : i32
    %sign3A_9 = arith.extui %sign3A_8 : i1 to i32
    %sign3A_10 = arith.subi %sign3A_6, %sign3A_9 : i32
    %sign3A_11 = arith.constant 0 : i32
    %sign3A_12 = arith.cmpi sgt, %jit3A, %sign3A_11 : i32
    %sign3A_13 = arith.extui %sign3A_12 : i1 to i32
    %sign3A_14 = arith.constant 0 : i32
    %sign3A_15 = arith.cmpi slt, %jit3A, %sign3A_14 : i32
    %sign3A_16 = arith.extui %sign3A_15 : i1 to i32
    %sign3A_17 = arith.subi %sign3A_13, %sign3A_16 : i32
    %ne3A = arith.cmpi ne, %sign3A_10, %sign3A_17 : i32
    %rem3A = arith.remsi %add3A, %jit3A : i32
    %ne3A_18 = arith.constant 0 : i32
    %ne3A_19 = arith.cmpi ne, %rem3A, %ne3A_18 : i32
    %and3A = arith.andi %ne3A, %ne3A_19 : i1
    %sub3A = arith.constant 1 : i32
    %sub3A_20 = arith.subi %div3A, %sub3A : i32
    %select_n3A = arith.select %and3A, %sub3A_20, %div3A : i32
    %mul3A_21 = arith.constant 2048 : i32
    %mul3A_22 = arith.muli %select_n3A, %mul3A_21 : i32
    %broadcast_in_dim3A = vector.broadcast %mul3A_22 : i32 to vector<16xi32>
    %get3A = arith.constant 0 : i32
    %get3A_23 = arith.index_cast %get3A : i32 to index
    %get3A_24 = arith.constant 0 : index
    %get3A_25 = tpu.vector_load %arg5[%get3A_23, %get3A_24] {strides = array<i32>} : memref<32x32xi32, #tpu.memory_space<vmem>>, vector<1x16xi32>,
    %get3A_26 = vector.shape_cast %get3A_25 : vector<1x16xi32> to vector<16xi32>
    %add3A_27 = arith.addi %get3A_26, %broadcast_in_dim3A : vector<16xi32>
    %swap3A = arith.constant 0 : i32
    %swap3A_28 = arith.index_cast %swap3A : i32 to index
    %swap3A_29 = arith.constant 0 : index
    %swap3A_30 = tpu.vector_load %arg5[%swap3A_28, %swap3A_29] {strides = array<i32>} : memref<32x32xi32, #tpu.memory_space<vmem>>, vector<1x16xi32>,
    %swap3A_31 = vector.shape_cast %swap3A_30 : vector<1x16xi32> to vector<16xi32>
    %swap3A_32 = vector.shape_cast %add3A_27 : vector<16xi32> to vector<1x16xi32>
    tpu.vector_store %arg5[%swap3A_28, %swap3A_29], %swap3A_32 {strides = array<i32>} : memref<32x32xi32, #tpu.memory_space<vmem>>, vector<1x16xi32>,
    %get3A_33 = arith.constant 0 : i32
    %get3A_34 = arith.index_cast %get3A_33 : i32 to index
    %get3A_35 = arith.constant 16 : index
    %get3A_36 = tpu.vector_load %arg5[%get3A_34, %get3A_35] {strides = array<i32>} : memref<32x32xi32, #tpu.memory_space<vmem>>, vector<1x16xi32>,
    %get3A_37 = vector.shape_cast %get3A_36 : vector<1x16xi32> to vector<16xi32>
    %add3A_38 = arith.addi %get3A_37, %broadcast_in_dim3A : vector<16xi32>
    %swap3A_39 = arith.constant 0 : i32
    %swap3A_40 = arith.index_cast %swap3A_39 : i32 to index
    %swap3A_41 = arith.constant 16 : index
    %swap3A_42 = tpu.vector_load %arg5[%swap3A_40, %swap3A_41] {strides = array<i32>} : memref<32x32xi32, #tpu.memory_space<vmem>>, vector<1x16xi32>,
    %swap3A_43 = vector.shape_cast %swap3A_42 : vector<1x16xi32> to vector<16xi32>
    %swap3A_44 = vector.shape_cast %add3A_38 : vector<16xi32> to vector<1x16xi32>
    tpu.vector_store %arg5[%swap3A_40, %swap3A_41], %swap3A_44 {strides = array<i32>} : memref<32x32xi32, #tpu.memory_space<vmem>>, vector<1x16xi32>,
    %dma_start3A = arith.constant 0 : i32
    %dma_start3A_45 = arith.constant 0 : i32
    %dma_start3A_46 = arith.constant 0 : i32
    %dma_start3A_47 = arith.constant 0 : i32
    %dma_start3A_48 = tpu.memref_slice %arg6[%dma_start3A_45, %dma_start3A_46, %dma_start3A_47] : memref<3x32x1024xf32, #tpu.memory_space<vmem>> -> memref<1x32x1024xf32, #tpu.memory_space<vmem>>
    %dma_start3A_49 = tpu.memref_squeeze %dma_start3A_48 : memref<1x32x1024xf32, #tpu.memory_space<vmem>> -> memref<32x1024xf32, #tpu.memory_space<vmem>>
    %dma_start3A_50 = arith.constant 0 : i32
    %dma_start3A_51 = tpu.memref_slice %arg5[%dma_start3A, %dma_start3A_50] : memref<32x32xi32, #tpu.memory_space<vmem>> -> memref<1x32xi32, #tpu.memory_space<vmem>>
    %dma_start3A_52 = tpu.memref_squeeze %dma_start3A_51 : memref<1x32xi32, #tpu.memory_space<vmem>> -> memref<32xi32, #tpu.memory_space<vmem>>
    %dma_start3A_53 = arith.constant 0 : i32
    %dma_start3A_54 = arith.constant 0 : i32
    %dma_start3A_55 = tpu.memref_slice %arg2[%dma_start3A_53, %dma_start3A_54] : memref<8192x1024xf32, #tpu.memory_space<hbm>> -> memref<8192x1024xf32, #tpu.memory_space<hbm>>
    tpu.enqueue_indirect_dma source(%dma_start3A_55 : memref<8192x1024xf32, #tpu.memory_space<hbm>>) target(%dma_start3A_49 : memref<32x1024xf32, #tpu.memory_space<vmem>>) offsets(%dma_start3A_52 : memref<32xi32, #tpu.memory_space<vmem>>) semaphore(%arg7 : memref<!tpu.dma_semaphore, #tpu.memory_space<semaphore_mem>>)
    %get3A_56 = arith.constant 1 : i32
    %get3A_57 = arith.index_cast %get3A_56 : i32 to index
    %get3A_58 = arith.constant 0 : index
    %get3A_59 = tpu.vector_load %arg5[%get3A_57, %get3A_58] {strides = array<i32>} : memref<32x32xi32, #tpu.memory_space<vmem>>, vector<1x16xi32>,
    %get3A_60 = vector.shape_cast %get3A_59 : vector<1x16xi32> to vector<16xi32>
    %add3A_61 = arith.addi %get3A_60, %broadcast_in_dim3A : vector<16xi32>
    %swap3A_62 = arith.constant 1 : i32
    %swap3A_63 = arith.index_cast %swap3A_62 : i32 to index
    %swap3A_64 = arith.constant 0 : index
    %swap3A_65 = tpu.vector_load %arg5[%swap3A_63, %swap3A_64] {strides = array<i32>} : memref<32x32xi32, #tpu.memory_space<vmem>>, vector<1x16xi32>,
    %swap3A_66 = vector.shape_cast %swap3A_65 : vector<1x16xi32> to vector<16xi32>
    %swap3A_67 = vector.shape_cast %add3A_61 : vector<16xi32> to vector<1x16xi32>
    tpu.vector_store %arg5[%swap3A_63, %swap3A_64], %swap3A_67 {strides = array<i32>} : memref<32x32xi32, #tpu.memory_space<vmem>>, vector<1x16xi32>,
    %get3A_68 = arith.constant 1 : i32
    %get3A_69 = arith.index_cast %get3A_68 : i32 to index
    %get3A_70 = arith.constant 16 : index
    %get3A_71 = tpu.vector_load %arg5[%get3A_69, %get3A_70] {strides = array<i32>} : memref<32x32xi32, #tpu.memory_space<vmem>>, vector<1x16xi32>,
    %get3A_72 = vector.shape_cast %get3A_71 : vector<1x16xi32> to vector<16xi32>
    %add3A_73 = arith.addi %get3A_72, %broadcast_in_dim3A : vector<16xi32>
    %swap3A_74 = arith.constant 1 : i32
    %swap3A_75 = arith.index_cast %swap3A_74 : i32 to index
    %swap3A_76 = arith.constant 16 : index
    %swap3A_77 = tpu.vector_load %arg5[%swap3A_75, %swap3A_76] {strides = array<i32>} : memref<32x32xi32, #tpu.memory_space<vmem>>, vector<1x16xi32>,
    %swap3A_78 = vector.shape_cast %swap3A_77 : vector<1x16xi32> to vector<16xi32>
    %swap3A_79 = vector.shape_cast %add3A_73 : vector<16xi32> to vector<1x16xi32>
    tpu.vector_store %arg5[%swap3A_75, %swap3A_76], %swap3A_79 {strides = array<i32>} : memref<32x32xi32, #tpu.memory_space<vmem>>, vector<1x16xi32>,
    %dma_start3A_80 = arith.constant 1 : i32
    %dma_start3A_81 = arith.constant 1 : i32
    %dma_start3A_82 = arith.constant 0 : i32
    %dma_start3A_83 = arith.constant 0 : i32
    %dma_start3A_84 = tpu.memref_slice %arg6[%dma_start3A_81, %dma_start3A_82, %dma_start3A_83] : memref<3x32x1024xf32, #tpu.memory_space<vmem>> -> memref<1x32x1024xf32, #tpu.memory_space<vmem>>
    %dma_start3A_85 = tpu.memref_squeeze %dma_start3A_84 : memref<1x32x1024xf32, #tpu.memory_space<vmem>> -> memref<32x1024xf32, #tpu.memory_space<vmem>>
    %dma_start3A_86 = arith.constant 0 : i32
    %dma_start3A_87 = tpu.memref_slice %arg5[%dma_start3A_80, %dma_start3A_86] : memref<32x32xi32, #tpu.memory_space<vmem>> -> memref<1x32xi32, #tpu.memory_space<vmem>>
    %dma_start3A_88 = tpu.memref_squeeze %dma_start3A_87 : memref<1x32xi32, #tpu.memory_space<vmem>> -> memref<32xi32, #tpu.memory_space<vmem>>
    %dma_start3A_89 = arith.constant 0 : i32
    %dma_start3A_90 = arith.constant 0 : i32
    %dma_start3A_91 = tpu.memref_slice %arg2[%dma_start3A_89, %dma_start3A_90] : memref<8192x1024xf32, #tpu.memory_space<hbm>> -> memref<8192x1024xf32, #tpu.memory_space<hbm>>
    tpu.enqueue_indirect_dma source(%dma_start3A_91 : memref<8192x1024xf32, #tpu.memory_space<hbm>>) target(%dma_start3A_85 : memref<32x1024xf32, #tpu.memory_space<vmem>>) offsets(%dma_start3A_88 : memref<32xi32, #tpu.memory_space<vmem>>) semaphore(%arg8 : memref<!tpu.dma_semaphore, #tpu.memory_space<semaphore_mem>>)
    %get3A_92 = arith.constant 2 : i32
    %get3A_93 = arith.index_cast %get3A_92 : i32 to index
    %get3A_94 = arith.constant 0 : index
    %get3A_95 = tpu.vector_load %arg5[%get3A_93, %get3A_94] {strides = array<i32>} : memref<32x32xi32, #tpu.memory_space<vmem>>, vector<1x16xi32>,
    %get3A_96 = vector.shape_cast %get3A_95 : vector<1x16xi32> to vector<16xi32>
    %add3A_97 = arith.addi %get3A_96, %broadcast_in_dim3A : vector<16xi32>
    %swap3A_98 = arith.constant 2 : i32
    %swap3A_99 = arith.index_cast %swap3A_98 : i32 to index
    %swap3A_100 = arith.constant 0 : index
    %swap3A_101 = tpu.vector_load %arg5[%swap3A_99, %swap3A_100] {strides = array<i32>} : memref<32x32xi32, #tpu.memory_space<vmem>>, vector<1x16xi32>,
    %swap3A_102 = vector.shape_cast %swap3A_101 : vector<1x16xi32> to vector<16xi32>
    %swap3A_103 = vector.shape_cast %add3A_97 : vector<16xi32> to vector<1x16xi32>
    tpu.vector_store %arg5[%swap3A_99, %swap3A_100], %swap3A_103 {strides = array<i32>} : memref<32x32xi32, #tpu.memory_space<vmem>>, vector<1x16xi32>,
    %get3A_104 = arith.constant 2 : i32
    %get3A_105 = arith.index_cast %get3A_104 : i32 to index
    %get3A_106 = arith.constant 16 : index
    %get3A_107 = tpu.vector_load %arg5[%get3A_105, %get3A_106] {strides = array<i32>} : memref<32x32xi32, #tpu.memory_space<vmem>>, vector<1x16xi32>,
    %get3A_108 = vector.shape_cast %get3A_107 : vector<1x16xi32> to vector<16xi32>
    %add3A_109 = arith.addi %get3A_108, %broadcast_in_dim3A : vector<16xi32>
    %swap3A_110 = arith.constant 2 : i32
    %swap3A_111 = arith.index_cast %swap3A_110 : i32 to index
    %swap3A_112 = arith.constant 16 : index
    %swap3A_113 = tpu.vector_load %arg5[%swap3A_111, %swap3A_112] {strides = array<i32>} : memref<32x32xi32, #tpu.memory_space<vmem>>, vector<1x16xi32>,
    %swap3A_114 = vector.shape_cast %swap3A_113 : vector<1x16xi32> to vector<16xi32>
    %swap3A_115 = vector.shape_cast %add3A_109 : vector<16xi32> to vector<1x16xi32>
    tpu.vector_store %arg5[%swap3A_111, %swap3A_112], %swap3A_115 {strides = array<i32>} : memref<32x32xi32, #tpu.memory_space<vmem>>, vector<1x16xi32>,
    %dma_start3A_116 = arith.constant 2 : i32
    %dma_start3A_117 = arith.constant 2 : i32
    %dma_start3A_118 = arith.constant 0 : i32
    %dma_start3A_119 = arith.constant 0 : i32
    %dma_start3A_120 = tpu.memref_slice %arg6[%dma_start3A_117, %dma_start3A_118, %dma_start3A_119] : memref<3x32x1024xf32, #tpu.memory_space<vmem>> -> memref<1x32x1024xf32, #tpu.memory_space<vmem>>
    %dma_start3A_121 = tpu.memref_squeeze %dma_start3A_120 : memref<1x32x1024xf32, #tpu.memory_space<vmem>> -> memref<32x1024xf32, #tpu.memory_space<vmem>>
    %dma_start3A_122 = arith.constant 0 : i32
    %dma_start3A_123 = tpu.memref_slice %arg5[%dma_start3A_116, %dma_start3A_122] : memref<32x32xi32, #tpu.memory_space<vmem>> -> memref<1x32xi32, #tpu.memory_space<vmem>>
    %dma_start3A_124 = tpu.memref_squeeze %dma_start3A_123 : memref<1x32xi32, #tpu.memory_space<vmem>> -> memref<32xi32, #tpu.memory_space<vmem>>
    %dma_start3A_125 = arith.constant 0 : i32
    %dma_start3A_126 = arith.constant 0 : i32
    %dma_start3A_127 = tpu.memref_slice %arg2[%dma_start3A_125, %dma_start3A_126] : memref<8192x1024xf32, #tpu.memory_space<hbm>> -> memref<8192x1024xf32, #tpu.memory_space<hbm>>
    tpu.enqueue_indirect_dma source(%dma_start3A_127 : memref<8192x1024xf32, #tpu.memory_space<hbm>>) target(%dma_start3A_121 : memref<32x1024xf32, #tpu.memory_space<vmem>>) offsets(%dma_start3A_124 : memref<32xi32, #tpu.memory_space<vmem>>) semaphore(%arg9 : memref<!tpu.dma_semaphore, #tpu.memory_space<semaphore_mem>>)
    %get3A_128 = arith.constant 3 : i32
    %get3A_129 = arith.index_cast %get3A_128 : i32 to index
    %get3A_130 = arith.constant 0 : index
    %get3A_131 = tpu.vector_load %arg5[%get3A_129, %get3A_130] {strides = array<i32>} : memref<32x32xi32, #tpu.memory_space<vmem>>, vector<1x16xi32>,
    %get3A_132 = vector.shape_cast %get3A_131 : vector<1x16xi32> to vector<16xi32>
    %add3A_133 = arith.addi %get3A_132, %broadcast_in_dim3A : vector<16xi32>
    %swap3A_134 = arith.constant 3 : i32
    %swap3A_135 = arith.index_cast %swap3A_134 : i32 to index
    %swap3A_136 = arith.constant 0 : index
    %swap3A_137 = tpu.vector_load %arg5[%swap3A_135, %swap3A_136] {strides = array<i32>} : memref<32x32xi32, #tpu.memory_space<vmem>>, vector<1x16xi32>,
    %swap3A_138 = vector.shape_cast %swap3A_137 : vector<1x16xi32> to vector<16xi32>
    %swap3A_139 = vector.shape_cast %add3A_133 : vector<16xi32> to vector<1x16xi32>
    tpu.vector_store %arg5[%swap3A_135, %swap3A_136], %swap3A_139 {strides = array<i32>} : memref<32x32xi32, #tpu.memory_space<vmem>>, vector<1x16xi32>,
    %get3A_140 = arith.constant 3 : i32
    %get3A_141 = arith.index_cast %get3A_140 : i32 to index
    %get3A_142 = arith.constant 16 : index
    %get3A_143 = tpu.vector_load %arg5[%get3A_141, %get3A_142] {strides = array<i32>} : memref<32x32xi32, #tpu.memory_space<vmem>>, vector<1x16xi32>,
    %get3A_144 = vector.shape_cast %get3A_143 : vector<1x16xi32> to vector<16xi32>
    %add3A_145 = arith.addi %get3A_144, %broadcast_in_dim3A : vector<16xi32>
    %swap3A_146 = arith.constant 3 : i32
    %swap3A_147 = arith.index_cast %swap3A_146 : i32 to index
    %swap3A_148 = arith.constant 16 : index
    %swap3A_149 = tpu.vector_load %arg5[%swap3A_147, %swap3A_148] {strides = array<i32>} : memref<32x32xi32, #tpu.memory_space<vmem>>, vector<1x16xi32>,
    %swap3A_150 = vector.shape_cast %swap3A_149 : vector<1x16xi32> to vector<16xi32>
    %swap3A_151 = vector.shape_cast %add3A_145 : vector<16xi32> to vector<1x16xi32>
    tpu.vector_store %arg5[%swap3A_147, %swap3A_148], %swap3A_151 {strides = array<i32>} : memref<32x32xi32, #tpu.memory_space<vmem>>, vector<1x16xi32>,
    %dma_wait3A = arith.constant 0 : i32
    %dma_wait3A_152 = arith.constant 0 : i32
    %dma_wait3A_153 = arith.constant 0 : i32
    %dma_wait3A_154 = arith.constant 0 : i32
    %dma_wait3A_155 = tpu.memref_slice %arg6[%dma_wait3A_152, %dma_wait3A_153, %dma_wait3A_154] : memref<3x32x1024xf32, #tpu.memory_space<vmem>> -> memref<1x32x1024xf32, #tpu.memory_space<vmem>>
    %dma_wait3A_156 = tpu.memref_squeeze %dma_wait3A_155 : memref<1x32x1024xf32, #tpu.memory_space<vmem>> -> memref<32x1024xf32, #tpu.memory_space<vmem>>
    %dma_wait3A_157 = arith.constant 0 : i32
    %dma_wait3A_158 = tpu.memref_slice %arg5[%dma_wait3A, %dma_wait3A_157] : memref<32x32xi32, #tpu.memory_space<vmem>> -> memref<1x32xi32, #tpu.memory_space<vmem>>
    %dma_wait3A_159 = tpu.memref_squeeze %dma_wait3A_158 : memref<1x32xi32, #tpu.memory_space<vmem>> -> memref<32xi32, #tpu.memory_space<vmem>>
    %dma_wait3A_160 = arith.constant 0 : i32
    %dma_wait3A_161 = arith.constant 0 : i32
    %dma_wait3A_162 = tpu.memref_slice %arg2[%dma_wait3A_160, %dma_wait3A_161] : memref<8192x1024xf32, #tpu.memory_space<hbm>> -> memref<8192x1024xf32, #tpu.memory_space<hbm>>
    tpu.wait_indirect_dma semaphore(%arg7 : memref<!tpu.dma_semaphore, #tpu.memory_space<semaphore_mem>>) src(%dma_wait3A_162 : memref<8192x1024xf32, #tpu.memory_space<hbm>>) dst(%dma_wait3A_156 : memref<32x1024xf32, #tpu.memory_space<vmem>>)
    %add3A_163 = arith.constant 0 : i32
    %add3A_164 = arith.addi %mul3A_2, %add3A_163 : i32
    %dma_start3A_165 = arith.constant 0 : i32
    %dma_start3A_166 = arith.constant 0 : i32
    %dma_start3A_167 = arith.constant 0 : i32
    %dma_start3A_168 = tpu.memref_slice %arg6[%dma_start3A_165, %dma_start3A_166, %dma_start3A_167] : memref<3x32x1024xf32, #tpu.memory_space<vmem>> -> memref<1x32x1024xf32, #tpu.memory_space<vmem>>
    %dma_start3A_169 = tpu.memref_squeeze %dma_start3A_168 : memref<1x32x1024xf32, #tpu.memory_space<vmem>> -> memref<32x1024xf32, #tpu.memory_space<vmem>>
    %dma_start3A_170 = arith.constant 0 : i32
    %dma_start3A_171 = tpu.memref_slice %arg4[%add3A_164, %dma_start3A_170] : memref<32768x1024xf32, #tpu.memory_space<hbm>> -> memref<32x1024xf32, #tpu.memory_space<hbm>>
    %dma_start3A_172 = arith.constant 0 : i32
    %dma_start3A_173 = tpu.memref_slice %arg4[%add3A_164, %dma_start3A_172] : memref<32768x1024xf32, #tpu.memory_space<hbm>> -> memref<32x1024xf32, #tpu.memory_space<hbm>>
    %dma_start3A_174 = arith.constant 0 : i32
    %dma_start3A_175 = arith.constant 0 : i32
    %dma_start3A_176 = tpu.memref_slice %arg6[%dma_start3A_165, %dma_start3A_174, %dma_start3A_175] : memref<3x32x1024xf32, #tpu.memory_space<vmem>> -> memref<1x32x1024xf32, #tpu.memory_space<vmem>>
    %dma_start3A_177 = tpu.memref_squeeze %dma_start3A_176 : memref<1x32x1024xf32, #tpu.memory_space<vmem>> -> memref<32x1024xf32, #tpu.memory_space<vmem>>
    tpu.enqueue_dma source(%dma_start3A_177 : memref<32x1024xf32, #tpu.memory_space<vmem>>) target(%dma_start3A_173 : memref<32x1024xf32, #tpu.memory_space<hbm>>) target_semaphore(%arg10 : memref<!tpu.dma_semaphore, #tpu.memory_space<semaphore_mem>>)
    %dma_wait3A_178 = arith.constant 0 : i32
    %dma_wait3A_179 = arith.constant 0 : i32
    %dma_wait3A_180 = arith.constant 0 : i32
    %dma_wait3A_181 = tpu.memref_slice %arg6[%dma_wait3A_178, %dma_wait3A_179, %dma_wait3A_180] : memref<3x32x1024xf32, #tpu.memory_space<vmem>> -> memref<1x32x1024xf32, #tpu.memory_space<vmem>>
    %dma_wait3A_182 = tpu.memref_squeeze %dma_wait3A_181 : memref<1x32x1024xf32, #tpu.memory_space<vmem>> -> memref<32x1024xf32, #tpu.memory_space<vmem>>
    %dma_wait3A_183 = arith.constant 0 : i32
    %dma_wait3A_184 = tpu.memref_slice %arg4[%add3A_164, %dma_wait3A_183] : memref<32768x1024xf32, #tpu.memory_space<hbm>> -> memref<32x1024xf32, #tpu.memory_space<hbm>>
    %dma_wait3A_185 = arith.constant 0 : i32
    %dma_wait3A_186 = tpu.memref_slice %arg4[%add3A_164, %dma_wait3A_185] : memref<32768x1024xf32, #tpu.memory_space<hbm>> -> memref<32x1024xf32, #tpu.memory_space<hbm>>
    %dma_wait3A_187 = arith.constant 0 : i32
    %dma_wait3A_188 = arith.constant 0 : i32
    %dma_wait3A_189 = tpu.memref_slice %arg6[%dma_wait3A_178, %dma_wait3A_187, %dma_wait3A_188] : memref<3x32x1024xf32, #tpu.memory_space<vmem>> -> memref<1x32x1024xf32, #tpu.memory_space<vmem>>
    %dma_wait3A_190 = tpu.memref_squeeze %dma_wait3A_189 : memref<1x32x1024xf32, #tpu.memory_space<vmem>> -> memref<32x1024xf32, #tpu.memory_space<vmem>>
    tpu.wait_dma2 semaphore(%arg10 : memref<!tpu.dma_semaphore, #tpu.memory_space<semaphore_mem>>) src(%dma_wait3A_190 : memref<32x1024xf32, #tpu.memory_space<vmem>>) dst(%dma_wait3A_186 : memref<32x1024xf32, #tpu.memory_space<hbm>>)
    %dma_start3A_191 = arith.constant 3 : i32
    %dma_start3A_192 = arith.constant 0 : i32
    %dma_start3A_193 = arith.constant 0 : i32
    %dma_start3A_194 = arith.constant 0 : i32
    %dma_start3A_195 = tpu.memref_slice %arg6[%dma_start3A_192, %dma_start3A_193, %dma_start3A_194] : memref<3x32x1024xf32, #tpu.memory_space<vmem>> -> memref<1x32x1024xf32, #tpu.memory_space<vmem>>
    %dma_start3A_196 = tpu.memref_squeeze %dma_start3A_195 : memref<1x32x1024xf32, #tpu.memory_space<vmem>> -> memref<32x1024xf32, #tpu.memory_space<vmem>>
    %dma_start3A_197 = arith.constant 0 : i32
    %dma_start3A_198 = tpu.memref_slice %arg5[%dma_start3A_191, %dma_start3A_197] : memref<32x32xi32, #tpu.memory_space<vmem>> -> memref<1x32xi32, #tpu.memory_space<vmem>>
    %dma_start3A_199 = tpu.memref_squeeze %dma_start3A_198 : memref<1x32xi32, #tpu.memory_space<vmem>> -> memref<32xi32, #tpu.memory_space<vmem>>
    %dma_start3A_200 = arith.constant 0 : i32
    %dma_start3A_201 = arith.constant 0 : i32
    %dma_start3A_202 = tpu.memref_slice %arg2[%dma_start3A_200, %dma_start3A_201] : memref<8192x1024xf32, #tpu.memory_space<hbm>> -> memref<8192x1024xf32, #tpu.memory_space<hbm>>
    tpu.enqueue_indirect_dma source(%dma_start3A_202 : memref<8192x1024xf32, #tpu.memory_space<hbm>>) target(%dma_start3A_196 : memref<32x1024xf32, #tpu.memory_space<vmem>>) offsets(%dma_start3A_199 : memref<32xi32, #tpu.memory_space<vmem>>) semaphore(%arg7 : memref<!tpu.dma_semaphore, #tpu.memory_space<semaphore_mem>>)
    %get3A_203 = arith.constant 4 : i32
    %get3A_204 = arith.index_cast %get3A_203 : i32 to index
    %get3A_205 = arith.constant 0 : index
    %get3A_206 = tpu.vector_load %arg5[%get3A_204, %get3A_205] {strides = array<i32>} : memref<32x32xi32, #tpu.memory_space<vmem>>, vector<1x16xi32>,
    %get3A_207 = vector.shape_cast %get3A_206 : vector<1x16xi32> to vector<16xi32>
    %add3A_208 = arith.addi %get3A_207, %broadcast_in_dim3A : vector<16xi32>
    %swap3A_209 = arith.constant 4 : i32
    %swap3A_210 = arith.index_cast %swap3A_209 : i32 to index
    %swap3A_211 = arith.constant 0 : index
    %swap3A_212 = tpu.vector_load %arg5[%swap3A_210, %swap3A_211] {strides = array<i32>} : memref<32x32xi32, #tpu.memory_space<vmem>>, vector<1x16xi32>,
    %swap3A_213 = vector.shape_cast %swap3A_212 : vector<1x16xi32> to vector<16xi32>
    %swap3A_214 = vector.shape_cast %add3A_208 : vector<16xi32> to vector<1x16xi32>
    tpu.vector_store %arg5[%swap3A_210, %swap3A_211], %swap3A_214 {strides = array<i32>} : memref<32x32xi32, #tpu.memory_space<vmem>>, vector<1x16xi32>,
    %get3A_215 = arith.constant 4 : i32
    %get3A_216 = arith.index_cast %get3A_215 : i32 to index
    %get3A_217 = arith.constant 16 : index
    %get3A_218 = tpu.vector_load %arg5[%get3A_216, %get3A_217] {strides = array<i32>} : memref<32x32xi32, #tpu.memory_space<vmem>>, vector<1x16xi32>,
    %get3A_219 = vector.shape_cast %get3A_218 : vector<1x16xi32> to vector<16xi32>
    %add3A_220 = arith.addi %get3A_219, %broadcast_in_dim3A : vector<16xi32>
    %swap3A_221 = arith.constant 4 : i32
    %swap3A_222 = arith.index_cast %swap3A_221 : i32 to index
    %swap3A_223 = arith.constant 16 : index
    %swap3A_224 = tpu.vector_load %arg5[%swap3A_222, %swap3A_223] {strides = array<i32>} : memref<32x32xi32, #tpu.memory_space<vmem>>, vector<1x16xi32>,
    %swap3A_225 = vector.shape_cast %swap3A_224 : vector<1x16xi32> to vector<16xi32>
    %swap3A_226 = vector.shape_cast %add3A_220 : vector<16xi32> to vector<1x16xi32>
    tpu.vector_store %arg5[%swap3A_222, %swap3A_223], %swap3A_226 {strides = array<i32>} : memref<32x32xi32, #tpu.memory_space<vmem>>, vector<1x16xi32>,
    %dma_wait3A_227 = arith.constant 1 : i32
    %dma_wait3A_228 = arith.constant 1 : i32
    %dma_wait3A_229 = arith.constant 0 : i32
    %dma_wait3A_230 = arith.constant 0 : i32
    %dma_wait3A_231 = tpu.memref_slice %arg6[%dma_wait3A_228, %dma_wait3A_229, %dma_wait3A_230] : memref<3x32x1024xf32, #tpu.memory_space<vmem>> -> memref<1x32x1024xf32, #tpu.memory_space<vmem>>
    %dma_wait3A_232 = tpu.memref_squeeze %dma_wait3A_231 : memref<1x32x1024xf32, #tpu.memory_space<vmem>> -> memref<32x1024xf32, #tpu.memory_space<vmem>>
    %dma_wait3A_233 = arith.constant 0 : i32
    %dma_wait3A_234 = tpu.memref_slice %arg5[%dma_wait3A_227, %dma_wait3A_233] : memref<32x32xi32, #tpu.memory_space<vmem>> -> memref<1x32xi32, #tpu.memory_space<vmem>>
    %dma_wait3A_235 = tpu.memref_squeeze %dma_wait3A_234 : memref<1x32xi32, #tpu.memory_space<vmem>> -> memref<32xi32, #tpu.memory_space<vmem>>
    %dma_wait3A_236 = arith.constant 0 : i32
    %dma_wait3A_237 = arith.constant 0 : i32
    %dma_wait3A_238 = tpu.memref_slice %arg2[%dma_wait3A_236, %dma_wait3A_237] : memref<8192x1024xf32, #tpu.memory_space<hbm>> -> memref<8192x1024xf32, #tpu.memory_space<hbm>>
    tpu.wait_indirect_dma semaphore(%arg8 : memref<!tpu.dma_semaphore, #tpu.memory_space<semaphore_mem>>) src(%dma_wait3A_238 : memref<8192x1024xf32, #tpu.memory_space<hbm>>) dst(%dma_wait3A_232 : memref<32x1024xf32, #tpu.memory_space<vmem>>)
    %add3A_239 = arith.constant 32 : i32
    %add3A_240 = arith.addi %mul3A_2, %add3A_239 : i32
    %dma_start3A_241 = arith.constant 1 : i32
    %dma_start3A_242 = arith.constant 0 : i32
    %dma_start3A_243 = arith.constant 0 : i32
    %dma_start3A_244 = tpu.memref_slice %arg6[%dma_start3A_241, %dma_start3A_242, %dma_start3A_243] : memref<3x32x1024xf32, #tpu.memory_space<vmem>> -> memref<1x32x1024xf32, #tpu.memory_space<vmem>>
    %dma_start3A_245 = tpu.memref_squeeze %dma_start3A_244 : memref<1x32x1024xf32, #tpu.memory_space<vmem>> -> memref<32x1024xf32, #tpu.memory_space<vmem>>
    %dma_start3A_246 = arith.constant 0 : i32
    %dma_start3A_247 = tpu.memref_slice %arg4[%add3A_240, %dma_start3A_246] : memref<32768x1024xf32, #tpu.memory_space<hbm>> -> memref<32x1024xf32, #tpu.memory_space<hbm>>
    %dma_start3A_248 = arith.constant 0 : i32
    %dma_start3A_249 = tpu.memref_slice %arg4[%add3A_240, %dma_start3A_248] : memref<32768x1024xf32, #tpu.memory_space<hbm>> -> memref<32x1024xf32, #tpu.memory_space<hbm>>
    %dma_start3A_250 = arith.constant 0 : i32
    %dma_start3A_251 = arith.constant 0 : i32
    %dma_start3A_252 = tpu.memref_slice %arg6[%dma_start3A_241, %dma_start3A_250, %dma_start3A_251] : memref<3x32x1024xf32, #tpu.memory_space<vmem>> -> memref<1x32x1024xf32, #tpu.memory_space<vmem>>
    %dma_start3A_253 = tpu.memref_squeeze %dma_start3A_252 : memref<1x32x1024xf32, #tpu.memory_space<vmem>> -> memref<32x1024xf32, #tpu.memory_space<vmem>>
    tpu.enqueue_dma source(%dma_start3A_253 : memref<32x1024xf32, #tpu.memory_space<vmem>>) target(%dma_start3A_249 : memref<32x1024xf32, #tpu.memory_space<hbm>>) target_semaphore(%arg11 : memref<!tpu.dma_semaphore, #tpu.memory_space<semaphore_mem>>)
    %dma_wait3A_254 = arith.constant 1 : i32
    %dma_wait3A_255 = arith.constant 0 : i32
    %dma_wait3A_256 = arith.constant 0 : i32
    %dma_wait3A_257 = tpu.memref_slice %arg6[%dma_wait3A_254, %dma_wait3A_255, %dma_wait3A_256] : memref<3x32x1024xf32, #tpu.memory_space<vmem>> -> memref<1x32x1024xf32, #tpu.memory_space<vmem>>
    %dma_wait3A_258 = tpu.memref_squeeze %dma_wait3A_257 : memref<1x32x1024xf32, #tpu.memory_space<vmem>> -> memref<32x1024xf32, #tpu.memory_space<vmem>>
    %dma_wait3A_259 = arith.constant 0 : i32
    %dma_wait3A_260 = tpu.memref_slice %arg4[%add3A_240, %dma_wait3A_259] : memref<32768x1024xf32, #tpu.memory_space<hbm>> -> memref<32x1024xf32, #tpu.memory_space<hbm>>
    %dma_wait3A_261 = arith.constant 0 : i32
    %dma_wait3A_262 = tpu.memref_slice %arg4[%add3A_240, %dma_wait3A_261] : memref<32768x1024xf32, #tpu.memory_space<hbm>> -> memref<32x1024xf32, #tpu.memory_space<hbm>>
    %dma_wait3A_263 = arith.constant 0 : i32
    %dma_wait3A_264 = arith.constant 0 : i32
    %dma_wait3A_265 = tpu.memref_slice %arg6[%dma_wait3A_254, %dma_wait3A_263, %dma_wait3A_264] : memref<3x32x1024xf32, #tpu.memory_space<vmem>> -> memref<1x32x1024xf32, #tpu.memory_space<vmem>>
    %dma_wait3A_266 = tpu.memref_squeeze %dma_wait3A_265 : memref<1x32x1024xf32, #tpu.memory_space<vmem>> -> memref<32x1024xf32, #tpu.memory_space<vmem>>
    tpu.wait_dma2 semaphore(%arg11 : memref<!tpu.dma_semaphore, #tpu.memory_space<semaphore_mem>>) src(%dma_wait3A_266 : memref<32x1024xf32, #tpu.memory_space<vmem>>) dst(%dma_wait3A_262 : memref<32x1024xf32, #tpu.memory_space<hbm>>)
    %dma_start3A_267 = arith.constant 4 : i32
    %dma_start3A_268 = arith.constant 1 : i32
    %dma_start3A_269 = arith.constant 0 : i32
    %dma_start3A_270 = arith.constant 0 : i32
    %dma_start3A_271 = tpu.memref_slice %arg6[%dma_start3A_268, %dma_start3A_269, %dma_start3A_270] : memref<3x32x1024xf32, #tpu.memory_space<vmem>> -> memref<1x32x1024xf32, #tpu.memory_space<vmem>>
    %dma_start3A_272 = tpu.memref_squeeze %dma_start3A_271 : memref<1x32x1024xf32, #tpu.memory_space<vmem>> -> memref<32x1024xf32, #tpu.memory_space<vmem>>
    %dma_start3A_273 = arith.constant 0 : i32
    %dma_start3A_274 = tpu.memref_slice %arg5[%dma_start3A_267, %dma_start3A_273] : memref<32x32xi32, #tpu.memory_space<vmem>> -> memref<1x32xi32, #tpu.memory_space<vmem>>
    %dma_start3A_275 = tpu.memref_squeeze %dma_start3A_274 : memref<1x32xi32, #tpu.memory_space<vmem>> -> memref<32xi32, #tpu.memory_space<vmem>>
    %dma_start3A_276 = arith.constant 0 : i32
    %dma_start3A_277 = arith.constant 0 : i32
    %dma_start3A_278 = tpu.memref_slice %arg2[%dma_start3A_276, %dma_start3A_277] : memref<8192x1024xf32, #tpu.memory_space<hbm>> -> memref<8192x1024xf32, #tpu.memory_space<hbm>>
    tpu.enqueue_indirect_dma source(%dma_start3A_278 : memref<8192x1024xf32, #tpu.memory_space<hbm>>) target(%dma_start3A_272 : memref<32x1024xf32, #tpu.memory_space<vmem>>) offsets(%dma_start3A_275 : memref<32xi32, #tpu.memory_space<vmem>>) semaphore(%arg8 : memref<!tpu.dma_semaphore, #tpu.memory_space<semaphore_mem>>)
    %get3A_279 = arith.constant 5 : i32
    %get3A_280 = arith.index_cast %get3A_279 : i32 to index
    %get3A_281 = arith.constant 0 : index
    %get3A_282 = tpu.vector_load %arg5[%get3A_280, %get3A_281] {strides = array<i32>} : memref<32x32xi32, #tpu.memory_space<vmem>>, vector<1x16xi32>,
    %get3A_283 = vector.shape_cast %get3A_282 : vector<1x16xi32> to vector<16xi32>
    %add3A_284 = arith.addi %get3A_283, %broadcast_in_dim3A : vector<16xi32>
    %swap3A_285 = arith.constant 5 : i32
    %swap3A_286 = arith.index_cast %swap3A_285 : i32 to index
    %swap3A_287 = arith.constant 0 : index
    %swap3A_288 = tpu.vector_load %arg5[%swap3A_286, %swap3A_287] {strides = array<i32>} : memref<32x32xi32, #tpu.memory_space<vmem>>, vector<1x16xi32>,
    %swap3A_289 = vector.shape_cast %swap3A_288 : vector<1x16xi32> to vector<16xi32>
    %swap3A_290 = vector.shape_cast %add3A_284 : vector<16xi32> to vector<1x16xi32>
    tpu.vector_store %arg5[%swap3A_286, %swap3A_287], %swap3A_290 {strides = array<i32>} : memref<32x32xi32, #tpu.memory_space<vmem>>, vector<1x16xi32>,
    %get3A_291 = arith.constant 5 : i32
    %get3A_292 = arith.index_cast %get3A_291 : i32 to index
    %get3A_293 = arith.constant 16 : index
    %get3A_294 = tpu.vector_load %arg5[%get3A_292, %get3A_293] {strides = array<i32>} : memref<32x32xi32, #tpu.memory_space<vmem>>, vector<1x16xi32>,
    %get3A_295 = vector.shape_cast %get3A_294 : vector<1x16xi32> to vector<16xi32>
    %add3A_296 = arith.addi %get3A_295, %broadcast_in_dim3A : vector<16xi32>
    %swap3A_297 = arith.constant 5 : i32
    %swap3A_298 = arith.index_cast %swap3A_297 : i32 to index
    %swap3A_299 = arith.constant 16 : index
    %swap3A_300 = tpu.vector_load %arg5[%swap3A_298, %swap3A_299] {strides = array<i32>} : memref<32x32xi32, #tpu.memory_space<vmem>>, vector<1x16xi32>,
    %swap3A_301 = vector.shape_cast %swap3A_300 : vector<1x16xi32> to vector<16xi32>
    %swap3A_302 = vector.shape_cast %add3A_296 : vector<16xi32> to vector<1x16xi32>
    tpu.vector_store %arg5[%swap3A_298, %swap3A_299], %swap3A_302 {strides = array<i32>} : memref<32x32xi32, #tpu.memory_space<vmem>>, vector<1x16xi32>,
    %dma_wait3A_303 = arith.constant 2 : i32
    %dma_wait3A_304 = arith.constant 2 : i32
    %dma_wait3A_305 = arith.constant 0 : i32
    %dma_wait3A_306 = arith.constant 0 : i32
    %dma_wait3A_307 = tpu.memref_slice %arg6[%dma_wait3A_304, %dma_wait3A_305, %dma_wait3A_306] : memref<3x32x1024xf32, #tpu.memory_space<vmem>> -> memref<1x32x1024xf32, #tpu.memory_space<vmem>>
    %dma_wait3A_308 = tpu.memref_squeeze %dma_wait3A_307 : memref<1x32x1024xf32, #tpu.memory_space<vmem>> -> memref<32x1024xf32, #tpu.memory_space<vmem>>
    %dma_wait3A_309 = arith.constant 0 : i32
    %dma_wait3A_310 = tpu.memref_slice %arg5[%dma_wait3A_303, %dma_wait3A_309] : memref<32x32xi32, #tpu.memory_space<vmem>> -> memref<1x32xi32, #tpu.memory_space<vmem>>
    %dma_wait3A_311 = tpu.memref_squeeze %dma_wait3A_310 : memref<1x32xi32, #tpu.memory_space<vmem>> -> memref<32xi32, #tpu.memory_space<vmem>>
    %dma_wait3A_312 = arith.constant 0 : i32
    %dma_wait3A_313 = arith.constant 0 : i32
    %dma_wait3A_314 = tpu.memref_slice %arg2[%dma_wait3A_312, %dma_wait3A_313] : memref<8192x1024xf32, #tpu.memory_space<hbm>> -> memref<8192x1024xf32, #tpu.memory_space<hbm>>
    tpu.wait_indirect_dma semaphore(%arg9 : memref<!tpu.dma_semaphore, #tpu.memory_space<semaphore_mem>>) src(%dma_wait3A_314 : memref<8192x1024xf32, #tpu.memory_space<hbm>>) dst(%dma_wait3A_308 : memref<32x1024xf32, #tpu.memory_space<vmem>>)
    %add3A_315 = arith.constant 64 : i32
    %add3A_316 = arith.addi %mul3A_2, %add3A_315 : i32
    %dma_start3A_317 = arith.constant 2 : i32
    %dma_start3A_318 = arith.constant 0 : i32
    %dma_start3A_319 = arith.constant 0 : i32
    %dma_start3A_320 = tpu.memref_slice %arg6[%dma_start3A_317, %dma_start3A_318, %dma_start3A_319] : memref<3x32x1024xf32, #tpu.memory_space<vmem>> -> memref<1x32x1024xf32, #tpu.memory_space<vmem>>
    %dma_start3A_321 = tpu.memref_squeeze %dma_start3A_320 : memref<1x32x1024xf32, #tpu.memory_space<vmem>> -> memref<32x1024xf32, #tpu.memory_space<vmem>>
    %dma_start3A_322 = arith.constant 0 : i32
    %dma_start3A_323 = tpu.memref_slice %arg4[%add3A_316, %dma_start3A_322] : memref<32768x1024xf32, #tpu.memory_space<hbm>> -> memref<32x1024xf32, #tpu.memory_space<hbm>>
    %dma_start3A_324 = arith.constant 0 : i32
    %dma_start3A_325 = tpu.memref_slice %arg4[%add3A_316, %dma_start3A_324] : memref<32768x1024xf32, #tpu.memory_space<hbm>> -> memref<32x1024xf32, #tpu.memory_space<hbm>>
    %dma_start3A_326 = arith.constant 0 : i32
    %dma_start3A_327 = arith.constant 0 : i32
    %dma_start3A_328 = tpu.memref_slice %arg6[%dma_start3A_317, %dma_start3A_326, %dma_start3A_327] : memref<3x32x1024xf32, #tpu.memory_space<vmem>> -> memref<1x32x1024xf32, #tpu.memory_space<vmem>>
    %dma_start3A_329 = tpu.memref_squeeze %dma_start3A_328 : memref<1x32x1024xf32, #tpu.memory_space<vmem>> -> memref<32x1024xf32, #tpu.memory_space<vmem>>
    tpu.enqueue_dma source(%dma_start3A_329 : memref<32x1024xf32, #tpu.memory_space<vmem>>) target(%dma_start3A_325 : memref<32x1024xf32, #tpu.memory_space<hbm>>) target_semaphore(%arg12 : memref<!tpu.dma_semaphore, #tpu.memory_space<semaphore_mem>>)
    %dma_wait3A_330 = arith.constant 2 : i32
    %dma_wait3A_331 = arith.constant 0 : i32
    %dma_wait3A_332 = arith.constant 0 : i32
    %dma_wait3A_333 = tpu.memref_slice %arg6[%dma_wait3A_330, %dma_wait3A_331, %dma_wait3A_332] : memref<3x32x1024xf32, #tpu.memory_space<vmem>> -> memref<1x32x1024xf32, #tpu.memory_space<vmem>>
    %dma_wait3A_334 = tpu.memref_squeeze %dma_wait3A_333 : memref<1x32x1024xf32, #tpu.memory_space<vmem>> -> memref<32x1024xf32, #tpu.memory_space<vmem>>
    %dma_wait3A_335 = arith.constant 0 : i32
    %dma_wait3A_336 = tpu.memref_slice %arg4[%add3A_316, %dma_wait3A_335] : memref<32768x1024xf32, #tpu.memory_space<hbm>> -> memref<32x1024xf32, #tpu.memory_space<hbm>>
    %dma_wait3A_337 = arith.constant 0 : i32
    %dma_wait3A_338 = tpu.memref_slice %arg4[%add3A_316, %dma_wait3A_337] : memref<32768x1024xf32, #tpu.memory_space<hbm>> -> memref<32x1024xf32, #tpu.memory_space<hbm>>
    %dma_wait3A_339 = arith.constant 0 : i32
    %dma_wait3A_340 = arith.constant 0 : i32
    %dma_wait3A_341 = tpu.memref_slice %arg6[%dma_wait3A_330, %dma_wait3A_339, %dma_wait3A_340] : memref<3x32x1024xf32, #tpu.memory_space<vmem>> -> memref<1x32x1024xf32, #tpu.memory_space<vmem>>
    %dma_wait3A_342 = tpu.memref_squeeze %dma_wait3A_341 : memref<1x32x1024xf32, #tpu.memory_space<vmem>> -> memref<32x1024xf32, #tpu.memory_space<vmem>>
    tpu.wait_dma2 semaphore(%arg12 : memref<!tpu.dma_semaphore, #tpu.memory_space<semaphore_mem>>) src(%dma_wait3A_342 : memref<32x1024xf32, #tpu.memory_space<vmem>>) dst(%dma_wait3A_338 : memref<32x1024xf32, #tpu.memory_space<hbm>>)
    %dma_start3A_343 = arith.constant 5 : i32
    %dma_start3A_344 = arith.constant 2 : i32
    %dma_start3A_345 = arith.constant 0 : i32
    %dma_start3A_346 = arith.constant 0 : i32
    %dma_start3A_347 = tpu.memref_slice %arg6[%dma_start3A_344, %dma_start3A_345, %dma_start3A_346] : memref<3x32x1024xf32, #tpu.memory_space<vmem>> -> memref<1x32x1024xf32, #tpu.memory_space<vmem>>
    %dma_start3A_348 = tpu.memref_squeeze %dma_start3A_347 : memref<1x32x1024xf32, #tpu.memory_space<vmem>> -> memref<32x1024xf32, #tpu.memory_space<vmem>>
    %dma_start3A_349 = arith.constant 0 : i32
    %dma_start3A_350 = tpu.memref_slice %arg5[%dma_start3A_343, %dma_start3A_349] : memref<32x32xi32, #tpu.memory_space<vmem>> -> memref<1x32xi32, #tpu.memory_space<vmem>>
    %dma_start3A_351 = tpu.memref_squeeze %dma_start3A_350 : memref<1x32xi32, #tpu.memory_space<vmem>> -> memref<32xi32, #tpu.memory_space<vmem>>
    %dma_start3A_352 = arith.constant 0 : i32
    %dma_start3A_353 = arith.constant 0 : i32
    %dma_start3A_354 = tpu.memref_slice %arg2[%dma_start3A_352, %dma_start3A_353] : memref<8192x1024xf32, #tpu.memory_space<hbm>> -> memref<8192x1024xf32, #tpu.memory_space<hbm>>
    tpu.enqueue_indirect_dma source(%dma_start3A_354 : memref<8192x1024xf32, #tpu.memory_space<hbm>>) target(%dma_start3A_348 : memref<32x1024xf32, #tpu.memory_space<vmem>>) offsets(%dma_start3A_351 : memref<32xi32, #tpu.memory_space<vmem>>) semaphore(%arg9 : memref<!tpu.dma_semaphore, #tpu.memory_space<semaphore_mem>>)
    %get3A_355 = arith.constant 6 : i32
    %get3A_356 = arith.index_cast %get3A_355 : i32 to index
    %get3A_357 = arith.constant 0 : index
    %get3A_358 = tpu.vector_load %arg5[%get3A_356, %get3A_357] {strides = array<i32>} : memref<32x32xi32, #tpu.memory_space<vmem>>, vector<1x16xi32>,
    %get3A_359 = vector.shape_cast %get3A_358 : vector<1x16xi32> to vector<16xi32>
    %add3A_360 = arith.addi %get3A_359, %broadcast_in_dim3A : vector<16xi32>
    %swap3A_361 = arith.constant 6 : i32
    %swap3A_362 = arith.index_cast %swap3A_361 : i32 to index
    %swap3A_363 = arith.constant 0 : index
    %swap3A_364 = tpu.vector_load %arg5[%swap3A_362, %swap3A_363] {strides = array<i32>} : memref<32x32xi32, #tpu.memory_space<vmem>>, vector<1x16xi32>,
    %swap3A_365 = vector.shape_cast %swap3A_364 : vector<1x16xi32> to vector<16xi32>
    %swap3A_366 = vector.shape_cast %add3A_360 : vector<16xi32> to vector<1x16xi32>
    tpu.vector_store %arg5[%swap3A_362, %swap3A_363], %swap3A_366 {strides = array<i32>} : memref<32x32xi32, #tpu.memory_space<vmem>>, vector<1x16xi32>,
    %get3A_367 = arith.constant 6 : i32
    %get3A_368 = arith.index_cast %get3A_367 : i32 to index
    %get3A_369 = arith.constant 16 : index
    %get3A_370 = tpu.vector_load %arg5[%get3A_368, %get3A_369] {strides = array<i32>} : memref<32x32xi32, #tpu.memory_space<vmem>>, vector<1x16xi32>,
    %get3A_371 = vector.shape_cast %get3A_370 : vector<1x16xi32> to vector<16xi32>
    %add3A_372 = arith.addi %get3A_371, %broadcast_in_dim3A : vector<16xi32>
    %swap3A_373 = arith.constant 6 : i32
    %swap3A_374 = arith.index_cast %swap3A_373 : i32 to index
    %swap3A_375 = arith.constant 16 : index
    %swap3A_376 = tpu.vector_load %arg5[%swap3A_374, %swap3A_375] {strides = array<i32>} : memref<32x32xi32, #tpu.memory_space<vmem>>, vector<1x16xi32>,
    %swap3A_377 = vector.shape_cast %swap3A_376 : vector<1x16xi32> to vector<16xi32>
    %swap3A_378 = vector.shape_cast %add3A_372 : vector<16xi32> to vector<1x16xi32>
    tpu.vector_store %arg5[%swap3A_374, %swap3A_375], %swap3A_378 {strides = array<i32>} : memref<32x32xi32, #tpu.memory_space<vmem>>, vector<1x16xi32>,
    %dma_wait3A_379 = arith.constant 3 : i32
    %dma_wait3A_380 = arith.constant 0 : i32
    %dma_wait3A_381 = arith.constant 0 : i32
    %dma_wait3A_382 = arith.constant 0 : i32
    %dma_wait3A_383 = tpu.memref_slice %arg6[%dma_wait3A_380, %dma_wait3A_381, %dma_wait3A_382] : memref<3x32x1024xf32, #tpu.memory_space<vmem>> -> memref<1x32x1024xf32, #tpu.memory_space<vmem>>
    %dma_wait3A_384 = tpu.memref_squeeze %dma_wait3A_383 : memref<1x32x1024xf32, #tpu.memory_space<vmem>> -> memref<32x1024xf32, #tpu.memory_space<vmem>>
    %dma_wait3A_385 = arith.constant 0 : i32
    %dma_wait3A_386 = tpu.memref_slice %arg5[%dma_wait3A_379, %dma_wait3A_385] : memref<32x32xi32, #tpu.memory_space<vmem>> -> memref<1x32xi32, #tpu.memory_space<vmem>>
    %dma_wait3A_387 = tpu.memref_squeeze %dma_wait3A_386 : memref<1x32xi32, #tpu.memory_space<vmem>> -> memref<32xi32, #tpu.memory_space<vmem>>
    %dma_wait3A_388 = arith.constant 0 : i32
    %dma_wait3A_389 = arith.constant 0 : i32
    %dma_wait3A_390 = tpu.memref_slice %arg2[%dma_wait3A_388, %dma_wait3A_389] : memref<8192x1024xf32, #tpu.memory_space<hbm>> -> memref<8192x1024xf32, #tpu.memory_space<hbm>>
    tpu.wait_indirect_dma semaphore(%arg7 : memref<!tpu.dma_semaphore, #tpu.memory_space<semaphore_mem>>) src(%dma_wait3A_390 : memref<8192x1024xf32, #tpu.memory_space<hbm>>) dst(%dma_wait3A_384 : memref<32x1024xf32, #tpu.memory_space<vmem>>)
    %add3A_391 = arith.constant 96 : i32
    %add3A_392 = arith.addi %mul3A_2, %add3A_391 : i32
    %dma_start3A_393 = arith.constant 0 : i32
    %dma_start3A_394 = arith.constant 0 : i32
    %dma_start3A_395 = arith.constant 0 : i32
    %dma_start3A_396 = tpu.memref_slice %arg6[%dma_start3A_393, %dma_start3A_394, %dma_start3A_395] : memref<3x32x1024xf32, #tpu.memory_space<vmem>> -> memref<1x32x1024xf32, #tpu.memory_space<vmem>>
    %dma_start3A_397 = tpu.memref_squeeze %dma_start3A_396 : memref<1x32x1024xf32, #tpu.memory_space<vmem>> -> memref<32x1024xf32, #tpu.memory_space<vmem>>
    %dma_start3A_398 = arith.constant 0 : i32
    %dma_start3A_399 = tpu.memref_slice %arg4[%add3A_392, %dma_start3A_398] : memref<32768x1024xf32, #tpu.memory_space<hbm>> -> memref<32x1024xf32, #tpu.memory_space<hbm>>
    %dma_start3A_400 = arith.constant 0 : i32
    %dma_start3A_401 = tpu.memref_slice %arg4[%add3A_392, %dma_start3A_400] : memref<32768x1024xf32, #tpu.memory_space<hbm>> -> memref<32x1024xf32, #tpu.memory_space<hbm>>
    %dma_start3A_402 = arith.constant 0 : i32
    %dma_start3A_403 = arith.constant 0 : i32
    %dma_start3A_404 = tpu.memref_slice %arg6[%dma_start3A_393, %dma_start3A_402, %dma_start3A_403] : memref<3x32x1024xf32, #tpu.memory_space<vmem>> -> memref<1x32x1024xf32, #tpu.memory_space<vmem>>
    %dma_start3A_405 = tpu.memref_squeeze %dma_start3A_404 : memref<1x32x1024xf32, #tpu.memory_space<vmem>> -> memref<32x1024xf32, #tpu.memory_space<vmem>>
    tpu.enqueue_dma source(%dma_start3A_405 : memref<32x1024xf32, #tpu.memory_space<vmem>>) target(%dma_start3A_401 : memref<32x1024xf32, #tpu.memory_space<hbm>>) target_semaphore(%arg10 : memref<!tpu.dma_semaphore, #tpu.memory_space<semaphore_mem>>)
    %dma_wait3A_406 = arith.constant 0 : i32
    %dma_wait3A_407 = arith.constant 0 : i32
    %dma_wait3A_408 = arith.constant 0 : i32
    %dma_wait3A_409 = tpu.memref_slice %arg6[%dma_wait3A_406, %dma_wait3A_407, %dma_wait3A_408] : memref<3x32x1024xf32, #tpu.memory_space<vmem>> -> memref<1x32x1024xf32, #tpu.memory_space<vmem>>
    %dma_wait3A_410 = tpu.memref_squeeze %dma_wait3A_409 : memref<1x32x1024xf32, #tpu.memory_space<vmem>> -> memref<32x1024xf32, #tpu.memory_space<vmem>>
    %dma_wait3A_411 = arith.constant 0 : i32
    %dma_wait3A_412 = tpu.memref_slice %arg4[%add3A_392, %dma_wait3A_411] : memref<32768x1024xf32, #tpu.memory_space<hbm>> -> memref<32x1024xf32, #tpu.memory_space<hbm>>
    %dma_wait3A_413 = arith.constant 0 : i32
    %dma_wait3A_414 = tpu.memref_slice %arg4[%add3A_392, %dma_wait3A_413] : memref<32768x1024xf32, #tpu.memory_space<hbm>> -> memref<32x1024xf32, #tpu.memory_space<hbm>>
    %dma_wait3A_415 = arith.constant 0 : i32
    %dma_wait3A_416 = arith.constant 0 : i32
    %dma_wait3A_417 = tpu.memref_slice %arg6[%dma_wait3A_406, %dma_wait3A_415, %dma_wait3A_416] : memref<3x32x1024xf32, #tpu.memory_space<vmem>> -> memref<1x32x1024xf32, #tpu.memory_space<vmem>>
    %dma_wait3A_418 = tpu.memref_squeeze %dma_wait3A_417 : memref<1x32x1024xf32, #tpu.memory_space<vmem>> -> memref<32x1024xf32, #tpu.memory_space<vmem>>
    tpu.wait_dma2 semaphore(%arg10 : memref<!tpu.dma_semaphore, #tpu.memory_space<semaphore_mem>>) src(%dma_wait3A_418 : memref<32x1024xf32, #tpu.memory_space<vmem>>) dst(%dma_wait3A_414 : memref<32x1024xf32, #tpu.memory_space<hbm>>)
    %dma_start3A_419 = arith.constant 6 : i32
    %dma_start3A_420 = arith.constant 0 : i32
    %dma_start3A_421 = arith.constant 0 : i32
    %dma_start3A_422 = arith.constant 0 : i32
    %dma_start3A_423 = tpu.memref_slice %arg6[%dma_start3A_420, %dma_start3A_421, %dma_start3A_422] : memref<3x32x1024xf32, #tpu.memory_space<vmem>> -> memref<1x32x1024xf32, #tpu.memory_space<vmem>>
    %dma_start3A_424 = tpu.memref_squeeze %dma_start3A_423 : memref<1x32x1024xf32, #tpu.memory_space<vmem>> -> memref<32x1024xf32, #tpu.memory_space<vmem>>
    %dma_start3A_425 = arith.constant 0 : i32
    %dma_start3A_426 = tpu.memref_slice %arg5[%dma_start3A_419, %dma_start3A_425] : memref<32x32xi32, #tpu.memory_space<vmem>> -> memref<1x32xi32, #tpu.memory_space<vmem>>
    %dma_start3A_427 = tpu.memref_squeeze %dma_start3A_426 : memref<1x32xi32, #tpu.memory_space<vmem>> -> memref<32xi32, #tpu.memory_space<vmem>>
    %dma_start3A_428 = arith.constant 0 : i32
    %dma_start3A_429 = arith.constant 0 : i32
    %dma_start3A_430 = tpu.memref_slice %arg2[%dma_start3A_428, %dma_start3A_429] : memref<8192x1024xf32, #tpu.memory_space<hbm>> -> memref<8192x1024xf32, #tpu.memory_space<hbm>>
    tpu.enqueue_indirect_dma source(%dma_start3A_430 : memref<8192x1024xf32, #tpu.memory_space<hbm>>) target(%dma_start3A_424 : memref<32x1024xf32, #tpu.memory_space<vmem>>) offsets(%dma_start3A_427 : memref<32xi32, #tpu.memory_space<vmem>>) semaphore(%arg7 : memref<!tpu.dma_semaphore, #tpu.memory_space<semaphore_mem>>)
    %get3A_431 = arith.constant 7 : i32
    %get3A_432 = arith.index_cast %get3A_431 : i32 to index
    %get3A_433 = arith.constant 0 : index
    %get3A_434 = tpu.vector_load %arg5[%get3A_432, %get3A_433] {strides = array<i32>} : memref<32x32xi32, #tpu.memory_space<vmem>>, vector<1x16xi32>,
    %get3A_435 = vector.shape_cast %get3A_434 : vector<1x16xi32> to vector<16xi32>
    %add3A_436 = arith.addi %get3A_435, %broadcast_in_dim3A : vector<16xi32>
    %swap3A_437 = arith.constant 7 : i32
    %swap3A_438 = arith.index_cast %swap3A_437 : i32 to index
    %swap3A_439 = arith.constant 0 : index
    %swap3A_440 = tpu.vector_load %arg5[%swap3A_438, %swap3A_439] {strides = array<i32>} : memref<32x32xi32, #tpu.memory_space<vmem>>, vector<1x16xi32>,
    %swap3A_441 = vector.shape_cast %swap3A_440 : vector<1x16xi32> to vector<16xi32>
    %swap3A_442 = vector.shape_cast %add3A_436 : vector<16xi32> to vector<1x16xi32>
    tpu.vector_store %arg5[%swap3A_438, %swap3A_439], %swap3A_442 {strides = array<i32>} : memref<32x32xi32, #tpu.memory_space<vmem>>, vector<1x16xi32>,
    %get3A_443 = arith.constant 7 : i32
    %get3A_444 = arith.index_cast %get3A_443 : i32 to index
    %get3A_445 = arith.constant 16 : index
    %get3A_446 = tpu.vector_load %arg5[%get3A_444, %get3A_445] {strides = array<i32>} : memref<32x32xi32, #tpu.memory_space<vmem>>, vector<1x16xi32>,
    %get3A_447 = vector.shape_cast %get3A_446 : vector<1x16xi32> to vector<16xi32>
    %add3A_448 = arith.addi %get3A_447, %broadcast_in_dim3A : vector<16xi32>
    %swap3A_449 = arith.constant 7 : i32
    %swap3A_450 = arith.index_cast %swap3A_449 : i32 to index
    %swap3A_451 = arith.constant 16 : index
    %swap3A_452 = tpu.vector_load %arg5[%swap3A_450, %swap3A_451] {strides = array<i32>} : memref<32x32xi32, #tpu.memory_space<vmem>>, vector<1x16xi32>,
    %swap3A_453 = vector.shape_cast %swap3A_452 : vector<1x16xi32> to vector<16xi32>
    %swap3A_454 = vector.shape_cast %add3A_448 : vector<16xi32> to vector<1x16xi32>
    tpu.vector_store %arg5[%swap3A_450, %swap3A_451], %swap3A_454 {strides = array<i32>} : memref<32x32xi32, #tpu.memory_space<vmem>>, vector<1x16xi32>,
    %dma_wait3A_455 = arith.constant 4 : i32
    %dma_wait3A_456 = arith.constant 1 : i32
    %dma_wait3A_457 = arith.constant 0 : i32
    %dma_wait3A_458 = arith.constant 0 : i32
    %dma_wait3A_459 = tpu.memref_slice %arg6[%dma_wait3A_456, %dma_wait3A_457, %dma_wait3A_458] : memref<3x32x1024xf32, #tpu.memory_space<vmem>> -> memref<1x32x1024xf32, #tpu.memory_space<vmem>>
    %dma_wait3A_460 = tpu.memref_squeeze %dma_wait3A_459 : memref<1x32x1024xf32, #tpu.memory_space<vmem>> -> memref<32x1024xf32, #tpu.memory_space<vmem>>
    %dma_wait3A_461 = arith.constant 0 : i32
    %dma_wait3A_462 = tpu.memref_slice %arg5[%dma_wait3A_455, %dma_wait3A_461] : memref<32x32xi32, #tpu.memory_space<vmem>> -> memref<1x32xi32, #tpu.memory_space<vmem>>
    %dma_wait3A_463 = tpu.memref_squeeze %dma_wait3A_462 : memref<1x32xi32, #tpu.memory_space<vmem>> -> memref<32xi32, #tpu.memory_space<vmem>>
    %dma_wait3A_464 = arith.constant 0 : i32
    %dma_wait3A_465 = arith.constant 0 : i32
    %dma_wait3A_466 = tpu.memref_slice %arg2[%dma_wait3A_464, %dma_wait3A_465] : memref<8192x1024xf32, #tpu.memory_space<hbm>> -> memref<8192x1024xf32, #tpu.memory_space<hbm>>
    tpu.wait_indirect_dma semaphore(%arg8 : memref<!tpu.dma_semaphore, #tpu.memory_space<semaphore_mem>>) src(%dma_wait3A_466 : memref<8192x1024xf32, #tpu.memory_space<hbm>>) dst(%dma_wait3A_460 : memref<32x1024xf32, #tpu.memory_space<vmem>>)
    %add3A_467 = arith.constant 128 : i32
    %add3A_468 = arith.addi %mul3A_2, %add3A_467 : i32
    %dma_start3A_469 = arith.constant 1 : i32
    %dma_start3A_470 = arith.constant 0 : i32
    %dma_start3A_471 = arith.constant 0 : i32
    %dma_start3A_472 = tpu.memref_slice %arg6[%dma_start3A_469, %dma_start3A_470, %dma_start3A_471] : memref<3x32x1024xf32, #tpu.memory_space<vmem>> -> memref<1x32x1024xf32, #tpu.memory_space<vmem>>
    %dma_start3A_473 = tpu.memref_squeeze %dma_start3A_472 : memref<1x32x1024xf32, #tpu.memory_space<vmem>> -> memref<32x1024xf32, #tpu.memory_space<vmem>>
    %dma_start3A_474 = arith.constant 0 : i32
    %dma_start3A_475 = tpu.memref_slice %arg4[%add3A_468, %dma_start3A_474] : memref<32768x1024xf32, #tpu.memory_space<hbm>> -> memref<32x1024xf32, #tpu.memory_space<hbm>>
    %dma_start3A_476 = arith.constant 0 : i32
    %dma_start3A_477 = tpu.memref_slice %arg4[%add3A_468, %dma_start3A_476] : memref<32768x1024xf32, #tpu.memory_space<hbm>> -> memref<32x1024xf32, #tpu.memory_space<hbm>>
    %dma_start3A_478 = arith.constant 0 : i32
    %dma_start3A_479 = arith.constant 0 : i32
    %dma_start3A_480 = tpu.memref_slice %arg6[%dma_start3A_469, %dma_start3A_478, %dma_start3A_479] : memref<3x32x1024xf32, #tpu.memory_space<vmem>> -> memref<1x32x1024xf32, #tpu.memory_space<vmem>>
    %dma_start3A_481 = tpu.memref_squeeze %dma_start3A_480 : memref<1x32x1024xf32, #tpu.memory_space<vmem>> -> memref<32x1024xf32, #tpu.memory_space<vmem>>
    tpu.enqueue_dma source(%dma_start3A_481 : memref<32x1024xf32, #tpu.memory_space<vmem>>) target(%dma_start3A_477 : memref<32x1024xf32, #tpu.memory_space<hbm>>) target_semaphore(%arg11 : memref<!tpu.dma_semaphore, #tpu.memory_space<semaphore_mem>>)
    %dma_wait3A_482 = arith.constant 1 : i32
    %dma_wait3A_483 = arith.constant 0 : i32
    %dma_wait3A_484 = arith.constant 0 : i32
    %dma_wait3A_485 = tpu.memref_slice %arg6[%dma_wait3A_482, %dma_wait3A_483, %dma_wait3A_484] : memref<3x32x1024xf32, #tpu.memory_space<vmem>> -> memref<1x32x1024xf32, #tpu.memory_space<vmem>>
    %dma_wait3A_486 = tpu.memref_squeeze %dma_wait3A_485 : memref<1x32x1024xf32, #tpu.memory_space<vmem>> -> memref<32x1024xf32, #tpu.memory_space<vmem>>
    %dma_wait3A_487 = arith.constant 0 : i32
    %dma_wait3A_488 = tpu.memref_slice %arg4[%add3A_468, %dma_wait3A_487] : memref<32768x1024xf32, #tpu.memory_space<hbm>> -> memref<32x1024xf32, #tpu.memory_space<hbm>>
    %dma_wait3A_489 = arith.constant 0 : i32
    %dma_wait3A_490 = tpu.memref_slice %arg4[%add3A_468, %dma_wait3A_489] : memref<32768x1024xf32, #tpu.memory_space<hbm>> -> memref<32x1024xf32, #tpu.memory_space<hbm>>
    %dma_wait3A_491 = arith.constant 0 : i32
    %dma_wait3A_492 = arith.constant 0 : i32
    %dma_wait3A_493 = tpu.memref_slice %arg6[%dma_wait3A_482, %dma_wait3A_491, %dma_wait3A_492] : memref<3x32x1024xf32, #tpu.memory_space<vmem>> -> memref<1x32x1024xf32, #tpu.memory_space<vmem>>
    %dma_wait3A_494 = tpu.memref_squeeze %dma_wait3A_493 : memref<1x32x1024xf32, #tpu.memory_space<vmem>> -> memref<32x1024xf32, #tpu.memory_space<vmem>>
    tpu.wait_dma2 semaphore(%arg11 : memref<!tpu.dma_semaphore, #tpu.memory_space<semaphore_mem>>) src(%dma_wait3A_494 : memref<32x1024xf32, #tpu.memory_space<vmem>>) dst(%dma_wait3A_490 : memref<32x1024xf32, #tpu.memory_space<hbm>>)
    %dma_start3A_495 = arith.constant 7 : i32
    %dma_start3A_496 = arith.constant 1 : i32
    %dma_start3A_497 = arith.constant 0 : i32
    %dma_start3A_498 = arith.constant 0 : i32
    %dma_start3A_499 = tpu.memref_slice %arg6[%dma_start3A_496, %dma_start3A_497, %dma_start3A_498] : memref<3x32x1024xf32, #tpu.memory_space<vmem>> -> memref<1x32x1024xf32, #tpu.memory_space<vmem>>
    %dma_start3A_500 = tpu.memref_squeeze %dma_start3A_499 : memref<1x32x1024xf32, #tpu.memory_space<vmem>> -> memref<32x1024xf32, #tpu.memory_space<vmem>>
    %dma_start3A_501 = arith.constant 0 : i32
    %dma_start3A_502 = tpu.memref_slice %arg5[%dma_start3A_495, %dma_start3A_501] : memref<32x32xi32, #tpu.memory_space<vmem>> -> memref<1x32xi32, #tpu.memory_space<vmem>>
    %dma_start3A_503 = tpu.memref_squeeze %dma_start3A_502 : memref<1x32xi32, #tpu.memory_space<vmem>> -> memref<32xi32, #tpu.memory_space<vmem>>
    %dma_start3A_504 = arith.constant 0 : i32
    %dma_start3A_505 = arith.constant 0 : i32
    %dma_start3A_506 = tpu.memref_slice %arg2[%dma_start3A_504, %dma_start3A_505] : memref<8192x1024xf32, #tpu.memory_space<hbm>> -> memref<8192x1024xf32, #tpu.memory_space<hbm>>
    tpu.enqueue_indirect_dma source(%dma_start3A_506 : memref<8192x1024xf32, #tpu.memory_space<hbm>>) target(%dma_start3A_500 : memref<32x1024xf32, #tpu.memory_space<vmem>>) offsets(%dma_start3A_503 : memref<32xi32, #tpu.memory_space<vmem>>) semaphore(%arg8 : memref<!tpu.dma_semaphore, #tpu.memory_space<semaphore_mem>>)
    %get3A_507 = arith.constant 8 : i32
    %get3A_508 = arith.index_cast %get3A_507 : i32 to index
    %get3A_509 = arith.constant 0 : index
    %get3A_510 = tpu.vector_load %arg5[%get3A_508, %get3A_509] {strides = array<i32>} : memref<32x32xi32, #tpu.memory_space<vmem>>, vector<1x16xi32>,
    %get3A_511 = vector.shape_cast %get3A_510 : vector<1x16xi32> to vector<16xi32>
    %add3A_512 = arith.addi %get3A_511, %broadcast_in_dim3A : vector<16xi32>
    %swap3A_513 = arith.constant 8 : i32
    %swap3A_514 = arith.index_cast %swap3A_513 : i32 to index
    %swap3A_515 = arith.constant 0 : index
    %swap3A_516 = tpu.vector_load %arg5[%swap3A_514, %swap3A_515] {strides = array<i32>} : memref<32x32xi32, #tpu.memory_space<vmem>>, vector<1x16xi32>,
    %swap3A_517 = vector.shape_cast %swap3A_516 : vector<1x16xi32> to vector<16xi32>
    %swap3A_518 = vector.shape_cast %add3A_512 : vector<16xi32> to vector<1x16xi32>
    tpu.vector_store %arg5[%swap3A_514, %swap3A_515], %swap3A_518 {strides = array<i32>} : memref<32x32xi32, #tpu.memory_space<vmem>>, vector<1x16xi32>,
    %get3A_519 = arith.constant 8 : i32
    %get3A_520 = arith.index_cast %get3A_519 : i32 to index
    %get3A_521 = arith.constant 16 : index
    %get3A_522 = tpu.vector_load %arg5[%get3A_520, %get3A_521] {strides = array<i32>} : memref<32x32xi32, #tpu.memory_space<vmem>>, vector<1x16xi32>,
    %get3A_523 = vector.shape_cast %get3A_522 : vector<1x16xi32> to vector<16xi32>
    %add3A_524 = arith.addi %get3A_523, %broadcast_in_dim3A : vector<16xi32>
    %swap3A_525 = arith.constant 8 : i32
    %swap3A_526 = arith.index_cast %swap3A_525 : i32 to index
    %swap3A_527 = arith.constant 16 : index
    %swap3A_528 = tpu.vector_load %arg5[%swap3A_526, %swap3A_527] {strides = array<i32>} : memref<32x32xi32, #tpu.memory_space<vmem>>, vector<1x16xi32>,
    %swap3A_529 = vector.shape_cast %swap3A_528 : vector<1x16xi32> to vector<16xi32>
    %swap3A_530 = vector.shape_cast %add3A_524 : vector<16xi32> to vector<1x16xi32>
    tpu.vector_store %arg5[%swap3A_526, %swap3A_527], %swap3A_530 {strides = array<i32>} : memref<32x32xi32, #tpu.memory_space<vmem>>, vector<1x16xi32>,
    %dma_wait3A_531 = arith.constant 5 : i32
    %dma_wait3A_532 = arith.constant 2 : i32
    %dma_wait3A_533 = arith.constant 0 : i32
    %dma_wait3A_534 = arith.constant 0 : i32
    %dma_wait3A_535 = tpu.memref_slice %arg6[%dma_wait3A_532, %dma_wait3A_533, %dma_wait3A_534] : memref<3x32x1024xf32, #tpu.memory_space<vmem>> -> memref<1x32x1024xf32, #tpu.memory_space<vmem>>
    %dma_wait3A_536 = tpu.memref_squeeze %dma_wait3A_535 : memref<1x32x1024xf32, #tpu.memory_space<vmem>> -> memref<32x1024xf32, #tpu.memory_space<vmem>>
    %dma_wait3A_537 = arith.constant 0 : i32
    %dma_wait3A_538 = tpu.memref_slice %arg5[%dma_wait3A_531, %dma_wait3A_537] : memref<32x32xi32, #tpu.memory_space<vmem>> -> memref<1x32xi32, #tpu.memory_space<vmem>>
    %dma_wait3A_539 = tpu.memref_squeeze %dma_wait3A_538 : memref<1x32xi32, #tpu.memory_space<vmem>> -> memref<32xi32, #tpu.memory_space<vmem>>
    %dma_wait3A_540 = arith.constant 0 : i32
    %dma_wait3A_541 = arith.constant 0 : i32
    %dma_wait3A_542 = tpu.memref_slice %arg2[%dma_wait3A_540, %dma_wait3A_541] : memref<8192x1024xf32, #tpu.memory_space<hbm>> -> memref<8192x1024xf32, #tpu.memory_space<hbm>>
    tpu.wait_indirect_dma semaphore(%arg9 : memref<!tpu.dma_semaphore, #tpu.memory_space<semaphore_mem>>) src(%dma_wait3A_542 : memref<8192x1024xf32, #tpu.memory_space<hbm>>) dst(%dma_wait3A_536 : memref<32x1024xf32, #tpu.memory_space<vmem>>)
    %add3A_543 = arith.constant 160 : i32
    %add3A_544 = arith.addi %mul3A_2, %add3A_543 : i32
    %dma_start3A_545 = arith.constant 2 : i32
    %dma_start3A_546 = arith.constant 0 : i32
    %dma_start3A_547 = arith.constant 0 : i32
    %dma_start3A_548 = tpu.memref_slice %arg6[%dma_start3A_545, %dma_start3A_546, %dma_start3A_547] : memref<3x32x1024xf32, #tpu.memory_space<vmem>> -> memref<1x32x1024xf32, #tpu.memory_space<vmem>>
    %dma_start3A_549 = tpu.memref_squeeze %dma_start3A_548 : memref<1x32x1024xf32, #tpu.memory_space<vmem>> -> memref<32x1024xf32, #tpu.memory_space<vmem>>
    %dma_start3A_550 = arith.constant 0 : i32
    %dma_start3A_551 = tpu.memref_slice %arg4[%add3A_544, %dma_start3A_550] : memref<32768x1024xf32, #tpu.memory_space<hbm>> -> memref<32x1024xf32, #tpu.memory_space<hbm>>
    %dma_start3A_552 = arith.constant 0 : i32
    %dma_start3A_553 = tpu.memref_slice %arg4[%add3A_544, %dma_start3A_552] : memref<32768x1024xf32, #tpu.memory_space<hbm>> -> memref<32x1024xf32, #tpu.memory_space<hbm>>
    %dma_start3A_554 = arith.constant 0 : i32
    %dma_start3A_555 = arith.constant 0 : i32
    %dma_start3A_556 = tpu.memref_slice %arg6[%dma_start3A_545, %dma_start3A_554, %dma_start3A_555] : memref<3x32x1024xf32, #tpu.memory_space<vmem>> -> memref<1x32x1024xf32, #tpu.memory_space<vmem>>
    %dma_start3A_557 = tpu.memref_squeeze %dma_start3A_556 : memref<1x32x1024xf32, #tpu.memory_space<vmem>> -> memref<32x1024xf32, #tpu.memory_space<vmem>>
    tpu.enqueue_dma source(%dma_start3A_557 : memref<32x1024xf32, #tpu.memory_space<vmem>>) target(%dma_start3A_553 : memref<32x1024xf32, #tpu.memory_space<hbm>>) target_semaphore(%arg12 : memref<!tpu.dma_semaphore, #tpu.memory_space<semaphore_mem>>)
    %dma_wait3A_558 = arith.constant 2 : i32
    %dma_wait3A_559 = arith.constant 0 : i32
    %dma_wait3A_560 = arith.constant 0 : i32
    %dma_wait3A_561 = tpu.memref_slice %arg6[%dma_wait3A_558, %dma_wait3A_559, %dma_wait3A_560] : memref<3x32x1024xf32, #tpu.memory_space<vmem>> -> memref<1x32x1024xf32, #tpu.memory_space<vmem>>
    %dma_wait3A_562 = tpu.memref_squeeze %dma_wait3A_561 : memref<1x32x1024xf32, #tpu.memory_space<vmem>> -> memref<32x1024xf32, #tpu.memory_space<vmem>>
    %dma_wait3A_563 = arith.constant 0 : i32
    %dma_wait3A_564 = tpu.memref_slice %arg4[%add3A_544, %dma_wait3A_563] : memref<32768x1024xf32, #tpu.memory_space<hbm>> -> memref<32x1024xf32, #tpu.memory_space<hbm>>
    %dma_wait3A_565 = arith.constant 0 : i32
    %dma_wait3A_566 = tpu.memref_slice %arg4[%add3A_544, %dma_wait3A_565] : memref<32768x1024xf32, #tpu.memory_space<hbm>> -> memref<32x1024xf32, #tpu.memory_space<hbm>>
    %dma_wait3A_567 = arith.constant 0 : i32
    %dma_wait3A_568 = arith.constant 0 : i32
    %dma_wait3A_569 = tpu.memref_slice %arg6[%dma_wait3A_558, %dma_wait3A_567, %dma_wait3A_568] : memref<3x32x1024xf32, #tpu.memory_space<vmem>> -> memref<1x32x1024xf32, #tpu.memory_space<vmem>>
    %dma_wait3A_570 = tpu.memref_squeeze %dma_wait3A_569 : memref<1x32x1024xf32, #tpu.memory_space<vmem>> -> memref<32x1024xf32, #tpu.memory_space<vmem>>
    tpu.wait_dma2 semaphore(%arg12 : memref<!tpu.dma_semaphore, #tpu.memory_space<semaphore_mem>>) src(%dma_wait3A_570 : memref<32x1024xf32, #tpu.memory_space<vmem>>) dst(%dma_wait3A_566 : memref<32x1024xf32, #tpu.memory_space<hbm>>)
    %dma_start3A_571 = arith.constant 8 : i32
    %dma_start3A_572 = arith.constant 2 : i32
    %dma_start3A_573 = arith.constant 0 : i32
    %dma_start3A_574 = arith.constant 0 : i32
    %dma_start3A_575 = tpu.memref_slice %arg6[%dma_start3A_572, %dma_start3A_573, %dma_start3A_574] : memref<3x32x1024xf32, #tpu.memory_space<vmem>> -> memref<1x32x1024xf32, #tpu.memory_space<vmem>>
    %dma_start3A_576 = tpu.memref_squeeze %dma_start3A_575 : memref<1x32x1024xf32, #tpu.memory_space<vmem>> -> memref<32x1024xf32, #tpu.memory_space<vmem>>
    %dma_start3A_577 = arith.constant 0 : i32
    %dma_start3A_578 = tpu.memref_slice %arg5[%dma_start3A_571, %dma_start3A_577] : memref<32x32xi32, #tpu.memory_space<vmem>> -> memref<1x32xi32, #tpu.memory_space<vmem>>
    %dma_start3A_579 = tpu.memref_squeeze %dma_start3A_578 : memref<1x32xi32, #tpu.memory_space<vmem>> -> memref<32xi32, #tpu.memory_space<vmem>>
    %dma_start3A_580 = arith.constant 0 : i32
    %dma_start3A_581 = arith.constant 0 : i32
    %dma_start3A_582 = tpu.memref_slice %arg2[%dma_start3A_580, %dma_start3A_581] : memref<8192x1024xf32, #tpu.memory_space<hbm>> -> memref<8192x1024xf32, #tpu.memory_space<hbm>>
    tpu.enqueue_indirect_dma source(%dma_start3A_582 : memref<8192x1024xf32, #tpu.memory_space<hbm>>) target(%dma_start3A_576 : memref<32x1024xf32, #tpu.memory_space<vmem>>) offsets(%dma_start3A_579 : memref<32xi32, #tpu.memory_space<vmem>>) semaphore(%arg9 : memref<!tpu.dma_semaphore, #tpu.memory_space<semaphore_mem>>)
    %get3A_583 = arith.constant 9 : i32
    %get3A_584 = arith.index_cast %get3A_583 : i32 to index
    %get3A_585 = arith.constant 0 : index
    %get3A_586 = tpu.vector_load %arg5[%get3A_584, %get3A_585] {strides = array<i32>} : memref<32x32xi32, #tpu.memory_space<vmem>>, vector<1x16xi32>,
    %get3A_587 = vector.shape_cast %get3A_586 : vector<1x16xi32> to vector<16xi32>
    %add3A_588 = arith.addi %get3A_587, %broadcast_in_dim3A : vector<16xi32>
    %swap3A_589 = arith.constant 9 : i32
    %swap3A_590 = arith.index_cast %swap3A_589 : i32 to index
    %swap3A_591 = arith.constant 0 : index
    %swap3A_592 = tpu.vector_load %arg5[%swap3A_590, %swap3A_591] {strides = array<i32>} : memref<32x32xi32, #tpu.memory_space<vmem>>, vector<1x16xi32>,
    %swap3A_593 = vector.shape_cast %swap3A_592 : vector<1x16xi32> to vector<16xi32>
    %swap3A_594 = vector.shape_cast %add3A_588 : vector<16xi32> to vector<1x16xi32>
    tpu.vector_store %arg5[%swap3A_590, %swap3A_591], %swap3A_594 {strides = array<i32>} : memref<32x32xi32, #tpu.memory_space<vmem>>, vector<1x16xi32>,
    %get3A_595 = arith.constant 9 : i32
    %get3A_596 = arith.index_cast %get3A_595 : i32 to index
    %get3A_597 = arith.constant 16 : index
    %get3A_598 = tpu.vector_load %arg5[%get3A_596, %get3A_597] {strides = array<i32>} : memref<32x32xi32, #tpu.memory_space<vmem>>, vector<1x16xi32>,
    %get3A_599 = vector.shape_cast %get3A_598 : vector<1x16xi32> to vector<16xi32>
    %add3A_600 = arith.addi %get3A_599, %broadcast_in_dim3A : vector<16xi32>
    %swap3A_601 = arith.constant 9 : i32
    %swap3A_602 = arith.index_cast %swap3A_601 : i32 to index
    %swap3A_603 = arith.constant 16 : index
    %swap3A_604 = tpu.vector_load %arg5[%swap3A_602, %swap3A_603] {strides = array<i32>} : memref<32x32xi32, #tpu.memory_space<vmem>>, vector<1x16xi32>,
    %swap3A_605 = vector.shape_cast %swap3A_604 : vector<1x16xi32> to vector<16xi32>
    %swap3A_606 = vector.shape_cast %add3A_600 : vector<16xi32> to vector<1x16xi32>
    tpu.vector_store %arg5[%swap3A_602, %swap3A_603], %swap3A_606 {strides = array<i32>} : memref<32x32xi32, #tpu.memory_space<vmem>>, vector<1x16xi32>,
    %dma_wait3A_607 = arith.constant 6 : i32
    %dma_wait3A_608 = arith.constant 0 : i32
    %dma_wait3A_609 = arith.constant 0 : i32
    %dma_wait3A_610 = arith.constant 0 : i32
    %dma_wait3A_611 = tpu.memref_slice %arg6[%dma_wait3A_608, %dma_wait3A_609, %dma_wait3A_610] : memref<3x32x1024xf32, #tpu.memory_space<vmem>> -> memref<1x32x1024xf32, #tpu.memory_space<vmem>>
    %dma_wait3A_612 = tpu.memref_squeeze %dma_wait3A_611 : memref<1x32x1024xf32, #tpu.memory_space<vmem>> -> memref<32x1024xf32, #tpu.memory_space<vmem>>
    %dma_wait3A_613 = arith.constant 0 : i32
    %dma_wait3A_614 = tpu.memref_slice %arg5[%dma_wait3A_607, %dma_wait3A_613] : memref<32x32xi32, #tpu.memory_space<vmem>> -> memref<1x32xi32, #tpu.memory_space<vmem>>
    %dma_wait3A_615 = tpu.memref_squeeze %dma_wait3A_614 : memref<1x32xi32, #tpu.memory_space<vmem>> -> memref<32xi32, #tpu.memory_space<vmem>>
    %dma_wait3A_616 = arith.constant 0 : i32
    %dma_wait3A_617 = arith.constant 0 : i32
    %dma_wait3A_618 = tpu.memref_slice %arg2[%dma_wait3A_616, %dma_wait3A_617] : memref<8192x1024xf32, #tpu.memory_space<hbm>> -> memref<8192x1024xf32, #tpu.memory_space<hbm>>
    tpu.wait_indirect_dma semaphore(%arg7 : memref<!tpu.dma_semaphore, #tpu.memory_space<semaphore_mem>>) src(%dma_wait3A_618 : memref<8192x1024xf32, #tpu.memory_space<hbm>>) dst(%dma_wait3A_612 : memref<32x1024xf32, #tpu.memory_space<vmem>>)
    %add3A_619 = arith.constant 192 : i32
    %add3A_620 = arith.addi %mul3A_2, %add3A_619 : i32
    %dma_start3A_621 = arith.constant 0 : i32
    %dma_start3A_622 = arith.constant 0 : i32
    %dma_start3A_623 = arith.constant 0 : i32
    %dma_start3A_624 = tpu.memref_slice %arg6[%dma_start3A_621, %dma_start3A_622, %dma_start3A_623] : memref<3x32x1024xf32, #tpu.memory_space<vmem>> -> memref<1x32x1024xf32, #tpu.memory_space<vmem>>
    %dma_start3A_625 = tpu.memref_squeeze %dma_start3A_624 : memref<1x32x1024xf32, #tpu.memory_space<vmem>> -> memref<32x1024xf32, #tpu.memory_space<vmem>>
    %dma_start3A_626 = arith.constant 0 : i32
    %dma_start3A_627 = tpu.memref_slice %arg4[%add3A_620, %dma_start3A_626] : memref<32768x1024xf32, #tpu.memory_space<hbm>> -> memref<32x1024xf32, #tpu.memory_space<hbm>>
    %dma_start3A_628 = arith.constant 0 : i32
    %dma_start3A_629 = tpu.memref_slice %arg4[%add3A_620, %dma_start3A_628] : memref<32768x1024xf32, #tpu.memory_space<hbm>> -> memref<32x1024xf32, #tpu.memory_space<hbm>>
    %dma_start3A_630 = arith.constant 0 : i32
    %dma_start3A_631 = arith.constant 0 : i32
    %dma_start3A_632 = tpu.memref_slice %arg6[%dma_start3A_621, %dma_start3A_630, %dma_start3A_631] : memref<3x32x1024xf32, #tpu.memory_space<vmem>> -> memref<1x32x1024xf32, #tpu.memory_space<vmem>>
    %dma_start3A_633 = tpu.memref_squeeze %dma_start3A_632 : memref<1x32x1024xf32, #tpu.memory_space<vmem>> -> memref<32x1024xf32, #tpu.memory_space<vmem>>
    tpu.enqueue_dma source(%dma_start3A_633 : memref<32x1024xf32, #tpu.memory_space<vmem>>) target(%dma_start3A_629 : memref<32x1024xf32, #tpu.memory_space<hbm>>) target_semaphore(%arg10 : memref<!tpu.dma_semaphore, #tpu.memory_space<semaphore_mem>>)
    %dma_wait3A_634 = arith.constant 0 : i32
    %dma_wait3A_635 = arith.constant 0 : i32
    %dma_wait3A_636 = arith.constant 0 : i32
    %dma_wait3A_637 = tpu.memref_slice %arg6[%dma_wait3A_634, %dma_wait3A_635, %dma_wait3A_636] : memref<3x32x1024xf32, #tpu.memory_space<vmem>> -> memref<1x32x1024xf32, #tpu.memory_space<vmem>>
    %dma_wait3A_638 = tpu.memref_squeeze %dma_wait3A_637 : memref<1x32x1024xf32, #tpu.memory_space<vmem>> -> memref<32x1024xf32, #tpu.memory_space<vmem>>
    %dma_wait3A_639 = arith.constant 0 : i32
    %dma_wait3A_640 = tpu.memref_slice %arg4[%add3A_620, %dma_wait3A_639] : memref<32768x1024xf32, #tpu.memory_space<hbm>> -> memref<32x1024xf32, #tpu.memory_space<hbm>>
    %dma_wait3A_641 = arith.constant 0 : i32
    %dma_wait3A_642 = tpu.memref_slice %arg4[%add3A_620, %dma_wait3A_641] : memref<32768x1024xf32, #tpu.memory_space<hbm>> -> memref<32x1024xf32, #tpu.memory_space<hbm>>
    %dma_wait3A_643 = arith.constant 0 : i32
    %dma_wait3A_644 = arith.constant 0 : i32
    %dma_wait3A_645 = tpu.memref_slice %arg6[%dma_wait3A_634, %dma_wait3A_643, %dma_wait3A_644] : memref<3x32x1024xf32, #tpu.memory_space<vmem>> -> memref<1x32x1024xf32, #tpu.memory_space<vmem>>
    %dma_wait3A_646 = tpu.memref_squeeze %dma_wait3A_645 : memref<1x32x1024xf32, #tpu.memory_space<vmem>> -> memref<32x1024xf32, #tpu.memory_space<vmem>>
    tpu.wait_dma2 semaphore(%arg10 : memref<!tpu.dma_semaphore, #tpu.memory_space<semaphore_mem>>) src(%dma_wait3A_646 : memref<32x1024xf32, #tpu.memory_space<vmem>>) dst(%dma_wait3A_642 : memref<32x1024xf32, #tpu.memory_space<hbm>>)
    %dma_start3A_647 = arith.constant 9 : i32
    %dma_start3A_648 = arith.constant 0 : i32
    %dma_start3A_649 = arith.constant 0 : i32
    %dma_start3A_650 = arith.constant 0 : i32
    %dma_start3A_651 = tpu.memref_slice %arg6[%dma_start3A_648, %dma_start3A_649, %dma_start3A_650] : memref<3x32x1024xf32, #tpu.memory_space<vmem>> -> memref<1x32x1024xf32, #tpu.memory_space<vmem>>
    %dma_start3A_652 = tpu.memref_squeeze %dma_start3A_651 : memref<1x32x1024xf32, #tpu.memory_space<vmem>> -> memref<32x1024xf32, #tpu.memory_space<vmem>>
    %dma_start3A_653 = arith.constant 0 : i32
    %dma_start3A_654 = tpu.memref_slice %arg5[%dma_start3A_647, %dma_start3A_653] : memref<32x32xi32, #tpu.memory_space<vmem>> -> memref<1x32xi32, #tpu.memory_space<vmem>>
    %dma_start3A_655 = tpu.memref_squeeze %dma_start3A_654 : memref<1x32xi32, #tpu.memory_space<vmem>> -> memref<32xi32, #tpu.memory_space<vmem>>
    %dma_start3A_656 = arith.constant 0 : i32
    %dma_start3A_657 = arith.constant 0 : i32
    %dma_start3A_658 = tpu.memref_slice %arg2[%dma_start3A_656, %dma_start3A_657] : memref<8192x1024xf32, #tpu.memory_space<hbm>> -> memref<8192x1024xf32, #tpu.memory_space<hbm>>
    tpu.enqueue_indirect_dma source(%dma_start3A_658 : memref<8192x1024xf32, #tpu.memory_space<hbm>>) target(%dma_start3A_652 : memref<32x1024xf32, #tpu.memory_space<vmem>>) offsets(%dma_start3A_655 : memref<32xi32, #tpu.memory_space<vmem>>) semaphore(%arg7 : memref<!tpu.dma_semaphore, #tpu.memory_space<semaphore_mem>>)
    %get3A_659 = arith.constant 10 : i32
    %get3A_660 = arith.index_cast %get3A_659 : i32 to index
    %get3A_661 = arith.constant 0 : index
    %get3A_662 = tpu.vector_load %arg5[%get3A_660, %get3A_661] {strides = array<i32>} : memref<32x32xi32, #tpu.memory_space<vmem>>, vector<1x16xi32>,
    %get3A_663 = vector.shape_cast %get3A_662 : vector<1x16xi32> to vector<16xi32>
    %add3A_664 = arith.addi %get3A_663, %broadcast_in_dim3A : vector<16xi32>
    %swap3A_665 = arith.constant 10 : i32
    %swap3A_666 = arith.index_cast %swap3A_665 : i32 to index
    %swap3A_667 = arith.constant 0 : index
    %swap3A_668 = tpu.vector_load %arg5[%swap3A_666, %swap3A_667] {strides = array<i32>} : memref<32x32xi32, #tpu.memory_space<vmem>>, vector<1x16xi32>,
    %swap3A_669 = vector.shape_cast %swap3A_668 : vector<1x16xi32> to vector<16xi32>
    %swap3A_670 = vector.shape_cast %add3A_664 : vector<16xi32> to vector<1x16xi32>
    tpu.vector_store %arg5[%swap3A_666, %swap3A_667], %swap3A_670 {strides = array<i32>} : memref<32x32xi32, #tpu.memory_space<vmem>>, vector<1x16xi32>,
    %get3A_671 = arith.constant 10 : i32
    %get3A_672 = arith.index_cast %get3A_671 : i32 to index
    %get3A_673 = arith.constant 16 : index
    %get3A_674 = tpu.vector_load %arg5[%get3A_672, %get3A_673] {strides = array<i32>} : memref<32x32xi32, #tpu.memory_space<vmem>>, vector<1x16xi32>,
    %get3A_675 = vector.shape_cast %get3A_674 : vector<1x16xi32> to vector<16xi32>
    %add3A_676 = arith.addi %get3A_675, %broadcast_in_dim3A : vector<16xi32>
    %swap3A_677 = arith.constant 10 : i32
    %swap3A_678 = arith.index_cast %swap3A_677 : i32 to index
    %swap3A_679 = arith.constant 16 : index
    %swap3A_680 = tpu.vector_load %arg5[%swap3A_678, %swap3A_679] {strides = array<i32>} : memref<32x32xi32, #tpu.memory_space<vmem>>, vector<1x16xi32>,
    %swap3A_681 = vector.shape_cast %swap3A_680 : vector<1x16xi32> to vector<16xi32>
    %swap3A_682 = vector.shape_cast %add3A_676 : vector<16xi32> to vector<1x16xi32>
    tpu.vector_store %arg5[%swap3A_678, %swap3A_679], %swap3A_682 {strides = array<i32>} : memref<32x32xi32, #tpu.memory_space<vmem>>, vector<1x16xi32>,
    %dma_wait3A_683 = arith.constant 7 : i32
    %dma_wait3A_684 = arith.constant 1 : i32
    %dma_wait3A_685 = arith.constant 0 : i32
    %dma_wait3A_686 = arith.constant 0 : i32
    %dma_wait3A_687 = tpu.memref_slice %arg6[%dma_wait3A_684, %dma_wait3A_685, %dma_wait3A_686] : memref<3x32x1024xf32, #tpu.memory_space<vmem>> -> memref<1x32x1024xf32, #tpu.memory_space<vmem>>
    %dma_wait3A_688 = tpu.memref_squeeze %dma_wait3A_687 : memref<1x32x1024xf32, #tpu.memory_space<vmem>> -> memref<32x1024xf32, #tpu.memory_space<vmem>>
    %dma_wait3A_689 = arith.constant 0 : i32
    %dma_wait3A_690 = tpu.memref_slice %arg5[%dma_wait3A_683, %dma_wait3A_689] : memref<32x32xi32, #tpu.memory_space<vmem>> -> memref<1x32xi32, #tpu.memory_space<vmem>>
    %dma_wait3A_691 = tpu.memref_squeeze %dma_wait3A_690 : memref<1x32xi32, #tpu.memory_space<vmem>> -> memref<32xi32, #tpu.memory_space<vmem>>
    %dma_wait3A_692 = arith.constant 0 : i32
    %dma_wait3A_693 = arith.constant 0 : i32
    %dma_wait3A_694 = tpu.memref_slice %arg2[%dma_wait3A_692, %dma_wait3A_693] : memref<8192x1024xf32, #tpu.memory_space<hbm>> -> memref<8192x1024xf32, #tpu.memory_space<hbm>>
    tpu.wait_indirect_dma semaphore(%arg8 : memref<!tpu.dma_semaphore, #tpu.memory_space<semaphore_mem>>) src(%dma_wait3A_694 : memref<8192x1024xf32, #tpu.memory_space<hbm>>) dst(%dma_wait3A_688 : memref<32x1024xf32, #tpu.memory_space<vmem>>)
    %add3A_695 = arith.constant 224 : i32
    %add3A_696 = arith.addi %mul3A_2, %add3A_695 : i32
    %dma_start3A_697 = arith.constant 1 : i32
    %dma_start3A_698 = arith.constant 0 : i32
    %dma_start3A_699 = arith.constant 0 : i32
    %dma_start3A_700 = tpu.memref_slice %arg6[%dma_start3A_697, %dma_start3A_698, %dma_start3A_699] : memref<3x32x1024xf32, #tpu.memory_space<vmem>> -> memref<1x32x1024xf32, #tpu.memory_space<vmem>>
    %dma_start3A_701 = tpu.memref_squeeze %dma_start3A_700 : memref<1x32x1024xf32, #tpu.memory_space<vmem>> -> memref<32x1024xf32, #tpu.memory_space<vmem>>
    %dma_start3A_702 = arith.constant 0 : i32
    %dma_start3A_703 = tpu.memref_slice %arg4[%add3A_696, %dma_start3A_702] : memref<32768x1024xf32, #tpu.memory_space<hbm>> -> memref<32x1024xf32, #tpu.memory_space<hbm>>
    %dma_start3A_704 = arith.constant 0 : i32
    %dma_start3A_705 = tpu.memref_slice %arg4[%add3A_696, %dma_start3A_704] : memref<32768x1024xf32, #tpu.memory_space<hbm>> -> memref<32x1024xf32, #tpu.memory_space<hbm>>
    %dma_start3A_706 = arith.constant 0 : i32
    %dma_start3A_707 = arith.constant 0 : i32
    %dma_start3A_708 = tpu.memref_slice %arg6[%dma_start3A_697, %dma_start3A_706, %dma_start3A_707] : memref<3x32x1024xf32, #tpu.memory_space<vmem>> -> memref<1x32x1024xf32, #tpu.memory_space<vmem>>
    %dma_start3A_709 = tpu.memref_squeeze %dma_start3A_708 : memref<1x32x1024xf32, #tpu.memory_space<vmem>> -> memref<32x1024xf32, #tpu.memory_space<vmem>>
    tpu.enqueue_dma source(%dma_start3A_709 : memref<32x1024xf32, #tpu.memory_space<vmem>>) target(%dma_start3A_705 : memref<32x1024xf32, #tpu.memory_space<hbm>>) target_semaphore(%arg11 : memref<!tpu.dma_semaphore, #tpu.memory_space<semaphore_mem>>)
    %dma_wait3A_710 = arith.constant 1 : i32
    %dma_wait3A_711 = arith.constant 0 : i32
    %dma_wait3A_712 = arith.constant 0 : i32
    %dma_wait3A_713 = tpu.memref_slice %arg6[%dma_wait3A_710, %dma_wait3A_711, %dma_wait3A_712] : memref<3x32x1024xf32, #tpu.memory_space<vmem>> -> memref<1x32x1024xf32, #tpu.memory_space<vmem>>
    %dma_wait3A_714 = tpu.memref_squeeze %dma_wait3A_713 : memref<1x32x1024xf32, #tpu.memory_space<vmem>> -> memref<32x1024xf32, #tpu.memory_space<vmem>>
    %dma_wait3A_715 = arith.constant 0 : i32
    %dma_wait3A_716 = tpu.memref_slice %arg4[%add3A_696, %dma_wait3A_715] : memref<32768x1024xf32, #tpu.memory_space<hbm>> -> memref<32x1024xf32, #tpu.memory_space<hbm>>
    %dma_wait3A_717 = arith.constant 0 : i32
    %dma_wait3A_718 = tpu.memref_slice %arg4[%add3A_696, %dma_wait3A_717] : memref<32768x1024xf32, #tpu.memory_space<hbm>> -> memref<32x1024xf32, #tpu.memory_space<hbm>>
    %dma_wait3A_719 = arith.constant 0 : i32
    %dma_wait3A_720 = arith.constant 0 : i32
    %dma_wait3A_721 = tpu.memref_slice %arg6[%dma_wait3A_710, %dma_wait3A_719, %dma_wait3A_720] : memref<3x32x1024xf32, #tpu.memory_space<vmem>> -> memref<1x32x1024xf32, #tpu.memory_space<vmem>>
    %dma_wait3A_722 = tpu.memref_squeeze %dma_wait3A_721 : memref<1x32x1024xf32, #tpu.memory_space<vmem>> -> memref<32x1024xf32, #tpu.memory_space<vmem>>
    tpu.wait_dma2 semaphore(%arg11 : memref<!tpu.dma_semaphore, #tpu.memory_space<semaphore_mem>>) src(%dma_wait3A_722 : memref<32x1024xf32, #tpu.memory_space<vmem>>) dst(%dma_wait3A_718 : memref<32x1024xf32, #tpu.memory_space<hbm>>)
    %dma_start3A_723 = arith.constant 10 : i32
    %dma_start3A_724 = arith.constant 1 : i32
    %dma_start3A_725 = arith.constant 0 : i32
    %dma_start3A_726 = arith.constant 0 : i32
    %dma_start3A_727 = tpu.memref_slice %arg6[%dma_start3A_724, %dma_start3A_725, %dma_start3A_726] : memref<3x32x1024xf32, #tpu.memory_space<vmem>> -> memref<1x32x1024xf32, #tpu.memory_space<vmem>>
    %dma_start3A_728 = tpu.memref_squeeze %dma_start3A_727 : memref<1x32x1024xf32, #tpu.memory_space<vmem>> -> memref<32x1024xf32, #tpu.memory_space<vmem>>
    %dma_start3A_729 = arith.constant 0 : i32
    %dma_start3A_730 = tpu.memref_slice %arg5[%dma_start3A_723, %dma_start3A_729] : memref<32x32xi32, #tpu.memory_space<vmem>> -> memref<1x32xi32, #tpu.memory_space<vmem>>
    %dma_start3A_731 = tpu.memref_squeeze %dma_start3A_730 : memref<1x32xi32, #tpu.memory_space<vmem>> -> memref<32xi32, #tpu.memory_space<vmem>>
    %dma_start3A_732 = arith.constant 0 : i32
    %dma_start3A_733 = arith.constant 0 : i32
    %dma_start3A_734 = tpu.memref_slice %arg2[%dma_start3A_732, %dma_start3A_733] : memref<8192x1024xf32, #tpu.memory_space<hbm>> -> memref<8192x1024xf32, #tpu.memory_space<hbm>>
    tpu.enqueue_indirect_dma source(%dma_start3A_734 : memref<8192x1024xf32, #tpu.memory_space<hbm>>) target(%dma_start3A_728 : memref<32x1024xf32, #tpu.memory_space<vmem>>) offsets(%dma_start3A_731 : memref<32xi32, #tpu.memory_space<vmem>>) semaphore(%arg8 : memref<!tpu.dma_semaphore, #tpu.memory_space<semaphore_mem>>)
    %get3A_735 = arith.constant 11 : i32
    %get3A_736 = arith.index_cast %get3A_735 : i32 to index
    %get3A_737 = arith.constant 0 : index
    %get3A_738 = tpu.vector_load %arg5[%get3A_736, %get3A_737] {strides = array<i32>} : memref<32x32xi32, #tpu.memory_space<vmem>>, vector<1x16xi32>,
    %get3A_739 = vector.shape_cast %get3A_738 : vector<1x16xi32> to vector<16xi32>
    %add3A_740 = arith.addi %get3A_739, %broadcast_in_dim3A : vector<16xi32>
    %swap3A_741 = arith.constant 11 : i32
    %swap3A_742 = arith.index_cast %swap3A_741 : i32 to index
    %swap3A_743 = arith.constant 0 : index
    %swap3A_744 = tpu.vector_load %arg5[%swap3A_742, %swap3A_743] {strides = array<i32>} : memref<32x32xi32, #tpu.memory_space<vmem>>, vector<1x16xi32>,
    %swap3A_745 = vector.shape_cast %swap3A_744 : vector<1x16xi32> to vector<16xi32>
    %swap3A_746 = vector.shape_cast %add3A_740 : vector<16xi32> to vector<1x16xi32>
    tpu.vector_store %arg5[%swap3A_742, %swap3A_743], %swap3A_746 {strides = array<i32>} : memref<32x32xi32, #tpu.memory_space<vmem>>, vector<1x16xi32>,
    %get3A_747 = arith.constant 11 : i32
    %get3A_748 = arith.index_cast %get3A_747 : i32 to index
    %get3A_749 = arith.constant 16 : index
    %get3A_750 = tpu.vector_load %arg5[%get3A_748, %get3A_749] {strides = array<i32>} : memref<32x32xi32, #tpu.memory_space<vmem>>, vector<1x16xi32>,
    %get3A_751 = vector.shape_cast %get3A_750 : vector<1x16xi32> to vector<16xi32>
    %add3A_752 = arith.addi %get3A_751, %broadcast_in_dim3A : vector<16xi32>
    %swap3A_753 = arith.constant 11 : i32
    %swap3A_754 = arith.index_cast %swap3A_753 : i32 to index
    %swap3A_755 = arith.constant 16 : index
    %swap3A_756 = tpu.vector_load %arg5[%swap3A_754, %swap3A_755] {strides = array<i32>} : memref<32x32xi32, #tpu.memory_space<vmem>>, vector<1x16xi32>,
    %swap3A_757 = vector.shape_cast %swap3A_756 : vector<1x16xi32> to vector<16xi32>
    %swap3A_758 = vector.shape_cast %add3A_752 : vector<16xi32> to vector<1x16xi32>
    tpu.vector_store %arg5[%swap3A_754, %swap3A_755], %swap3A_758 {strides = array<i32>} : memref<32x32xi32, #tpu.memory_space<vmem>>, vector<1x16xi32>,
    %dma_wait3A_759 = arith.constant 8 : i32
    %dma_wait3A_760 = arith.constant 2 : i32
    %dma_wait3A_761 = arith.constant 0 : i32
    %dma_wait3A_762 = arith.constant 0 : i32
    %dma_wait3A_763 = tpu.memref_slice %arg6[%dma_wait3A_760, %dma_wait3A_761, %dma_wait3A_762] : memref<3x32x1024xf32, #tpu.memory_space<vmem>> -> memref<1x32x1024xf32, #tpu.memory_space<vmem>>
    %dma_wait3A_764 = tpu.memref_squeeze %dma_wait3A_763 : memref<1x32x1024xf32, #tpu.memory_space<vmem>> -> memref<32x1024xf32, #tpu.memory_space<vmem>>
    %dma_wait3A_765 = arith.constant 0 : i32
    %dma_wait3A_766 = tpu.memref_slice %arg5[%dma_wait3A_759, %dma_wait3A_765] : memref<32x32xi32, #tpu.memory_space<vmem>> -> memref<1x32xi32, #tpu.memory_space<vmem>>
    %dma_wait3A_767 = tpu.memref_squeeze %dma_wait3A_766 : memref<1x32xi32, #tpu.memory_space<vmem>> -> memref<32xi32, #tpu.memory_space<vmem>>
    %dma_wait3A_768 = arith.constant 0 : i32
    %dma_wait3A_769 = arith.constant 0 : i32
    %dma_wait3A_770 = tpu.memref_slice %arg2[%dma_wait3A_768, %dma_wait3A_769] : memref<8192x1024xf32, #tpu.memory_space<hbm>> -> memref<8192x1024xf32, #tpu.memory_space<hbm>>
    tpu.wait_indirect_dma semaphore(%arg9 : memref<!tpu.dma_semaphore, #tpu.memory_space<semaphore_mem>>) src(%dma_wait3A_770 : memref<8192x1024xf32, #tpu.memory_space<hbm>>) dst(%dma_wait3A_764 : memref<32x1024xf32, #tpu.memory_space<vmem>>)
    %add3A_771 = arith.constant 256 : i32
    %add3A_772 = arith.addi %mul3A_2, %add3A_771 : i32
    %dma_start3A_773 = arith.constant 2 : i32
    %dma_start3A_774 = arith.constant 0 : i32
    %dma_start3A_775 = arith.constant 0 : i32
    %dma_start3A_776 = tpu.memref_slice %arg6[%dma_start3A_773, %dma_start3A_774, %dma_start3A_775] : memref<3x32x1024xf32, #tpu.memory_space<vmem>> -> memref<1x32x1024xf32, #tpu.memory_space<vmem>>
    %dma_start3A_777 = tpu.memref_squeeze %dma_start3A_776 : memref<1x32x1024xf32, #tpu.memory_space<vmem>> -> memref<32x1024xf32, #tpu.memory_space<vmem>>
    %dma_start3A_778 = arith.constant 0 : i32
    %dma_start3A_779 = tpu.memref_slice %arg4[%add3A_772, %dma_start3A_778] : memref<32768x1024xf32, #tpu.memory_space<hbm>> -> memref<32x1024xf32, #tpu.memory_space<hbm>>
    %dma_start3A_780 = arith.constant 0 : i32
    %dma_start3A_781 = tpu.memref_slice %arg4[%add3A_772, %dma_start3A_780] : memref<32768x1024xf32, #tpu.memory_space<hbm>> -> memref<32x1024xf32, #tpu.memory_space<hbm>>
    %dma_start3A_782 = arith.constant 0 : i32
    %dma_start3A_783 = arith.constant 0 : i32
    %dma_start3A_784 = tpu.memref_slice %arg6[%dma_start3A_773, %dma_start3A_782, %dma_start3A_783] : memref<3x32x1024xf32, #tpu.memory_space<vmem>> -> memref<1x32x1024xf32, #tpu.memory_space<vmem>>
    %dma_start3A_785 = tpu.memref_squeeze %dma_start3A_784 : memref<1x32x1024xf32, #tpu.memory_space<vmem>> -> memref<32x1024xf32, #tpu.memory_space<vmem>>
    tpu.enqueue_dma source(%dma_start3A_785 : memref<32x1024xf32, #tpu.memory_space<vmem>>) target(%dma_start3A_781 : memref<32x1024xf32, #tpu.memory_space<hbm>>) target_semaphore(%arg12 : memref<!tpu.dma_semaphore, #tpu.memory_space<semaphore_mem>>)
    %dma_wait3A_786 = arith.constant 2 : i32
    %dma_wait3A_787 = arith.constant 0 : i32
    %dma_wait3A_788 = arith.constant 0 : i32
    %dma_wait3A_789 = tpu.memref_slice %arg6[%dma_wait3A_786, %dma_wait3A_787, %dma_wait3A_788] : memref<3x32x1024xf32, #tpu.memory_space<vmem>> -> memref<1x32x1024xf32, #tpu.memory_space<vmem>>
    %dma_wait3A_790 = tpu.memref_squeeze %dma_wait3A_789 : memref<1x32x1024xf32, #tpu.memory_space<vmem>> -> memref<32x1024xf32, #tpu.memory_space<vmem>>
    %dma_wait3A_791 = arith.constant 0 : i32
    %dma_wait3A_792 = tpu.memref_slice %arg4[%add3A_772, %dma_wait3A_791] : memref<32768x1024xf32, #tpu.memory_space<hbm>> -> memref<32x1024xf32, #tpu.memory_space<hbm>>
    %dma_wait3A_793 = arith.constant 0 : i32
    %dma_wait3A_794 = tpu.memref_slice %arg4[%add3A_772, %dma_wait3A_793] : memref<32768x1024xf32, #tpu.memory_space<hbm>> -> memref<32x1024xf32, #tpu.memory_space<hbm>>
    %dma_wait3A_795 = arith.constant 0 : i32
    %dma_wait3A_796 = arith.constant 0 : i32
    %dma_wait3A_797 = tpu.memref_slice %arg6[%dma_wait3A_786, %dma_wait3A_795, %dma_wait3A_796] : memref<3x32x1024xf32, #tpu.memory_space<vmem>> -> memref<1x32x1024xf32, #tpu.memory_space<vmem>>
    %dma_wait3A_798 = tpu.memref_squeeze %dma_wait3A_797 : memref<1x32x1024xf32, #tpu.memory_space<vmem>> -> memref<32x1024xf32, #tpu.memory_space<vmem>>
    tpu.wait_dma2 semaphore(%arg12 : memref<!tpu.dma_semaphore, #tpu.memory_space<semaphore_mem>>) src(%dma_wait3A_798 : memref<32x1024xf32, #tpu.memory_space<vmem>>) dst(%dma_wait3A_794 : memref<32x1024xf32, #tpu.memory_space<hbm>>)
    %dma_start3A_799 = arith.constant 11 : i32
    %dma_start3A_800 = arith.constant 2 : i32
    %dma_start3A_801 = arith.constant 0 : i32
    %dma_start3A_802 = arith.constant 0 : i32
    %dma_start3A_803 = tpu.memref_slice %arg6[%dma_start3A_800, %dma_start3A_801, %dma_start3A_802] : memref<3x32x1024xf32, #tpu.memory_space<vmem>> -> memref<1x32x1024xf32, #tpu.memory_space<vmem>>
    %dma_start3A_804 = tpu.memref_squeeze %dma_start3A_803 : memref<1x32x1024xf32, #tpu.memory_space<vmem>> -> memref<32x1024xf32, #tpu.memory_space<vmem>>
    %dma_start3A_805 = arith.constant 0 : i32
    %dma_start3A_806 = tpu.memref_slice %arg5[%dma_start3A_799, %dma_start3A_805] : memref<32x32xi32, #tpu.memory_space<vmem>> -> memref<1x32xi32, #tpu.memory_space<vmem>>
    %dma_start3A_807 = tpu.memref_squeeze %dma_start3A_806 : memref<1x32xi32, #tpu.memory_space<vmem>> -> memref<32xi32, #tpu.memory_space<vmem>>
    %dma_start3A_808 = arith.constant 0 : i32
    %dma_start3A_809 = arith.constant 0 : i32
    %dma_start3A_810 = tpu.memref_slice %arg2[%dma_start3A_808, %dma_start3A_809] : memref<8192x1024xf32, #tpu.memory_space<hbm>> -> memref<8192x1024xf32, #tpu.memory_space<hbm>>
    tpu.enqueue_indirect_dma source(%dma_start3A_810 : memref<8192x1024xf32, #tpu.memory_space<hbm>>) target(%dma_start3A_804 : memref<32x1024xf32, #tpu.memory_space<vmem>>) offsets(%dma_start3A_807 : memref<32xi32, #tpu.memory_space<vmem>>) semaphore(%arg9 : memref<!tpu.dma_semaphore, #tpu.memory_space<semaphore_mem>>)
    %get3A_811 = arith.constant 12 : i32
    %get3A_812 = arith.index_cast %get3A_811 : i32 to index
    %get3A_813 = arith.constant 0 : index
    %get3A_814 = tpu.vector_load %arg5[%get3A_812, %get3A_813] {strides = array<i32>} : memref<32x32xi32, #tpu.memory_space<vmem>>, vector<1x16xi32>,
    %get3A_815 = vector.shape_cast %get3A_814 : vector<1x16xi32> to vector<16xi32>
    %add3A_816 = arith.addi %get3A_815, %broadcast_in_dim3A : vector<16xi32>
    %swap3A_817 = arith.constant 12 : i32
    %swap3A_818 = arith.index_cast %swap3A_817 : i32 to index
    %swap3A_819 = arith.constant 0 : index
    %swap3A_820 = tpu.vector_load %arg5[%swap3A_818, %swap3A_819] {strides = array<i32>} : memref<32x32xi32, #tpu.memory_space<vmem>>, vector<1x16xi32>,
    %swap3A_821 = vector.shape_cast %swap3A_820 : vector<1x16xi32> to vector<16xi32>
    %swap3A_822 = vector.shape_cast %add3A_816 : vector<16xi32> to vector<1x16xi32>
    tpu.vector_store %arg5[%swap3A_818, %swap3A_819], %swap3A_822 {strides = array<i32>} : memref<32x32xi32, #tpu.memory_space<vmem>>, vector<1x16xi32>,
    %get3A_823 = arith.constant 12 : i32
    %get3A_824 = arith.index_cast %get3A_823 : i32 to index
    %get3A_825 = arith.constant 16 : index
    %get3A_826 = tpu.vector_load %arg5[%get3A_824, %get3A_825] {strides = array<i32>} : memref<32x32xi32, #tpu.memory_space<vmem>>, vector<1x16xi32>,
    %get3A_827 = vector.shape_cast %get3A_826 : vector<1x16xi32> to vector<16xi32>
    %add3A_828 = arith.addi %get3A_827, %broadcast_in_dim3A : vector<16xi32>
    %swap3A_829 = arith.constant 12 : i32
    %swap3A_830 = arith.index_cast %swap3A_829 : i32 to index
    %swap3A_831 = arith.constant 16 : index
    %swap3A_832 = tpu.vector_load %arg5[%swap3A_830, %swap3A_831] {strides = array<i32>} : memref<32x32xi32, #tpu.memory_space<vmem>>, vector<1x16xi32>,
    %swap3A_833 = vector.shape_cast %swap3A_832 : vector<1x16xi32> to vector<16xi32>
    %swap3A_834 = vector.shape_cast %add3A_828 : vector<16xi32> to vector<1x16xi32>
    tpu.vector_store %arg5[%swap3A_830, %swap3A_831], %swap3A_834 {strides = array<i32>} : memref<32x32xi32, #tpu.memory_space<vmem>>, vector<1x16xi32>,
    %dma_wait3A_835 = arith.constant 9 : i32
    %dma_wait3A_836 = arith.constant 0 : i32
    %dma_wait3A_837 = arith.constant 0 : i32
    %dma_wait3A_838 = arith.constant 0 : i32
    %dma_wait3A_839 = tpu.memref_slice %arg6[%dma_wait3A_836, %dma_wait3A_837, %dma_wait3A_838] : memref<3x32x1024xf32, #tpu.memory_space<vmem>> -> memref<1x32x1024xf32, #tpu.memory_space<vmem>>
    %dma_wait3A_840 = tpu.memref_squeeze %dma_wait3A_839 : memref<1x32x1024xf32, #tpu.memory_space<vmem>> -> memref<32x1024xf32, #tpu.memory_space<vmem>>
    %dma_wait3A_841 = arith.constant 0 : i32
    %dma_wait3A_842 = tpu.memref_slice %arg5[%dma_wait3A_835, %dma_wait3A_841] : memref<32x32xi32, #tpu.memory_space<vmem>> -> memref<1x32xi32, #tpu.memory_space<vmem>>
    %dma_wait3A_843 = tpu.memref_squeeze %dma_wait3A_842 : memref<1x32xi32, #tpu.memory_space<vmem>> -> memref<32xi32, #tpu.memory_space<vmem>>
    %dma_wait3A_844 = arith.constant 0 : i32
    %dma_wait3A_845 = arith.constant 0 : i32
    %dma_wait3A_846 = tpu.memref_slice %arg2[%dma_wait3A_844, %dma_wait3A_845] : memref<8192x1024xf32, #tpu.memory_space<hbm>> -> memref<8192x1024xf32, #tpu.memory_space<hbm>>
    tpu.wait_indirect_dma semaphore(%arg7 : memref<!tpu.dma_semaphore, #tpu.memory_space<semaphore_mem>>) src(%dma_wait3A_846 : memref<8192x1024xf32, #tpu.memory_space<hbm>>) dst(%dma_wait3A_840 : memref<32x1024xf32, #tpu.memory_space<vmem>>)
    %add3A_847 = arith.constant 288 : i32
    %add3A_848 = arith.addi %mul3A_2, %add3A_847 : i32
    %dma_start3A_849 = arith.constant 0 : i32
    %dma_start3A_850 = arith.constant 0 : i32
    %dma_start3A_851 = arith.constant 0 : i32
    %dma_start3A_852 = tpu.memref_slice %arg6[%dma_start3A_849, %dma_start3A_850, %dma_start3A_851] : memref<3x32x1024xf32, #tpu.memory_space<vmem>> -> memref<1x32x1024xf32, #tpu.memory_space<vmem>>
    %dma_start3A_853 = tpu.memref_squeeze %dma_start3A_852 : memref<1x32x1024xf32, #tpu.memory_space<vmem>> -> memref<32x1024xf32, #tpu.memory_space<vmem>>
    %dma_start3A_854 = arith.constant 0 : i32
    %dma_start3A_855 = tpu.memref_slice %arg4[%add3A_848, %dma_start3A_854] : memref<32768x1024xf32, #tpu.memory_space<hbm>> -> memref<32x1024xf32, #tpu.memory_space<hbm>>
    %dma_start3A_856 = arith.constant 0 : i32
    %dma_start3A_857 = tpu.memref_slice %arg4[%add3A_848, %dma_start3A_856] : memref<32768x1024xf32, #tpu.memory_space<hbm>> -> memref<32x1024xf32, #tpu.memory_space<hbm>>
    %dma_start3A_858 = arith.constant 0 : i32
    %dma_start3A_859 = arith.constant 0 : i32
    %dma_start3A_860 = tpu.memref_slice %arg6[%dma_start3A_849, %dma_start3A_858, %dma_start3A_859] : memref<3x32x1024xf32, #tpu.memory_space<vmem>> -> memref<1x32x1024xf32, #tpu.memory_space<vmem>>
    %dma_start3A_861 = tpu.memref_squeeze %dma_start3A_860 : memref<1x32x1024xf32, #tpu.memory_space<vmem>> -> memref<32x1024xf32, #tpu.memory_space<vmem>>
    tpu.enqueue_dma source(%dma_start3A_861 : memref<32x1024xf32, #tpu.memory_space<vmem>>) target(%dma_start3A_857 : memref<32x1024xf32, #tpu.memory_space<hbm>>) target_semaphore(%arg10 : memref<!tpu.dma_semaphore, #tpu.memory_space<semaphore_mem>>)
    %dma_wait3A_862 = arith.constant 0 : i32
    %dma_wait3A_863 = arith.constant 0 : i32
    %dma_wait3A_864 = arith.constant 0 : i32
    %dma_wait3A_865 = tpu.memref_slice %arg6[%dma_wait3A_862, %dma_wait3A_863, %dma_wait3A_864] : memref<3x32x1024xf32, #tpu.memory_space<vmem>> -> memref<1x32x1024xf32, #tpu.memory_space<vmem>>
    %dma_wait3A_866 = tpu.memref_squeeze %dma_wait3A_865 : memref<1x32x1024xf32, #tpu.memory_space<vmem>> -> memref<32x1024xf32, #tpu.memory_space<vmem>>
    %dma_wait3A_867 = arith.constant 0 : i32
    %dma_wait3A_868 = tpu.memref_slice %arg4[%add3A_848, %dma_wait3A_867] : memref<32768x1024xf32, #tpu.memory_space<hbm>> -> memref<32x1024xf32, #tpu.memory_space<hbm>>
    %dma_wait3A_869 = arith.constant 0 : i32
    %dma_wait3A_870 = tpu.memref_slice %arg4[%add3A_848, %dma_wait3A_869] : memref<32768x1024xf32, #tpu.memory_space<hbm>> -> memref<32x1024xf32, #tpu.memory_space<hbm>>
    %dma_wait3A_871 = arith.constant 0 : i32
    %dma_wait3A_872 = arith.constant 0 : i32
    %dma_wait3A_873 = tpu.memref_slice %arg6[%dma_wait3A_862, %dma_wait3A_871, %dma_wait3A_872] : memref<3x32x1024xf32, #tpu.memory_space<vmem>> -> memref<1x32x1024xf32, #tpu.memory_space<vmem>>
    %dma_wait3A_874 = tpu.memref_squeeze %dma_wait3A_873 : memref<1x32x1024xf32, #tpu.memory_space<vmem>> -> memref<32x1024xf32, #tpu.memory_space<vmem>>
    tpu.wait_dma2 semaphore(%arg10 : memref<!tpu.dma_semaphore, #tpu.memory_space<semaphore_mem>>) src(%dma_wait3A_874 : memref<32x1024xf32, #tpu.memory_space<vmem>>) dst(%dma_wait3A_870 : memref<32x1024xf32, #tpu.memory_space<hbm>>)
    %dma_start3A_875 = arith.constant 12 : i32
    %dma_start3A_876 = arith.constant 0 : i32
    %dma_start3A_877 = arith.constant 0 : i32
    %dma_start3A_878 = arith.constant 0 : i32
    %dma_start3A_879 = tpu.memref_slice %arg6[%dma_start3A_876, %dma_start3A_877, %dma_start3A_878] : memref<3x32x1024xf32, #tpu.memory_space<vmem>> -> memref<1x32x1024xf32, #tpu.memory_space<vmem>>
    %dma_start3A_880 = tpu.memref_squeeze %dma_start3A_879 : memref<1x32x1024xf32, #tpu.memory_space<vmem>> -> memref<32x1024xf32, #tpu.memory_space<vmem>>
    %dma_start3A_881 = arith.constant 0 : i32
    %dma_start3A_882 = tpu.memref_slice %arg5[%dma_start3A_875, %dma_start3A_881] : memref<32x32xi32, #tpu.memory_space<vmem>> -> memref<1x32xi32, #tpu.memory_space<vmem>>
    %dma_start3A_883 = tpu.memref_squeeze %dma_start3A_882 : memref<1x32xi32, #tpu.memory_space<vmem>> -> memref<32xi32, #tpu.memory_space<vmem>>
    %dma_start3A_884 = arith.constant 0 : i32
    %dma_start3A_885 = arith.constant 0 : i32
    %dma_start3A_886 = tpu.memref_slice %arg2[%dma_start3A_884, %dma_start3A_885] : memref<8192x1024xf32, #tpu.memory_space<hbm>> -> memref<8192x1024xf32, #tpu.memory_space<hbm>>
    tpu.enqueue_indirect_dma source(%dma_start3A_886 : memref<8192x1024xf32, #tpu.memory_space<hbm>>) target(%dma_start3A_880 : memref<32x1024xf32, #tpu.memory_space<vmem>>) offsets(%dma_start3A_883 : memref<32xi32, #tpu.memory_space<vmem>>) semaphore(%arg7 : memref<!tpu.dma_semaphore, #tpu.memory_space<semaphore_mem>>)
    %get3A_887 = arith.constant 13 : i32
    %get3A_888 = arith.index_cast %get3A_887 : i32 to index
    %get3A_889 = arith.constant 0 : index
    %get3A_890 = tpu.vector_load %arg5[%get3A_888, %get3A_889] {strides = array<i32>} : memref<32x32xi32, #tpu.memory_space<vmem>>, vector<1x16xi32>,
    %get3A_891 = vector.shape_cast %get3A_890 : vector<1x16xi32> to vector<16xi32>
    %add3A_892 = arith.addi %get3A_891, %broadcast_in_dim3A : vector<16xi32>
    %swap3A_893 = arith.constant 13 : i32
    %swap3A_894 = arith.index_cast %swap3A_893 : i32 to index
    %swap3A_895 = arith.constant 0 : index
    %swap3A_896 = tpu.vector_load %arg5[%swap3A_894, %swap3A_895] {strides = array<i32>} : memref<32x32xi32, #tpu.memory_space<vmem>>, vector<1x16xi32>,
    %swap3A_897 = vector.shape_cast %swap3A_896 : vector<1x16xi32> to vector<16xi32>
    %swap3A_898 = vector.shape_cast %add3A_892 : vector<16xi32> to vector<1x16xi32>
    tpu.vector_store %arg5[%swap3A_894, %swap3A_895], %swap3A_898 {strides = array<i32>} : memref<32x32xi32, #tpu.memory_space<vmem>>, vector<1x16xi32>,
    %get3A_899 = arith.constant 13 : i32
    %get3A_900 = arith.index_cast %get3A_899 : i32 to index
    %get3A_901 = arith.constant 16 : index
    %get3A_902 = tpu.vector_load %arg5[%get3A_900, %get3A_901] {strides = array<i32>} : memref<32x32xi32, #tpu.memory_space<vmem>>, vector<1x16xi32>,
    %get3A_903 = vector.shape_cast %get3A_902 : vector<1x16xi32> to vector<16xi32>
    %add3A_904 = arith.addi %get3A_903, %broadcast_in_dim3A : vector<16xi32>
    %swap3A_905 = arith.constant 13 : i32
    %swap3A_906 = arith.index_cast %swap3A_905 : i32 to index
    %swap3A_907 = arith.constant 16 : index
    %swap3A_908 = tpu.vector_load %arg5[%swap3A_906, %swap3A_907] {strides = array<i32>} : memref<32x32xi32, #tpu.memory_space<vmem>>, vector<1x16xi32>,
    %swap3A_909 = vector.shape_cast %swap3A_908 : vector<1x16xi32> to vector<16xi32>
    %swap3A_910 = vector.shape_cast %add3A_904 : vector<16xi32> to vector<1x16xi32>
    tpu.vector_store %arg5[%swap3A_906, %swap3A_907], %swap3A_910 {strides = array<i32>} : memref<32x32xi32, #tpu.memory_space<vmem>>, vector<1x16xi32>,
    %dma_wait3A_911 = arith.constant 10 : i32
    %dma_wait3A_912 = arith.constant 1 : i32
    %dma_wait3A_913 = arith.constant 0 : i32
    %dma_wait3A_914 = arith.constant 0 : i32
    %dma_wait3A_915 = tpu.memref_slice %arg6[%dma_wait3A_912, %dma_wait3A_913, %dma_wait3A_914] : memref<3x32x1024xf32, #tpu.memory_space<vmem>> -> memref<1x32x1024xf32, #tpu.memory_space<vmem>>
    %dma_wait3A_916 = tpu.memref_squeeze %dma_wait3A_915 : memref<1x32x1024xf32, #tpu.memory_space<vmem>> -> memref<32x1024xf32, #tpu.memory_space<vmem>>
    %dma_wait3A_917 = arith.constant 0 : i32
    %dma_wait3A_918 = tpu.memref_slice %arg5[%dma_wait3A_911, %dma_wait3A_917] : memref<32x32xi32, #tpu.memory_space<vmem>> -> memref<1x32xi32, #tpu.memory_space<vmem>>
    %dma_wait3A_919 = tpu.memref_squeeze %dma_wait3A_918 : memref<1x32xi32, #tpu.memory_space<vmem>> -> memref<32xi32, #tpu.memory_space<vmem>>
    %dma_wait3A_920 = arith.constant 0 : i32
    %dma_wait3A_921 = arith.constant 0 : i32
    %dma_wait3A_922 = tpu.memref_slice %arg2[%dma_wait3A_920, %dma_wait3A_921] : memref<8192x1024xf32, #tpu.memory_space<hbm>> -> memref<8192x1024xf32, #tpu.memory_space<hbm>>
    tpu.wait_indirect_dma semaphore(%arg8 : memref<!tpu.dma_semaphore, #tpu.memory_space<semaphore_mem>>) src(%dma_wait3A_922 : memref<8192x1024xf32, #tpu.memory_space<hbm>>) dst(%dma_wait3A_916 : memref<32x1024xf32, #tpu.memory_space<vmem>>)
    %add3A_923 = arith.constant 320 : i32
    %add3A_924 = arith.addi %mul3A_2, %add3A_923 : i32
    %dma_start3A_925 = arith.constant 1 : i32
    %dma_start3A_926 = arith.constant 0 : i32
    %dma_start3A_927 = arith.constant 0 : i32
    %dma_start3A_928 = tpu.memref_slice %arg6[%dma_start3A_925, %dma_start3A_926, %dma_start3A_927] : memref<3x32x1024xf32, #tpu.memory_space<vmem>> -> memref<1x32x1024xf32, #tpu.memory_space<vmem>>
    %dma_start3A_929 = tpu.memref_squeeze %dma_start3A_928 : memref<1x32x1024xf32, #tpu.memory_space<vmem>> -> memref<32x1024xf32, #tpu.memory_space<vmem>>
    %dma_start3A_930 = arith.constant 0 : i32
    %dma_start3A_931 = tpu.memref_slice %arg4[%add3A_924, %dma_start3A_930] : memref<32768x1024xf32, #tpu.memory_space<hbm>> -> memref<32x1024xf32, #tpu.memory_space<hbm>>
    %dma_start3A_932 = arith.constant 0 : i32
    %dma_start3A_933 = tpu.memref_slice %arg4[%add3A_924, %dma_start3A_932] : memref<32768x1024xf32, #tpu.memory_space<hbm>> -> memref<32x1024xf32, #tpu.memory_space<hbm>>
    %dma_start3A_934 = arith.constant 0 : i32
    %dma_start3A_935 = arith.constant 0 : i32
    %dma_start3A_936 = tpu.memref_slice %arg6[%dma_start3A_925, %dma_start3A_934, %dma_start3A_935] : memref<3x32x1024xf32, #tpu.memory_space<vmem>> -> memref<1x32x1024xf32, #tpu.memory_space<vmem>>
    %dma_start3A_937 = tpu.memref_squeeze %dma_start3A_936 : memref<1x32x1024xf32, #tpu.memory_space<vmem>> -> memref<32x1024xf32, #tpu.memory_space<vmem>>
    tpu.enqueue_dma source(%dma_start3A_937 : memref<32x1024xf32, #tpu.memory_space<vmem>>) target(%dma_start3A_933 : memref<32x1024xf32, #tpu.memory_space<hbm>>) target_semaphore(%arg11 : memref<!tpu.dma_semaphore, #tpu.memory_space<semaphore_mem>>)
    %dma_wait3A_938 = arith.constant 1 : i32
    %dma_wait3A_939 = arith.constant 0 : i32
    %dma_wait3A_940 = arith.constant 0 : i32
    %dma_wait3A_941 = tpu.memref_slice %arg6[%dma_wait3A_938, %dma_wait3A_939, %dma_wait3A_940] : memref<3x32x1024xf32, #tpu.memory_space<vmem>> -> memref<1x32x1024xf32, #tpu.memory_space<vmem>>
    %dma_wait3A_942 = tpu.memref_squeeze %dma_wait3A_941 : memref<1x32x1024xf32, #tpu.memory_space<vmem>> -> memref<32x1024xf32, #tpu.memory_space<vmem>>
    %dma_wait3A_943 = arith.constant 0 : i32
    %dma_wait3A_944 = tpu.memref_slice %arg4[%add3A_924, %dma_wait3A_943] : memref<32768x1024xf32, #tpu.memory_space<hbm>> -> memref<32x1024xf32, #tpu.memory_space<hbm>>
    %dma_wait3A_945 = arith.constant 0 : i32
    %dma_wait3A_946 = tpu.memref_slice %arg4[%add3A_924, %dma_wait3A_945] : memref<32768x1024xf32, #tpu.memory_space<hbm>> -> memref<32x1024xf32, #tpu.memory_space<hbm>>
    %dma_wait3A_947 = arith.constant 0 : i32
    %dma_wait3A_948 = arith.constant 0 : i32
    %dma_wait3A_949 = tpu.memref_slice %arg6[%dma_wait3A_938, %dma_wait3A_947, %dma_wait3A_948] : memref<3x32x1024xf32, #tpu.memory_space<vmem>> -> memref<1x32x1024xf32, #tpu.memory_space<vmem>>
    %dma_wait3A_950 = tpu.memref_squeeze %dma_wait3A_949 : memref<1x32x1024xf32, #tpu.memory_space<vmem>> -> memref<32x1024xf32, #tpu.memory_space<vmem>>
    tpu.wait_dma2 semaphore(%arg11 : memref<!tpu.dma_semaphore, #tpu.memory_space<semaphore_mem>>) src(%dma_wait3A_950 : memref<32x1024xf32, #tpu.memory_space<vmem>>) dst(%dma_wait3A_946 : memref<32x1024xf32, #tpu.memory_space<hbm>>)
    %dma_start3A_951 = arith.constant 13 : i32
    %dma_start3A_952 = arith.constant 1 : i32
    %dma_start3A_953 = arith.constant 0 : i32
    %dma_start3A_954 = arith.constant 0 : i32
    %dma_start3A_955 = tpu.memref_slice %arg6[%dma_start3A_952, %dma_start3A_953, %dma_start3A_954] : memref<3x32x1024xf32, #tpu.memory_space<vmem>> -> memref<1x32x1024xf32, #tpu.memory_space<vmem>>
    %dma_start3A_956 = tpu.memref_squeeze %dma_start3A_955 : memref<1x32x1024xf32, #tpu.memory_space<vmem>> -> memref<32x1024xf32, #tpu.memory_space<vmem>>
    %dma_start3A_957 = arith.constant 0 : i32
    %dma_start3A_958 = tpu.memref_slice %arg5[%dma_start3A_951, %dma_start3A_957] : memref<32x32xi32, #tpu.memory_space<vmem>> -> memref<1x32xi32, #tpu.memory_space<vmem>>
    %dma_start3A_959 = tpu.memref_squeeze %dma_start3A_958 : memref<1x32xi32, #tpu.memory_space<vmem>> -> memref<32xi32, #tpu.memory_space<vmem>>
    %dma_start3A_960 = arith.constant 0 : i32
    %dma_start3A_961 = arith.constant 0 : i32
    %dma_start3A_962 = tpu.memref_slice %arg2[%dma_start3A_960, %dma_start3A_961] : memref<8192x1024xf32, #tpu.memory_space<hbm>> -> memref<8192x1024xf32, #tpu.memory_space<hbm>>
    tpu.enqueue_indirect_dma source(%dma_start3A_962 : memref<8192x1024xf32, #tpu.memory_space<hbm>>) target(%dma_start3A_956 : memref<32x1024xf32, #tpu.memory_space<vmem>>) offsets(%dma_start3A_959 : memref<32xi32, #tpu.memory_space<vmem>>) semaphore(%arg8 : memref<!tpu.dma_semaphore, #tpu.memory_space<semaphore_mem>>)
    %get3A_963 = arith.constant 14 : i32
    %get3A_964 = arith.index_cast %get3A_963 : i32 to index
    %get3A_965 = arith.constant 0 : index
    %get3A_966 = tpu.vector_load %arg5[%get3A_964, %get3A_965] {strides = array<i32>} : memref<32x32xi32, #tpu.memory_space<vmem>>, vector<1x16xi32>,
    %get3A_967 = vector.shape_cast %get3A_966 : vector<1x16xi32> to vector<16xi32>
    %add3A_968 = arith.addi %get3A_967, %broadcast_in_dim3A : vector<16xi32>
    %swap3A_969 = arith.constant 14 : i32
    %swap3A_970 = arith.index_cast %swap3A_969 : i32 to index
    %swap3A_971 = arith.constant 0 : index
    %swap3A_972 = tpu.vector_load %arg5[%swap3A_970, %swap3A_971] {strides = array<i32>} : memref<32x32xi32, #tpu.memory_space<vmem>>, vector<1x16xi32>,
    %swap3A_973 = vector.shape_cast %swap3A_972 : vector<1x16xi32> to vector<16xi32>
    %swap3A_974 = vector.shape_cast %add3A_968 : vector<16xi32> to vector<1x16xi32>
    tpu.vector_store %arg5[%swap3A_970, %swap3A_971], %swap3A_974 {strides = array<i32>} : memref<32x32xi32, #tpu.memory_space<vmem>>, vector<1x16xi32>,
    %get3A_975 = arith.constant 14 : i32
    %get3A_976 = arith.index_cast %get3A_975 : i32 to index
    %get3A_977 = arith.constant 16 : index
    %get3A_978 = tpu.vector_load %arg5[%get3A_976, %get3A_977] {strides = array<i32>} : memref<32x32xi32, #tpu.memory_space<vmem>>, vector<1x16xi32>,
    %get3A_979 = vector.shape_cast %get3A_978 : vector<1x16xi32> to vector<16xi32>
    %add3A_980 = arith.addi %get3A_979, %broadcast_in_dim3A : vector<16xi32>
    %swap3A_981 = arith.constant 14 : i32
    %swap3A_982 = arith.index_cast %swap3A_981 : i32 to index
    %swap3A_983 = arith.constant 16 : index
    %swap3A_984 = tpu.vector_load %arg5[%swap3A_982, %swap3A_983] {strides = array<i32>} : memref<32x32xi32, #tpu.memory_space<vmem>>, vector<1x16xi32>,
    %swap3A_985 = vector.shape_cast %swap3A_984 : vector<1x16xi32> to vector<16xi32>
    %swap3A_986 = vector.shape_cast %add3A_980 : vector<16xi32> to vector<1x16xi32>
    tpu.vector_store %arg5[%swap3A_982, %swap3A_983], %swap3A_986 {strides = array<i32>} : memref<32x32xi32, #tpu.memory_space<vmem>>, vector<1x16xi32>,
    %dma_wait3A_987 = arith.constant 11 : i32
    %dma_wait3A_988 = arith.constant 2 : i32
    %dma_wait3A_989 = arith.constant 0 : i32
    %dma_wait3A_990 = arith.constant 0 : i32
    %dma_wait3A_991 = tpu.memref_slice %arg6[%dma_wait3A_988, %dma_wait3A_989, %dma_wait3A_990] : memref<3x32x1024xf32, #tpu.memory_space<vmem>> -> memref<1x32x1024xf32, #tpu.memory_space<vmem>>
    %dma_wait3A_992 = tpu.memref_squeeze %dma_wait3A_991 : memref<1x32x1024xf32, #tpu.memory_space<vmem>> -> memref<32x1024xf32, #tpu.memory_space<vmem>>
    %dma_wait3A_993 = arith.constant 0 : i32
    %dma_wait3A_994 = tpu.memref_slice %arg5[%dma_wait3A_987, %dma_wait3A_993] : memref<32x32xi32, #tpu.memory_space<vmem>> -> memref<1x32xi32, #tpu.memory_space<vmem>>
    %dma_wait3A_995 = tpu.memref_squeeze %dma_wait3A_994 : memref<1x32xi32, #tpu.memory_space<vmem>> -> memref<32xi32, #tpu.memory_space<vmem>>
    %dma_wait3A_996 = arith.constant 0 : i32
    %dma_wait3A_997 = arith.constant 0 : i32
    %dma_wait3A_998 = tpu.memref_slice %arg2[%dma_wait3A_996, %dma_wait3A_997] : memref<8192x1024xf32, #tpu.memory_space<hbm>> -> memref<8192x1024xf32, #tpu.memory_space<hbm>>
    tpu.wait_indirect_dma semaphore(%arg9 : memref<!tpu.dma_semaphore, #tpu.memory_space<semaphore_mem>>) src(%dma_wait3A_998 : memref<8192x1024xf32, #tpu.memory_space<hbm>>) dst(%dma_wait3A_992 : memref<32x1024xf32, #tpu.memory_space<vmem>>)
    %add3A_999 = arith.constant 352 : i32
    %add3A_1000 = arith.addi %mul3A_2, %add3A_999 : i32
    %dma_start3A_1001 = arith.constant 2 : i32
    %dma_start3A_1002 = arith.constant 0 : i32
    %dma_start3A_1003 = arith.constant 0 : i32
    %dma_start3A_1004 = tpu.memref_slice %arg6[%dma_start3A_1001, %dma_start3A_1002, %dma_start3A_1003] : memref<3x32x1024xf32, #tpu.memory_space<vmem>> -> memref<1x32x1024xf32, #tpu.memory_space<vmem>>
    %dma_start3A_1005 = tpu.memref_squeeze %dma_start3A_1004 : memref<1x32x1024xf32, #tpu.memory_space<vmem>> -> memref<32x1024xf32, #tpu.memory_space<vmem>>
    %dma_start3A_1006 = arith.constant 0 : i32
    %dma_start3A_1007 = tpu.memref_slice %arg4[%add3A_1000, %dma_start3A_1006] : memref<32768x1024xf32, #tpu.memory_space<hbm>> -> memref<32x1024xf32, #tpu.memory_space<hbm>>
    %dma_start3A_1008 = arith.constant 0 : i32
    %dma_start3A_1009 = tpu.memref_slice %arg4[%add3A_1000, %dma_start3A_1008] : memref<32768x1024xf32, #tpu.memory_space<hbm>> -> memref<32x1024xf32, #tpu.memory_space<hbm>>
    %dma_start3A_1010 = arith.constant 0 : i32
    %dma_start3A_1011 = arith.constant 0 : i32
    %dma_start3A_1012 = tpu.memref_slice %arg6[%dma_start3A_1001, %dma_start3A_1010, %dma_start3A_1011] : memref<3x32x1024xf32, #tpu.memory_space<vmem>> -> memref<1x32x1024xf32, #tpu.memory_space<vmem>>
    %dma_start3A_1013 = tpu.memref_squeeze %dma_start3A_1012 : memref<1x32x1024xf32, #tpu.memory_space<vmem>> -> memref<32x1024xf32, #tpu.memory_space<vmem>>
    tpu.enqueue_dma source(%dma_start3A_1013 : memref<32x1024xf32, #tpu.memory_space<vmem>>) target(%dma_start3A_1009 : memref<32x1024xf32, #tpu.memory_space<hbm>>) target_semaphore(%arg12 : memref<!tpu.dma_semaphore, #tpu.memory_space<semaphore_mem>>)
    %dma_wait3A_1014 = arith.constant 2 : i32
    %dma_wait3A_1015 = arith.constant 0 : i32
    %dma_wait3A_1016 = arith.constant 0 : i32
    %dma_wait3A_1017 = tpu.memref_slice %arg6[%dma_wait3A_1014, %dma_wait3A_1015, %dma_wait3A_1016] : memref<3x32x1024xf32, #tpu.memory_space<vmem>> -> memref<1x32x1024xf32, #tpu.memory_space<vmem>>
    %dma_wait3A_1018 = tpu.memref_squeeze %dma_wait3A_1017 : memref<1x32x1024xf32, #tpu.memory_space<vmem>> -> memref<32x1024xf32, #tpu.memory_space<vmem>>
    %dma_wait3A_1019 = arith.constant 0 : i32
    %dma_wait3A_1020 = tpu.memref_slice %arg4[%add3A_1000, %dma_wait3A_1019] : memref<32768x1024xf32, #tpu.memory_space<hbm>> -> memref<32x1024xf32, #tpu.memory_space<hbm>>
    %dma_wait3A_1021 = arith.constant 0 : i32
    %dma_wait3A_1022 = tpu.memref_slice %arg4[%add3A_1000, %dma_wait3A_1021] : memref<32768x1024xf32, #tpu.memory_space<hbm>> -> memref<32x1024xf32, #tpu.memory_space<hbm>>
    %dma_wait3A_1023 = arith.constant 0 : i32
    %dma_wait3A_1024 = arith.constant 0 : i32
    %dma_wait3A_1025 = tpu.memref_slice %arg6[%dma_wait3A_1014, %dma_wait3A_1023, %dma_wait3A_1024] : memref<3x32x1024xf32, #tpu.memory_space<vmem>> -> memref<1x32x1024xf32, #tpu.memory_space<vmem>>
    %dma_wait3A_1026 = tpu.memref_squeeze %dma_wait3A_1025 : memref<1x32x1024xf32, #tpu.memory_space<vmem>> -> memref<32x1024xf32, #tpu.memory_space<vmem>>
    tpu.wait_dma2 semaphore(%arg12 : memref<!tpu.dma_semaphore, #tpu.memory_space<semaphore_mem>>) src(%dma_wait3A_1026 : memref<32x1024xf32, #tpu.memory_space<vmem>>) dst(%dma_wait3A_1022 : memref<32x1024xf32, #tpu.memory_space<hbm>>)
    %dma_start3A_1027 = arith.constant 14 : i32
    %dma_start3A_1028 = arith.constant 2 : i32
    %dma_start3A_1029 = arith.constant 0 : i32
    %dma_start3A_1030 = arith.constant 0 : i32
    %dma_start3A_1031 = tpu.memref_slice %arg6[%dma_start3A_1028, %dma_start3A_1029, %dma_start3A_1030] : memref<3x32x1024xf32, #tpu.memory_space<vmem>> -> memref<1x32x1024xf32, #tpu.memory_space<vmem>>
    %dma_start3A_1032 = tpu.memref_squeeze %dma_start3A_1031 : memref<1x32x1024xf32, #tpu.memory_space<vmem>> -> memref<32x1024xf32, #tpu.memory_space<vmem>>
    %dma_start3A_1033 = arith.constant 0 : i32
    %dma_start3A_1034 = tpu.memref_slice %arg5[%dma_start3A_1027, %dma_start3A_1033] : memref<32x32xi32, #tpu.memory_space<vmem>> -> memref<1x32xi32, #tpu.memory_space<vmem>>
    %dma_start3A_1035 = tpu.memref_squeeze %dma_start3A_1034 : memref<1x32xi32, #tpu.memory_space<vmem>> -> memref<32xi32, #tpu.memory_space<vmem>>
    %dma_start3A_1036 = arith.constant 0 : i32
    %dma_start3A_1037 = arith.constant 0 : i32
    %dma_start3A_1038 = tpu.memref_slice %arg2[%dma_start3A_1036, %dma_start3A_1037] : memref<8192x1024xf32, #tpu.memory_space<hbm>> -> memref<8192x1024xf32, #tpu.memory_space<hbm>>
    tpu.enqueue_indirect_dma source(%dma_start3A_1038 : memref<8192x1024xf32, #tpu.memory_space<hbm>>) target(%dma_start3A_1032 : memref<32x1024xf32, #tpu.memory_space<vmem>>) offsets(%dma_start3A_1035 : memref<32xi32, #tpu.memory_space<vmem>>) semaphore(%arg9 : memref<!tpu.dma_semaphore, #tpu.memory_space<semaphore_mem>>)
    %get3A_1039 = arith.constant 15 : i32
    %get3A_1040 = arith.index_cast %get3A_1039 : i32 to index
    %get3A_1041 = arith.constant 0 : index
    %get3A_1042 = tpu.vector_load %arg5[%get3A_1040, %get3A_1041] {strides = array<i32>} : memref<32x32xi32, #tpu.memory_space<vmem>>, vector<1x16xi32>,
    %get3A_1043 = vector.shape_cast %get3A_1042 : vector<1x16xi32> to vector<16xi32>
    %add3A_1044 = arith.addi %get3A_1043, %broadcast_in_dim3A : vector<16xi32>
    %swap3A_1045 = arith.constant 15 : i32
    %swap3A_1046 = arith.index_cast %swap3A_1045 : i32 to index
    %swap3A_1047 = arith.constant 0 : index
    %swap3A_1048 = tpu.vector_load %arg5[%swap3A_1046, %swap3A_1047] {strides = array<i32>} : memref<32x32xi32, #tpu.memory_space<vmem>>, vector<1x16xi32>,
    %swap3A_1049 = vector.shape_cast %swap3A_1048 : vector<1x16xi32> to vector<16xi32>
    %swap3A_1050 = vector.shape_cast %add3A_1044 : vector<16xi32> to vector<1x16xi32>
    tpu.vector_store %arg5[%swap3A_1046, %swap3A_1047], %swap3A_1050 {strides = array<i32>} : memref<32x32xi32, #tpu.memory_space<vmem>>, vector<1x16xi32>,
    %get3A_1051 = arith.constant 15 : i32
    %get3A_1052 = arith.index_cast %get3A_1051 : i32 to index
    %get3A_1053 = arith.constant 16 : index
    %get3A_1054 = tpu.vector_load %arg5[%get3A_1052, %get3A_1053] {strides = array<i32>} : memref<32x32xi32, #tpu.memory_space<vmem>>, vector<1x16xi32>,
    %get3A_1055 = vector.shape_cast %get3A_1054 : vector<1x16xi32> to vector<16xi32>
    %add3A_1056 = arith.addi %get3A_1055, %broadcast_in_dim3A : vector<16xi32>
    %swap3A_1057 = arith.constant 15 : i32
    %swap3A_1058 = arith.index_cast %swap3A_1057 : i32 to index
    %swap3A_1059 = arith.constant 16 : index
    %swap3A_1060 = tpu.vector_load %arg5[%swap3A_1058, %swap3A_1059] {strides = array<i32>} : memref<32x32xi32, #tpu.memory_space<vmem>>, vector<1x16xi32>,
    %swap3A_1061 = vector.shape_cast %swap3A_1060 : vector<1x16xi32> to vector<16xi32>
    %swap3A_1062 = vector.shape_cast %add3A_1056 : vector<16xi32> to vector<1x16xi32>
    tpu.vector_store %arg5[%swap3A_1058, %swap3A_1059], %swap3A_1062 {strides = array<i32>} : memref<32x32xi32, #tpu.memory_space<vmem>>, vector<1x16xi32>,
    %dma_wait3A_1063 = arith.constant 12 : i32
    %dma_wait3A_1064 = arith.constant 0 : i32
    %dma_wait3A_1065 = arith.constant 0 : i32
    %dma_wait3A_1066 = arith.constant 0 : i32
    %dma_wait3A_1067 = tpu.memref_slice %arg6[%dma_wait3A_1064, %dma_wait3A_1065, %dma_wait3A_1066] : memref<3x32x1024xf32, #tpu.memory_space<vmem>> -> memref<1x32x1024xf32, #tpu.memory_space<vmem>>
    %dma_wait3A_1068 = tpu.memref_squeeze %dma_wait3A_1067 : memref<1x32x1024xf32, #tpu.memory_space<vmem>> -> memref<32x1024xf32, #tpu.memory_space<vmem>>
    %dma_wait3A_1069 = arith.constant 0 : i32
    %dma_wait3A_1070 = tpu.memref_slice %arg5[%dma_wait3A_1063, %dma_wait3A_1069] : memref<32x32xi32, #tpu.memory_space<vmem>> -> memref<1x32xi32, #tpu.memory_space<vmem>>
    %dma_wait3A_1071 = tpu.memref_squeeze %dma_wait3A_1070 : memref<1x32xi32, #tpu.memory_space<vmem>> -> memref<32xi32, #tpu.memory_space<vmem>>
    %dma_wait3A_1072 = arith.constant 0 : i32
    %dma_wait3A_1073 = arith.constant 0 : i32
    %dma_wait3A_1074 = tpu.memref_slice %arg2[%dma_wait3A_1072, %dma_wait3A_1073] : memref<8192x1024xf32, #tpu.memory_space<hbm>> -> memref<8192x1024xf32, #tpu.memory_space<hbm>>
    tpu.wait_indirect_dma semaphore(%arg7 : memref<!tpu.dma_semaphore, #tpu.memory_space<semaphore_mem>>) src(%dma_wait3A_1074 : memref<8192x1024xf32, #tpu.memory_space<hbm>>) dst(%dma_wait3A_1068 : memref<32x1024xf32, #tpu.memory_space<vmem>>)
    %add3A_1075 = arith.constant 384 : i32
    %add3A_1076 = arith.addi %mul3A_2, %add3A_1075 : i32
    %dma_start3A_1077 = arith.constant 0 : i32
    %dma_start3A_1078 = arith.constant 0 : i32
    %dma_start3A_1079 = arith.constant 0 : i32
    %dma_start3A_1080 = tpu.memref_slice %arg6[%dma_start3A_1077, %dma_start3A_1078, %dma_start3A_1079] : memref<3x32x1024xf32, #tpu.memory_space<vmem>> -> memref<1x32x1024xf32, #tpu.memory_space<vmem>>
    %dma_start3A_1081 = tpu.memref_squeeze %dma_start3A_1080 : memref<1x32x1024xf32, #tpu.memory_space<vmem>> -> memref<32x1024xf32, #tpu.memory_space<vmem>>
    %dma_start3A_1082 = arith.constant 0 : i32
    %dma_start3A_1083 = tpu.memref_slice %arg4[%add3A_1076, %dma_start3A_1082] : memref<32768x1024xf32, #tpu.memory_space<hbm>> -> memref<32x1024xf32, #tpu.memory_space<hbm>>
    %dma_start3A_1084 = arith.constant 0 : i32
    %dma_start3A_1085 = tpu.memref_slice %arg4[%add3A_1076, %dma_start3A_1084] : memref<32768x1024xf32, #tpu.memory_space<hbm>> -> memref<32x1024xf32, #tpu.memory_space<hbm>>
    %dma_start3A_1086 = arith.constant 0 : i32
    %dma_start3A_1087 = arith.constant 0 : i32
    %dma_start3A_1088 = tpu.memref_slice %arg6[%dma_start3A_1077, %dma_start3A_1086, %dma_start3A_1087] : memref<3x32x1024xf32, #tpu.memory_space<vmem>> -> memref<1x32x1024xf32, #tpu.memory_space<vmem>>
    %dma_start3A_1089 = tpu.memref_squeeze %dma_start3A_1088 : memref<1x32x1024xf32, #tpu.memory_space<vmem>> -> memref<32x1024xf32, #tpu.memory_space<vmem>>
    tpu.enqueue_dma source(%dma_start3A_1089 : memref<32x1024xf32, #tpu.memory_space<vmem>>) target(%dma_start3A_1085 : memref<32x1024xf32, #tpu.memory_space<hbm>>) target_semaphore(%arg10 : memref<!tpu.dma_semaphore, #tpu.memory_space<semaphore_mem>>)
    %dma_wait3A_1090 = arith.constant 0 : i32
    %dma_wait3A_1091 = arith.constant 0 : i32
    %dma_wait3A_1092 = arith.constant 0 : i32
    %dma_wait3A_1093 = tpu.memref_slice %arg6[%dma_wait3A_1090, %dma_wait3A_1091, %dma_wait3A_1092] : memref<3x32x1024xf32, #tpu.memory_space<vmem>> -> memref<1x32x1024xf32, #tpu.memory_space<vmem>>
    %dma_wait3A_1094 = tpu.memref_squeeze %dma_wait3A_1093 : memref<1x32x1024xf32, #tpu.memory_space<vmem>> -> memref<32x1024xf32, #tpu.memory_space<vmem>>
    %dma_wait3A_1095 = arith.constant 0 : i32
    %dma_wait3A_1096 = tpu.memref_slice %arg4[%add3A_1076, %dma_wait3A_1095] : memref<32768x1024xf32, #tpu.memory_space<hbm>> -> memref<32x1024xf32, #tpu.memory_space<hbm>>
    %dma_wait3A_1097 = arith.constant 0 : i32
    %dma_wait3A_1098 = tpu.memref_slice %arg4[%add3A_1076, %dma_wait3A_1097] : memref<32768x1024xf32, #tpu.memory_space<hbm>> -> memref<32x1024xf32, #tpu.memory_space<hbm>>
    %dma_wait3A_1099 = arith.constant 0 : i32
    %dma_wait3A_1100 = arith.constant 0 : i32
    %dma_wait3A_1101 = tpu.memref_slice %arg6[%dma_wait3A_1090, %dma_wait3A_1099, %dma_wait3A_1100] : memref<3x32x1024xf32, #tpu.memory_space<vmem>> -> memref<1x32x1024xf32, #tpu.memory_space<vmem>>
    %dma_wait3A_1102 = tpu.memref_squeeze %dma_wait3A_1101 : memref<1x32x1024xf32, #tpu.memory_space<vmem>> -> memref<32x1024xf32, #tpu.memory_space<vmem>>
    tpu.wait_dma2 semaphore(%arg10 : memref<!tpu.dma_semaphore, #tpu.memory_space<semaphore_mem>>) src(%dma_wait3A_1102 : memref<32x1024xf32, #tpu.memory_space<vmem>>) dst(%dma_wait3A_1098 : memref<32x1024xf32, #tpu.memory_space<hbm>>)
    %dma_start3A_1103 = arith.constant 15 : i32
    %dma_start3A_1104 = arith.constant 0 : i32
    %dma_start3A_1105 = arith.constant 0 : i32
    %dma_start3A_1106 = arith.constant 0 : i32
    %dma_start3A_1107 = tpu.memref_slice %arg6[%dma_start3A_1104, %dma_start3A_1105, %dma_start3A_1106] : memref<3x32x1024xf32, #tpu.memory_space<vmem>> -> memref<1x32x1024xf32, #tpu.memory_space<vmem>>
    %dma_start3A_1108 = tpu.memref_squeeze %dma_start3A_1107 : memref<1x32x1024xf32, #tpu.memory_space<vmem>> -> memref<32x1024xf32, #tpu.memory_space<vmem>>
    %dma_start3A_1109 = arith.constant 0 : i32
    %dma_start3A_1110 = tpu.memref_slice %arg5[%dma_start3A_1103, %dma_start3A_1109] : memref<32x32xi32, #tpu.memory_space<vmem>> -> memref<1x32xi32, #tpu.memory_space<vmem>>
    %dma_start3A_1111 = tpu.memref_squeeze %dma_start3A_1110 : memref<1x32xi32, #tpu.memory_space<vmem>> -> memref<32xi32, #tpu.memory_space<vmem>>
    %dma_start3A_1112 = arith.constant 0 : i32
    %dma_start3A_1113 = arith.constant 0 : i32
    %dma_start3A_1114 = tpu.memref_slice %arg2[%dma_start3A_1112, %dma_start3A_1113] : memref<8192x1024xf32, #tpu.memory_space<hbm>> -> memref<8192x1024xf32, #tpu.memory_space<hbm>>
    tpu.enqueue_indirect_dma source(%dma_start3A_1114 : memref<8192x1024xf32, #tpu.memory_space<hbm>>) target(%dma_start3A_1108 : memref<32x1024xf32, #tpu.memory_space<vmem>>) offsets(%dma_start3A_1111 : memref<32xi32, #tpu.memory_space<vmem>>) semaphore(%arg7 : memref<!tpu.dma_semaphore, #tpu.memory_space<semaphore_mem>>)
    %get3A_1115 = arith.constant 16 : i32
    %get3A_1116 = arith.index_cast %get3A_1115 : i32 to index
    %get3A_1117 = arith.constant 0 : index
    %get3A_1118 = tpu.vector_load %arg5[%get3A_1116, %get3A_1117] {strides = array<i32>} : memref<32x32xi32, #tpu.memory_space<vmem>>, vector<1x16xi32>,
    %get3A_1119 = vector.shape_cast %get3A_1118 : vector<1x16xi32> to vector<16xi32>
    %add3A_1120 = arith.addi %get3A_1119, %broadcast_in_dim3A : vector<16xi32>
    %swap3A_1121 = arith.constant 16 : i32
    %swap3A_1122 = arith.index_cast %swap3A_1121 : i32 to index
    %swap3A_1123 = arith.constant 0 : index
    %swap3A_1124 = tpu.vector_load %arg5[%swap3A_1122, %swap3A_1123] {strides = array<i32>} : memref<32x32xi32, #tpu.memory_space<vmem>>, vector<1x16xi32>,
    %swap3A_1125 = vector.shape_cast %swap3A_1124 : vector<1x16xi32> to vector<16xi32>
    %swap3A_1126 = vector.shape_cast %add3A_1120 : vector<16xi32> to vector<1x16xi32>
    tpu.vector_store %arg5[%swap3A_1122, %swap3A_1123], %swap3A_1126 {strides = array<i32>} : memref<32x32xi32, #tpu.memory_space<vmem>>, vector<1x16xi32>,
    %get3A_1127 = arith.constant 16 : i32
    %get3A_1128 = arith.index_cast %get3A_1127 : i32 to index
    %get3A_1129 = arith.constant 16 : index
    %get3A_1130 = tpu.vector_load %arg5[%get3A_1128, %get3A_1129] {strides = array<i32>} : memref<32x32xi32, #tpu.memory_space<vmem>>, vector<1x16xi32>,
    %get3A_1131 = vector.shape_cast %get3A_1130 : vector<1x16xi32> to vector<16xi32>
    %add3A_1132 = arith.addi %get3A_1131, %broadcast_in_dim3A : vector<16xi32>
    %swap3A_1133 = arith.constant 16 : i32
    %swap3A_1134 = arith.index_cast %swap3A_1133 : i32 to index
    %swap3A_1135 = arith.constant 16 : index
    %swap3A_1136 = tpu.vector_load %arg5[%swap3A_1134, %swap3A_1135] {strides = array<i32>} : memref<32x32xi32, #tpu.memory_space<vmem>>, vector<1x16xi32>,
    %swap3A_1137 = vector.shape_cast %swap3A_1136 : vector<1x16xi32> to vector<16xi32>
    %swap3A_1138 = vector.shape_cast %add3A_1132 : vector<16xi32> to vector<1x16xi32>
    tpu.vector_store %arg5[%swap3A_1134, %swap3A_1135], %swap3A_1138 {strides = array<i32>} : memref<32x32xi32, #tpu.memory_space<vmem>>, vector<1x16xi32>,
    %dma_wait3A_1139 = arith.constant 13 : i32
    %dma_wait3A_1140 = arith.constant 1 : i32
    %dma_wait3A_1141 = arith.constant 0 : i32
    %dma_wait3A_1142 = arith.constant 0 : i32
    %dma_wait3A_1143 = tpu.memref_slice %arg6[%dma_wait3A_1140, %dma_wait3A_1141, %dma_wait3A_1142] : memref<3x32x1024xf32, #tpu.memory_space<vmem>> -> memref<1x32x1024xf32, #tpu.memory_space<vmem>>
    %dma_wait3A_1144 = tpu.memref_squeeze %dma_wait3A_1143 : memref<1x32x1024xf32, #tpu.memory_space<vmem>> -> memref<32x1024xf32, #tpu.memory_space<vmem>>
    %dma_wait3A_1145 = arith.constant 0 : i32
    %dma_wait3A_1146 = tpu.memref_slice %arg5[%dma_wait3A_1139, %dma_wait3A_1145] : memref<32x32xi32, #tpu.memory_space<vmem>> -> memref<1x32xi32, #tpu.memory_space<vmem>>
    %dma_wait3A_1147 = tpu.memref_squeeze %dma_wait3A_1146 : memref<1x32xi32, #tpu.memory_space<vmem>> -> memref<32xi32, #tpu.memory_space<vmem>>
    %dma_wait3A_1148 = arith.constant 0 : i32
    %dma_wait3A_1149 = arith.constant 0 : i32
    %dma_wait3A_1150 = tpu.memref_slice %arg2[%dma_wait3A_1148, %dma_wait3A_1149] : memref<8192x1024xf32, #tpu.memory_space<hbm>> -> memref<8192x1024xf32, #tpu.memory_space<hbm>>
    tpu.wait_indirect_dma semaphore(%arg8 : memref<!tpu.dma_semaphore, #tpu.memory_space<semaphore_mem>>) src(%dma_wait3A_1150 : memref<8192x1024xf32, #tpu.memory_space<hbm>>) dst(%dma_wait3A_1144 : memref<32x1024xf32, #tpu.memory_space<vmem>>)
    %add3A_1151 = arith.constant 416 : i32
    %add3A_1152 = arith.addi %mul3A_2, %add3A_1151 : i32
    %dma_start3A_1153 = arith.constant 1 : i32
    %dma_start3A_1154 = arith.constant 0 : i32
    %dma_start3A_1155 = arith.constant 0 : i32
    %dma_start3A_1156 = tpu.memref_slice %arg6[%dma_start3A_1153, %dma_start3A_1154, %dma_start3A_1155] : memref<3x32x1024xf32, #tpu.memory_space<vmem>> -> memref<1x32x1024xf32, #tpu.memory_space<vmem>>
    %dma_start3A_1157 = tpu.memref_squeeze %dma_start3A_1156 : memref<1x32x1024xf32, #tpu.memory_space<vmem>> -> memref<32x1024xf32, #tpu.memory_space<vmem>>
    %dma_start3A_1158 = arith.constant 0 : i32
    %dma_start3A_1159 = tpu.memref_slice %arg4[%add3A_1152, %dma_start3A_1158] : memref<32768x1024xf32, #tpu.memory_space<hbm>> -> memref<32x1024xf32, #tpu.memory_space<hbm>>
    %dma_start3A_1160 = arith.constant 0 : i32
    %dma_start3A_1161 = tpu.memref_slice %arg4[%add3A_1152, %dma_start3A_1160] : memref<32768x1024xf32, #tpu.memory_space<hbm>> -> memref<32x1024xf32, #tpu.memory_space<hbm>>
    %dma_start3A_1162 = arith.constant 0 : i32
    %dma_start3A_1163 = arith.constant 0 : i32
    %dma_start3A_1164 = tpu.memref_slice %arg6[%dma_start3A_1153, %dma_start3A_1162, %dma_start3A_1163] : memref<3x32x1024xf32, #tpu.memory_space<vmem>> -> memref<1x32x1024xf32, #tpu.memory_space<vmem>>
    %dma_start3A_1165 = tpu.memref_squeeze %dma_start3A_1164 : memref<1x32x1024xf32, #tpu.memory_space<vmem>> -> memref<32x1024xf32, #tpu.memory_space<vmem>>
    tpu.enqueue_dma source(%dma_start3A_1165 : memref<32x1024xf32, #tpu.memory_space<vmem>>) target(%dma_start3A_1161 : memref<32x1024xf32, #tpu.memory_space<hbm>>) target_semaphore(%arg11 : memref<!tpu.dma_semaphore, #tpu.memory_space<semaphore_mem>>)
    %dma_wait3A_1166 = arith.constant 1 : i32
    %dma_wait3A_1167 = arith.constant 0 : i32
    %dma_wait3A_1168 = arith.constant 0 : i32
    %dma_wait3A_1169 = tpu.memref_slice %arg6[%dma_wait3A_1166, %dma_wait3A_1167, %dma_wait3A_1168] : memref<3x32x1024xf32, #tpu.memory_space<vmem>> -> memref<1x32x1024xf32, #tpu.memory_space<vmem>>
    %dma_wait3A_1170 = tpu.memref_squeeze %dma_wait3A_1169 : memref<1x32x1024xf32, #tpu.memory_space<vmem>> -> memref<32x1024xf32, #tpu.memory_space<vmem>>
    %dma_wait3A_1171 = arith.constant 0 : i32
    %dma_wait3A_1172 = tpu.memref_slice %arg4[%add3A_1152, %dma_wait3A_1171] : memref<32768x1024xf32, #tpu.memory_space<hbm>> -> memref<32x1024xf32, #tpu.memory_space<hbm>>
    %dma_wait3A_1173 = arith.constant 0 : i32
    %dma_wait3A_1174 = tpu.memref_slice %arg4[%add3A_1152, %dma_wait3A_1173] : memref<32768x1024xf32, #tpu.memory_space<hbm>> -> memref<32x1024xf32, #tpu.memory_space<hbm>>
    %dma_wait3A_1175 = arith.constant 0 : i32
    %dma_wait3A_1176 = arith.constant 0 : i32
    %dma_wait3A_1177 = tpu.memref_slice %arg6[%dma_wait3A_1166, %dma_wait3A_1175, %dma_wait3A_1176] : memref<3x32x1024xf32, #tpu.memory_space<vmem>> -> memref<1x32x1024xf32, #tpu.memory_space<vmem>>
    %dma_wait3A_1178 = tpu.memref_squeeze %dma_wait3A_1177 : memref<1x32x1024xf32, #tpu.memory_space<vmem>> -> memref<32x1024xf32, #tpu.memory_space<vmem>>
    tpu.wait_dma2 semaphore(%arg11 : memref<!tpu.dma_semaphore, #tpu.memory_space<semaphore_mem>>) src(%dma_wait3A_1178 : memref<32x1024xf32, #tpu.memory_space<vmem>>) dst(%dma_wait3A_1174 : memref<32x1024xf32, #tpu.memory_space<hbm>>)
    %dma_start3A_1179 = arith.constant 16 : i32
    %dma_start3A_1180 = arith.constant 1 : i32
    %dma_start3A_1181 = arith.constant 0 : i32
    %dma_start3A_1182 = arith.constant 0 : i32
    %dma_start3A_1183 = tpu.memref_slice %arg6[%dma_start3A_1180, %dma_start3A_1181, %dma_start3A_1182] : memref<3x32x1024xf32, #tpu.memory_space<vmem>> -> memref<1x32x1024xf32, #tpu.memory_space<vmem>>
    %dma_start3A_1184 = tpu.memref_squeeze %dma_start3A_1183 : memref<1x32x1024xf32, #tpu.memory_space<vmem>> -> memref<32x1024xf32, #tpu.memory_space<vmem>>
    %dma_start3A_1185 = arith.constant 0 : i32
    %dma_start3A_1186 = tpu.memref_slice %arg5[%dma_start3A_1179, %dma_start3A_1185] : memref<32x32xi32, #tpu.memory_space<vmem>> -> memref<1x32xi32, #tpu.memory_space<vmem>>
    %dma_start3A_1187 = tpu.memref_squeeze %dma_start3A_1186 : memref<1x32xi32, #tpu.memory_space<vmem>> -> memref<32xi32, #tpu.memory_space<vmem>>
    %dma_start3A_1188 = arith.constant 0 : i32
    %dma_start3A_1189 = arith.constant 0 : i32
    %dma_start3A_1190 = tpu.memref_slice %arg2[%dma_start3A_1188, %dma_start3A_1189] : memref<8192x1024xf32, #tpu.memory_space<hbm>> -> memref<8192x1024xf32, #tpu.memory_space<hbm>>
    tpu.enqueue_indirect_dma source(%dma_start3A_1190 : memref<8192x1024xf32, #tpu.memory_space<hbm>>) target(%dma_start3A_1184 : memref<32x1024xf32, #tpu.memory_space<vmem>>) offsets(%dma_start3A_1187 : memref<32xi32, #tpu.memory_space<vmem>>) semaphore(%arg8 : memref<!tpu.dma_semaphore, #tpu.memory_space<semaphore_mem>>)
    %get3A_1191 = arith.constant 17 : i32
    %get3A_1192 = arith.index_cast %get3A_1191 : i32 to index
    %get3A_1193 = arith.constant 0 : index
    %get3A_1194 = tpu.vector_load %arg5[%get3A_1192, %get3A_1193] {strides = array<i32>} : memref<32x32xi32, #tpu.memory_space<vmem>>, vector<1x16xi32>,
    %get3A_1195 = vector.shape_cast %get3A_1194 : vector<1x16xi32> to vector<16xi32>
    %add3A_1196 = arith.addi %get3A_1195, %broadcast_in_dim3A : vector<16xi32>
    %swap3A_1197 = arith.constant 17 : i32
    %swap3A_1198 = arith.index_cast %swap3A_1197 : i32 to index
    %swap3A_1199 = arith.constant 0 : index
    %swap3A_1200 = tpu.vector_load %arg5[%swap3A_1198, %swap3A_1199] {strides = array<i32>} : memref<32x32xi32, #tpu.memory_space<vmem>>, vector<1x16xi32>,
    %swap3A_1201 = vector.shape_cast %swap3A_1200 : vector<1x16xi32> to vector<16xi32>
    %swap3A_1202 = vector.shape_cast %add3A_1196 : vector<16xi32> to vector<1x16xi32>
    tpu.vector_store %arg5[%swap3A_1198, %swap3A_1199], %swap3A_1202 {strides = array<i32>} : memref<32x32xi32, #tpu.memory_space<vmem>>, vector<1x16xi32>,
    %get3A_1203 = arith.constant 17 : i32
    %get3A_1204 = arith.index_cast %get3A_1203 : i32 to index
    %get3A_1205 = arith.constant 16 : index
    %get3A_1206 = tpu.vector_load %arg5[%get3A_1204, %get3A_1205] {strides = array<i32>} : memref<32x32xi32, #tpu.memory_space<vmem>>, vector<1x16xi32>,
    %get3A_1207 = vector.shape_cast %get3A_1206 : vector<1x16xi32> to vector<16xi32>
    %add3A_1208 = arith.addi %get3A_1207, %broadcast_in_dim3A : vector<16xi32>
    %swap3A_1209 = arith.constant 17 : i32
    %swap3A_1210 = arith.index_cast %swap3A_1209 : i32 to index
    %swap3A_1211 = arith.constant 16 : index
    %swap3A_1212 = tpu.vector_load %arg5[%swap3A_1210, %swap3A_1211] {strides = array<i32>} : memref<32x32xi32, #tpu.memory_space<vmem>>, vector<1x16xi32>,
    %swap3A_1213 = vector.shape_cast %swap3A_1212 : vector<1x16xi32> to vector<16xi32>
    %swap3A_1214 = vector.shape_cast %add3A_1208 : vector<16xi32> to vector<1x16xi32>
    tpu.vector_store %arg5[%swap3A_1210, %swap3A_1211], %swap3A_1214 {strides = array<i32>} : memref<32x32xi32, #tpu.memory_space<vmem>>, vector<1x16xi32>,
    %dma_wait3A_1215 = arith.constant 14 : i32
    %dma_wait3A_1216 = arith.constant 2 : i32
    %dma_wait3A_1217 = arith.constant 0 : i32
    %dma_wait3A_1218 = arith.constant 0 : i32
    %dma_wait3A_1219 = tpu.memref_slice %arg6[%dma_wait3A_1216, %dma_wait3A_1217, %dma_wait3A_1218] : memref<3x32x1024xf32, #tpu.memory_space<vmem>> -> memref<1x32x1024xf32, #tpu.memory_space<vmem>>
    %dma_wait3A_1220 = tpu.memref_squeeze %dma_wait3A_1219 : memref<1x32x1024xf32, #tpu.memory_space<vmem>> -> memref<32x1024xf32, #tpu.memory_space<vmem>>
    %dma_wait3A_1221 = arith.constant 0 : i32
    %dma_wait3A_1222 = tpu.memref_slice %arg5[%dma_wait3A_1215, %dma_wait3A_1221] : memref<32x32xi32, #tpu.memory_space<vmem>> -> memref<1x32xi32, #tpu.memory_space<vmem>>
    %dma_wait3A_1223 = tpu.memref_squeeze %dma_wait3A_1222 : memref<1x32xi32, #tpu.memory_space<vmem>> -> memref<32xi32, #tpu.memory_space<vmem>>
    %dma_wait3A_1224 = arith.constant 0 : i32
    %dma_wait3A_1225 = arith.constant 0 : i32
    %dma_wait3A_1226 = tpu.memref_slice %arg2[%dma_wait3A_1224, %dma_wait3A_1225] : memref<8192x1024xf32, #tpu.memory_space<hbm>> -> memref<8192x1024xf32, #tpu.memory_space<hbm>>
    tpu.wait_indirect_dma semaphore(%arg9 : memref<!tpu.dma_semaphore, #tpu.memory_space<semaphore_mem>>) src(%dma_wait3A_1226 : memref<8192x1024xf32, #tpu.memory_space<hbm>>) dst(%dma_wait3A_1220 : memref<32x1024xf32, #tpu.memory_space<vmem>>)
    %add3A_1227 = arith.constant 448 : i32
    %add3A_1228 = arith.addi %mul3A_2, %add3A_1227 : i32
    %dma_start3A_1229 = arith.constant 2 : i32
    %dma_start3A_1230 = arith.constant 0 : i32
    %dma_start3A_1231 = arith.constant 0 : i32
    %dma_start3A_1232 = tpu.memref_slice %arg6[%dma_start3A_1229, %dma_start3A_1230, %dma_start3A_1231] : memref<3x32x1024xf32, #tpu.memory_space<vmem>> -> memref<1x32x1024xf32, #tpu.memory_space<vmem>>
    %dma_start3A_1233 = tpu.memref_squeeze %dma_start3A_1232 : memref<1x32x1024xf32, #tpu.memory_space<vmem>> -> memref<32x1024xf32, #tpu.memory_space<vmem>>
    %dma_start3A_1234 = arith.constant 0 : i32
    %dma_start3A_1235 = tpu.memref_slice %arg4[%add3A_1228, %dma_start3A_1234] : memref<32768x1024xf32, #tpu.memory_space<hbm>> -> memref<32x1024xf32, #tpu.memory_space<hbm>>
    %dma_start3A_1236 = arith.constant 0 : i32
    %dma_start3A_1237 = tpu.memref_slice %arg4[%add3A_1228, %dma_start3A_1236] : memref<32768x1024xf32, #tpu.memory_space<hbm>> -> memref<32x1024xf32, #tpu.memory_space<hbm>>
    %dma_start3A_1238 = arith.constant 0 : i32
    %dma_start3A_1239 = arith.constant 0 : i32
    %dma_start3A_1240 = tpu.memref_slice %arg6[%dma_start3A_1229, %dma_start3A_1238, %dma_start3A_1239] : memref<3x32x1024xf32, #tpu.memory_space<vmem>> -> memref<1x32x1024xf32, #tpu.memory_space<vmem>>
    %dma_start3A_1241 = tpu.memref_squeeze %dma_start3A_1240 : memref<1x32x1024xf32, #tpu.memory_space<vmem>> -> memref<32x1024xf32, #tpu.memory_space<vmem>>
    tpu.enqueue_dma source(%dma_start3A_1241 : memref<32x1024xf32, #tpu.memory_space<vmem>>) target(%dma_start3A_1237 : memref<32x1024xf32, #tpu.memory_space<hbm>>) target_semaphore(%arg12 : memref<!tpu.dma_semaphore, #tpu.memory_space<semaphore_mem>>)
    %dma_wait3A_1242 = arith.constant 2 : i32
    %dma_wait3A_1243 = arith.constant 0 : i32
    %dma_wait3A_1244 = arith.constant 0 : i32
    %dma_wait3A_1245 = tpu.memref_slice %arg6[%dma_wait3A_1242, %dma_wait3A_1243, %dma_wait3A_1244] : memref<3x32x1024xf32, #tpu.memory_space<vmem>> -> memref<1x32x1024xf32, #tpu.memory_space<vmem>>
    %dma_wait3A_1246 = tpu.memref_squeeze %dma_wait3A_1245 : memref<1x32x1024xf32, #tpu.memory_space<vmem>> -> memref<32x1024xf32, #tpu.memory_space<vmem>>
    %dma_wait3A_1247 = arith.constant 0 : i32
    %dma_wait3A_1248 = tpu.memref_slice %arg4[%add3A_1228, %dma_wait3A_1247] : memref<32768x1024xf32, #tpu.memory_space<hbm>> -> memref<32x1024xf32, #tpu.memory_space<hbm>>
    %dma_wait3A_1249 = arith.constant 0 : i32
    %dma_wait3A_1250 = tpu.memref_slice %arg4[%add3A_1228, %dma_wait3A_1249] : memref<32768x1024xf32, #tpu.memory_space<hbm>> -> memref<32x1024xf32, #tpu.memory_space<hbm>>
    %dma_wait3A_1251 = arith.constant 0 : i32
    %dma_wait3A_1252 = arith.constant 0 : i32
    %dma_wait3A_1253 = tpu.memref_slice %arg6[%dma_wait3A_1242, %dma_wait3A_1251, %dma_wait3A_1252] : memref<3x32x1024xf32, #tpu.memory_space<vmem>> -> memref<1x32x1024xf32, #tpu.memory_space<vmem>>
    %dma_wait3A_1254 = tpu.memref_squeeze %dma_wait3A_1253 : memref<1x32x1024xf32, #tpu.memory_space<vmem>> -> memref<32x1024xf32, #tpu.memory_space<vmem>>
    tpu.wait_dma2 semaphore(%arg12 : memref<!tpu.dma_semaphore, #tpu.memory_space<semaphore_mem>>) src(%dma_wait3A_1254 : memref<32x1024xf32, #tpu.memory_space<vmem>>) dst(%dma_wait3A_1250 : memref<32x1024xf32, #tpu.memory_space<hbm>>)
    %dma_start3A_1255 = arith.constant 17 : i32
    %dma_start3A_1256 = arith.constant 2 : i32
    %dma_start3A_1257 = arith.constant 0 : i32
    %dma_start3A_1258 = arith.constant 0 : i32
    %dma_start3A_1259 = tpu.memref_slice %arg6[%dma_start3A_1256, %dma_start3A_1257, %dma_start3A_1258] : memref<3x32x1024xf32, #tpu.memory_space<vmem>> -> memref<1x32x1024xf32, #tpu.memory_space<vmem>>
    %dma_start3A_1260 = tpu.memref_squeeze %dma_start3A_1259 : memref<1x32x1024xf32, #tpu.memory_space<vmem>> -> memref<32x1024xf32, #tpu.memory_space<vmem>>
    %dma_start3A_1261 = arith.constant 0 : i32
    %dma_start3A_1262 = tpu.memref_slice %arg5[%dma_start3A_1255, %dma_start3A_1261] : memref<32x32xi32, #tpu.memory_space<vmem>> -> memref<1x32xi32, #tpu.memory_space<vmem>>
    %dma_start3A_1263 = tpu.memref_squeeze %dma_start3A_1262 : memref<1x32xi32, #tpu.memory_space<vmem>> -> memref<32xi32, #tpu.memory_space<vmem>>
    %dma_start3A_1264 = arith.constant 0 : i32
    %dma_start3A_1265 = arith.constant 0 : i32
    %dma_start3A_1266 = tpu.memref_slice %arg2[%dma_start3A_1264, %dma_start3A_1265] : memref<8192x1024xf32, #tpu.memory_space<hbm>> -> memref<8192x1024xf32, #tpu.memory_space<hbm>>
    tpu.enqueue_indirect_dma source(%dma_start3A_1266 : memref<8192x1024xf32, #tpu.memory_space<hbm>>) target(%dma_start3A_1260 : memref<32x1024xf32, #tpu.memory_space<vmem>>) offsets(%dma_start3A_1263 : memref<32xi32, #tpu.memory_space<vmem>>) semaphore(%arg9 : memref<!tpu.dma_semaphore, #tpu.memory_space<semaphore_mem>>)
    %get3A_1267 = arith.constant 18 : i32
    %get3A_1268 = arith.index_cast %get3A_1267 : i32 to index
    %get3A_1269 = arith.constant 0 : index
    %get3A_1270 = tpu.vector_load %arg5[%get3A_1268, %get3A_1269] {strides = array<i32>} : memref<32x32xi32, #tpu.memory_space<vmem>>, vector<1x16xi32>,
    %get3A_1271 = vector.shape_cast %get3A_1270 : vector<1x16xi32> to vector<16xi32>
    %add3A_1272 = arith.addi %get3A_1271, %broadcast_in_dim3A : vector<16xi32>
    %swap3A_1273 = arith.constant 18 : i32
    %swap3A_1274 = arith.index_cast %swap3A_1273 : i32 to index
    %swap3A_1275 = arith.constant 0 : index
    %swap3A_1276 = tpu.vector_load %arg5[%swap3A_1274, %swap3A_1275] {strides = array<i32>} : memref<32x32xi32, #tpu.memory_space<vmem>>, vector<1x16xi32>,
    %swap3A_1277 = vector.shape_cast %swap3A_1276 : vector<1x16xi32> to vector<16xi32>
    %swap3A_1278 = vector.shape_cast %add3A_1272 : vector<16xi32> to vector<1x16xi32>
    tpu.vector_store %arg5[%swap3A_1274, %swap3A_1275], %swap3A_1278 {strides = array<i32>} : memref<32x32xi32, #tpu.memory_space<vmem>>, vector<1x16xi32>,
    %get3A_1279 = arith.constant 18 : i32
    %get3A_1280 = arith.index_cast %get3A_1279 : i32 to index
    %get3A_1281 = arith.constant 16 : index
    %get3A_1282 = tpu.vector_load %arg5[%get3A_1280, %get3A_1281] {strides = array<i32>} : memref<32x32xi32, #tpu.memory_space<vmem>>, vector<1x16xi32>,
    %get3A_1283 = vector.shape_cast %get3A_1282 : vector<1x16xi32> to vector<16xi32>
    %add3A_1284 = arith.addi %get3A_1283, %broadcast_in_dim3A : vector<16xi32>
    %swap3A_1285 = arith.constant 18 : i32
    %swap3A_1286 = arith.index_cast %swap3A_1285 : i32 to index
    %swap3A_1287 = arith.constant 16 : index
    %swap3A_1288 = tpu.vector_load %arg5[%swap3A_1286, %swap3A_1287] {strides = array<i32>} : memref<32x32xi32, #tpu.memory_space<vmem>>, vector<1x16xi32>,
    %swap3A_1289 = vector.shape_cast %swap3A_1288 : vector<1x16xi32> to vector<16xi32>
    %swap3A_1290 = vector.shape_cast %add3A_1284 : vector<16xi32> to vector<1x16xi32>
    tpu.vector_store %arg5[%swap3A_1286, %swap3A_1287], %swap3A_1290 {strides = array<i32>} : memref<32x32xi32, #tpu.memory_space<vmem>>, vector<1x16xi32>,
    %dma_wait3A_1291 = arith.constant 15 : i32
    %dma_wait3A_1292 = arith.constant 0 : i32
    %dma_wait3A_1293 = arith.constant 0 : i32
    %dma_wait3A_1294 = arith.constant 0 : i32
    %dma_wait3A_1295 = tpu.memref_slice %arg6[%dma_wait3A_1292, %dma_wait3A_1293, %dma_wait3A_1294] : memref<3x32x1024xf32, #tpu.memory_space<vmem>> -> memref<1x32x1024xf32, #tpu.memory_space<vmem>>
    %dma_wait3A_1296 = tpu.memref_squeeze %dma_wait3A_1295 : memref<1x32x1024xf32, #tpu.memory_space<vmem>> -> memref<32x1024xf32, #tpu.memory_space<vmem>>
    %dma_wait3A_1297 = arith.constant 0 : i32
    %dma_wait3A_1298 = tpu.memref_slice %arg5[%dma_wait3A_1291, %dma_wait3A_1297] : memref<32x32xi32, #tpu.memory_space<vmem>> -> memref<1x32xi32, #tpu.memory_space<vmem>>
    %dma_wait3A_1299 = tpu.memref_squeeze %dma_wait3A_1298 : memref<1x32xi32, #tpu.memory_space<vmem>> -> memref<32xi32, #tpu.memory_space<vmem>>
    %dma_wait3A_1300 = arith.constant 0 : i32
    %dma_wait3A_1301 = arith.constant 0 : i32
    %dma_wait3A_1302 = tpu.memref_slice %arg2[%dma_wait3A_1300, %dma_wait3A_1301] : memref<8192x1024xf32, #tpu.memory_space<hbm>> -> memref<8192x1024xf32, #tpu.memory_space<hbm>>
    tpu.wait_indirect_dma semaphore(%arg7 : memref<!tpu.dma_semaphore, #tpu.memory_space<semaphore_mem>>) src(%dma_wait3A_1302 : memref<8192x1024xf32, #tpu.memory_space<hbm>>) dst(%dma_wait3A_1296 : memref<32x1024xf32, #tpu.memory_space<vmem>>)
    %add3A_1303 = arith.constant 480 : i32
    %add3A_1304 = arith.addi %mul3A_2, %add3A_1303 : i32
    %dma_start3A_1305 = arith.constant 0 : i32
    %dma_start3A_1306 = arith.constant 0 : i32
    %dma_start3A_1307 = arith.constant 0 : i32
    %dma_start3A_1308 = tpu.memref_slice %arg6[%dma_start3A_1305, %dma_start3A_1306, %dma_start3A_1307] : memref<3x32x1024xf32, #tpu.memory_space<vmem>> -> memref<1x32x1024xf32, #tpu.memory_space<vmem>>
    %dma_start3A_1309 = tpu.memref_squeeze %dma_start3A_1308 : memref<1x32x1024xf32, #tpu.memory_space<vmem>> -> memref<32x1024xf32, #tpu.memory_space<vmem>>
    %dma_start3A_1310 = arith.constant 0 : i32
    %dma_start3A_1311 = tpu.memref_slice %arg4[%add3A_1304, %dma_start3A_1310] : memref<32768x1024xf32, #tpu.memory_space<hbm>> -> memref<32x1024xf32, #tpu.memory_space<hbm>>
    %dma_start3A_1312 = arith.constant 0 : i32
    %dma_start3A_1313 = tpu.memref_slice %arg4[%add3A_1304, %dma_start3A_1312] : memref<32768x1024xf32, #tpu.memory_space<hbm>> -> memref<32x1024xf32, #tpu.memory_space<hbm>>
    %dma_start3A_1314 = arith.constant 0 : i32
    %dma_start3A_1315 = arith.constant 0 : i32
    %dma_start3A_1316 = tpu.memref_slice %arg6[%dma_start3A_1305, %dma_start3A_1314, %dma_start3A_1315] : memref<3x32x1024xf32, #tpu.memory_space<vmem>> -> memref<1x32x1024xf32, #tpu.memory_space<vmem>>
    %dma_start3A_1317 = tpu.memref_squeeze %dma_start3A_1316 : memref<1x32x1024xf32, #tpu.memory_space<vmem>> -> memref<32x1024xf32, #tpu.memory_space<vmem>>
    tpu.enqueue_dma source(%dma_start3A_1317 : memref<32x1024xf32, #tpu.memory_space<vmem>>) target(%dma_start3A_1313 : memref<32x1024xf32, #tpu.memory_space<hbm>>) target_semaphore(%arg10 : memref<!tpu.dma_semaphore, #tpu.memory_space<semaphore_mem>>)
    %dma_wait3A_1318 = arith.constant 0 : i32
    %dma_wait3A_1319 = arith.constant 0 : i32
    %dma_wait3A_1320 = arith.constant 0 : i32
    %dma_wait3A_1321 = tpu.memref_slice %arg6[%dma_wait3A_1318, %dma_wait3A_1319, %dma_wait3A_1320] : memref<3x32x1024xf32, #tpu.memory_space<vmem>> -> memref<1x32x1024xf32, #tpu.memory_space<vmem>>
    %dma_wait3A_1322 = tpu.memref_squeeze %dma_wait3A_1321 : memref<1x32x1024xf32, #tpu.memory_space<vmem>> -> memref<32x1024xf32, #tpu.memory_space<vmem>>
    %dma_wait3A_1323 = arith.constant 0 : i32
    %dma_wait3A_1324 = tpu.memref_slice %arg4[%add3A_1304, %dma_wait3A_1323] : memref<32768x1024xf32, #tpu.memory_space<hbm>> -> memref<32x1024xf32, #tpu.memory_space<hbm>>
    %dma_wait3A_1325 = arith.constant 0 : i32
    %dma_wait3A_1326 = tpu.memref_slice %arg4[%add3A_1304, %dma_wait3A_1325] : memref<32768x1024xf32, #tpu.memory_space<hbm>> -> memref<32x1024xf32, #tpu.memory_space<hbm>>
    %dma_wait3A_1327 = arith.constant 0 : i32
    %dma_wait3A_1328 = arith.constant 0 : i32
    %dma_wait3A_1329 = tpu.memref_slice %arg6[%dma_wait3A_1318, %dma_wait3A_1327, %dma_wait3A_1328] : memref<3x32x1024xf32, #tpu.memory_space<vmem>> -> memref<1x32x1024xf32, #tpu.memory_space<vmem>>
    %dma_wait3A_1330 = tpu.memref_squeeze %dma_wait3A_1329 : memref<1x32x1024xf32, #tpu.memory_space<vmem>> -> memref<32x1024xf32, #tpu.memory_space<vmem>>
    tpu.wait_dma2 semaphore(%arg10 : memref<!tpu.dma_semaphore, #tpu.memory_space<semaphore_mem>>) src(%dma_wait3A_1330 : memref<32x1024xf32, #tpu.memory_space<vmem>>) dst(%dma_wait3A_1326 : memref<32x1024xf32, #tpu.memory_space<hbm>>)
    %dma_start3A_1331 = arith.constant 18 : i32
    %dma_start3A_1332 = arith.constant 0 : i32
    %dma_start3A_1333 = arith.constant 0 : i32
    %dma_start3A_1334 = arith.constant 0 : i32
    %dma_start3A_1335 = tpu.memref_slice %arg6[%dma_start3A_1332, %dma_start3A_1333, %dma_start3A_1334] : memref<3x32x1024xf32, #tpu.memory_space<vmem>> -> memref<1x32x1024xf32, #tpu.memory_space<vmem>>
    %dma_start3A_1336 = tpu.memref_squeeze %dma_start3A_1335 : memref<1x32x1024xf32, #tpu.memory_space<vmem>> -> memref<32x1024xf32, #tpu.memory_space<vmem>>
    %dma_start3A_1337 = arith.constant 0 : i32
    %dma_start3A_1338 = tpu.memref_slice %arg5[%dma_start3A_1331, %dma_start3A_1337] : memref<32x32xi32, #tpu.memory_space<vmem>> -> memref<1x32xi32, #tpu.memory_space<vmem>>
    %dma_start3A_1339 = tpu.memref_squeeze %dma_start3A_1338 : memref<1x32xi32, #tpu.memory_space<vmem>> -> memref<32xi32, #tpu.memory_space<vmem>>
    %dma_start3A_1340 = arith.constant 0 : i32
    %dma_start3A_1341 = arith.constant 0 : i32
    %dma_start3A_1342 = tpu.memref_slice %arg2[%dma_start3A_1340, %dma_start3A_1341] : memref<8192x1024xf32, #tpu.memory_space<hbm>> -> memref<8192x1024xf32, #tpu.memory_space<hbm>>
    tpu.enqueue_indirect_dma source(%dma_start3A_1342 : memref<8192x1024xf32, #tpu.memory_space<hbm>>) target(%dma_start3A_1336 : memref<32x1024xf32, #tpu.memory_space<vmem>>) offsets(%dma_start3A_1339 : memref<32xi32, #tpu.memory_space<vmem>>) semaphore(%arg7 : memref<!tpu.dma_semaphore, #tpu.memory_space<semaphore_mem>>)
    %get3A_1343 = arith.constant 19 : i32
    %get3A_1344 = arith.index_cast %get3A_1343 : i32 to index
    %get3A_1345 = arith.constant 0 : index
    %get3A_1346 = tpu.vector_load %arg5[%get3A_1344, %get3A_1345] {strides = array<i32>} : memref<32x32xi32, #tpu.memory_space<vmem>>, vector<1x16xi32>,
    %get3A_1347 = vector.shape_cast %get3A_1346 : vector<1x16xi32> to vector<16xi32>
    %add3A_1348 = arith.addi %get3A_1347, %broadcast_in_dim3A : vector<16xi32>
    %swap3A_1349 = arith.constant 19 : i32
    %swap3A_1350 = arith.index_cast %swap3A_1349 : i32 to index
    %swap3A_1351 = arith.constant 0 : index
    %swap3A_1352 = tpu.vector_load %arg5[%swap3A_1350, %swap3A_1351] {strides = array<i32>} : memref<32x32xi32, #tpu.memory_space<vmem>>, vector<1x16xi32>,
    %swap3A_1353 = vector.shape_cast %swap3A_1352 : vector<1x16xi32> to vector<16xi32>
    %swap3A_1354 = vector.shape_cast %add3A_1348 : vector<16xi32> to vector<1x16xi32>
    tpu.vector_store %arg5[%swap3A_1350, %swap3A_1351], %swap3A_1354 {strides = array<i32>} : memref<32x32xi32, #tpu.memory_space<vmem>>, vector<1x16xi32>,
    %get3A_1355 = arith.constant 19 : i32
    %get3A_1356 = arith.index_cast %get3A_1355 : i32 to index
    %get3A_1357 = arith.constant 16 : index
    %get3A_1358 = tpu.vector_load %arg5[%get3A_1356, %get3A_1357] {strides = array<i32>} : memref<32x32xi32, #tpu.memory_space<vmem>>, vector<1x16xi32>,
    %get3A_1359 = vector.shape_cast %get3A_1358 : vector<1x16xi32> to vector<16xi32>
    %add3A_1360 = arith.addi %get3A_1359, %broadcast_in_dim3A : vector<16xi32>
    %swap3A_1361 = arith.constant 19 : i32
    %swap3A_1362 = arith.index_cast %swap3A_1361 : i32 to index
    %swap3A_1363 = arith.constant 16 : index
    %swap3A_1364 = tpu.vector_load %arg5[%swap3A_1362, %swap3A_1363] {strides = array<i32>} : memref<32x32xi32, #tpu.memory_space<vmem>>, vector<1x16xi32>,
    %swap3A_1365 = vector.shape_cast %swap3A_1364 : vector<1x16xi32> to vector<16xi32>
    %swap3A_1366 = vector.shape_cast %add3A_1360 : vector<16xi32> to vector<1x16xi32>
    tpu.vector_store %arg5[%swap3A_1362, %swap3A_1363], %swap3A_1366 {strides = array<i32>} : memref<32x32xi32, #tpu.memory_space<vmem>>, vector<1x16xi32>,
    %dma_wait3A_1367 = arith.constant 16 : i32
    %dma_wait3A_1368 = arith.constant 1 : i32
    %dma_wait3A_1369 = arith.constant 0 : i32
    %dma_wait3A_1370 = arith.constant 0 : i32
    %dma_wait3A_1371 = tpu.memref_slice %arg6[%dma_wait3A_1368, %dma_wait3A_1369, %dma_wait3A_1370] : memref<3x32x1024xf32, #tpu.memory_space<vmem>> -> memref<1x32x1024xf32, #tpu.memory_space<vmem>>
    %dma_wait3A_1372 = tpu.memref_squeeze %dma_wait3A_1371 : memref<1x32x1024xf32, #tpu.memory_space<vmem>> -> memref<32x1024xf32, #tpu.memory_space<vmem>>
    %dma_wait3A_1373 = arith.constant 0 : i32
    %dma_wait3A_1374 = tpu.memref_slice %arg5[%dma_wait3A_1367, %dma_wait3A_1373] : memref<32x32xi32, #tpu.memory_space<vmem>> -> memref<1x32xi32, #tpu.memory_space<vmem>>
    %dma_wait3A_1375 = tpu.memref_squeeze %dma_wait3A_1374 : memref<1x32xi32, #tpu.memory_space<vmem>> -> memref<32xi32, #tpu.memory_space<vmem>>
    %dma_wait3A_1376 = arith.constant 0 : i32
    %dma_wait3A_1377 = arith.constant 0 : i32
    %dma_wait3A_1378 = tpu.memref_slice %arg2[%dma_wait3A_1376, %dma_wait3A_1377] : memref<8192x1024xf32, #tpu.memory_space<hbm>> -> memref<8192x1024xf32, #tpu.memory_space<hbm>>
    tpu.wait_indirect_dma semaphore(%arg8 : memref<!tpu.dma_semaphore, #tpu.memory_space<semaphore_mem>>) src(%dma_wait3A_1378 : memref<8192x1024xf32, #tpu.memory_space<hbm>>) dst(%dma_wait3A_1372 : memref<32x1024xf32, #tpu.memory_space<vmem>>)
    %add3A_1379 = arith.constant 512 : i32
    %add3A_1380 = arith.addi %mul3A_2, %add3A_1379 : i32
    %dma_start3A_1381 = arith.constant 1 : i32
    %dma_start3A_1382 = arith.constant 0 : i32
    %dma_start3A_1383 = arith.constant 0 : i32
    %dma_start3A_1384 = tpu.memref_slice %arg6[%dma_start3A_1381, %dma_start3A_1382, %dma_start3A_1383] : memref<3x32x1024xf32, #tpu.memory_space<vmem>> -> memref<1x32x1024xf32, #tpu.memory_space<vmem>>
    %dma_start3A_1385 = tpu.memref_squeeze %dma_start3A_1384 : memref<1x32x1024xf32, #tpu.memory_space<vmem>> -> memref<32x1024xf32, #tpu.memory_space<vmem>>
    %dma_start3A_1386 = arith.constant 0 : i32
    %dma_start3A_1387 = tpu.memref_slice %arg4[%add3A_1380, %dma_start3A_1386] : memref<32768x1024xf32, #tpu.memory_space<hbm>> -> memref<32x1024xf32, #tpu.memory_space<hbm>>
    %dma_start3A_1388 = arith.constant 0 : i32
    %dma_start3A_1389 = tpu.memref_slice %arg4[%add3A_1380, %dma_start3A_1388] : memref<32768x1024xf32, #tpu.memory_space<hbm>> -> memref<32x1024xf32, #tpu.memory_space<hbm>>
    %dma_start3A_1390 = arith.constant 0 : i32
    %dma_start3A_1391 = arith.constant 0 : i32
    %dma_start3A_1392 = tpu.memref_slice %arg6[%dma_start3A_1381, %dma_start3A_1390, %dma_start3A_1391] : memref<3x32x1024xf32, #tpu.memory_space<vmem>> -> memref<1x32x1024xf32, #tpu.memory_space<vmem>>
    %dma_start3A_1393 = tpu.memref_squeeze %dma_start3A_1392 : memref<1x32x1024xf32, #tpu.memory_space<vmem>> -> memref<32x1024xf32, #tpu.memory_space<vmem>>
    tpu.enqueue_dma source(%dma_start3A_1393 : memref<32x1024xf32, #tpu.memory_space<vmem>>) target(%dma_start3A_1389 : memref<32x1024xf32, #tpu.memory_space<hbm>>) target_semaphore(%arg11 : memref<!tpu.dma_semaphore, #tpu.memory_space<semaphore_mem>>)
    %dma_wait3A_1394 = arith.constant 1 : i32
    %dma_wait3A_1395 = arith.constant 0 : i32
    %dma_wait3A_1396 = arith.constant 0 : i32
    %dma_wait3A_1397 = tpu.memref_slice %arg6[%dma_wait3A_1394, %dma_wait3A_1395, %dma_wait3A_1396] : memref<3x32x1024xf32, #tpu.memory_space<vmem>> -> memref<1x32x1024xf32, #tpu.memory_space<vmem>>
    %dma_wait3A_1398 = tpu.memref_squeeze %dma_wait3A_1397 : memref<1x32x1024xf32, #tpu.memory_space<vmem>> -> memref<32x1024xf32, #tpu.memory_space<vmem>>
    %dma_wait3A_1399 = arith.constant 0 : i32
    %dma_wait3A_1400 = tpu.memref_slice %arg4[%add3A_1380, %dma_wait3A_1399] : memref<32768x1024xf32, #tpu.memory_space<hbm>> -> memref<32x1024xf32, #tpu.memory_space<hbm>>
    %dma_wait3A_1401 = arith.constant 0 : i32
    %dma_wait3A_1402 = tpu.memref_slice %arg4[%add3A_1380, %dma_wait3A_1401] : memref<32768x1024xf32, #tpu.memory_space<hbm>> -> memref<32x1024xf32, #tpu.memory_space<hbm>>
    %dma_wait3A_1403 = arith.constant 0 : i32
    %dma_wait3A_1404 = arith.constant 0 : i32
    %dma_wait3A_1405 = tpu.memref_slice %arg6[%dma_wait3A_1394, %dma_wait3A_1403, %dma_wait3A_1404] : memref<3x32x1024xf32, #tpu.memory_space<vmem>> -> memref<1x32x1024xf32, #tpu.memory_space<vmem>>
    %dma_wait3A_1406 = tpu.memref_squeeze %dma_wait3A_1405 : memref<1x32x1024xf32, #tpu.memory_space<vmem>> -> memref<32x1024xf32, #tpu.memory_space<vmem>>
    tpu.wait_dma2 semaphore(%arg11 : memref<!tpu.dma_semaphore, #tpu.memory_space<semaphore_mem>>) src(%dma_wait3A_1406 : memref<32x1024xf32, #tpu.memory_space<vmem>>) dst(%dma_wait3A_1402 : memref<32x1024xf32, #tpu.memory_space<hbm>>)
    %dma_start3A_1407 = arith.constant 19 : i32
    %dma_start3A_1408 = arith.constant 1 : i32
    %dma_start3A_1409 = arith.constant 0 : i32
    %dma_start3A_1410 = arith.constant 0 : i32
    %dma_start3A_1411 = tpu.memref_slice %arg6[%dma_start3A_1408, %dma_start3A_1409, %dma_start3A_1410] : memref<3x32x1024xf32, #tpu.memory_space<vmem>> -> memref<1x32x1024xf32, #tpu.memory_space<vmem>>
    %dma_start3A_1412 = tpu.memref_squeeze %dma_start3A_1411 : memref<1x32x1024xf32, #tpu.memory_space<vmem>> -> memref<32x1024xf32, #tpu.memory_space<vmem>>
    %dma_start3A_1413 = arith.constant 0 : i32
    %dma_start3A_1414 = tpu.memref_slice %arg5[%dma_start3A_1407, %dma_start3A_1413] : memref<32x32xi32, #tpu.memory_space<vmem>> -> memref<1x32xi32, #tpu.memory_space<vmem>>
    %dma_start3A_1415 = tpu.memref_squeeze %dma_start3A_1414 : memref<1x32xi32, #tpu.memory_space<vmem>> -> memref<32xi32, #tpu.memory_space<vmem>>
    %dma_start3A_1416 = arith.constant 0 : i32
    %dma_start3A_1417 = arith.constant 0 : i32
    %dma_start3A_1418 = tpu.memref_slice %arg2[%dma_start3A_1416, %dma_start3A_1417] : memref<8192x1024xf32, #tpu.memory_space<hbm>> -> memref<8192x1024xf32, #tpu.memory_space<hbm>>
    tpu.enqueue_indirect_dma source(%dma_start3A_1418 : memref<8192x1024xf32, #tpu.memory_space<hbm>>) target(%dma_start3A_1412 : memref<32x1024xf32, #tpu.memory_space<vmem>>) offsets(%dma_start3A_1415 : memref<32xi32, #tpu.memory_space<vmem>>) semaphore(%arg8 : memref<!tpu.dma_semaphore, #tpu.memory_space<semaphore_mem>>)
    %get3A_1419 = arith.constant 20 : i32
    %get3A_1420 = arith.index_cast %get3A_1419 : i32 to index
    %get3A_1421 = arith.constant 0 : index
    %get3A_1422 = tpu.vector_load %arg5[%get3A_1420, %get3A_1421] {strides = array<i32>} : memref<32x32xi32, #tpu.memory_space<vmem>>, vector<1x16xi32>,
    %get3A_1423 = vector.shape_cast %get3A_1422 : vector<1x16xi32> to vector<16xi32>
    %add3A_1424 = arith.addi %get3A_1423, %broadcast_in_dim3A : vector<16xi32>
    %swap3A_1425 = arith.constant 20 : i32
    %swap3A_1426 = arith.index_cast %swap3A_1425 : i32 to index
    %swap3A_1427 = arith.constant 0 : index
    %swap3A_1428 = tpu.vector_load %arg5[%swap3A_1426, %swap3A_1427] {strides = array<i32>} : memref<32x32xi32, #tpu.memory_space<vmem>>, vector<1x16xi32>,
    %swap3A_1429 = vector.shape_cast %swap3A_1428 : vector<1x16xi32> to vector<16xi32>
    %swap3A_1430 = vector.shape_cast %add3A_1424 : vector<16xi32> to vector<1x16xi32>
    tpu.vector_store %arg5[%swap3A_1426, %swap3A_1427], %swap3A_1430 {strides = array<i32>} : memref<32x32xi32, #tpu.memory_space<vmem>>, vector<1x16xi32>,
    %get3A_1431 = arith.constant 20 : i32
    %get3A_1432 = arith.index_cast %get3A_1431 : i32 to index
    %get3A_1433 = arith.constant 16 : index
    %get3A_1434 = tpu.vector_load %arg5[%get3A_1432, %get3A_1433] {strides = array<i32>} : memref<32x32xi32, #tpu.memory_space<vmem>>, vector<1x16xi32>,
    %get3A_1435 = vector.shape_cast %get3A_1434 : vector<1x16xi32> to vector<16xi32>
    %add3A_1436 = arith.addi %get3A_1435, %broadcast_in_dim3A : vector<16xi32>
    %swap3A_1437 = arith.constant 20 : i32
    %swap3A_1438 = arith.index_cast %swap3A_1437 : i32 to index
    %swap3A_1439 = arith.constant 16 : index
    %swap3A_1440 = tpu.vector_load %arg5[%swap3A_1438, %swap3A_1439] {strides = array<i32>} : memref<32x32xi32, #tpu.memory_space<vmem>>, vector<1x16xi32>,
    %swap3A_1441 = vector.shape_cast %swap3A_1440 : vector<1x16xi32> to vector<16xi32>
    %swap3A_1442 = vector.shape_cast %add3A_1436 : vector<16xi32> to vector<1x16xi32>
    tpu.vector_store %arg5[%swap3A_1438, %swap3A_1439], %swap3A_1442 {strides = array<i32>} : memref<32x32xi32, #tpu.memory_space<vmem>>, vector<1x16xi32>,
    %dma_wait3A_1443 = arith.constant 17 : i32
    %dma_wait3A_1444 = arith.constant 2 : i32
    %dma_wait3A_1445 = arith.constant 0 : i32
    %dma_wait3A_1446 = arith.constant 0 : i32
    %dma_wait3A_1447 = tpu.memref_slice %arg6[%dma_wait3A_1444, %dma_wait3A_1445, %dma_wait3A_1446] : memref<3x32x1024xf32, #tpu.memory_space<vmem>> -> memref<1x32x1024xf32, #tpu.memory_space<vmem>>
    %dma_wait3A_1448 = tpu.memref_squeeze %dma_wait3A_1447 : memref<1x32x1024xf32, #tpu.memory_space<vmem>> -> memref<32x1024xf32, #tpu.memory_space<vmem>>
    %dma_wait3A_1449 = arith.constant 0 : i32
    %dma_wait3A_1450 = tpu.memref_slice %arg5[%dma_wait3A_1443, %dma_wait3A_1449] : memref<32x32xi32, #tpu.memory_space<vmem>> -> memref<1x32xi32, #tpu.memory_space<vmem>>
    %dma_wait3A_1451 = tpu.memref_squeeze %dma_wait3A_1450 : memref<1x32xi32, #tpu.memory_space<vmem>> -> memref<32xi32, #tpu.memory_space<vmem>>
    %dma_wait3A_1452 = arith.constant 0 : i32
    %dma_wait3A_1453 = arith.constant 0 : i32
    %dma_wait3A_1454 = tpu.memref_slice %arg2[%dma_wait3A_1452, %dma_wait3A_1453] : memref<8192x1024xf32, #tpu.memory_space<hbm>> -> memref<8192x1024xf32, #tpu.memory_space<hbm>>
    tpu.wait_indirect_dma semaphore(%arg9 : memref<!tpu.dma_semaphore, #tpu.memory_space<semaphore_mem>>) src(%dma_wait3A_1454 : memref<8192x1024xf32, #tpu.memory_space<hbm>>) dst(%dma_wait3A_1448 : memref<32x1024xf32, #tpu.memory_space<vmem>>)
    %add3A_1455 = arith.constant 544 : i32
    %add3A_1456 = arith.addi %mul3A_2, %add3A_1455 : i32
    %dma_start3A_1457 = arith.constant 2 : i32
    %dma_start3A_1458 = arith.constant 0 : i32
    %dma_start3A_1459 = arith.constant 0 : i32
    %dma_start3A_1460 = tpu.memref_slice %arg6[%dma_start3A_1457, %dma_start3A_1458, %dma_start3A_1459] : memref<3x32x1024xf32, #tpu.memory_space<vmem>> -> memref<1x32x1024xf32, #tpu.memory_space<vmem>>
    %dma_start3A_1461 = tpu.memref_squeeze %dma_start3A_1460 : memref<1x32x1024xf32, #tpu.memory_space<vmem>> -> memref<32x1024xf32, #tpu.memory_space<vmem>>
    %dma_start3A_1462 = arith.constant 0 : i32
    %dma_start3A_1463 = tpu.memref_slice %arg4[%add3A_1456, %dma_start3A_1462] : memref<32768x1024xf32, #tpu.memory_space<hbm>> -> memref<32x1024xf32, #tpu.memory_space<hbm>>
    %dma_start3A_1464 = arith.constant 0 : i32
    %dma_start3A_1465 = tpu.memref_slice %arg4[%add3A_1456, %dma_start3A_1464] : memref<32768x1024xf32, #tpu.memory_space<hbm>> -> memref<32x1024xf32, #tpu.memory_space<hbm>>
    %dma_start3A_1466 = arith.constant 0 : i32
    %dma_start3A_1467 = arith.constant 0 : i32
    %dma_start3A_1468 = tpu.memref_slice %arg6[%dma_start3A_1457, %dma_start3A_1466, %dma_start3A_1467] : memref<3x32x1024xf32, #tpu.memory_space<vmem>> -> memref<1x32x1024xf32, #tpu.memory_space<vmem>>
    %dma_start3A_1469 = tpu.memref_squeeze %dma_start3A_1468 : memref<1x32x1024xf32, #tpu.memory_space<vmem>> -> memref<32x1024xf32, #tpu.memory_space<vmem>>
    tpu.enqueue_dma source(%dma_start3A_1469 : memref<32x1024xf32, #tpu.memory_space<vmem>>) target(%dma_start3A_1465 : memref<32x1024xf32, #tpu.memory_space<hbm>>) target_semaphore(%arg12 : memref<!tpu.dma_semaphore, #tpu.memory_space<semaphore_mem>>)
    %dma_wait3A_1470 = arith.constant 2 : i32
    %dma_wait3A_1471 = arith.constant 0 : i32
    %dma_wait3A_1472 = arith.constant 0 : i32
    %dma_wait3A_1473 = tpu.memref_slice %arg6[%dma_wait3A_1470, %dma_wait3A_1471, %dma_wait3A_1472] : memref<3x32x1024xf32, #tpu.memory_space<vmem>> -> memref<1x32x1024xf32, #tpu.memory_space<vmem>>
    %dma_wait3A_1474 = tpu.memref_squeeze %dma_wait3A_1473 : memref<1x32x1024xf32, #tpu.memory_space<vmem>> -> memref<32x1024xf32, #tpu.memory_space<vmem>>
    %dma_wait3A_1475 = arith.constant 0 : i32
    %dma_wait3A_1476 = tpu.memref_slice %arg4[%add3A_1456, %dma_wait3A_1475] : memref<32768x1024xf32, #tpu.memory_space<hbm>> -> memref<32x1024xf32, #tpu.memory_space<hbm>>
    %dma_wait3A_1477 = arith.constant 0 : i32
    %dma_wait3A_1478 = tpu.memref_slice %arg4[%add3A_1456, %dma_wait3A_1477] : memref<32768x1024xf32, #tpu.memory_space<hbm>> -> memref<32x1024xf32, #tpu.memory_space<hbm>>
    %dma_wait3A_1479 = arith.constant 0 : i32
    %dma_wait3A_1480 = arith.constant 0 : i32
    %dma_wait3A_1481 = tpu.memref_slice %arg6[%dma_wait3A_1470, %dma_wait3A_1479, %dma_wait3A_1480] : memref<3x32x1024xf32, #tpu.memory_space<vmem>> -> memref<1x32x1024xf32, #tpu.memory_space<vmem>>
    %dma_wait3A_1482 = tpu.memref_squeeze %dma_wait3A_1481 : memref<1x32x1024xf32, #tpu.memory_space<vmem>> -> memref<32x1024xf32, #tpu.memory_space<vmem>>
    tpu.wait_dma2 semaphore(%arg12 : memref<!tpu.dma_semaphore, #tpu.memory_space<semaphore_mem>>) src(%dma_wait3A_1482 : memref<32x1024xf32, #tpu.memory_space<vmem>>) dst(%dma_wait3A_1478 : memref<32x1024xf32, #tpu.memory_space<hbm>>)
    %dma_start3A_1483 = arith.constant 20 : i32
    %dma_start3A_1484 = arith.constant 2 : i32
    %dma_start3A_1485 = arith.constant 0 : i32
    %dma_start3A_1486 = arith.constant 0 : i32
    %dma_start3A_1487 = tpu.memref_slice %arg6[%dma_start3A_1484, %dma_start3A_1485, %dma_start3A_1486] : memref<3x32x1024xf32, #tpu.memory_space<vmem>> -> memref<1x32x1024xf32, #tpu.memory_space<vmem>>
    %dma_start3A_1488 = tpu.memref_squeeze %dma_start3A_1487 : memref<1x32x1024xf32, #tpu.memory_space<vmem>> -> memref<32x1024xf32, #tpu.memory_space<vmem>>
    %dma_start3A_1489 = arith.constant 0 : i32
    %dma_start3A_1490 = tpu.memref_slice %arg5[%dma_start3A_1483, %dma_start3A_1489] : memref<32x32xi32, #tpu.memory_space<vmem>> -> memref<1x32xi32, #tpu.memory_space<vmem>>
    %dma_start3A_1491 = tpu.memref_squeeze %dma_start3A_1490 : memref<1x32xi32, #tpu.memory_space<vmem>> -> memref<32xi32, #tpu.memory_space<vmem>>
    %dma_start3A_1492 = arith.constant 0 : i32
    %dma_start3A_1493 = arith.constant 0 : i32
    %dma_start3A_1494 = tpu.memref_slice %arg2[%dma_start3A_1492, %dma_start3A_1493] : memref<8192x1024xf32, #tpu.memory_space<hbm>> -> memref<8192x1024xf32, #tpu.memory_space<hbm>>
    tpu.enqueue_indirect_dma source(%dma_start3A_1494 : memref<8192x1024xf32, #tpu.memory_space<hbm>>) target(%dma_start3A_1488 : memref<32x1024xf32, #tpu.memory_space<vmem>>) offsets(%dma_start3A_1491 : memref<32xi32, #tpu.memory_space<vmem>>) semaphore(%arg9 : memref<!tpu.dma_semaphore, #tpu.memory_space<semaphore_mem>>)
    %get3A_1495 = arith.constant 21 : i32
    %get3A_1496 = arith.index_cast %get3A_1495 : i32 to index
    %get3A_1497 = arith.constant 0 : index
    %get3A_1498 = tpu.vector_load %arg5[%get3A_1496, %get3A_1497] {strides = array<i32>} : memref<32x32xi32, #tpu.memory_space<vmem>>, vector<1x16xi32>,
    %get3A_1499 = vector.shape_cast %get3A_1498 : vector<1x16xi32> to vector<16xi32>
    %add3A_1500 = arith.addi %get3A_1499, %broadcast_in_dim3A : vector<16xi32>
    %swap3A_1501 = arith.constant 21 : i32
    %swap3A_1502 = arith.index_cast %swap3A_1501 : i32 to index
    %swap3A_1503 = arith.constant 0 : index
    %swap3A_1504 = tpu.vector_load %arg5[%swap3A_1502, %swap3A_1503] {strides = array<i32>} : memref<32x32xi32, #tpu.memory_space<vmem>>, vector<1x16xi32>,
    %swap3A_1505 = vector.shape_cast %swap3A_1504 : vector<1x16xi32> to vector<16xi32>
    %swap3A_1506 = vector.shape_cast %add3A_1500 : vector<16xi32> to vector<1x16xi32>
    tpu.vector_store %arg5[%swap3A_1502, %swap3A_1503], %swap3A_1506 {strides = array<i32>} : memref<32x32xi32, #tpu.memory_space<vmem>>, vector<1x16xi32>,
    %get3A_1507 = arith.constant 21 : i32
    %get3A_1508 = arith.index_cast %get3A_1507 : i32 to index
    %get3A_1509 = arith.constant 16 : index
    %get3A_1510 = tpu.vector_load %arg5[%get3A_1508, %get3A_1509] {strides = array<i32>} : memref<32x32xi32, #tpu.memory_space<vmem>>, vector<1x16xi32>,
    %get3A_1511 = vector.shape_cast %get3A_1510 : vector<1x16xi32> to vector<16xi32>
    %add3A_1512 = arith.addi %get3A_1511, %broadcast_in_dim3A : vector<16xi32>
    %swap3A_1513 = arith.constant 21 : i32
    %swap3A_1514 = arith.index_cast %swap3A_1513 : i32 to index
    %swap3A_1515 = arith.constant 16 : index
    %swap3A_1516 = tpu.vector_load %arg5[%swap3A_1514, %swap3A_1515] {strides = array<i32>} : memref<32x32xi32, #tpu.memory_space<vmem>>, vector<1x16xi32>,
    %swap3A_1517 = vector.shape_cast %swap3A_1516 : vector<1x16xi32> to vector<16xi32>
    %swap3A_1518 = vector.shape_cast %add3A_1512 : vector<16xi32> to vector<1x16xi32>
    tpu.vector_store %arg5[%swap3A_1514, %swap3A_1515], %swap3A_1518 {strides = array<i32>} : memref<32x32xi32, #tpu.memory_space<vmem>>, vector<1x16xi32>,
    %dma_wait3A_1519 = arith.constant 18 : i32
    %dma_wait3A_1520 = arith.constant 0 : i32
    %dma_wait3A_1521 = arith.constant 0 : i32
    %dma_wait3A_1522 = arith.constant 0 : i32
    %dma_wait3A_1523 = tpu.memref_slice %arg6[%dma_wait3A_1520, %dma_wait3A_1521, %dma_wait3A_1522] : memref<3x32x1024xf32, #tpu.memory_space<vmem>> -> memref<1x32x1024xf32, #tpu.memory_space<vmem>>
    %dma_wait3A_1524 = tpu.memref_squeeze %dma_wait3A_1523 : memref<1x32x1024xf32, #tpu.memory_space<vmem>> -> memref<32x1024xf32, #tpu.memory_space<vmem>>
    %dma_wait3A_1525 = arith.constant 0 : i32
    %dma_wait3A_1526 = tpu.memref_slice %arg5[%dma_wait3A_1519, %dma_wait3A_1525] : memref<32x32xi32, #tpu.memory_space<vmem>> -> memref<1x32xi32, #tpu.memory_space<vmem>>
    %dma_wait3A_1527 = tpu.memref_squeeze %dma_wait3A_1526 : memref<1x32xi32, #tpu.memory_space<vmem>> -> memref<32xi32, #tpu.memory_space<vmem>>
    %dma_wait3A_1528 = arith.constant 0 : i32
    %dma_wait3A_1529 = arith.constant 0 : i32
    %dma_wait3A_1530 = tpu.memref_slice %arg2[%dma_wait3A_1528, %dma_wait3A_1529] : memref<8192x1024xf32, #tpu.memory_space<hbm>> -> memref<8192x1024xf32, #tpu.memory_space<hbm>>
    tpu.wait_indirect_dma semaphore(%arg7 : memref<!tpu.dma_semaphore, #tpu.memory_space<semaphore_mem>>) src(%dma_wait3A_1530 : memref<8192x1024xf32, #tpu.memory_space<hbm>>) dst(%dma_wait3A_1524 : memref<32x1024xf32, #tpu.memory_space<vmem>>)
    %add3A_1531 = arith.constant 576 : i32
    %add3A_1532 = arith.addi %mul3A_2, %add3A_1531 : i32
    %dma_start3A_1533 = arith.constant 0 : i32
    %dma_start3A_1534 = arith.constant 0 : i32
    %dma_start3A_1535 = arith.constant 0 : i32
    %dma_start3A_1536 = tpu.memref_slice %arg6[%dma_start3A_1533, %dma_start3A_1534, %dma_start3A_1535] : memref<3x32x1024xf32, #tpu.memory_space<vmem>> -> memref<1x32x1024xf32, #tpu.memory_space<vmem>>
    %dma_start3A_1537 = tpu.memref_squeeze %dma_start3A_1536 : memref<1x32x1024xf32, #tpu.memory_space<vmem>> -> memref<32x1024xf32, #tpu.memory_space<vmem>>
    %dma_start3A_1538 = arith.constant 0 : i32
    %dma_start3A_1539 = tpu.memref_slice %arg4[%add3A_1532, %dma_start3A_1538] : memref<32768x1024xf32, #tpu.memory_space<hbm>> -> memref<32x1024xf32, #tpu.memory_space<hbm>>
    %dma_start3A_1540 = arith.constant 0 : i32
    %dma_start3A_1541 = tpu.memref_slice %arg4[%add3A_1532, %dma_start3A_1540] : memref<32768x1024xf32, #tpu.memory_space<hbm>> -> memref<32x1024xf32, #tpu.memory_space<hbm>>
    %dma_start3A_1542 = arith.constant 0 : i32
    %dma_start3A_1543 = arith.constant 0 : i32
    %dma_start3A_1544 = tpu.memref_slice %arg6[%dma_start3A_1533, %dma_start3A_1542, %dma_start3A_1543] : memref<3x32x1024xf32, #tpu.memory_space<vmem>> -> memref<1x32x1024xf32, #tpu.memory_space<vmem>>
    %dma_start3A_1545 = tpu.memref_squeeze %dma_start3A_1544 : memref<1x32x1024xf32, #tpu.memory_space<vmem>> -> memref<32x1024xf32, #tpu.memory_space<vmem>>
    tpu.enqueue_dma source(%dma_start3A_1545 : memref<32x1024xf32, #tpu.memory_space<vmem>>) target(%dma_start3A_1541 : memref<32x1024xf32, #tpu.memory_space<hbm>>) target_semaphore(%arg10 : memref<!tpu.dma_semaphore, #tpu.memory_space<semaphore_mem>>)
    %dma_wait3A_1546 = arith.constant 0 : i32
    %dma_wait3A_1547 = arith.constant 0 : i32
    %dma_wait3A_1548 = arith.constant 0 : i32
    %dma_wait3A_1549 = tpu.memref_slice %arg6[%dma_wait3A_1546, %dma_wait3A_1547, %dma_wait3A_1548] : memref<3x32x1024xf32, #tpu.memory_space<vmem>> -> memref<1x32x1024xf32, #tpu.memory_space<vmem>>
    %dma_wait3A_1550 = tpu.memref_squeeze %dma_wait3A_1549 : memref<1x32x1024xf32, #tpu.memory_space<vmem>> -> memref<32x1024xf32, #tpu.memory_space<vmem>>
    %dma_wait3A_1551 = arith.constant 0 : i32
    %dma_wait3A_1552 = tpu.memref_slice %arg4[%add3A_1532, %dma_wait3A_1551] : memref<32768x1024xf32, #tpu.memory_space<hbm>> -> memref<32x1024xf32, #tpu.memory_space<hbm>>
    %dma_wait3A_1553 = arith.constant 0 : i32
    %dma_wait3A_1554 = tpu.memref_slice %arg4[%add3A_1532, %dma_wait3A_1553] : memref<32768x1024xf32, #tpu.memory_space<hbm>> -> memref<32x1024xf32, #tpu.memory_space<hbm>>
    %dma_wait3A_1555 = arith.constant 0 : i32
    %dma_wait3A_1556 = arith.constant 0 : i32
    %dma_wait3A_1557 = tpu.memref_slice %arg6[%dma_wait3A_1546, %dma_wait3A_1555, %dma_wait3A_1556] : memref<3x32x1024xf32, #tpu.memory_space<vmem>> -> memref<1x32x1024xf32, #tpu.memory_space<vmem>>
    %dma_wait3A_1558 = tpu.memref_squeeze %dma_wait3A_1557 : memref<1x32x1024xf32, #tpu.memory_space<vmem>> -> memref<32x1024xf32, #tpu.memory_space<vmem>>
    tpu.wait_dma2 semaphore(%arg10 : memref<!tpu.dma_semaphore, #tpu.memory_space<semaphore_mem>>) src(%dma_wait3A_1558 : memref<32x1024xf32, #tpu.memory_space<vmem>>) dst(%dma_wait3A_1554 : memref<32x1024xf32, #tpu.memory_space<hbm>>)
    %dma_start3A_1559 = arith.constant 21 : i32
    %dma_start3A_1560 = arith.constant 0 : i32
    %dma_start3A_1561 = arith.constant 0 : i32
    %dma_start3A_1562 = arith.constant 0 : i32
    %dma_start3A_1563 = tpu.memref_slice %arg6[%dma_start3A_1560, %dma_start3A_1561, %dma_start3A_1562] : memref<3x32x1024xf32, #tpu.memory_space<vmem>> -> memref<1x32x1024xf32, #tpu.memory_space<vmem>>
    %dma_start3A_1564 = tpu.memref_squeeze %dma_start3A_1563 : memref<1x32x1024xf32, #tpu.memory_space<vmem>> -> memref<32x1024xf32, #tpu.memory_space<vmem>>
    %dma_start3A_1565 = arith.constant 0 : i32
    %dma_start3A_1566 = tpu.memref_slice %arg5[%dma_start3A_1559, %dma_start3A_1565] : memref<32x32xi32, #tpu.memory_space<vmem>> -> memref<1x32xi32, #tpu.memory_space<vmem>>
    %dma_start3A_1567 = tpu.memref_squeeze %dma_start3A_1566 : memref<1x32xi32, #tpu.memory_space<vmem>> -> memref<32xi32, #tpu.memory_space<vmem>>
    %dma_start3A_1568 = arith.constant 0 : i32
    %dma_start3A_1569 = arith.constant 0 : i32
    %dma_start3A_1570 = tpu.memref_slice %arg2[%dma_start3A_1568, %dma_start3A_1569] : memref<8192x1024xf32, #tpu.memory_space<hbm>> -> memref<8192x1024xf32, #tpu.memory_space<hbm>>
    tpu.enqueue_indirect_dma source(%dma_start3A_1570 : memref<8192x1024xf32, #tpu.memory_space<hbm>>) target(%dma_start3A_1564 : memref<32x1024xf32, #tpu.memory_space<vmem>>) offsets(%dma_start3A_1567 : memref<32xi32, #tpu.memory_space<vmem>>) semaphore(%arg7 : memref<!tpu.dma_semaphore, #tpu.memory_space<semaphore_mem>>)
    %get3A_1571 = arith.constant 22 : i32
    %get3A_1572 = arith.index_cast %get3A_1571 : i32 to index
    %get3A_1573 = arith.constant 0 : index
    %get3A_1574 = tpu.vector_load %arg5[%get3A_1572, %get3A_1573] {strides = array<i32>} : memref<32x32xi32, #tpu.memory_space<vmem>>, vector<1x16xi32>,
    %get3A_1575 = vector.shape_cast %get3A_1574 : vector<1x16xi32> to vector<16xi32>
    %add3A_1576 = arith.addi %get3A_1575, %broadcast_in_dim3A : vector<16xi32>
    %swap3A_1577 = arith.constant 22 : i32
    %swap3A_1578 = arith.index_cast %swap3A_1577 : i32 to index
    %swap3A_1579 = arith.constant 0 : index
    %swap3A_1580 = tpu.vector_load %arg5[%swap3A_1578, %swap3A_1579] {strides = array<i32>} : memref<32x32xi32, #tpu.memory_space<vmem>>, vector<1x16xi32>,
    %swap3A_1581 = vector.shape_cast %swap3A_1580 : vector<1x16xi32> to vector<16xi32>
    %swap3A_1582 = vector.shape_cast %add3A_1576 : vector<16xi32> to vector<1x16xi32>
    tpu.vector_store %arg5[%swap3A_1578, %swap3A_1579], %swap3A_1582 {strides = array<i32>} : memref<32x32xi32, #tpu.memory_space<vmem>>, vector<1x16xi32>,
    %get3A_1583 = arith.constant 22 : i32
    %get3A_1584 = arith.index_cast %get3A_1583 : i32 to index
    %get3A_1585 = arith.constant 16 : index
    %get3A_1586 = tpu.vector_load %arg5[%get3A_1584, %get3A_1585] {strides = array<i32>} : memref<32x32xi32, #tpu.memory_space<vmem>>, vector<1x16xi32>,
    %get3A_1587 = vector.shape_cast %get3A_1586 : vector<1x16xi32> to vector<16xi32>
    %add3A_1588 = arith.addi %get3A_1587, %broadcast_in_dim3A : vector<16xi32>
    %swap3A_1589 = arith.constant 22 : i32
    %swap3A_1590 = arith.index_cast %swap3A_1589 : i32 to index
    %swap3A_1591 = arith.constant 16 : index
    %swap3A_1592 = tpu.vector_load %arg5[%swap3A_1590, %swap3A_1591] {strides = array<i32>} : memref<32x32xi32, #tpu.memory_space<vmem>>, vector<1x16xi32>,
    %swap3A_1593 = vector.shape_cast %swap3A_1592 : vector<1x16xi32> to vector<16xi32>
    %swap3A_1594 = vector.shape_cast %add3A_1588 : vector<16xi32> to vector<1x16xi32>
    tpu.vector_store %arg5[%swap3A_1590, %swap3A_1591], %swap3A_1594 {strides = array<i32>} : memref<32x32xi32, #tpu.memory_space<vmem>>, vector<1x16xi32>,
    %dma_wait3A_1595 = arith.constant 19 : i32
    %dma_wait3A_1596 = arith.constant 1 : i32
    %dma_wait3A_1597 = arith.constant 0 : i32
    %dma_wait3A_1598 = arith.constant 0 : i32
    %dma_wait3A_1599 = tpu.memref_slice %arg6[%dma_wait3A_1596, %dma_wait3A_1597, %dma_wait3A_1598] : memref<3x32x1024xf32, #tpu.memory_space<vmem>> -> memref<1x32x1024xf32, #tpu.memory_space<vmem>>
    %dma_wait3A_1600 = tpu.memref_squeeze %dma_wait3A_1599 : memref<1x32x1024xf32, #tpu.memory_space<vmem>> -> memref<32x1024xf32, #tpu.memory_space<vmem>>
    %dma_wait3A_1601 = arith.constant 0 : i32
    %dma_wait3A_1602 = tpu.memref_slice %arg5[%dma_wait3A_1595, %dma_wait3A_1601] : memref<32x32xi32, #tpu.memory_space<vmem>> -> memref<1x32xi32, #tpu.memory_space<vmem>>
    %dma_wait3A_1603 = tpu.memref_squeeze %dma_wait3A_1602 : memref<1x32xi32, #tpu.memory_space<vmem>> -> memref<32xi32, #tpu.memory_space<vmem>>
    %dma_wait3A_1604 = arith.constant 0 : i32
    %dma_wait3A_1605 = arith.constant 0 : i32
    %dma_wait3A_1606 = tpu.memref_slice %arg2[%dma_wait3A_1604, %dma_wait3A_1605] : memref<8192x1024xf32, #tpu.memory_space<hbm>> -> memref<8192x1024xf32, #tpu.memory_space<hbm>>
    tpu.wait_indirect_dma semaphore(%arg8 : memref<!tpu.dma_semaphore, #tpu.memory_space<semaphore_mem>>) src(%dma_wait3A_1606 : memref<8192x1024xf32, #tpu.memory_space<hbm>>) dst(%dma_wait3A_1600 : memref<32x1024xf32, #tpu.memory_space<vmem>>)
    %add3A_1607 = arith.constant 608 : i32
    %add3A_1608 = arith.addi %mul3A_2, %add3A_1607 : i32
    %dma_start3A_1609 = arith.constant 1 : i32
    %dma_start3A_1610 = arith.constant 0 : i32
    %dma_start3A_1611 = arith.constant 0 : i32
    %dma_start3A_1612 = tpu.memref_slice %arg6[%dma_start3A_1609, %dma_start3A_1610, %dma_start3A_1611] : memref<3x32x1024xf32, #tpu.memory_space<vmem>> -> memref<1x32x1024xf32, #tpu.memory_space<vmem>>
    %dma_start3A_1613 = tpu.memref_squeeze %dma_start3A_1612 : memref<1x32x1024xf32, #tpu.memory_space<vmem>> -> memref<32x1024xf32, #tpu.memory_space<vmem>>
    %dma_start3A_1614 = arith.constant 0 : i32
    %dma_start3A_1615 = tpu.memref_slice %arg4[%add3A_1608, %dma_start3A_1614] : memref<32768x1024xf32, #tpu.memory_space<hbm>> -> memref<32x1024xf32, #tpu.memory_space<hbm>>
    %dma_start3A_1616 = arith.constant 0 : i32
    %dma_start3A_1617 = tpu.memref_slice %arg4[%add3A_1608, %dma_start3A_1616] : memref<32768x1024xf32, #tpu.memory_space<hbm>> -> memref<32x1024xf32, #tpu.memory_space<hbm>>
    %dma_start3A_1618 = arith.constant 0 : i32
    %dma_start3A_1619 = arith.constant 0 : i32
    %dma_start3A_1620 = tpu.memref_slice %arg6[%dma_start3A_1609, %dma_start3A_1618, %dma_start3A_1619] : memref<3x32x1024xf32, #tpu.memory_space<vmem>> -> memref<1x32x1024xf32, #tpu.memory_space<vmem>>
    %dma_start3A_1621 = tpu.memref_squeeze %dma_start3A_1620 : memref<1x32x1024xf32, #tpu.memory_space<vmem>> -> memref<32x1024xf32, #tpu.memory_space<vmem>>
    tpu.enqueue_dma source(%dma_start3A_1621 : memref<32x1024xf32, #tpu.memory_space<vmem>>) target(%dma_start3A_1617 : memref<32x1024xf32, #tpu.memory_space<hbm>>) target_semaphore(%arg11 : memref<!tpu.dma_semaphore, #tpu.memory_space<semaphore_mem>>)
    %dma_wait3A_1622 = arith.constant 1 : i32
    %dma_wait3A_1623 = arith.constant 0 : i32
    %dma_wait3A_1624 = arith.constant 0 : i32
    %dma_wait3A_1625 = tpu.memref_slice %arg6[%dma_wait3A_1622, %dma_wait3A_1623, %dma_wait3A_1624] : memref<3x32x1024xf32, #tpu.memory_space<vmem>> -> memref<1x32x1024xf32, #tpu.memory_space<vmem>>
    %dma_wait3A_1626 = tpu.memref_squeeze %dma_wait3A_1625 : memref<1x32x1024xf32, #tpu.memory_space<vmem>> -> memref<32x1024xf32, #tpu.memory_space<vmem>>
    %dma_wait3A_1627 = arith.constant 0 : i32
    %dma_wait3A_1628 = tpu.memref_slice %arg4[%add3A_1608, %dma_wait3A_1627] : memref<32768x1024xf32, #tpu.memory_space<hbm>> -> memref<32x1024xf32, #tpu.memory_space<hbm>>
    %dma_wait3A_1629 = arith.constant 0 : i32
    %dma_wait3A_1630 = tpu.memref_slice %arg4[%add3A_1608, %dma_wait3A_1629] : memref<32768x1024xf32, #tpu.memory_space<hbm>> -> memref<32x1024xf32, #tpu.memory_space<hbm>>
    %dma_wait3A_1631 = arith.constant 0 : i32
    %dma_wait3A_1632 = arith.constant 0 : i32
    %dma_wait3A_1633 = tpu.memref_slice %arg6[%dma_wait3A_1622, %dma_wait3A_1631, %dma_wait3A_1632] : memref<3x32x1024xf32, #tpu.memory_space<vmem>> -> memref<1x32x1024xf32, #tpu.memory_space<vmem>>
    %dma_wait3A_1634 = tpu.memref_squeeze %dma_wait3A_1633 : memref<1x32x1024xf32, #tpu.memory_space<vmem>> -> memref<32x1024xf32, #tpu.memory_space<vmem>>
    tpu.wait_dma2 semaphore(%arg11 : memref<!tpu.dma_semaphore, #tpu.memory_space<semaphore_mem>>) src(%dma_wait3A_1634 : memref<32x1024xf32, #tpu.memory_space<vmem>>) dst(%dma_wait3A_1630 : memref<32x1024xf32, #tpu.memory_space<hbm>>)
    %dma_start3A_1635 = arith.constant 22 : i32
    %dma_start3A_1636 = arith.constant 1 : i32
    %dma_start3A_1637 = arith.constant 0 : i32
    %dma_start3A_1638 = arith.constant 0 : i32
    %dma_start3A_1639 = tpu.memref_slice %arg6[%dma_start3A_1636, %dma_start3A_1637, %dma_start3A_1638] : memref<3x32x1024xf32, #tpu.memory_space<vmem>> -> memref<1x32x1024xf32, #tpu.memory_space<vmem>>
    %dma_start3A_1640 = tpu.memref_squeeze %dma_start3A_1639 : memref<1x32x1024xf32, #tpu.memory_space<vmem>> -> memref<32x1024xf32, #tpu.memory_space<vmem>>
    %dma_start3A_1641 = arith.constant 0 : i32
    %dma_start3A_1642 = tpu.memref_slice %arg5[%dma_start3A_1635, %dma_start3A_1641] : memref<32x32xi32, #tpu.memory_space<vmem>> -> memref<1x32xi32, #tpu.memory_space<vmem>>
    %dma_start3A_1643 = tpu.memref_squeeze %dma_start3A_1642 : memref<1x32xi32, #tpu.memory_space<vmem>> -> memref<32xi32, #tpu.memory_space<vmem>>
    %dma_start3A_1644 = arith.constant 0 : i32
    %dma_start3A_1645 = arith.constant 0 : i32
    %dma_start3A_1646 = tpu.memref_slice %arg2[%dma_start3A_1644, %dma_start3A_1645] : memref<8192x1024xf32, #tpu.memory_space<hbm>> -> memref<8192x1024xf32, #tpu.memory_space<hbm>>
    tpu.enqueue_indirect_dma source(%dma_start3A_1646 : memref<8192x1024xf32, #tpu.memory_space<hbm>>) target(%dma_start3A_1640 : memref<32x1024xf32, #tpu.memory_space<vmem>>) offsets(%dma_start3A_1643 : memref<32xi32, #tpu.memory_space<vmem>>) semaphore(%arg8 : memref<!tpu.dma_semaphore, #tpu.memory_space<semaphore_mem>>)
    %get3A_1647 = arith.constant 23 : i32
    %get3A_1648 = arith.index_cast %get3A_1647 : i32 to index
    %get3A_1649 = arith.constant 0 : index
    %get3A_1650 = tpu.vector_load %arg5[%get3A_1648, %get3A_1649] {strides = array<i32>} : memref<32x32xi32, #tpu.memory_space<vmem>>, vector<1x16xi32>,
    %get3A_1651 = vector.shape_cast %get3A_1650 : vector<1x16xi32> to vector<16xi32>
    %add3A_1652 = arith.addi %get3A_1651, %broadcast_in_dim3A : vector<16xi32>
    %swap3A_1653 = arith.constant 23 : i32
    %swap3A_1654 = arith.index_cast %swap3A_1653 : i32 to index
    %swap3A_1655 = arith.constant 0 : index
    %swap3A_1656 = tpu.vector_load %arg5[%swap3A_1654, %swap3A_1655] {strides = array<i32>} : memref<32x32xi32, #tpu.memory_space<vmem>>, vector<1x16xi32>,
    %swap3A_1657 = vector.shape_cast %swap3A_1656 : vector<1x16xi32> to vector<16xi32>
    %swap3A_1658 = vector.shape_cast %add3A_1652 : vector<16xi32> to vector<1x16xi32>
    tpu.vector_store %arg5[%swap3A_1654, %swap3A_1655], %swap3A_1658 {strides = array<i32>} : memref<32x32xi32, #tpu.memory_space<vmem>>, vector<1x16xi32>,
    %get3A_1659 = arith.constant 23 : i32
    %get3A_1660 = arith.index_cast %get3A_1659 : i32 to index
    %get3A_1661 = arith.constant 16 : index
    %get3A_1662 = tpu.vector_load %arg5[%get3A_1660, %get3A_1661] {strides = array<i32>} : memref<32x32xi32, #tpu.memory_space<vmem>>, vector<1x16xi32>,
    %get3A_1663 = vector.shape_cast %get3A_1662 : vector<1x16xi32> to vector<16xi32>
    %add3A_1664 = arith.addi %get3A_1663, %broadcast_in_dim3A : vector<16xi32>
    %swap3A_1665 = arith.constant 23 : i32
    %swap3A_1666 = arith.index_cast %swap3A_1665 : i32 to index
    %swap3A_1667 = arith.constant 16 : index
    %swap3A_1668 = tpu.vector_load %arg5[%swap3A_1666, %swap3A_1667] {strides = array<i32>} : memref<32x32xi32, #tpu.memory_space<vmem>>, vector<1x16xi32>,
    %swap3A_1669 = vector.shape_cast %swap3A_1668 : vector<1x16xi32> to vector<16xi32>
    %swap3A_1670 = vector.shape_cast %add3A_1664 : vector<16xi32> to vector<1x16xi32>
    tpu.vector_store %arg5[%swap3A_1666, %swap3A_1667], %swap3A_1670 {strides = array<i32>} : memref<32x32xi32, #tpu.memory_space<vmem>>, vector<1x16xi32>,
    %dma_wait3A_1671 = arith.constant 20 : i32
    %dma_wait3A_1672 = arith.constant 2 : i32
    %dma_wait3A_1673 = arith.constant 0 : i32
    %dma_wait3A_1674 = arith.constant 0 : i32
    %dma_wait3A_1675 = tpu.memref_slice %arg6[%dma_wait3A_1672, %dma_wait3A_1673, %dma_wait3A_1674] : memref<3x32x1024xf32, #tpu.memory_space<vmem>> -> memref<1x32x1024xf32, #tpu.memory_space<vmem>>
    %dma_wait3A_1676 = tpu.memref_squeeze %dma_wait3A_1675 : memref<1x32x1024xf32, #tpu.memory_space<vmem>> -> memref<32x1024xf32, #tpu.memory_space<vmem>>
    %dma_wait3A_1677 = arith.constant 0 : i32
    %dma_wait3A_1678 = tpu.memref_slice %arg5[%dma_wait3A_1671, %dma_wait3A_1677] : memref<32x32xi32, #tpu.memory_space<vmem>> -> memref<1x32xi32, #tpu.memory_space<vmem>>
    %dma_wait3A_1679 = tpu.memref_squeeze %dma_wait3A_1678 : memref<1x32xi32, #tpu.memory_space<vmem>> -> memref<32xi32, #tpu.memory_space<vmem>>
    %dma_wait3A_1680 = arith.constant 0 : i32
    %dma_wait3A_1681 = arith.constant 0 : i32
    %dma_wait3A_1682 = tpu.memref_slice %arg2[%dma_wait3A_1680, %dma_wait3A_1681] : memref<8192x1024xf32, #tpu.memory_space<hbm>> -> memref<8192x1024xf32, #tpu.memory_space<hbm>>
    tpu.wait_indirect_dma semaphore(%arg9 : memref<!tpu.dma_semaphore, #tpu.memory_space<semaphore_mem>>) src(%dma_wait3A_1682 : memref<8192x1024xf32, #tpu.memory_space<hbm>>) dst(%dma_wait3A_1676 : memref<32x1024xf32, #tpu.memory_space<vmem>>)
    %add3A_1683 = arith.constant 640 : i32
    %add3A_1684 = arith.addi %mul3A_2, %add3A_1683 : i32
    %dma_start3A_1685 = arith.constant 2 : i32
    %dma_start3A_1686 = arith.constant 0 : i32
    %dma_start3A_1687 = arith.constant 0 : i32
    %dma_start3A_1688 = tpu.memref_slice %arg6[%dma_start3A_1685, %dma_start3A_1686, %dma_start3A_1687] : memref<3x32x1024xf32, #tpu.memory_space<vmem>> -> memref<1x32x1024xf32, #tpu.memory_space<vmem>>
    %dma_start3A_1689 = tpu.memref_squeeze %dma_start3A_1688 : memref<1x32x1024xf32, #tpu.memory_space<vmem>> -> memref<32x1024xf32, #tpu.memory_space<vmem>>
    %dma_start3A_1690 = arith.constant 0 : i32
    %dma_start3A_1691 = tpu.memref_slice %arg4[%add3A_1684, %dma_start3A_1690] : memref<32768x1024xf32, #tpu.memory_space<hbm>> -> memref<32x1024xf32, #tpu.memory_space<hbm>>
    %dma_start3A_1692 = arith.constant 0 : i32
    %dma_start3A_1693 = tpu.memref_slice %arg4[%add3A_1684, %dma_start3A_1692] : memref<32768x1024xf32, #tpu.memory_space<hbm>> -> memref<32x1024xf32, #tpu.memory_space<hbm>>
    %dma_start3A_1694 = arith.constant 0 : i32
    %dma_start3A_1695 = arith.constant 0 : i32
    %dma_start3A_1696 = tpu.memref_slice %arg6[%dma_start3A_1685, %dma_start3A_1694, %dma_start3A_1695] : memref<3x32x1024xf32, #tpu.memory_space<vmem>> -> memref<1x32x1024xf32, #tpu.memory_space<vmem>>
    %dma_start3A_1697 = tpu.memref_squeeze %dma_start3A_1696 : memref<1x32x1024xf32, #tpu.memory_space<vmem>> -> memref<32x1024xf32, #tpu.memory_space<vmem>>
    tpu.enqueue_dma source(%dma_start3A_1697 : memref<32x1024xf32, #tpu.memory_space<vmem>>) target(%dma_start3A_1693 : memref<32x1024xf32, #tpu.memory_space<hbm>>) target_semaphore(%arg12 : memref<!tpu.dma_semaphore, #tpu.memory_space<semaphore_mem>>)
    %dma_wait3A_1698 = arith.constant 2 : i32
    %dma_wait3A_1699 = arith.constant 0 : i32
    %dma_wait3A_1700 = arith.constant 0 : i32
    %dma_wait3A_1701 = tpu.memref_slice %arg6[%dma_wait3A_1698, %dma_wait3A_1699, %dma_wait3A_1700] : memref<3x32x1024xf32, #tpu.memory_space<vmem>> -> memref<1x32x1024xf32, #tpu.memory_space<vmem>>
    %dma_wait3A_1702 = tpu.memref_squeeze %dma_wait3A_1701 : memref<1x32x1024xf32, #tpu.memory_space<vmem>> -> memref<32x1024xf32, #tpu.memory_space<vmem>>
    %dma_wait3A_1703 = arith.constant 0 : i32
    %dma_wait3A_1704 = tpu.memref_slice %arg4[%add3A_1684, %dma_wait3A_1703] : memref<32768x1024xf32, #tpu.memory_space<hbm>> -> memref<32x1024xf32, #tpu.memory_space<hbm>>
    %dma_wait3A_1705 = arith.constant 0 : i32
    %dma_wait3A_1706 = tpu.memref_slice %arg4[%add3A_1684, %dma_wait3A_1705] : memref<32768x1024xf32, #tpu.memory_space<hbm>> -> memref<32x1024xf32, #tpu.memory_space<hbm>>
    %dma_wait3A_1707 = arith.constant 0 : i32
    %dma_wait3A_1708 = arith.constant 0 : i32
    %dma_wait3A_1709 = tpu.memref_slice %arg6[%dma_wait3A_1698, %dma_wait3A_1707, %dma_wait3A_1708] : memref<3x32x1024xf32, #tpu.memory_space<vmem>> -> memref<1x32x1024xf32, #tpu.memory_space<vmem>>
    %dma_wait3A_1710 = tpu.memref_squeeze %dma_wait3A_1709 : memref<1x32x1024xf32, #tpu.memory_space<vmem>> -> memref<32x1024xf32, #tpu.memory_space<vmem>>
    tpu.wait_dma2 semaphore(%arg12 : memref<!tpu.dma_semaphore, #tpu.memory_space<semaphore_mem>>) src(%dma_wait3A_1710 : memref<32x1024xf32, #tpu.memory_space<vmem>>) dst(%dma_wait3A_1706 : memref<32x1024xf32, #tpu.memory_space<hbm>>)
    %dma_start3A_1711 = arith.constant 23 : i32
    %dma_start3A_1712 = arith.constant 2 : i32
    %dma_start3A_1713 = arith.constant 0 : i32
    %dma_start3A_1714 = arith.constant 0 : i32
    %dma_start3A_1715 = tpu.memref_slice %arg6[%dma_start3A_1712, %dma_start3A_1713, %dma_start3A_1714] : memref<3x32x1024xf32, #tpu.memory_space<vmem>> -> memref<1x32x1024xf32, #tpu.memory_space<vmem>>
    %dma_start3A_1716 = tpu.memref_squeeze %dma_start3A_1715 : memref<1x32x1024xf32, #tpu.memory_space<vmem>> -> memref<32x1024xf32, #tpu.memory_space<vmem>>
    %dma_start3A_1717 = arith.constant 0 : i32
    %dma_start3A_1718 = tpu.memref_slice %arg5[%dma_start3A_1711, %dma_start3A_1717] : memref<32x32xi32, #tpu.memory_space<vmem>> -> memref<1x32xi32, #tpu.memory_space<vmem>>
    %dma_start3A_1719 = tpu.memref_squeeze %dma_start3A_1718 : memref<1x32xi32, #tpu.memory_space<vmem>> -> memref<32xi32, #tpu.memory_space<vmem>>
    %dma_start3A_1720 = arith.constant 0 : i32
    %dma_start3A_1721 = arith.constant 0 : i32
    %dma_start3A_1722 = tpu.memref_slice %arg2[%dma_start3A_1720, %dma_start3A_1721] : memref<8192x1024xf32, #tpu.memory_space<hbm>> -> memref<8192x1024xf32, #tpu.memory_space<hbm>>
    tpu.enqueue_indirect_dma source(%dma_start3A_1722 : memref<8192x1024xf32, #tpu.memory_space<hbm>>) target(%dma_start3A_1716 : memref<32x1024xf32, #tpu.memory_space<vmem>>) offsets(%dma_start3A_1719 : memref<32xi32, #tpu.memory_space<vmem>>) semaphore(%arg9 : memref<!tpu.dma_semaphore, #tpu.memory_space<semaphore_mem>>)
    %get3A_1723 = arith.constant 24 : i32
    %get3A_1724 = arith.index_cast %get3A_1723 : i32 to index
    %get3A_1725 = arith.constant 0 : index
    %get3A_1726 = tpu.vector_load %arg5[%get3A_1724, %get3A_1725] {strides = array<i32>} : memref<32x32xi32, #tpu.memory_space<vmem>>, vector<1x16xi32>,
    %get3A_1727 = vector.shape_cast %get3A_1726 : vector<1x16xi32> to vector<16xi32>
    %add3A_1728 = arith.addi %get3A_1727, %broadcast_in_dim3A : vector<16xi32>
    %swap3A_1729 = arith.constant 24 : i32
    %swap3A_1730 = arith.index_cast %swap3A_1729 : i32 to index
    %swap3A_1731 = arith.constant 0 : index
    %swap3A_1732 = tpu.vector_load %arg5[%swap3A_1730, %swap3A_1731] {strides = array<i32>} : memref<32x32xi32, #tpu.memory_space<vmem>>, vector<1x16xi32>,
    %swap3A_1733 = vector.shape_cast %swap3A_1732 : vector<1x16xi32> to vector<16xi32>
    %swap3A_1734 = vector.shape_cast %add3A_1728 : vector<16xi32> to vector<1x16xi32>
    tpu.vector_store %arg5[%swap3A_1730, %swap3A_1731], %swap3A_1734 {strides = array<i32>} : memref<32x32xi32, #tpu.memory_space<vmem>>, vector<1x16xi32>,
    %get3A_1735 = arith.constant 24 : i32
    %get3A_1736 = arith.index_cast %get3A_1735 : i32 to index
    %get3A_1737 = arith.constant 16 : index
    %get3A_1738 = tpu.vector_load %arg5[%get3A_1736, %get3A_1737] {strides = array<i32>} : memref<32x32xi32, #tpu.memory_space<vmem>>, vector<1x16xi32>,
    %get3A_1739 = vector.shape_cast %get3A_1738 : vector<1x16xi32> to vector<16xi32>
    %add3A_1740 = arith.addi %get3A_1739, %broadcast_in_dim3A : vector<16xi32>
    %swap3A_1741 = arith.constant 24 : i32
    %swap3A_1742 = arith.index_cast %swap3A_1741 : i32 to index
    %swap3A_1743 = arith.constant 16 : index
    %swap3A_1744 = tpu.vector_load %arg5[%swap3A_1742, %swap3A_1743] {strides = array<i32>} : memref<32x32xi32, #tpu.memory_space<vmem>>, vector<1x16xi32>,
    %swap3A_1745 = vector.shape_cast %swap3A_1744 : vector<1x16xi32> to vector<16xi32>
    %swap3A_1746 = vector.shape_cast %add3A_1740 : vector<16xi32> to vector<1x16xi32>
    tpu.vector_store %arg5[%swap3A_1742, %swap3A_1743], %swap3A_1746 {strides = array<i32>} : memref<32x32xi32, #tpu.memory_space<vmem>>, vector<1x16xi32>,
    %dma_wait3A_1747 = arith.constant 21 : i32
    %dma_wait3A_1748 = arith.constant 0 : i32
    %dma_wait3A_1749 = arith.constant 0 : i32
    %dma_wait3A_1750 = arith.constant 0 : i32
    %dma_wait3A_1751 = tpu.memref_slice %arg6[%dma_wait3A_1748, %dma_wait3A_1749, %dma_wait3A_1750] : memref<3x32x1024xf32, #tpu.memory_space<vmem>> -> memref<1x32x1024xf32, #tpu.memory_space<vmem>>
    %dma_wait3A_1752 = tpu.memref_squeeze %dma_wait3A_1751 : memref<1x32x1024xf32, #tpu.memory_space<vmem>> -> memref<32x1024xf32, #tpu.memory_space<vmem>>
    %dma_wait3A_1753 = arith.constant 0 : i32
    %dma_wait3A_1754 = tpu.memref_slice %arg5[%dma_wait3A_1747, %dma_wait3A_1753] : memref<32x32xi32, #tpu.memory_space<vmem>> -> memref<1x32xi32, #tpu.memory_space<vmem>>
    %dma_wait3A_1755 = tpu.memref_squeeze %dma_wait3A_1754 : memref<1x32xi32, #tpu.memory_space<vmem>> -> memref<32xi32, #tpu.memory_space<vmem>>
    %dma_wait3A_1756 = arith.constant 0 : i32
    %dma_wait3A_1757 = arith.constant 0 : i32
    %dma_wait3A_1758 = tpu.memref_slice %arg2[%dma_wait3A_1756, %dma_wait3A_1757] : memref<8192x1024xf32, #tpu.memory_space<hbm>> -> memref<8192x1024xf32, #tpu.memory_space<hbm>>
    tpu.wait_indirect_dma semaphore(%arg7 : memref<!tpu.dma_semaphore, #tpu.memory_space<semaphore_mem>>) src(%dma_wait3A_1758 : memref<8192x1024xf32, #tpu.memory_space<hbm>>) dst(%dma_wait3A_1752 : memref<32x1024xf32, #tpu.memory_space<vmem>>)
    %add3A_1759 = arith.constant 672 : i32
    %add3A_1760 = arith.addi %mul3A_2, %add3A_1759 : i32
    %dma_start3A_1761 = arith.constant 0 : i32
    %dma_start3A_1762 = arith.constant 0 : i32
    %dma_start3A_1763 = arith.constant 0 : i32
    %dma_start3A_1764 = tpu.memref_slice %arg6[%dma_start3A_1761, %dma_start3A_1762, %dma_start3A_1763] : memref<3x32x1024xf32, #tpu.memory_space<vmem>> -> memref<1x32x1024xf32, #tpu.memory_space<vmem>>
    %dma_start3A_1765 = tpu.memref_squeeze %dma_start3A_1764 : memref<1x32x1024xf32, #tpu.memory_space<vmem>> -> memref<32x1024xf32, #tpu.memory_space<vmem>>
    %dma_start3A_1766 = arith.constant 0 : i32
    %dma_start3A_1767 = tpu.memref_slice %arg4[%add3A_1760, %dma_start3A_1766] : memref<32768x1024xf32, #tpu.memory_space<hbm>> -> memref<32x1024xf32, #tpu.memory_space<hbm>>
    %dma_start3A_1768 = arith.constant 0 : i32
    %dma_start3A_1769 = tpu.memref_slice %arg4[%add3A_1760, %dma_start3A_1768] : memref<32768x1024xf32, #tpu.memory_space<hbm>> -> memref<32x1024xf32, #tpu.memory_space<hbm>>
    %dma_start3A_1770 = arith.constant 0 : i32
    %dma_start3A_1771 = arith.constant 0 : i32
    %dma_start3A_1772 = tpu.memref_slice %arg6[%dma_start3A_1761, %dma_start3A_1770, %dma_start3A_1771] : memref<3x32x1024xf32, #tpu.memory_space<vmem>> -> memref<1x32x1024xf32, #tpu.memory_space<vmem>>
    %dma_start3A_1773 = tpu.memref_squeeze %dma_start3A_1772 : memref<1x32x1024xf32, #tpu.memory_space<vmem>> -> memref<32x1024xf32, #tpu.memory_space<vmem>>
    tpu.enqueue_dma source(%dma_start3A_1773 : memref<32x1024xf32, #tpu.memory_space<vmem>>) target(%dma_start3A_1769 : memref<32x1024xf32, #tpu.memory_space<hbm>>) target_semaphore(%arg10 : memref<!tpu.dma_semaphore, #tpu.memory_space<semaphore_mem>>)
    %dma_wait3A_1774 = arith.constant 0 : i32
    %dma_wait3A_1775 = arith.constant 0 : i32
    %dma_wait3A_1776 = arith.constant 0 : i32
    %dma_wait3A_1777 = tpu.memref_slice %arg6[%dma_wait3A_1774, %dma_wait3A_1775, %dma_wait3A_1776] : memref<3x32x1024xf32, #tpu.memory_space<vmem>> -> memref<1x32x1024xf32, #tpu.memory_space<vmem>>
    %dma_wait3A_1778 = tpu.memref_squeeze %dma_wait3A_1777 : memref<1x32x1024xf32, #tpu.memory_space<vmem>> -> memref<32x1024xf32, #tpu.memory_space<vmem>>
    %dma_wait3A_1779 = arith.constant 0 : i32
    %dma_wait3A_1780 = tpu.memref_slice %arg4[%add3A_1760, %dma_wait3A_1779] : memref<32768x1024xf32, #tpu.memory_space<hbm>> -> memref<32x1024xf32, #tpu.memory_space<hbm>>
    %dma_wait3A_1781 = arith.constant 0 : i32
    %dma_wait3A_1782 = tpu.memref_slice %arg4[%add3A_1760, %dma_wait3A_1781] : memref<32768x1024xf32, #tpu.memory_space<hbm>> -> memref<32x1024xf32, #tpu.memory_space<hbm>>
    %dma_wait3A_1783 = arith.constant 0 : i32
    %dma_wait3A_1784 = arith.constant 0 : i32
    %dma_wait3A_1785 = tpu.memref_slice %arg6[%dma_wait3A_1774, %dma_wait3A_1783, %dma_wait3A_1784] : memref<3x32x1024xf32, #tpu.memory_space<vmem>> -> memref<1x32x1024xf32, #tpu.memory_space<vmem>>
    %dma_wait3A_1786 = tpu.memref_squeeze %dma_wait3A_1785 : memref<1x32x1024xf32, #tpu.memory_space<vmem>> -> memref<32x1024xf32, #tpu.memory_space<vmem>>
    tpu.wait_dma2 semaphore(%arg10 : memref<!tpu.dma_semaphore, #tpu.memory_space<semaphore_mem>>) src(%dma_wait3A_1786 : memref<32x1024xf32, #tpu.memory_space<vmem>>) dst(%dma_wait3A_1782 : memref<32x1024xf32, #tpu.memory_space<hbm>>)
    %dma_start3A_1787 = arith.constant 24 : i32
    %dma_start3A_1788 = arith.constant 0 : i32
    %dma_start3A_1789 = arith.constant 0 : i32
    %dma_start3A_1790 = arith.constant 0 : i32
    %dma_start3A_1791 = tpu.memref_slice %arg6[%dma_start3A_1788, %dma_start3A_1789, %dma_start3A_1790] : memref<3x32x1024xf32, #tpu.memory_space<vmem>> -> memref<1x32x1024xf32, #tpu.memory_space<vmem>>
    %dma_start3A_1792 = tpu.memref_squeeze %dma_start3A_1791 : memref<1x32x1024xf32, #tpu.memory_space<vmem>> -> memref<32x1024xf32, #tpu.memory_space<vmem>>
    %dma_start3A_1793 = arith.constant 0 : i32
    %dma_start3A_1794 = tpu.memref_slice %arg5[%dma_start3A_1787, %dma_start3A_1793] : memref<32x32xi32, #tpu.memory_space<vmem>> -> memref<1x32xi32, #tpu.memory_space<vmem>>
    %dma_start3A_1795 = tpu.memref_squeeze %dma_start3A_1794 : memref<1x32xi32, #tpu.memory_space<vmem>> -> memref<32xi32, #tpu.memory_space<vmem>>
    %dma_start3A_1796 = arith.constant 0 : i32
    %dma_start3A_1797 = arith.constant 0 : i32
    %dma_start3A_1798 = tpu.memref_slice %arg2[%dma_start3A_1796, %dma_start3A_1797] : memref<8192x1024xf32, #tpu.memory_space<hbm>> -> memref<8192x1024xf32, #tpu.memory_space<hbm>>
    tpu.enqueue_indirect_dma source(%dma_start3A_1798 : memref<8192x1024xf32, #tpu.memory_space<hbm>>) target(%dma_start3A_1792 : memref<32x1024xf32, #tpu.memory_space<vmem>>) offsets(%dma_start3A_1795 : memref<32xi32, #tpu.memory_space<vmem>>) semaphore(%arg7 : memref<!tpu.dma_semaphore, #tpu.memory_space<semaphore_mem>>)
    %get3A_1799 = arith.constant 25 : i32
    %get3A_1800 = arith.index_cast %get3A_1799 : i32 to index
    %get3A_1801 = arith.constant 0 : index
    %get3A_1802 = tpu.vector_load %arg5[%get3A_1800, %get3A_1801] {strides = array<i32>} : memref<32x32xi32, #tpu.memory_space<vmem>>, vector<1x16xi32>,
    %get3A_1803 = vector.shape_cast %get3A_1802 : vector<1x16xi32> to vector<16xi32>
    %add3A_1804 = arith.addi %get3A_1803, %broadcast_in_dim3A : vector<16xi32>
    %swap3A_1805 = arith.constant 25 : i32
    %swap3A_1806 = arith.index_cast %swap3A_1805 : i32 to index
    %swap3A_1807 = arith.constant 0 : index
    %swap3A_1808 = tpu.vector_load %arg5[%swap3A_1806, %swap3A_1807] {strides = array<i32>} : memref<32x32xi32, #tpu.memory_space<vmem>>, vector<1x16xi32>,
    %swap3A_1809 = vector.shape_cast %swap3A_1808 : vector<1x16xi32> to vector<16xi32>
    %swap3A_1810 = vector.shape_cast %add3A_1804 : vector<16xi32> to vector<1x16xi32>
    tpu.vector_store %arg5[%swap3A_1806, %swap3A_1807], %swap3A_1810 {strides = array<i32>} : memref<32x32xi32, #tpu.memory_space<vmem>>, vector<1x16xi32>,
    %get3A_1811 = arith.constant 25 : i32
    %get3A_1812 = arith.index_cast %get3A_1811 : i32 to index
    %get3A_1813 = arith.constant 16 : index
    %get3A_1814 = tpu.vector_load %arg5[%get3A_1812, %get3A_1813] {strides = array<i32>} : memref<32x32xi32, #tpu.memory_space<vmem>>, vector<1x16xi32>,
    %get3A_1815 = vector.shape_cast %get3A_1814 : vector<1x16xi32> to vector<16xi32>
    %add3A_1816 = arith.addi %get3A_1815, %broadcast_in_dim3A : vector<16xi32>
    %swap3A_1817 = arith.constant 25 : i32
    %swap3A_1818 = arith.index_cast %swap3A_1817 : i32 to index
    %swap3A_1819 = arith.constant 16 : index
    %swap3A_1820 = tpu.vector_load %arg5[%swap3A_1818, %swap3A_1819] {strides = array<i32>} : memref<32x32xi32, #tpu.memory_space<vmem>>, vector<1x16xi32>,
    %swap3A_1821 = vector.shape_cast %swap3A_1820 : vector<1x16xi32> to vector<16xi32>
    %swap3A_1822 = vector.shape_cast %add3A_1816 : vector<16xi32> to vector<1x16xi32>
    tpu.vector_store %arg5[%swap3A_1818, %swap3A_1819], %swap3A_1822 {strides = array<i32>} : memref<32x32xi32, #tpu.memory_space<vmem>>, vector<1x16xi32>,
    %dma_wait3A_1823 = arith.constant 22 : i32
    %dma_wait3A_1824 = arith.constant 1 : i32
    %dma_wait3A_1825 = arith.constant 0 : i32
    %dma_wait3A_1826 = arith.constant 0 : i32
    %dma_wait3A_1827 = tpu.memref_slice %arg6[%dma_wait3A_1824, %dma_wait3A_1825, %dma_wait3A_1826] : memref<3x32x1024xf32, #tpu.memory_space<vmem>> -> memref<1x32x1024xf32, #tpu.memory_space<vmem>>
    %dma_wait3A_1828 = tpu.memref_squeeze %dma_wait3A_1827 : memref<1x32x1024xf32, #tpu.memory_space<vmem>> -> memref<32x1024xf32, #tpu.memory_space<vmem>>
    %dma_wait3A_1829 = arith.constant 0 : i32
    %dma_wait3A_1830 = tpu.memref_slice %arg5[%dma_wait3A_1823, %dma_wait3A_1829] : memref<32x32xi32, #tpu.memory_space<vmem>> -> memref<1x32xi32, #tpu.memory_space<vmem>>
    %dma_wait3A_1831 = tpu.memref_squeeze %dma_wait3A_1830 : memref<1x32xi32, #tpu.memory_space<vmem>> -> memref<32xi32, #tpu.memory_space<vmem>>
    %dma_wait3A_1832 = arith.constant 0 : i32
    %dma_wait3A_1833 = arith.constant 0 : i32
    %dma_wait3A_1834 = tpu.memref_slice %arg2[%dma_wait3A_1832, %dma_wait3A_1833] : memref<8192x1024xf32, #tpu.memory_space<hbm>> -> memref<8192x1024xf32, #tpu.memory_space<hbm>>
    tpu.wait_indirect_dma semaphore(%arg8 : memref<!tpu.dma_semaphore, #tpu.memory_space<semaphore_mem>>) src(%dma_wait3A_1834 : memref<8192x1024xf32, #tpu.memory_space<hbm>>) dst(%dma_wait3A_1828 : memref<32x1024xf32, #tpu.memory_space<vmem>>)
    %add3A_1835 = arith.constant 704 : i32
    %add3A_1836 = arith.addi %mul3A_2, %add3A_1835 : i32
    %dma_start3A_1837 = arith.constant 1 : i32
    %dma_start3A_1838 = arith.constant 0 : i32
    %dma_start3A_1839 = arith.constant 0 : i32
    %dma_start3A_1840 = tpu.memref_slice %arg6[%dma_start3A_1837, %dma_start3A_1838, %dma_start3A_1839] : memref<3x32x1024xf32, #tpu.memory_space<vmem>> -> memref<1x32x1024xf32, #tpu.memory_space<vmem>>
    %dma_start3A_1841 = tpu.memref_squeeze %dma_start3A_1840 : memref<1x32x1024xf32, #tpu.memory_space<vmem>> -> memref<32x1024xf32, #tpu.memory_space<vmem>>
    %dma_start3A_1842 = arith.constant 0 : i32
    %dma_start3A_1843 = tpu.memref_slice %arg4[%add3A_1836, %dma_start3A_1842] : memref<32768x1024xf32, #tpu.memory_space<hbm>> -> memref<32x1024xf32, #tpu.memory_space<hbm>>
    %dma_start3A_1844 = arith.constant 0 : i32
    %dma_start3A_1845 = tpu.memref_slice %arg4[%add3A_1836, %dma_start3A_1844] : memref<32768x1024xf32, #tpu.memory_space<hbm>> -> memref<32x1024xf32, #tpu.memory_space<hbm>>
    %dma_start3A_1846 = arith.constant 0 : i32
    %dma_start3A_1847 = arith.constant 0 : i32
    %dma_start3A_1848 = tpu.memref_slice %arg6[%dma_start3A_1837, %dma_start3A_1846, %dma_start3A_1847] : memref<3x32x1024xf32, #tpu.memory_space<vmem>> -> memref<1x32x1024xf32, #tpu.memory_space<vmem>>
    %dma_start3A_1849 = tpu.memref_squeeze %dma_start3A_1848 : memref<1x32x1024xf32, #tpu.memory_space<vmem>> -> memref<32x1024xf32, #tpu.memory_space<vmem>>
    tpu.enqueue_dma source(%dma_start3A_1849 : memref<32x1024xf32, #tpu.memory_space<vmem>>) target(%dma_start3A_1845 : memref<32x1024xf32, #tpu.memory_space<hbm>>) target_semaphore(%arg11 : memref<!tpu.dma_semaphore, #tpu.memory_space<semaphore_mem>>)
    %dma_wait3A_1850 = arith.constant 1 : i32
    %dma_wait3A_1851 = arith.constant 0 : i32
    %dma_wait3A_1852 = arith.constant 0 : i32
    %dma_wait3A_1853 = tpu.memref_slice %arg6[%dma_wait3A_1850, %dma_wait3A_1851, %dma_wait3A_1852] : memref<3x32x1024xf32, #tpu.memory_space<vmem>> -> memref<1x32x1024xf32, #tpu.memory_space<vmem>>
    %dma_wait3A_1854 = tpu.memref_squeeze %dma_wait3A_1853 : memref<1x32x1024xf32, #tpu.memory_space<vmem>> -> memref<32x1024xf32, #tpu.memory_space<vmem>>
    %dma_wait3A_1855 = arith.constant 0 : i32
    %dma_wait3A_1856 = tpu.memref_slice %arg4[%add3A_1836, %dma_wait3A_1855] : memref<32768x1024xf32, #tpu.memory_space<hbm>> -> memref<32x1024xf32, #tpu.memory_space<hbm>>
    %dma_wait3A_1857 = arith.constant 0 : i32
    %dma_wait3A_1858 = tpu.memref_slice %arg4[%add3A_1836, %dma_wait3A_1857] : memref<32768x1024xf32, #tpu.memory_space<hbm>> -> memref<32x1024xf32, #tpu.memory_space<hbm>>
    %dma_wait3A_1859 = arith.constant 0 : i32
    %dma_wait3A_1860 = arith.constant 0 : i32
    %dma_wait3A_1861 = tpu.memref_slice %arg6[%dma_wait3A_1850, %dma_wait3A_1859, %dma_wait3A_1860] : memref<3x32x1024xf32, #tpu.memory_space<vmem>> -> memref<1x32x1024xf32, #tpu.memory_space<vmem>>
    %dma_wait3A_1862 = tpu.memref_squeeze %dma_wait3A_1861 : memref<1x32x1024xf32, #tpu.memory_space<vmem>> -> memref<32x1024xf32, #tpu.memory_space<vmem>>
    tpu.wait_dma2 semaphore(%arg11 : memref<!tpu.dma_semaphore, #tpu.memory_space<semaphore_mem>>) src(%dma_wait3A_1862 : memref<32x1024xf32, #tpu.memory_space<vmem>>) dst(%dma_wait3A_1858 : memref<32x1024xf32, #tpu.memory_space<hbm>>)
    %dma_start3A_1863 = arith.constant 25 : i32
    %dma_start3A_1864 = arith.constant 1 : i32
    %dma_start3A_1865 = arith.constant 0 : i32
    %dma_start3A_1866 = arith.constant 0 : i32
    %dma_start3A_1867 = tpu.memref_slice %arg6[%dma_start3A_1864, %dma_start3A_1865, %dma_start3A_1866] : memref<3x32x1024xf32, #tpu.memory_space<vmem>> -> memref<1x32x1024xf32, #tpu.memory_space<vmem>>
    %dma_start3A_1868 = tpu.memref_squeeze %dma_start3A_1867 : memref<1x32x1024xf32, #tpu.memory_space<vmem>> -> memref<32x1024xf32, #tpu.memory_space<vmem>>
    %dma_start3A_1869 = arith.constant 0 : i32
    %dma_start3A_1870 = tpu.memref_slice %arg5[%dma_start3A_1863, %dma_start3A_1869] : memref<32x32xi32, #tpu.memory_space<vmem>> -> memref<1x32xi32, #tpu.memory_space<vmem>>
    %dma_start3A_1871 = tpu.memref_squeeze %dma_start3A_1870 : memref<1x32xi32, #tpu.memory_space<vmem>> -> memref<32xi32, #tpu.memory_space<vmem>>
    %dma_start3A_1872 = arith.constant 0 : i32
    %dma_start3A_1873 = arith.constant 0 : i32
    %dma_start3A_1874 = tpu.memref_slice %arg2[%dma_start3A_1872, %dma_start3A_1873] : memref<8192x1024xf32, #tpu.memory_space<hbm>> -> memref<8192x1024xf32, #tpu.memory_space<hbm>>
    tpu.enqueue_indirect_dma source(%dma_start3A_1874 : memref<8192x1024xf32, #tpu.memory_space<hbm>>) target(%dma_start3A_1868 : memref<32x1024xf32, #tpu.memory_space<vmem>>) offsets(%dma_start3A_1871 : memref<32xi32, #tpu.memory_space<vmem>>) semaphore(%arg8 : memref<!tpu.dma_semaphore, #tpu.memory_space<semaphore_mem>>)
    %get3A_1875 = arith.constant 26 : i32
    %get3A_1876 = arith.index_cast %get3A_1875 : i32 to index
    %get3A_1877 = arith.constant 0 : index
    %get3A_1878 = tpu.vector_load %arg5[%get3A_1876, %get3A_1877] {strides = array<i32>} : memref<32x32xi32, #tpu.memory_space<vmem>>, vector<1x16xi32>,
    %get3A_1879 = vector.shape_cast %get3A_1878 : vector<1x16xi32> to vector<16xi32>
    %add3A_1880 = arith.addi %get3A_1879, %broadcast_in_dim3A : vector<16xi32>
    %swap3A_1881 = arith.constant 26 : i32
    %swap3A_1882 = arith.index_cast %swap3A_1881 : i32 to index
    %swap3A_1883 = arith.constant 0 : index
    %swap3A_1884 = tpu.vector_load %arg5[%swap3A_1882, %swap3A_1883] {strides = array<i32>} : memref<32x32xi32, #tpu.memory_space<vmem>>, vector<1x16xi32>,
    %swap3A_1885 = vector.shape_cast %swap3A_1884 : vector<1x16xi32> to vector<16xi32>
    %swap3A_1886 = vector.shape_cast %add3A_1880 : vector<16xi32> to vector<1x16xi32>
    tpu.vector_store %arg5[%swap3A_1882, %swap3A_1883], %swap3A_1886 {strides = array<i32>} : memref<32x32xi32, #tpu.memory_space<vmem>>, vector<1x16xi32>,
    %get3A_1887 = arith.constant 26 : i32
    %get3A_1888 = arith.index_cast %get3A_1887 : i32 to index
    %get3A_1889 = arith.constant 16 : index
    %get3A_1890 = tpu.vector_load %arg5[%get3A_1888, %get3A_1889] {strides = array<i32>} : memref<32x32xi32, #tpu.memory_space<vmem>>, vector<1x16xi32>,
    %get3A_1891 = vector.shape_cast %get3A_1890 : vector<1x16xi32> to vector<16xi32>
    %add3A_1892 = arith.addi %get3A_1891, %broadcast_in_dim3A : vector<16xi32>
    %swap3A_1893 = arith.constant 26 : i32
    %swap3A_1894 = arith.index_cast %swap3A_1893 : i32 to index
    %swap3A_1895 = arith.constant 16 : index
    %swap3A_1896 = tpu.vector_load %arg5[%swap3A_1894, %swap3A_1895] {strides = array<i32>} : memref<32x32xi32, #tpu.memory_space<vmem>>, vector<1x16xi32>,
    %swap3A_1897 = vector.shape_cast %swap3A_1896 : vector<1x16xi32> to vector<16xi32>
    %swap3A_1898 = vector.shape_cast %add3A_1892 : vector<16xi32> to vector<1x16xi32>
    tpu.vector_store %arg5[%swap3A_1894, %swap3A_1895], %swap3A_1898 {strides = array<i32>} : memref<32x32xi32, #tpu.memory_space<vmem>>, vector<1x16xi32>,
    %dma_wait3A_1899 = arith.constant 23 : i32
    %dma_wait3A_1900 = arith.constant 2 : i32
    %dma_wait3A_1901 = arith.constant 0 : i32
    %dma_wait3A_1902 = arith.constant 0 : i32
    %dma_wait3A_1903 = tpu.memref_slice %arg6[%dma_wait3A_1900, %dma_wait3A_1901, %dma_wait3A_1902] : memref<3x32x1024xf32, #tpu.memory_space<vmem>> -> memref<1x32x1024xf32, #tpu.memory_space<vmem>>
    %dma_wait3A_1904 = tpu.memref_squeeze %dma_wait3A_1903 : memref<1x32x1024xf32, #tpu.memory_space<vmem>> -> memref<32x1024xf32, #tpu.memory_space<vmem>>
    %dma_wait3A_1905 = arith.constant 0 : i32
    %dma_wait3A_1906 = tpu.memref_slice %arg5[%dma_wait3A_1899, %dma_wait3A_1905] : memref<32x32xi32, #tpu.memory_space<vmem>> -> memref<1x32xi32, #tpu.memory_space<vmem>>
    %dma_wait3A_1907 = tpu.memref_squeeze %dma_wait3A_1906 : memref<1x32xi32, #tpu.memory_space<vmem>> -> memref<32xi32, #tpu.memory_space<vmem>>
    %dma_wait3A_1908 = arith.constant 0 : i32
    %dma_wait3A_1909 = arith.constant 0 : i32
    %dma_wait3A_1910 = tpu.memref_slice %arg2[%dma_wait3A_1908, %dma_wait3A_1909] : memref<8192x1024xf32, #tpu.memory_space<hbm>> -> memref<8192x1024xf32, #tpu.memory_space<hbm>>
    tpu.wait_indirect_dma semaphore(%arg9 : memref<!tpu.dma_semaphore, #tpu.memory_space<semaphore_mem>>) src(%dma_wait3A_1910 : memref<8192x1024xf32, #tpu.memory_space<hbm>>) dst(%dma_wait3A_1904 : memref<32x1024xf32, #tpu.memory_space<vmem>>)
    %add3A_1911 = arith.constant 736 : i32
    %add3A_1912 = arith.addi %mul3A_2, %add3A_1911 : i32
    %dma_start3A_1913 = arith.constant 2 : i32
    %dma_start3A_1914 = arith.constant 0 : i32
    %dma_start3A_1915 = arith.constant 0 : i32
    %dma_start3A_1916 = tpu.memref_slice %arg6[%dma_start3A_1913, %dma_start3A_1914, %dma_start3A_1915] : memref<3x32x1024xf32, #tpu.memory_space<vmem>> -> memref<1x32x1024xf32, #tpu.memory_space<vmem>>
    %dma_start3A_1917 = tpu.memref_squeeze %dma_start3A_1916 : memref<1x32x1024xf32, #tpu.memory_space<vmem>> -> memref<32x1024xf32, #tpu.memory_space<vmem>>
    %dma_start3A_1918 = arith.constant 0 : i32
    %dma_start3A_1919 = tpu.memref_slice %arg4[%add3A_1912, %dma_start3A_1918] : memref<32768x1024xf32, #tpu.memory_space<hbm>> -> memref<32x1024xf32, #tpu.memory_space<hbm>>
    %dma_start3A_1920 = arith.constant 0 : i32
    %dma_start3A_1921 = tpu.memref_slice %arg4[%add3A_1912, %dma_start3A_1920] : memref<32768x1024xf32, #tpu.memory_space<hbm>> -> memref<32x1024xf32, #tpu.memory_space<hbm>>
    %dma_start3A_1922 = arith.constant 0 : i32
    %dma_start3A_1923 = arith.constant 0 : i32
    %dma_start3A_1924 = tpu.memref_slice %arg6[%dma_start3A_1913, %dma_start3A_1922, %dma_start3A_1923] : memref<3x32x1024xf32, #tpu.memory_space<vmem>> -> memref<1x32x1024xf32, #tpu.memory_space<vmem>>
    %dma_start3A_1925 = tpu.memref_squeeze %dma_start3A_1924 : memref<1x32x1024xf32, #tpu.memory_space<vmem>> -> memref<32x1024xf32, #tpu.memory_space<vmem>>
    tpu.enqueue_dma source(%dma_start3A_1925 : memref<32x1024xf32, #tpu.memory_space<vmem>>) target(%dma_start3A_1921 : memref<32x1024xf32, #tpu.memory_space<hbm>>) target_semaphore(%arg12 : memref<!tpu.dma_semaphore, #tpu.memory_space<semaphore_mem>>)
    %dma_wait3A_1926 = arith.constant 2 : i32
    %dma_wait3A_1927 = arith.constant 0 : i32
    %dma_wait3A_1928 = arith.constant 0 : i32
    %dma_wait3A_1929 = tpu.memref_slice %arg6[%dma_wait3A_1926, %dma_wait3A_1927, %dma_wait3A_1928] : memref<3x32x1024xf32, #tpu.memory_space<vmem>> -> memref<1x32x1024xf32, #tpu.memory_space<vmem>>
    %dma_wait3A_1930 = tpu.memref_squeeze %dma_wait3A_1929 : memref<1x32x1024xf32, #tpu.memory_space<vmem>> -> memref<32x1024xf32, #tpu.memory_space<vmem>>
    %dma_wait3A_1931 = arith.constant 0 : i32
    %dma_wait3A_1932 = tpu.memref_slice %arg4[%add3A_1912, %dma_wait3A_1931] : memref<32768x1024xf32, #tpu.memory_space<hbm>> -> memref<32x1024xf32, #tpu.memory_space<hbm>>
    %dma_wait3A_1933 = arith.constant 0 : i32
    %dma_wait3A_1934 = tpu.memref_slice %arg4[%add3A_1912, %dma_wait3A_1933] : memref<32768x1024xf32, #tpu.memory_space<hbm>> -> memref<32x1024xf32, #tpu.memory_space<hbm>>
    %dma_wait3A_1935 = arith.constant 0 : i32
    %dma_wait3A_1936 = arith.constant 0 : i32
    %dma_wait3A_1937 = tpu.memref_slice %arg6[%dma_wait3A_1926, %dma_wait3A_1935, %dma_wait3A_1936] : memref<3x32x1024xf32, #tpu.memory_space<vmem>> -> memref<1x32x1024xf32, #tpu.memory_space<vmem>>
    %dma_wait3A_1938 = tpu.memref_squeeze %dma_wait3A_1937 : memref<1x32x1024xf32, #tpu.memory_space<vmem>> -> memref<32x1024xf32, #tpu.memory_space<vmem>>
    tpu.wait_dma2 semaphore(%arg12 : memref<!tpu.dma_semaphore, #tpu.memory_space<semaphore_mem>>) src(%dma_wait3A_1938 : memref<32x1024xf32, #tpu.memory_space<vmem>>) dst(%dma_wait3A_1934 : memref<32x1024xf32, #tpu.memory_space<hbm>>)
    %dma_start3A_1939 = arith.constant 26 : i32
    %dma_start3A_1940 = arith.constant 2 : i32
    %dma_start3A_1941 = arith.constant 0 : i32
    %dma_start3A_1942 = arith.constant 0 : i32
    %dma_start3A_1943 = tpu.memref_slice %arg6[%dma_start3A_1940, %dma_start3A_1941, %dma_start3A_1942] : memref<3x32x1024xf32, #tpu.memory_space<vmem>> -> memref<1x32x1024xf32, #tpu.memory_space<vmem>>
    %dma_start3A_1944 = tpu.memref_squeeze %dma_start3A_1943 : memref<1x32x1024xf32, #tpu.memory_space<vmem>> -> memref<32x1024xf32, #tpu.memory_space<vmem>>
    %dma_start3A_1945 = arith.constant 0 : i32
    %dma_start3A_1946 = tpu.memref_slice %arg5[%dma_start3A_1939, %dma_start3A_1945] : memref<32x32xi32, #tpu.memory_space<vmem>> -> memref<1x32xi32, #tpu.memory_space<vmem>>
    %dma_start3A_1947 = tpu.memref_squeeze %dma_start3A_1946 : memref<1x32xi32, #tpu.memory_space<vmem>> -> memref<32xi32, #tpu.memory_space<vmem>>
    %dma_start3A_1948 = arith.constant 0 : i32
    %dma_start3A_1949 = arith.constant 0 : i32
    %dma_start3A_1950 = tpu.memref_slice %arg2[%dma_start3A_1948, %dma_start3A_1949] : memref<8192x1024xf32, #tpu.memory_space<hbm>> -> memref<8192x1024xf32, #tpu.memory_space<hbm>>
    tpu.enqueue_indirect_dma source(%dma_start3A_1950 : memref<8192x1024xf32, #tpu.memory_space<hbm>>) target(%dma_start3A_1944 : memref<32x1024xf32, #tpu.memory_space<vmem>>) offsets(%dma_start3A_1947 : memref<32xi32, #tpu.memory_space<vmem>>) semaphore(%arg9 : memref<!tpu.dma_semaphore, #tpu.memory_space<semaphore_mem>>)
    %get3A_1951 = arith.constant 27 : i32
    %get3A_1952 = arith.index_cast %get3A_1951 : i32 to index
    %get3A_1953 = arith.constant 0 : index
    %get3A_1954 = tpu.vector_load %arg5[%get3A_1952, %get3A_1953] {strides = array<i32>} : memref<32x32xi32, #tpu.memory_space<vmem>>, vector<1x16xi32>,
    %get3A_1955 = vector.shape_cast %get3A_1954 : vector<1x16xi32> to vector<16xi32>
    %add3A_1956 = arith.addi %get3A_1955, %broadcast_in_dim3A : vector<16xi32>
    %swap3A_1957 = arith.constant 27 : i32
    %swap3A_1958 = arith.index_cast %swap3A_1957 : i32 to index
    %swap3A_1959 = arith.constant 0 : index
    %swap3A_1960 = tpu.vector_load %arg5[%swap3A_1958, %swap3A_1959] {strides = array<i32>} : memref<32x32xi32, #tpu.memory_space<vmem>>, vector<1x16xi32>,
    %swap3A_1961 = vector.shape_cast %swap3A_1960 : vector<1x16xi32> to vector<16xi32>
    %swap3A_1962 = vector.shape_cast %add3A_1956 : vector<16xi32> to vector<1x16xi32>
    tpu.vector_store %arg5[%swap3A_1958, %swap3A_1959], %swap3A_1962 {strides = array<i32>} : memref<32x32xi32, #tpu.memory_space<vmem>>, vector<1x16xi32>,
    %get3A_1963 = arith.constant 27 : i32
    %get3A_1964 = arith.index_cast %get3A_1963 : i32 to index
    %get3A_1965 = arith.constant 16 : index
    %get3A_1966 = tpu.vector_load %arg5[%get3A_1964, %get3A_1965] {strides = array<i32>} : memref<32x32xi32, #tpu.memory_space<vmem>>, vector<1x16xi32>,
    %get3A_1967 = vector.shape_cast %get3A_1966 : vector<1x16xi32> to vector<16xi32>
    %add3A_1968 = arith.addi %get3A_1967, %broadcast_in_dim3A : vector<16xi32>
    %swap3A_1969 = arith.constant 27 : i32
    %swap3A_1970 = arith.index_cast %swap3A_1969 : i32 to index
    %swap3A_1971 = arith.constant 16 : index
    %swap3A_1972 = tpu.vector_load %arg5[%swap3A_1970, %swap3A_1971] {strides = array<i32>} : memref<32x32xi32, #tpu.memory_space<vmem>>, vector<1x16xi32>,
    %swap3A_1973 = vector.shape_cast %swap3A_1972 : vector<1x16xi32> to vector<16xi32>
    %swap3A_1974 = vector.shape_cast %add3A_1968 : vector<16xi32> to vector<1x16xi32>
    tpu.vector_store %arg5[%swap3A_1970, %swap3A_1971], %swap3A_1974 {strides = array<i32>} : memref<32x32xi32, #tpu.memory_space<vmem>>, vector<1x16xi32>,
    %dma_wait3A_1975 = arith.constant 24 : i32
    %dma_wait3A_1976 = arith.constant 0 : i32
    %dma_wait3A_1977 = arith.constant 0 : i32
    %dma_wait3A_1978 = arith.constant 0 : i32
    %dma_wait3A_1979 = tpu.memref_slice %arg6[%dma_wait3A_1976, %dma_wait3A_1977, %dma_wait3A_1978] : memref<3x32x1024xf32, #tpu.memory_space<vmem>> -> memref<1x32x1024xf32, #tpu.memory_space<vmem>>
    %dma_wait3A_1980 = tpu.memref_squeeze %dma_wait3A_1979 : memref<1x32x1024xf32, #tpu.memory_space<vmem>> -> memref<32x1024xf32, #tpu.memory_space<vmem>>
    %dma_wait3A_1981 = arith.constant 0 : i32
    %dma_wait3A_1982 = tpu.memref_slice %arg5[%dma_wait3A_1975, %dma_wait3A_1981] : memref<32x32xi32, #tpu.memory_space<vmem>> -> memref<1x32xi32, #tpu.memory_space<vmem>>
    %dma_wait3A_1983 = tpu.memref_squeeze %dma_wait3A_1982 : memref<1x32xi32, #tpu.memory_space<vmem>> -> memref<32xi32, #tpu.memory_space<vmem>>
    %dma_wait3A_1984 = arith.constant 0 : i32
    %dma_wait3A_1985 = arith.constant 0 : i32
    %dma_wait3A_1986 = tpu.memref_slice %arg2[%dma_wait3A_1984, %dma_wait3A_1985] : memref<8192x1024xf32, #tpu.memory_space<hbm>> -> memref<8192x1024xf32, #tpu.memory_space<hbm>>
    tpu.wait_indirect_dma semaphore(%arg7 : memref<!tpu.dma_semaphore, #tpu.memory_space<semaphore_mem>>) src(%dma_wait3A_1986 : memref<8192x1024xf32, #tpu.memory_space<hbm>>) dst(%dma_wait3A_1980 : memref<32x1024xf32, #tpu.memory_space<vmem>>)
    %add3A_1987 = arith.constant 768 : i32
    %add3A_1988 = arith.addi %mul3A_2, %add3A_1987 : i32
    %dma_start3A_1989 = arith.constant 0 : i32
    %dma_start3A_1990 = arith.constant 0 : i32
    %dma_start3A_1991 = arith.constant 0 : i32
    %dma_start3A_1992 = tpu.memref_slice %arg6[%dma_start3A_1989, %dma_start3A_1990, %dma_start3A_1991] : memref<3x32x1024xf32, #tpu.memory_space<vmem>> -> memref<1x32x1024xf32, #tpu.memory_space<vmem>>
    %dma_start3A_1993 = tpu.memref_squeeze %dma_start3A_1992 : memref<1x32x1024xf32, #tpu.memory_space<vmem>> -> memref<32x1024xf32, #tpu.memory_space<vmem>>
    %dma_start3A_1994 = arith.constant 0 : i32
    %dma_start3A_1995 = tpu.memref_slice %arg4[%add3A_1988, %dma_start3A_1994] : memref<32768x1024xf32, #tpu.memory_space<hbm>> -> memref<32x1024xf32, #tpu.memory_space<hbm>>
    %dma_start3A_1996 = arith.constant 0 : i32
    %dma_start3A_1997 = tpu.memref_slice %arg4[%add3A_1988, %dma_start3A_1996] : memref<32768x1024xf32, #tpu.memory_space<hbm>> -> memref<32x1024xf32, #tpu.memory_space<hbm>>
    %dma_start3A_1998 = arith.constant 0 : i32
    %dma_start3A_1999 = arith.constant 0 : i32
    %dma_start3A_2000 = tpu.memref_slice %arg6[%dma_start3A_1989, %dma_start3A_1998, %dma_start3A_1999] : memref<3x32x1024xf32, #tpu.memory_space<vmem>> -> memref<1x32x1024xf32, #tpu.memory_space<vmem>>
    %dma_start3A_2001 = tpu.memref_squeeze %dma_start3A_2000 : memref<1x32x1024xf32, #tpu.memory_space<vmem>> -> memref<32x1024xf32, #tpu.memory_space<vmem>>
    tpu.enqueue_dma source(%dma_start3A_2001 : memref<32x1024xf32, #tpu.memory_space<vmem>>) target(%dma_start3A_1997 : memref<32x1024xf32, #tpu.memory_space<hbm>>) target_semaphore(%arg10 : memref<!tpu.dma_semaphore, #tpu.memory_space<semaphore_mem>>)
    %dma_wait3A_2002 = arith.constant 0 : i32
    %dma_wait3A_2003 = arith.constant 0 : i32
    %dma_wait3A_2004 = arith.constant 0 : i32
    %dma_wait3A_2005 = tpu.memref_slice %arg6[%dma_wait3A_2002, %dma_wait3A_2003, %dma_wait3A_2004] : memref<3x32x1024xf32, #tpu.memory_space<vmem>> -> memref<1x32x1024xf32, #tpu.memory_space<vmem>>
    %dma_wait3A_2006 = tpu.memref_squeeze %dma_wait3A_2005 : memref<1x32x1024xf32, #tpu.memory_space<vmem>> -> memref<32x1024xf32, #tpu.memory_space<vmem>>
    %dma_wait3A_2007 = arith.constant 0 : i32
    %dma_wait3A_2008 = tpu.memref_slice %arg4[%add3A_1988, %dma_wait3A_2007] : memref<32768x1024xf32, #tpu.memory_space<hbm>> -> memref<32x1024xf32, #tpu.memory_space<hbm>>
    %dma_wait3A_2009 = arith.constant 0 : i32
    %dma_wait3A_2010 = tpu.memref_slice %arg4[%add3A_1988, %dma_wait3A_2009] : memref<32768x1024xf32, #tpu.memory_space<hbm>> -> memref<32x1024xf32, #tpu.memory_space<hbm>>
    %dma_wait3A_2011 = arith.constant 0 : i32
    %dma_wait3A_2012 = arith.constant 0 : i32
    %dma_wait3A_2013 = tpu.memref_slice %arg6[%dma_wait3A_2002, %dma_wait3A_2011, %dma_wait3A_2012] : memref<3x32x1024xf32, #tpu.memory_space<vmem>> -> memref<1x32x1024xf32, #tpu.memory_space<vmem>>
    %dma_wait3A_2014 = tpu.memref_squeeze %dma_wait3A_2013 : memref<1x32x1024xf32, #tpu.memory_space<vmem>> -> memref<32x1024xf32, #tpu.memory_space<vmem>>
    tpu.wait_dma2 semaphore(%arg10 : memref<!tpu.dma_semaphore, #tpu.memory_space<semaphore_mem>>) src(%dma_wait3A_2014 : memref<32x1024xf32, #tpu.memory_space<vmem>>) dst(%dma_wait3A_2010 : memref<32x1024xf32, #tpu.memory_space<hbm>>)
    %dma_start3A_2015 = arith.constant 27 : i32
    %dma_start3A_2016 = arith.constant 0 : i32
    %dma_start3A_2017 = arith.constant 0 : i32
    %dma_start3A_2018 = arith.constant 0 : i32
    %dma_start3A_2019 = tpu.memref_slice %arg6[%dma_start3A_2016, %dma_start3A_2017, %dma_start3A_2018] : memref<3x32x1024xf32, #tpu.memory_space<vmem>> -> memref<1x32x1024xf32, #tpu.memory_space<vmem>>
    %dma_start3A_2020 = tpu.memref_squeeze %dma_start3A_2019 : memref<1x32x1024xf32, #tpu.memory_space<vmem>> -> memref<32x1024xf32, #tpu.memory_space<vmem>>
    %dma_start3A_2021 = arith.constant 0 : i32
    %dma_start3A_2022 = tpu.memref_slice %arg5[%dma_start3A_2015, %dma_start3A_2021] : memref<32x32xi32, #tpu.memory_space<vmem>> -> memref<1x32xi32, #tpu.memory_space<vmem>>
    %dma_start3A_2023 = tpu.memref_squeeze %dma_start3A_2022 : memref<1x32xi32, #tpu.memory_space<vmem>> -> memref<32xi32, #tpu.memory_space<vmem>>
    %dma_start3A_2024 = arith.constant 0 : i32
    %dma_start3A_2025 = arith.constant 0 : i32
    %dma_start3A_2026 = tpu.memref_slice %arg2[%dma_start3A_2024, %dma_start3A_2025] : memref<8192x1024xf32, #tpu.memory_space<hbm>> -> memref<8192x1024xf32, #tpu.memory_space<hbm>>
    tpu.enqueue_indirect_dma source(%dma_start3A_2026 : memref<8192x1024xf32, #tpu.memory_space<hbm>>) target(%dma_start3A_2020 : memref<32x1024xf32, #tpu.memory_space<vmem>>) offsets(%dma_start3A_2023 : memref<32xi32, #tpu.memory_space<vmem>>) semaphore(%arg7 : memref<!tpu.dma_semaphore, #tpu.memory_space<semaphore_mem>>)
    %get3A_2027 = arith.constant 28 : i32
    %get3A_2028 = arith.index_cast %get3A_2027 : i32 to index
    %get3A_2029 = arith.constant 0 : index
    %get3A_2030 = tpu.vector_load %arg5[%get3A_2028, %get3A_2029] {strides = array<i32>} : memref<32x32xi32, #tpu.memory_space<vmem>>, vector<1x16xi32>,
    %get3A_2031 = vector.shape_cast %get3A_2030 : vector<1x16xi32> to vector<16xi32>
    %add3A_2032 = arith.addi %get3A_2031, %broadcast_in_dim3A : vector<16xi32>
    %swap3A_2033 = arith.constant 28 : i32
    %swap3A_2034 = arith.index_cast %swap3A_2033 : i32 to index
    %swap3A_2035 = arith.constant 0 : index
    %swap3A_2036 = tpu.vector_load %arg5[%swap3A_2034, %swap3A_2035] {strides = array<i32>} : memref<32x32xi32, #tpu.memory_space<vmem>>, vector<1x16xi32>,
    %swap3A_2037 = vector.shape_cast %swap3A_2036 : vector<1x16xi32> to vector<16xi32>
    %swap3A_2038 = vector.shape_cast %add3A_2032 : vector<16xi32> to vector<1x16xi32>
    tpu.vector_store %arg5[%swap3A_2034, %swap3A_2035], %swap3A_2038 {strides = array<i32>} : memref<32x32xi32, #tpu.memory_space<vmem>>, vector<1x16xi32>,
    %get3A_2039 = arith.constant 28 : i32
    %get3A_2040 = arith.index_cast %get3A_2039 : i32 to index
    %get3A_2041 = arith.constant 16 : index
    %get3A_2042 = tpu.vector_load %arg5[%get3A_2040, %get3A_2041] {strides = array<i32>} : memref<32x32xi32, #tpu.memory_space<vmem>>, vector<1x16xi32>,
    %get3A_2043 = vector.shape_cast %get3A_2042 : vector<1x16xi32> to vector<16xi32>
    %add3A_2044 = arith.addi %get3A_2043, %broadcast_in_dim3A : vector<16xi32>
    %swap3A_2045 = arith.constant 28 : i32
    %swap3A_2046 = arith.index_cast %swap3A_2045 : i32 to index
    %swap3A_2047 = arith.constant 16 : index
    %swap3A_2048 = tpu.vector_load %arg5[%swap3A_2046, %swap3A_2047] {strides = array<i32>} : memref<32x32xi32, #tpu.memory_space<vmem>>, vector<1x16xi32>,
    %swap3A_2049 = vector.shape_cast %swap3A_2048 : vector<1x16xi32> to vector<16xi32>
    %swap3A_2050 = vector.shape_cast %add3A_2044 : vector<16xi32> to vector<1x16xi32>
    tpu.vector_store %arg5[%swap3A_2046, %swap3A_2047], %swap3A_2050 {strides = array<i32>} : memref<32x32xi32, #tpu.memory_space<vmem>>, vector<1x16xi32>,
    %dma_wait3A_2051 = arith.constant 25 : i32
    %dma_wait3A_2052 = arith.constant 1 : i32
    %dma_wait3A_2053 = arith.constant 0 : i32
    %dma_wait3A_2054 = arith.constant 0 : i32
    %dma_wait3A_2055 = tpu.memref_slice %arg6[%dma_wait3A_2052, %dma_wait3A_2053, %dma_wait3A_2054] : memref<3x32x1024xf32, #tpu.memory_space<vmem>> -> memref<1x32x1024xf32, #tpu.memory_space<vmem>>
    %dma_wait3A_2056 = tpu.memref_squeeze %dma_wait3A_2055 : memref<1x32x1024xf32, #tpu.memory_space<vmem>> -> memref<32x1024xf32, #tpu.memory_space<vmem>>
    %dma_wait3A_2057 = arith.constant 0 : i32
    %dma_wait3A_2058 = tpu.memref_slice %arg5[%dma_wait3A_2051, %dma_wait3A_2057] : memref<32x32xi32, #tpu.memory_space<vmem>> -> memref<1x32xi32, #tpu.memory_space<vmem>>
    %dma_wait3A_2059 = tpu.memref_squeeze %dma_wait3A_2058 : memref<1x32xi32, #tpu.memory_space<vmem>> -> memref<32xi32, #tpu.memory_space<vmem>>
    %dma_wait3A_2060 = arith.constant 0 : i32
    %dma_wait3A_2061 = arith.constant 0 : i32
    %dma_wait3A_2062 = tpu.memref_slice %arg2[%dma_wait3A_2060, %dma_wait3A_2061] : memref<8192x1024xf32, #tpu.memory_space<hbm>> -> memref<8192x1024xf32, #tpu.memory_space<hbm>>
    tpu.wait_indirect_dma semaphore(%arg8 : memref<!tpu.dma_semaphore, #tpu.memory_space<semaphore_mem>>) src(%dma_wait3A_2062 : memref<8192x1024xf32, #tpu.memory_space<hbm>>) dst(%dma_wait3A_2056 : memref<32x1024xf32, #tpu.memory_space<vmem>>)
    %add3A_2063 = arith.constant 800 : i32
    %add3A_2064 = arith.addi %mul3A_2, %add3A_2063 : i32
    %dma_start3A_2065 = arith.constant 1 : i32
    %dma_start3A_2066 = arith.constant 0 : i32
    %dma_start3A_2067 = arith.constant 0 : i32
    %dma_start3A_2068 = tpu.memref_slice %arg6[%dma_start3A_2065, %dma_start3A_2066, %dma_start3A_2067] : memref<3x32x1024xf32, #tpu.memory_space<vmem>> -> memref<1x32x1024xf32, #tpu.memory_space<vmem>>
    %dma_start3A_2069 = tpu.memref_squeeze %dma_start3A_2068 : memref<1x32x1024xf32, #tpu.memory_space<vmem>> -> memref<32x1024xf32, #tpu.memory_space<vmem>>
    %dma_start3A_2070 = arith.constant 0 : i32
    %dma_start3A_2071 = tpu.memref_slice %arg4[%add3A_2064, %dma_start3A_2070] : memref<32768x1024xf32, #tpu.memory_space<hbm>> -> memref<32x1024xf32, #tpu.memory_space<hbm>>
    %dma_start3A_2072 = arith.constant 0 : i32
    %dma_start3A_2073 = tpu.memref_slice %arg4[%add3A_2064, %dma_start3A_2072] : memref<32768x1024xf32, #tpu.memory_space<hbm>> -> memref<32x1024xf32, #tpu.memory_space<hbm>>
    %dma_start3A_2074 = arith.constant 0 : i32
    %dma_start3A_2075 = arith.constant 0 : i32
    %dma_start3A_2076 = tpu.memref_slice %arg6[%dma_start3A_2065, %dma_start3A_2074, %dma_start3A_2075] : memref<3x32x1024xf32, #tpu.memory_space<vmem>> -> memref<1x32x1024xf32, #tpu.memory_space<vmem>>
    %dma_start3A_2077 = tpu.memref_squeeze %dma_start3A_2076 : memref<1x32x1024xf32, #tpu.memory_space<vmem>> -> memref<32x1024xf32, #tpu.memory_space<vmem>>
    tpu.enqueue_dma source(%dma_start3A_2077 : memref<32x1024xf32, #tpu.memory_space<vmem>>) target(%dma_start3A_2073 : memref<32x1024xf32, #tpu.memory_space<hbm>>) target_semaphore(%arg11 : memref<!tpu.dma_semaphore, #tpu.memory_space<semaphore_mem>>)
    %dma_wait3A_2078 = arith.constant 1 : i32
    %dma_wait3A_2079 = arith.constant 0 : i32
    %dma_wait3A_2080 = arith.constant 0 : i32
    %dma_wait3A_2081 = tpu.memref_slice %arg6[%dma_wait3A_2078, %dma_wait3A_2079, %dma_wait3A_2080] : memref<3x32x1024xf32, #tpu.memory_space<vmem>> -> memref<1x32x1024xf32, #tpu.memory_space<vmem>>
    %dma_wait3A_2082 = tpu.memref_squeeze %dma_wait3A_2081 : memref<1x32x1024xf32, #tpu.memory_space<vmem>> -> memref<32x1024xf32, #tpu.memory_space<vmem>>
    %dma_wait3A_2083 = arith.constant 0 : i32
    %dma_wait3A_2084 = tpu.memref_slice %arg4[%add3A_2064, %dma_wait3A_2083] : memref<32768x1024xf32, #tpu.memory_space<hbm>> -> memref<32x1024xf32, #tpu.memory_space<hbm>>
    %dma_wait3A_2085 = arith.constant 0 : i32
    %dma_wait3A_2086 = tpu.memref_slice %arg4[%add3A_2064, %dma_wait3A_2085] : memref<32768x1024xf32, #tpu.memory_space<hbm>> -> memref<32x1024xf32, #tpu.memory_space<hbm>>
    %dma_wait3A_2087 = arith.constant 0 : i32
    %dma_wait3A_2088 = arith.constant 0 : i32
    %dma_wait3A_2089 = tpu.memref_slice %arg6[%dma_wait3A_2078, %dma_wait3A_2087, %dma_wait3A_2088] : memref<3x32x1024xf32, #tpu.memory_space<vmem>> -> memref<1x32x1024xf32, #tpu.memory_space<vmem>>
    %dma_wait3A_2090 = tpu.memref_squeeze %dma_wait3A_2089 : memref<1x32x1024xf32, #tpu.memory_space<vmem>> -> memref<32x1024xf32, #tpu.memory_space<vmem>>
    tpu.wait_dma2 semaphore(%arg11 : memref<!tpu.dma_semaphore, #tpu.memory_space<semaphore_mem>>) src(%dma_wait3A_2090 : memref<32x1024xf32, #tpu.memory_space<vmem>>) dst(%dma_wait3A_2086 : memref<32x1024xf32, #tpu.memory_space<hbm>>)
    %dma_start3A_2091 = arith.constant 28 : i32
    %dma_start3A_2092 = arith.constant 1 : i32
    %dma_start3A_2093 = arith.constant 0 : i32
    %dma_start3A_2094 = arith.constant 0 : i32
    %dma_start3A_2095 = tpu.memref_slice %arg6[%dma_start3A_2092, %dma_start3A_2093, %dma_start3A_2094] : memref<3x32x1024xf32, #tpu.memory_space<vmem>> -> memref<1x32x1024xf32, #tpu.memory_space<vmem>>
    %dma_start3A_2096 = tpu.memref_squeeze %dma_start3A_2095 : memref<1x32x1024xf32, #tpu.memory_space<vmem>> -> memref<32x1024xf32, #tpu.memory_space<vmem>>
    %dma_start3A_2097 = arith.constant 0 : i32
    %dma_start3A_2098 = tpu.memref_slice %arg5[%dma_start3A_2091, %dma_start3A_2097] : memref<32x32xi32, #tpu.memory_space<vmem>> -> memref<1x32xi32, #tpu.memory_space<vmem>>
    %dma_start3A_2099 = tpu.memref_squeeze %dma_start3A_2098 : memref<1x32xi32, #tpu.memory_space<vmem>> -> memref<32xi32, #tpu.memory_space<vmem>>
    %dma_start3A_2100 = arith.constant 0 : i32
    %dma_start3A_2101 = arith.constant 0 : i32
    %dma_start3A_2102 = tpu.memref_slice %arg2[%dma_start3A_2100, %dma_start3A_2101] : memref<8192x1024xf32, #tpu.memory_space<hbm>> -> memref<8192x1024xf32, #tpu.memory_space<hbm>>
    tpu.enqueue_indirect_dma source(%dma_start3A_2102 : memref<8192x1024xf32, #tpu.memory_space<hbm>>) target(%dma_start3A_2096 : memref<32x1024xf32, #tpu.memory_space<vmem>>) offsets(%dma_start3A_2099 : memref<32xi32, #tpu.memory_space<vmem>>) semaphore(%arg8 : memref<!tpu.dma_semaphore, #tpu.memory_space<semaphore_mem>>)
    %get3A_2103 = arith.constant 29 : i32
    %get3A_2104 = arith.index_cast %get3A_2103 : i32 to index
    %get3A_2105 = arith.constant 0 : index
    %get3A_2106 = tpu.vector_load %arg5[%get3A_2104, %get3A_2105] {strides = array<i32>} : memref<32x32xi32, #tpu.memory_space<vmem>>, vector<1x16xi32>,
    %get3A_2107 = vector.shape_cast %get3A_2106 : vector<1x16xi32> to vector<16xi32>
    %add3A_2108 = arith.addi %get3A_2107, %broadcast_in_dim3A : vector<16xi32>
    %swap3A_2109 = arith.constant 29 : i32
    %swap3A_2110 = arith.index_cast %swap3A_2109 : i32 to index
    %swap3A_2111 = arith.constant 0 : index
    %swap3A_2112 = tpu.vector_load %arg5[%swap3A_2110, %swap3A_2111] {strides = array<i32>} : memref<32x32xi32, #tpu.memory_space<vmem>>, vector<1x16xi32>,
    %swap3A_2113 = vector.shape_cast %swap3A_2112 : vector<1x16xi32> to vector<16xi32>
    %swap3A_2114 = vector.shape_cast %add3A_2108 : vector<16xi32> to vector<1x16xi32>
    tpu.vector_store %arg5[%swap3A_2110, %swap3A_2111], %swap3A_2114 {strides = array<i32>} : memref<32x32xi32, #tpu.memory_space<vmem>>, vector<1x16xi32>,
    %get3A_2115 = arith.constant 29 : i32
    %get3A_2116 = arith.index_cast %get3A_2115 : i32 to index
    %get3A_2117 = arith.constant 16 : index
    %get3A_2118 = tpu.vector_load %arg5[%get3A_2116, %get3A_2117] {strides = array<i32>} : memref<32x32xi32, #tpu.memory_space<vmem>>, vector<1x16xi32>,
    %get3A_2119 = vector.shape_cast %get3A_2118 : vector<1x16xi32> to vector<16xi32>
    %add3A_2120 = arith.addi %get3A_2119, %broadcast_in_dim3A : vector<16xi32>
    %swap3A_2121 = arith.constant 29 : i32
    %swap3A_2122 = arith.index_cast %swap3A_2121 : i32 to index
    %swap3A_2123 = arith.constant 16 : index
    %swap3A_2124 = tpu.vector_load %arg5[%swap3A_2122, %swap3A_2123] {strides = array<i32>} : memref<32x32xi32, #tpu.memory_space<vmem>>, vector<1x16xi32>,
    %swap3A_2125 = vector.shape_cast %swap3A_2124 : vector<1x16xi32> to vector<16xi32>
    %swap3A_2126 = vector.shape_cast %add3A_2120 : vector<16xi32> to vector<1x16xi32>
    tpu.vector_store %arg5[%swap3A_2122, %swap3A_2123], %swap3A_2126 {strides = array<i32>} : memref<32x32xi32, #tpu.memory_space<vmem>>, vector<1x16xi32>,
    %dma_wait3A_2127 = arith.constant 26 : i32
    %dma_wait3A_2128 = arith.constant 2 : i32
    %dma_wait3A_2129 = arith.constant 0 : i32
    %dma_wait3A_2130 = arith.constant 0 : i32
    %dma_wait3A_2131 = tpu.memref_slice %arg6[%dma_wait3A_2128, %dma_wait3A_2129, %dma_wait3A_2130] : memref<3x32x1024xf32, #tpu.memory_space<vmem>> -> memref<1x32x1024xf32, #tpu.memory_space<vmem>>
    %dma_wait3A_2132 = tpu.memref_squeeze %dma_wait3A_2131 : memref<1x32x1024xf32, #tpu.memory_space<vmem>> -> memref<32x1024xf32, #tpu.memory_space<vmem>>
    %dma_wait3A_2133 = arith.constant 0 : i32
    %dma_wait3A_2134 = tpu.memref_slice %arg5[%dma_wait3A_2127, %dma_wait3A_2133] : memref<32x32xi32, #tpu.memory_space<vmem>> -> memref<1x32xi32, #tpu.memory_space<vmem>>
    %dma_wait3A_2135 = tpu.memref_squeeze %dma_wait3A_2134 : memref<1x32xi32, #tpu.memory_space<vmem>> -> memref<32xi32, #tpu.memory_space<vmem>>
    %dma_wait3A_2136 = arith.constant 0 : i32
    %dma_wait3A_2137 = arith.constant 0 : i32
    %dma_wait3A_2138 = tpu.memref_slice %arg2[%dma_wait3A_2136, %dma_wait3A_2137] : memref<8192x1024xf32, #tpu.memory_space<hbm>> -> memref<8192x1024xf32, #tpu.memory_space<hbm>>
    tpu.wait_indirect_dma semaphore(%arg9 : memref<!tpu.dma_semaphore, #tpu.memory_space<semaphore_mem>>) src(%dma_wait3A_2138 : memref<8192x1024xf32, #tpu.memory_space<hbm>>) dst(%dma_wait3A_2132 : memref<32x1024xf32, #tpu.memory_space<vmem>>)
    %add3A_2139 = arith.constant 832 : i32
    %add3A_2140 = arith.addi %mul3A_2, %add3A_2139 : i32
    %dma_start3A_2141 = arith.constant 2 : i32
    %dma_start3A_2142 = arith.constant 0 : i32
    %dma_start3A_2143 = arith.constant 0 : i32
    %dma_start3A_2144 = tpu.memref_slice %arg6[%dma_start3A_2141, %dma_start3A_2142, %dma_start3A_2143] : memref<3x32x1024xf32, #tpu.memory_space<vmem>> -> memref<1x32x1024xf32, #tpu.memory_space<vmem>>
    %dma_start3A_2145 = tpu.memref_squeeze %dma_start3A_2144 : memref<1x32x1024xf32, #tpu.memory_space<vmem>> -> memref<32x1024xf32, #tpu.memory_space<vmem>>
    %dma_start3A_2146 = arith.constant 0 : i32
    %dma_start3A_2147 = tpu.memref_slice %arg4[%add3A_2140, %dma_start3A_2146] : memref<32768x1024xf32, #tpu.memory_space<hbm>> -> memref<32x1024xf32, #tpu.memory_space<hbm>>
    %dma_start3A_2148 = arith.constant 0 : i32
    %dma_start3A_2149 = tpu.memref_slice %arg4[%add3A_2140, %dma_start3A_2148] : memref<32768x1024xf32, #tpu.memory_space<hbm>> -> memref<32x1024xf32, #tpu.memory_space<hbm>>
    %dma_start3A_2150 = arith.constant 0 : i32
    %dma_start3A_2151 = arith.constant 0 : i32
    %dma_start3A_2152 = tpu.memref_slice %arg6[%dma_start3A_2141, %dma_start3A_2150, %dma_start3A_2151] : memref<3x32x1024xf32, #tpu.memory_space<vmem>> -> memref<1x32x1024xf32, #tpu.memory_space<vmem>>
    %dma_start3A_2153 = tpu.memref_squeeze %dma_start3A_2152 : memref<1x32x1024xf32, #tpu.memory_space<vmem>> -> memref<32x1024xf32, #tpu.memory_space<vmem>>
    tpu.enqueue_dma source(%dma_start3A_2153 : memref<32x1024xf32, #tpu.memory_space<vmem>>) target(%dma_start3A_2149 : memref<32x1024xf32, #tpu.memory_space<hbm>>) target_semaphore(%arg12 : memref<!tpu.dma_semaphore, #tpu.memory_space<semaphore_mem>>)
    %dma_wait3A_2154 = arith.constant 2 : i32
    %dma_wait3A_2155 = arith.constant 0 : i32
    %dma_wait3A_2156 = arith.constant 0 : i32
    %dma_wait3A_2157 = tpu.memref_slice %arg6[%dma_wait3A_2154, %dma_wait3A_2155, %dma_wait3A_2156] : memref<3x32x1024xf32, #tpu.memory_space<vmem>> -> memref<1x32x1024xf32, #tpu.memory_space<vmem>>
    %dma_wait3A_2158 = tpu.memref_squeeze %dma_wait3A_2157 : memref<1x32x1024xf32, #tpu.memory_space<vmem>> -> memref<32x1024xf32, #tpu.memory_space<vmem>>
    %dma_wait3A_2159 = arith.constant 0 : i32
    %dma_wait3A_2160 = tpu.memref_slice %arg4[%add3A_2140, %dma_wait3A_2159] : memref<32768x1024xf32, #tpu.memory_space<hbm>> -> memref<32x1024xf32, #tpu.memory_space<hbm>>
    %dma_wait3A_2161 = arith.constant 0 : i32
    %dma_wait3A_2162 = tpu.memref_slice %arg4[%add3A_2140, %dma_wait3A_2161] : memref<32768x1024xf32, #tpu.memory_space<hbm>> -> memref<32x1024xf32, #tpu.memory_space<hbm>>
    %dma_wait3A_2163 = arith.constant 0 : i32
    %dma_wait3A_2164 = arith.constant 0 : i32
    %dma_wait3A_2165 = tpu.memref_slice %arg6[%dma_wait3A_2154, %dma_wait3A_2163, %dma_wait3A_2164] : memref<3x32x1024xf32, #tpu.memory_space<vmem>> -> memref<1x32x1024xf32, #tpu.memory_space<vmem>>
    %dma_wait3A_2166 = tpu.memref_squeeze %dma_wait3A_2165 : memref<1x32x1024xf32, #tpu.memory_space<vmem>> -> memref<32x1024xf32, #tpu.memory_space<vmem>>
    tpu.wait_dma2 semaphore(%arg12 : memref<!tpu.dma_semaphore, #tpu.memory_space<semaphore_mem>>) src(%dma_wait3A_2166 : memref<32x1024xf32, #tpu.memory_space<vmem>>) dst(%dma_wait3A_2162 : memref<32x1024xf32, #tpu.memory_space<hbm>>)
    %dma_start3A_2167 = arith.constant 29 : i32
    %dma_start3A_2168 = arith.constant 2 : i32
    %dma_start3A_2169 = arith.constant 0 : i32
    %dma_start3A_2170 = arith.constant 0 : i32
    %dma_start3A_2171 = tpu.memref_slice %arg6[%dma_start3A_2168, %dma_start3A_2169, %dma_start3A_2170] : memref<3x32x1024xf32, #tpu.memory_space<vmem>> -> memref<1x32x1024xf32, #tpu.memory_space<vmem>>
    %dma_start3A_2172 = tpu.memref_squeeze %dma_start3A_2171 : memref<1x32x1024xf32, #tpu.memory_space<vmem>> -> memref<32x1024xf32, #tpu.memory_space<vmem>>
    %dma_start3A_2173 = arith.constant 0 : i32
    %dma_start3A_2174 = tpu.memref_slice %arg5[%dma_start3A_2167, %dma_start3A_2173] : memref<32x32xi32, #tpu.memory_space<vmem>> -> memref<1x32xi32, #tpu.memory_space<vmem>>
    %dma_start3A_2175 = tpu.memref_squeeze %dma_start3A_2174 : memref<1x32xi32, #tpu.memory_space<vmem>> -> memref<32xi32, #tpu.memory_space<vmem>>
    %dma_start3A_2176 = arith.constant 0 : i32
    %dma_start3A_2177 = arith.constant 0 : i32
    %dma_start3A_2178 = tpu.memref_slice %arg2[%dma_start3A_2176, %dma_start3A_2177] : memref<8192x1024xf32, #tpu.memory_space<hbm>> -> memref<8192x1024xf32, #tpu.memory_space<hbm>>
    tpu.enqueue_indirect_dma source(%dma_start3A_2178 : memref<8192x1024xf32, #tpu.memory_space<hbm>>) target(%dma_start3A_2172 : memref<32x1024xf32, #tpu.memory_space<vmem>>) offsets(%dma_start3A_2175 : memref<32xi32, #tpu.memory_space<vmem>>) semaphore(%arg9 : memref<!tpu.dma_semaphore, #tpu.memory_space<semaphore_mem>>)
    %get3A_2179 = arith.constant 30 : i32
    %get3A_2180 = arith.index_cast %get3A_2179 : i32 to index
    %get3A_2181 = arith.constant 0 : index
    %get3A_2182 = tpu.vector_load %arg5[%get3A_2180, %get3A_2181] {strides = array<i32>} : memref<32x32xi32, #tpu.memory_space<vmem>>, vector<1x16xi32>,
    %get3A_2183 = vector.shape_cast %get3A_2182 : vector<1x16xi32> to vector<16xi32>
    %add3A_2184 = arith.addi %get3A_2183, %broadcast_in_dim3A : vector<16xi32>
    %swap3A_2185 = arith.constant 30 : i32
    %swap3A_2186 = arith.index_cast %swap3A_2185 : i32 to index
    %swap3A_2187 = arith.constant 0 : index
    %swap3A_2188 = tpu.vector_load %arg5[%swap3A_2186, %swap3A_2187] {strides = array<i32>} : memref<32x32xi32, #tpu.memory_space<vmem>>, vector<1x16xi32>,
    %swap3A_2189 = vector.shape_cast %swap3A_2188 : vector<1x16xi32> to vector<16xi32>
    %swap3A_2190 = vector.shape_cast %add3A_2184 : vector<16xi32> to vector<1x16xi32>
    tpu.vector_store %arg5[%swap3A_2186, %swap3A_2187], %swap3A_2190 {strides = array<i32>} : memref<32x32xi32, #tpu.memory_space<vmem>>, vector<1x16xi32>,
    %get3A_2191 = arith.constant 30 : i32
    %get3A_2192 = arith.index_cast %get3A_2191 : i32 to index
    %get3A_2193 = arith.constant 16 : index
    %get3A_2194 = tpu.vector_load %arg5[%get3A_2192, %get3A_2193] {strides = array<i32>} : memref<32x32xi32, #tpu.memory_space<vmem>>, vector<1x16xi32>,
    %get3A_2195 = vector.shape_cast %get3A_2194 : vector<1x16xi32> to vector<16xi32>
    %add3A_2196 = arith.addi %get3A_2195, %broadcast_in_dim3A : vector<16xi32>
    %swap3A_2197 = arith.constant 30 : i32
    %swap3A_2198 = arith.index_cast %swap3A_2197 : i32 to index
    %swap3A_2199 = arith.constant 16 : index
    %swap3A_2200 = tpu.vector_load %arg5[%swap3A_2198, %swap3A_2199] {strides = array<i32>} : memref<32x32xi32, #tpu.memory_space<vmem>>, vector<1x16xi32>,
    %swap3A_2201 = vector.shape_cast %swap3A_2200 : vector<1x16xi32> to vector<16xi32>
    %swap3A_2202 = vector.shape_cast %add3A_2196 : vector<16xi32> to vector<1x16xi32>
    tpu.vector_store %arg5[%swap3A_2198, %swap3A_2199], %swap3A_2202 {strides = array<i32>} : memref<32x32xi32, #tpu.memory_space<vmem>>, vector<1x16xi32>,
    %dma_wait3A_2203 = arith.constant 27 : i32
    %dma_wait3A_2204 = arith.constant 0 : i32
    %dma_wait3A_2205 = arith.constant 0 : i32
    %dma_wait3A_2206 = arith.constant 0 : i32
    %dma_wait3A_2207 = tpu.memref_slice %arg6[%dma_wait3A_2204, %dma_wait3A_2205, %dma_wait3A_2206] : memref<3x32x1024xf32, #tpu.memory_space<vmem>> -> memref<1x32x1024xf32, #tpu.memory_space<vmem>>
    %dma_wait3A_2208 = tpu.memref_squeeze %dma_wait3A_2207 : memref<1x32x1024xf32, #tpu.memory_space<vmem>> -> memref<32x1024xf32, #tpu.memory_space<vmem>>
    %dma_wait3A_2209 = arith.constant 0 : i32
    %dma_wait3A_2210 = tpu.memref_slice %arg5[%dma_wait3A_2203, %dma_wait3A_2209] : memref<32x32xi32, #tpu.memory_space<vmem>> -> memref<1x32xi32, #tpu.memory_space<vmem>>
    %dma_wait3A_2211 = tpu.memref_squeeze %dma_wait3A_2210 : memref<1x32xi32, #tpu.memory_space<vmem>> -> memref<32xi32, #tpu.memory_space<vmem>>
    %dma_wait3A_2212 = arith.constant 0 : i32
    %dma_wait3A_2213 = arith.constant 0 : i32
    %dma_wait3A_2214 = tpu.memref_slice %arg2[%dma_wait3A_2212, %dma_wait3A_2213] : memref<8192x1024xf32, #tpu.memory_space<hbm>> -> memref<8192x1024xf32, #tpu.memory_space<hbm>>
    tpu.wait_indirect_dma semaphore(%arg7 : memref<!tpu.dma_semaphore, #tpu.memory_space<semaphore_mem>>) src(%dma_wait3A_2214 : memref<8192x1024xf32, #tpu.memory_space<hbm>>) dst(%dma_wait3A_2208 : memref<32x1024xf32, #tpu.memory_space<vmem>>)
    %add3A_2215 = arith.constant 864 : i32
    %add3A_2216 = arith.addi %mul3A_2, %add3A_2215 : i32
    %dma_start3A_2217 = arith.constant 0 : i32
    %dma_start3A_2218 = arith.constant 0 : i32
    %dma_start3A_2219 = arith.constant 0 : i32
    %dma_start3A_2220 = tpu.memref_slice %arg6[%dma_start3A_2217, %dma_start3A_2218, %dma_start3A_2219] : memref<3x32x1024xf32, #tpu.memory_space<vmem>> -> memref<1x32x1024xf32, #tpu.memory_space<vmem>>
    %dma_start3A_2221 = tpu.memref_squeeze %dma_start3A_2220 : memref<1x32x1024xf32, #tpu.memory_space<vmem>> -> memref<32x1024xf32, #tpu.memory_space<vmem>>
    %dma_start3A_2222 = arith.constant 0 : i32
    %dma_start3A_2223 = tpu.memref_slice %arg4[%add3A_2216, %dma_start3A_2222] : memref<32768x1024xf32, #tpu.memory_space<hbm>> -> memref<32x1024xf32, #tpu.memory_space<hbm>>
    %dma_start3A_2224 = arith.constant 0 : i32
    %dma_start3A_2225 = tpu.memref_slice %arg4[%add3A_2216, %dma_start3A_2224] : memref<32768x1024xf32, #tpu.memory_space<hbm>> -> memref<32x1024xf32, #tpu.memory_space<hbm>>
    %dma_start3A_2226 = arith.constant 0 : i32
    %dma_start3A_2227 = arith.constant 0 : i32
    %dma_start3A_2228 = tpu.memref_slice %arg6[%dma_start3A_2217, %dma_start3A_2226, %dma_start3A_2227] : memref<3x32x1024xf32, #tpu.memory_space<vmem>> -> memref<1x32x1024xf32, #tpu.memory_space<vmem>>
    %dma_start3A_2229 = tpu.memref_squeeze %dma_start3A_2228 : memref<1x32x1024xf32, #tpu.memory_space<vmem>> -> memref<32x1024xf32, #tpu.memory_space<vmem>>
    tpu.enqueue_dma source(%dma_start3A_2229 : memref<32x1024xf32, #tpu.memory_space<vmem>>) target(%dma_start3A_2225 : memref<32x1024xf32, #tpu.memory_space<hbm>>) target_semaphore(%arg10 : memref<!tpu.dma_semaphore, #tpu.memory_space<semaphore_mem>>)
    %dma_wait3A_2230 = arith.constant 0 : i32
    %dma_wait3A_2231 = arith.constant 0 : i32
    %dma_wait3A_2232 = arith.constant 0 : i32
    %dma_wait3A_2233 = tpu.memref_slice %arg6[%dma_wait3A_2230, %dma_wait3A_2231, %dma_wait3A_2232] : memref<3x32x1024xf32, #tpu.memory_space<vmem>> -> memref<1x32x1024xf32, #tpu.memory_space<vmem>>
    %dma_wait3A_2234 = tpu.memref_squeeze %dma_wait3A_2233 : memref<1x32x1024xf32, #tpu.memory_space<vmem>> -> memref<32x1024xf32, #tpu.memory_space<vmem>>
    %dma_wait3A_2235 = arith.constant 0 : i32
    %dma_wait3A_2236 = tpu.memref_slice %arg4[%add3A_2216, %dma_wait3A_2235] : memref<32768x1024xf32, #tpu.memory_space<hbm>> -> memref<32x1024xf32, #tpu.memory_space<hbm>>
    %dma_wait3A_2237 = arith.constant 0 : i32
    %dma_wait3A_2238 = tpu.memref_slice %arg4[%add3A_2216, %dma_wait3A_2237] : memref<32768x1024xf32, #tpu.memory_space<hbm>> -> memref<32x1024xf32, #tpu.memory_space<hbm>>
    %dma_wait3A_2239 = arith.constant 0 : i32
    %dma_wait3A_2240 = arith.constant 0 : i32
    %dma_wait3A_2241 = tpu.memref_slice %arg6[%dma_wait3A_2230, %dma_wait3A_2239, %dma_wait3A_2240] : memref<3x32x1024xf32, #tpu.memory_space<vmem>> -> memref<1x32x1024xf32, #tpu.memory_space<vmem>>
    %dma_wait3A_2242 = tpu.memref_squeeze %dma_wait3A_2241 : memref<1x32x1024xf32, #tpu.memory_space<vmem>> -> memref<32x1024xf32, #tpu.memory_space<vmem>>
    tpu.wait_dma2 semaphore(%arg10 : memref<!tpu.dma_semaphore, #tpu.memory_space<semaphore_mem>>) src(%dma_wait3A_2242 : memref<32x1024xf32, #tpu.memory_space<vmem>>) dst(%dma_wait3A_2238 : memref<32x1024xf32, #tpu.memory_space<hbm>>)
    %dma_start3A_2243 = arith.constant 30 : i32
    %dma_start3A_2244 = arith.constant 0 : i32
    %dma_start3A_2245 = arith.constant 0 : i32
    %dma_start3A_2246 = arith.constant 0 : i32
    %dma_start3A_2247 = tpu.memref_slice %arg6[%dma_start3A_2244, %dma_start3A_2245, %dma_start3A_2246] : memref<3x32x1024xf32, #tpu.memory_space<vmem>> -> memref<1x32x1024xf32, #tpu.memory_space<vmem>>
    %dma_start3A_2248 = tpu.memref_squeeze %dma_start3A_2247 : memref<1x32x1024xf32, #tpu.memory_space<vmem>> -> memref<32x1024xf32, #tpu.memory_space<vmem>>
    %dma_start3A_2249 = arith.constant 0 : i32
    %dma_start3A_2250 = tpu.memref_slice %arg5[%dma_start3A_2243, %dma_start3A_2249] : memref<32x32xi32, #tpu.memory_space<vmem>> -> memref<1x32xi32, #tpu.memory_space<vmem>>
    %dma_start3A_2251 = tpu.memref_squeeze %dma_start3A_2250 : memref<1x32xi32, #tpu.memory_space<vmem>> -> memref<32xi32, #tpu.memory_space<vmem>>
    %dma_start3A_2252 = arith.constant 0 : i32
    %dma_start3A_2253 = arith.constant 0 : i32
    %dma_start3A_2254 = tpu.memref_slice %arg2[%dma_start3A_2252, %dma_start3A_2253] : memref<8192x1024xf32, #tpu.memory_space<hbm>> -> memref<8192x1024xf32, #tpu.memory_space<hbm>>
    tpu.enqueue_indirect_dma source(%dma_start3A_2254 : memref<8192x1024xf32, #tpu.memory_space<hbm>>) target(%dma_start3A_2248 : memref<32x1024xf32, #tpu.memory_space<vmem>>) offsets(%dma_start3A_2251 : memref<32xi32, #tpu.memory_space<vmem>>) semaphore(%arg7 : memref<!tpu.dma_semaphore, #tpu.memory_space<semaphore_mem>>)
    %get3A_2255 = arith.constant 31 : i32
    %get3A_2256 = arith.index_cast %get3A_2255 : i32 to index
    %get3A_2257 = arith.constant 0 : index
    %get3A_2258 = tpu.vector_load %arg5[%get3A_2256, %get3A_2257] {strides = array<i32>} : memref<32x32xi32, #tpu.memory_space<vmem>>, vector<1x16xi32>,
    %get3A_2259 = vector.shape_cast %get3A_2258 : vector<1x16xi32> to vector<16xi32>
    %add3A_2260 = arith.addi %get3A_2259, %broadcast_in_dim3A : vector<16xi32>
    %swap3A_2261 = arith.constant 31 : i32
    %swap3A_2262 = arith.index_cast %swap3A_2261 : i32 to index
    %swap3A_2263 = arith.constant 0 : index
    %swap3A_2264 = tpu.vector_load %arg5[%swap3A_2262, %swap3A_2263] {strides = array<i32>} : memref<32x32xi32, #tpu.memory_space<vmem>>, vector<1x16xi32>,
    %swap3A_2265 = vector.shape_cast %swap3A_2264 : vector<1x16xi32> to vector<16xi32>
    %swap3A_2266 = vector.shape_cast %add3A_2260 : vector<16xi32> to vector<1x16xi32>
    tpu.vector_store %arg5[%swap3A_2262, %swap3A_2263], %swap3A_2266 {strides = array<i32>} : memref<32x32xi32, #tpu.memory_space<vmem>>, vector<1x16xi32>,
    %get3A_2267 = arith.constant 31 : i32
    %get3A_2268 = arith.index_cast %get3A_2267 : i32 to index
    %get3A_2269 = arith.constant 16 : index
    %get3A_2270 = tpu.vector_load %arg5[%get3A_2268, %get3A_2269] {strides = array<i32>} : memref<32x32xi32, #tpu.memory_space<vmem>>, vector<1x16xi32>,
    %get3A_2271 = vector.shape_cast %get3A_2270 : vector<1x16xi32> to vector<16xi32>
    %add3A_2272 = arith.addi %get3A_2271, %broadcast_in_dim3A : vector<16xi32>
    %swap3A_2273 = arith.constant 31 : i32
    %swap3A_2274 = arith.index_cast %swap3A_2273 : i32 to index
    %swap3A_2275 = arith.constant 16 : index
    %swap3A_2276 = tpu.vector_load %arg5[%swap3A_2274, %swap3A_2275] {strides = array<i32>} : memref<32x32xi32, #tpu.memory_space<vmem>>, vector<1x16xi32>,
    %swap3A_2277 = vector.shape_cast %swap3A_2276 : vector<1x16xi32> to vector<16xi32>
    %swap3A_2278 = vector.shape_cast %add3A_2272 : vector<16xi32> to vector<1x16xi32>
    tpu.vector_store %arg5[%swap3A_2274, %swap3A_2275], %swap3A_2278 {strides = array<i32>} : memref<32x32xi32, #tpu.memory_space<vmem>>, vector<1x16xi32>,
    %dma_wait3A_2279 = arith.constant 28 : i32
    %dma_wait3A_2280 = arith.constant 1 : i32
    %dma_wait3A_2281 = arith.constant 0 : i32
    %dma_wait3A_2282 = arith.constant 0 : i32
    %dma_wait3A_2283 = tpu.memref_slice %arg6[%dma_wait3A_2280, %dma_wait3A_2281, %dma_wait3A_2282] : memref<3x32x1024xf32, #tpu.memory_space<vmem>> -> memref<1x32x1024xf32, #tpu.memory_space<vmem>>
    %dma_wait3A_2284 = tpu.memref_squeeze %dma_wait3A_2283 : memref<1x32x1024xf32, #tpu.memory_space<vmem>> -> memref<32x1024xf32, #tpu.memory_space<vmem>>
    %dma_wait3A_2285 = arith.constant 0 : i32
    %dma_wait3A_2286 = tpu.memref_slice %arg5[%dma_wait3A_2279, %dma_wait3A_2285] : memref<32x32xi32, #tpu.memory_space<vmem>> -> memref<1x32xi32, #tpu.memory_space<vmem>>
    %dma_wait3A_2287 = tpu.memref_squeeze %dma_wait3A_2286 : memref<1x32xi32, #tpu.memory_space<vmem>> -> memref<32xi32, #tpu.memory_space<vmem>>
    %dma_wait3A_2288 = arith.constant 0 : i32
    %dma_wait3A_2289 = arith.constant 0 : i32
    %dma_wait3A_2290 = tpu.memref_slice %arg2[%dma_wait3A_2288, %dma_wait3A_2289] : memref<8192x1024xf32, #tpu.memory_space<hbm>> -> memref<8192x1024xf32, #tpu.memory_space<hbm>>
    tpu.wait_indirect_dma semaphore(%arg8 : memref<!tpu.dma_semaphore, #tpu.memory_space<semaphore_mem>>) src(%dma_wait3A_2290 : memref<8192x1024xf32, #tpu.memory_space<hbm>>) dst(%dma_wait3A_2284 : memref<32x1024xf32, #tpu.memory_space<vmem>>)
    %add3A_2291 = arith.constant 896 : i32
    %add3A_2292 = arith.addi %mul3A_2, %add3A_2291 : i32
    %dma_start3A_2293 = arith.constant 1 : i32
    %dma_start3A_2294 = arith.constant 0 : i32
    %dma_start3A_2295 = arith.constant 0 : i32
    %dma_start3A_2296 = tpu.memref_slice %arg6[%dma_start3A_2293, %dma_start3A_2294, %dma_start3A_2295] : memref<3x32x1024xf32, #tpu.memory_space<vmem>> -> memref<1x32x1024xf32, #tpu.memory_space<vmem>>
    %dma_start3A_2297 = tpu.memref_squeeze %dma_start3A_2296 : memref<1x32x1024xf32, #tpu.memory_space<vmem>> -> memref<32x1024xf32, #tpu.memory_space<vmem>>
    %dma_start3A_2298 = arith.constant 0 : i32
    %dma_start3A_2299 = tpu.memref_slice %arg4[%add3A_2292, %dma_start3A_2298] : memref<32768x1024xf32, #tpu.memory_space<hbm>> -> memref<32x1024xf32, #tpu.memory_space<hbm>>
    %dma_start3A_2300 = arith.constant 0 : i32
    %dma_start3A_2301 = tpu.memref_slice %arg4[%add3A_2292, %dma_start3A_2300] : memref<32768x1024xf32, #tpu.memory_space<hbm>> -> memref<32x1024xf32, #tpu.memory_space<hbm>>
    %dma_start3A_2302 = arith.constant 0 : i32
    %dma_start3A_2303 = arith.constant 0 : i32
    %dma_start3A_2304 = tpu.memref_slice %arg6[%dma_start3A_2293, %dma_start3A_2302, %dma_start3A_2303] : memref<3x32x1024xf32, #tpu.memory_space<vmem>> -> memref<1x32x1024xf32, #tpu.memory_space<vmem>>
    %dma_start3A_2305 = tpu.memref_squeeze %dma_start3A_2304 : memref<1x32x1024xf32, #tpu.memory_space<vmem>> -> memref<32x1024xf32, #tpu.memory_space<vmem>>
    tpu.enqueue_dma source(%dma_start3A_2305 : memref<32x1024xf32, #tpu.memory_space<vmem>>) target(%dma_start3A_2301 : memref<32x1024xf32, #tpu.memory_space<hbm>>) target_semaphore(%arg11 : memref<!tpu.dma_semaphore, #tpu.memory_space<semaphore_mem>>)
    %dma_wait3A_2306 = arith.constant 1 : i32
    %dma_wait3A_2307 = arith.constant 0 : i32
    %dma_wait3A_2308 = arith.constant 0 : i32
    %dma_wait3A_2309 = tpu.memref_slice %arg6[%dma_wait3A_2306, %dma_wait3A_2307, %dma_wait3A_2308] : memref<3x32x1024xf32, #tpu.memory_space<vmem>> -> memref<1x32x1024xf32, #tpu.memory_space<vmem>>
    %dma_wait3A_2310 = tpu.memref_squeeze %dma_wait3A_2309 : memref<1x32x1024xf32, #tpu.memory_space<vmem>> -> memref<32x1024xf32, #tpu.memory_space<vmem>>
    %dma_wait3A_2311 = arith.constant 0 : i32
    %dma_wait3A_2312 = tpu.memref_slice %arg4[%add3A_2292, %dma_wait3A_2311] : memref<32768x1024xf32, #tpu.memory_space<hbm>> -> memref<32x1024xf32, #tpu.memory_space<hbm>>
    %dma_wait3A_2313 = arith.constant 0 : i32
    %dma_wait3A_2314 = tpu.memref_slice %arg4[%add3A_2292, %dma_wait3A_2313] : memref<32768x1024xf32, #tpu.memory_space<hbm>> -> memref<32x1024xf32, #tpu.memory_space<hbm>>
    %dma_wait3A_2315 = arith.constant 0 : i32
    %dma_wait3A_2316 = arith.constant 0 : i32
    %dma_wait3A_2317 = tpu.memref_slice %arg6[%dma_wait3A_2306, %dma_wait3A_2315, %dma_wait3A_2316] : memref<3x32x1024xf32, #tpu.memory_space<vmem>> -> memref<1x32x1024xf32, #tpu.memory_space<vmem>>
    %dma_wait3A_2318 = tpu.memref_squeeze %dma_wait3A_2317 : memref<1x32x1024xf32, #tpu.memory_space<vmem>> -> memref<32x1024xf32, #tpu.memory_space<vmem>>
    tpu.wait_dma2 semaphore(%arg11 : memref<!tpu.dma_semaphore, #tpu.memory_space<semaphore_mem>>) src(%dma_wait3A_2318 : memref<32x1024xf32, #tpu.memory_space<vmem>>) dst(%dma_wait3A_2314 : memref<32x1024xf32, #tpu.memory_space<hbm>>)
    %dma_start3A_2319 = arith.constant 31 : i32
    %dma_start3A_2320 = arith.constant 1 : i32
    %dma_start3A_2321 = arith.constant 0 : i32
    %dma_start3A_2322 = arith.constant 0 : i32
    %dma_start3A_2323 = tpu.memref_slice %arg6[%dma_start3A_2320, %dma_start3A_2321, %dma_start3A_2322] : memref<3x32x1024xf32, #tpu.memory_space<vmem>> -> memref<1x32x1024xf32, #tpu.memory_space<vmem>>
    %dma_start3A_2324 = tpu.memref_squeeze %dma_start3A_2323 : memref<1x32x1024xf32, #tpu.memory_space<vmem>> -> memref<32x1024xf32, #tpu.memory_space<vmem>>
    %dma_start3A_2325 = arith.constant 0 : i32
    %dma_start3A_2326 = tpu.memref_slice %arg5[%dma_start3A_2319, %dma_start3A_2325] : memref<32x32xi32, #tpu.memory_space<vmem>> -> memref<1x32xi32, #tpu.memory_space<vmem>>
    %dma_start3A_2327 = tpu.memref_squeeze %dma_start3A_2326 : memref<1x32xi32, #tpu.memory_space<vmem>> -> memref<32xi32, #tpu.memory_space<vmem>>
    %dma_start3A_2328 = arith.constant 0 : i32
    %dma_start3A_2329 = arith.constant 0 : i32
    %dma_start3A_2330 = tpu.memref_slice %arg2[%dma_start3A_2328, %dma_start3A_2329] : memref<8192x1024xf32, #tpu.memory_space<hbm>> -> memref<8192x1024xf32, #tpu.memory_space<hbm>>
    tpu.enqueue_indirect_dma source(%dma_start3A_2330 : memref<8192x1024xf32, #tpu.memory_space<hbm>>) target(%dma_start3A_2324 : memref<32x1024xf32, #tpu.memory_space<vmem>>) offsets(%dma_start3A_2327 : memref<32xi32, #tpu.memory_space<vmem>>) semaphore(%arg8 : memref<!tpu.dma_semaphore, #tpu.memory_space<semaphore_mem>>)
    %dma_wait3A_2331 = arith.constant 29 : i32
    %dma_wait3A_2332 = arith.constant 2 : i32
    %dma_wait3A_2333 = arith.constant 0 : i32
    %dma_wait3A_2334 = arith.constant 0 : i32
    %dma_wait3A_2335 = tpu.memref_slice %arg6[%dma_wait3A_2332, %dma_wait3A_2333, %dma_wait3A_2334] : memref<3x32x1024xf32, #tpu.memory_space<vmem>> -> memref<1x32x1024xf32, #tpu.memory_space<vmem>>
    %dma_wait3A_2336 = tpu.memref_squeeze %dma_wait3A_2335 : memref<1x32x1024xf32, #tpu.memory_space<vmem>> -> memref<32x1024xf32, #tpu.memory_space<vmem>>
    %dma_wait3A_2337 = arith.constant 0 : i32
    %dma_wait3A_2338 = tpu.memref_slice %arg5[%dma_wait3A_2331, %dma_wait3A_2337] : memref<32x32xi32, #tpu.memory_space<vmem>> -> memref<1x32xi32, #tpu.memory_space<vmem>>
    %dma_wait3A_2339 = tpu.memref_squeeze %dma_wait3A_2338 : memref<1x32xi32, #tpu.memory_space<vmem>> -> memref<32xi32, #tpu.memory_space<vmem>>
    %dma_wait3A_2340 = arith.constant 0 : i32
    %dma_wait3A_2341 = arith.constant 0 : i32
    %dma_wait3A_2342 = tpu.memref_slice %arg2[%dma_wait3A_2340, %dma_wait3A_2341] : memref<8192x1024xf32, #tpu.memory_space<hbm>> -> memref<8192x1024xf32, #tpu.memory_space<hbm>>
    tpu.wait_indirect_dma semaphore(%arg9 : memref<!tpu.dma_semaphore, #tpu.memory_space<semaphore_mem>>) src(%dma_wait3A_2342 : memref<8192x1024xf32, #tpu.memory_space<hbm>>) dst(%dma_wait3A_2336 : memref<32x1024xf32, #tpu.memory_space<vmem>>)
    %add3A_2343 = arith.constant 928 : i32
    %add3A_2344 = arith.addi %mul3A_2, %add3A_2343 : i32
    %dma_start3A_2345 = arith.constant 2 : i32
    %dma_start3A_2346 = arith.constant 0 : i32
    %dma_start3A_2347 = arith.constant 0 : i32
    %dma_start3A_2348 = tpu.memref_slice %arg6[%dma_start3A_2345, %dma_start3A_2346, %dma_start3A_2347] : memref<3x32x1024xf32, #tpu.memory_space<vmem>> -> memref<1x32x1024xf32, #tpu.memory_space<vmem>>
    %dma_start3A_2349 = tpu.memref_squeeze %dma_start3A_2348 : memref<1x32x1024xf32, #tpu.memory_space<vmem>> -> memref<32x1024xf32, #tpu.memory_space<vmem>>
    %dma_start3A_2350 = arith.constant 0 : i32
    %dma_start3A_2351 = tpu.memref_slice %arg4[%add3A_2344, %dma_start3A_2350] : memref<32768x1024xf32, #tpu.memory_space<hbm>> -> memref<32x1024xf32, #tpu.memory_space<hbm>>
    %dma_start3A_2352 = arith.constant 0 : i32
    %dma_start3A_2353 = tpu.memref_slice %arg4[%add3A_2344, %dma_start3A_2352] : memref<32768x1024xf32, #tpu.memory_space<hbm>> -> memref<32x1024xf32, #tpu.memory_space<hbm>>
    %dma_start3A_2354 = arith.constant 0 : i32
    %dma_start3A_2355 = arith.constant 0 : i32
    %dma_start3A_2356 = tpu.memref_slice %arg6[%dma_start3A_2345, %dma_start3A_2354, %dma_start3A_2355] : memref<3x32x1024xf32, #tpu.memory_space<vmem>> -> memref<1x32x1024xf32, #tpu.memory_space<vmem>>
    %dma_start3A_2357 = tpu.memref_squeeze %dma_start3A_2356 : memref<1x32x1024xf32, #tpu.memory_space<vmem>> -> memref<32x1024xf32, #tpu.memory_space<vmem>>
    tpu.enqueue_dma source(%dma_start3A_2357 : memref<32x1024xf32, #tpu.memory_space<vmem>>) target(%dma_start3A_2353 : memref<32x1024xf32, #tpu.memory_space<hbm>>) target_semaphore(%arg12 : memref<!tpu.dma_semaphore, #tpu.memory_space<semaphore_mem>>)
    %dma_wait3A_2358 = arith.constant 30 : i32
    %dma_wait3A_2359 = arith.constant 0 : i32
    %dma_wait3A_2360 = arith.constant 0 : i32
    %dma_wait3A_2361 = arith.constant 0 : i32
    %dma_wait3A_2362 = tpu.memref_slice %arg6[%dma_wait3A_2359, %dma_wait3A_2360, %dma_wait3A_2361] : memref<3x32x1024xf32, #tpu.memory_space<vmem>> -> memref<1x32x1024xf32, #tpu.memory_space<vmem>>
    %dma_wait3A_2363 = tpu.memref_squeeze %dma_wait3A_2362 : memref<1x32x1024xf32, #tpu.memory_space<vmem>> -> memref<32x1024xf32, #tpu.memory_space<vmem>>
    %dma_wait3A_2364 = arith.constant 0 : i32
    %dma_wait3A_2365 = tpu.memref_slice %arg5[%dma_wait3A_2358, %dma_wait3A_2364] : memref<32x32xi32, #tpu.memory_space<vmem>> -> memref<1x32xi32, #tpu.memory_space<vmem>>
    %dma_wait3A_2366 = tpu.memref_squeeze %dma_wait3A_2365 : memref<1x32xi32, #tpu.memory_space<vmem>> -> memref<32xi32, #tpu.memory_space<vmem>>
    %dma_wait3A_2367 = arith.constant 0 : i32
    %dma_wait3A_2368 = arith.constant 0 : i32
    %dma_wait3A_2369 = tpu.memref_slice %arg2[%dma_wait3A_2367, %dma_wait3A_2368] : memref<8192x1024xf32, #tpu.memory_space<hbm>> -> memref<8192x1024xf32, #tpu.memory_space<hbm>>
    tpu.wait_indirect_dma semaphore(%arg7 : memref<!tpu.dma_semaphore, #tpu.memory_space<semaphore_mem>>) src(%dma_wait3A_2369 : memref<8192x1024xf32, #tpu.memory_space<hbm>>) dst(%dma_wait3A_2363 : memref<32x1024xf32, #tpu.memory_space<vmem>>)
    %add3A_2370 = arith.constant 960 : i32
    %add3A_2371 = arith.addi %mul3A_2, %add3A_2370 : i32
    %dma_start3A_2372 = arith.constant 0 : i32
    %dma_start3A_2373 = arith.constant 0 : i32
    %dma_start3A_2374 = arith.constant 0 : i32
    %dma_start3A_2375 = tpu.memref_slice %arg6[%dma_start3A_2372, %dma_start3A_2373, %dma_start3A_2374] : memref<3x32x1024xf32, #tpu.memory_space<vmem>> -> memref<1x32x1024xf32, #tpu.memory_space<vmem>>
    %dma_start3A_2376 = tpu.memref_squeeze %dma_start3A_2375 : memref<1x32x1024xf32, #tpu.memory_space<vmem>> -> memref<32x1024xf32, #tpu.memory_space<vmem>>
    %dma_start3A_2377 = arith.constant 0 : i32
    %dma_start3A_2378 = tpu.memref_slice %arg4[%add3A_2371, %dma_start3A_2377] : memref<32768x1024xf32, #tpu.memory_space<hbm>> -> memref<32x1024xf32, #tpu.memory_space<hbm>>
    %dma_start3A_2379 = arith.constant 0 : i32
    %dma_start3A_2380 = tpu.memref_slice %arg4[%add3A_2371, %dma_start3A_2379] : memref<32768x1024xf32, #tpu.memory_space<hbm>> -> memref<32x1024xf32, #tpu.memory_space<hbm>>
    %dma_start3A_2381 = arith.constant 0 : i32
    %dma_start3A_2382 = arith.constant 0 : i32
    %dma_start3A_2383 = tpu.memref_slice %arg6[%dma_start3A_2372, %dma_start3A_2381, %dma_start3A_2382] : memref<3x32x1024xf32, #tpu.memory_space<vmem>> -> memref<1x32x1024xf32, #tpu.memory_space<vmem>>
    %dma_start3A_2384 = tpu.memref_squeeze %dma_start3A_2383 : memref<1x32x1024xf32, #tpu.memory_space<vmem>> -> memref<32x1024xf32, #tpu.memory_space<vmem>>
    tpu.enqueue_dma source(%dma_start3A_2384 : memref<32x1024xf32, #tpu.memory_space<vmem>>) target(%dma_start3A_2380 : memref<32x1024xf32, #tpu.memory_space<hbm>>) target_semaphore(%arg10 : memref<!tpu.dma_semaphore, #tpu.memory_space<semaphore_mem>>)
    %dma_wait3A_2385 = arith.constant 31 : i32
    %dma_wait3A_2386 = arith.constant 1 : i32
    %dma_wait3A_2387 = arith.constant 0 : i32
    %dma_wait3A_2388 = arith.constant 0 : i32
    %dma_wait3A_2389 = tpu.memref_slice %arg6[%dma_wait3A_2386, %dma_wait3A_2387, %dma_wait3A_2388] : memref<3x32x1024xf32, #tpu.memory_space<vmem>> -> memref<1x32x1024xf32, #tpu.memory_space<vmem>>
    %dma_wait3A_2390 = tpu.memref_squeeze %dma_wait3A_2389 : memref<1x32x1024xf32, #tpu.memory_space<vmem>> -> memref<32x1024xf32, #tpu.memory_space<vmem>>
    %dma_wait3A_2391 = arith.constant 0 : i32
    %dma_wait3A_2392 = tpu.memref_slice %arg5[%dma_wait3A_2385, %dma_wait3A_2391] : memref<32x32xi32, #tpu.memory_space<vmem>> -> memref<1x32xi32, #tpu.memory_space<vmem>>
    %dma_wait3A_2393 = tpu.memref_squeeze %dma_wait3A_2392 : memref<1x32xi32, #tpu.memory_space<vmem>> -> memref<32xi32, #tpu.memory_space<vmem>>
    %dma_wait3A_2394 = arith.constant 0 : i32
    %dma_wait3A_2395 = arith.constant 0 : i32
    %dma_wait3A_2396 = tpu.memref_slice %arg2[%dma_wait3A_2394, %dma_wait3A_2395] : memref<8192x1024xf32, #tpu.memory_space<hbm>> -> memref<8192x1024xf32, #tpu.memory_space<hbm>>
    tpu.wait_indirect_dma semaphore(%arg8 : memref<!tpu.dma_semaphore, #tpu.memory_space<semaphore_mem>>) src(%dma_wait3A_2396 : memref<8192x1024xf32, #tpu.memory_space<hbm>>) dst(%dma_wait3A_2390 : memref<32x1024xf32, #tpu.memory_space<vmem>>)
    %add3A_2397 = arith.constant 992 : i32
    %add3A_2398 = arith.addi %mul3A_2, %add3A_2397 : i32
    %dma_start3A_2399 = arith.constant 1 : i32
    %dma_start3A_2400 = arith.constant 0 : i32
    %dma_start3A_2401 = arith.constant 0 : i32
    %dma_start3A_2402 = tpu.memref_slice %arg6[%dma_start3A_2399, %dma_start3A_2400, %dma_start3A_2401] : memref<3x32x1024xf32, #tpu.memory_space<vmem>> -> memref<1x32x1024xf32, #tpu.memory_space<vmem>>
    %dma_start3A_2403 = tpu.memref_squeeze %dma_start3A_2402 : memref<1x32x1024xf32, #tpu.memory_space<vmem>> -> memref<32x1024xf32, #tpu.memory_space<vmem>>
    %dma_start3A_2404 = arith.constant 0 : i32
    %dma_start3A_2405 = tpu.memref_slice %arg4[%add3A_2398, %dma_start3A_2404] : memref<32768x1024xf32, #tpu.memory_space<hbm>> -> memref<32x1024xf32, #tpu.memory_space<hbm>>
    %dma_start3A_2406 = arith.constant 0 : i32
    %dma_start3A_2407 = tpu.memref_slice %arg4[%add3A_2398, %dma_start3A_2406] : memref<32768x1024xf32, #tpu.memory_space<hbm>> -> memref<32x1024xf32, #tpu.memory_space<hbm>>
    %dma_start3A_2408 = arith.constant 0 : i32
    %dma_start3A_2409 = arith.constant 0 : i32
    %dma_start3A_2410 = tpu.memref_slice %arg6[%dma_start3A_2399, %dma_start3A_2408, %dma_start3A_2409] : memref<3x32x1024xf32, #tpu.memory_space<vmem>> -> memref<1x32x1024xf32, #tpu.memory_space<vmem>>
    %dma_start3A_2411 = tpu.memref_squeeze %dma_start3A_2410 : memref<1x32x1024xf32, #tpu.memory_space<vmem>> -> memref<32x1024xf32, #tpu.memory_space<vmem>>
    tpu.enqueue_dma source(%dma_start3A_2411 : memref<32x1024xf32, #tpu.memory_space<vmem>>) target(%dma_start3A_2407 : memref<32x1024xf32, #tpu.memory_space<hbm>>) target_semaphore(%arg11 : memref<!tpu.dma_semaphore, #tpu.memory_space<semaphore_mem>>)
    %dma_wait3A_2412 = arith.constant 2 : i32
    %dma_wait3A_2413 = arith.constant 0 : i32
    %dma_wait3A_2414 = arith.constant 0 : i32
    %dma_wait3A_2415 = tpu.memref_slice %arg6[%dma_wait3A_2412, %dma_wait3A_2413, %dma_wait3A_2414] : memref<3x32x1024xf32, #tpu.memory_space<vmem>> -> memref<1x32x1024xf32, #tpu.memory_space<vmem>>
    %dma_wait3A_2416 = tpu.memref_squeeze %dma_wait3A_2415 : memref<1x32x1024xf32, #tpu.memory_space<vmem>> -> memref<32x1024xf32, #tpu.memory_space<vmem>>
    %dma_wait3A_2417 = arith.constant 0 : i32
    %dma_wait3A_2418 = tpu.memref_slice %arg4[%add3A_2344, %dma_wait3A_2417] : memref<32768x1024xf32, #tpu.memory_space<hbm>> -> memref<32x1024xf32, #tpu.memory_space<hbm>>
    %dma_wait3A_2419 = arith.constant 0 : i32
    %dma_wait3A_2420 = tpu.memref_slice %arg4[%add3A_2344, %dma_wait3A_2419] : memref<32768x1024xf32, #tpu.memory_space<hbm>> -> memref<32x1024xf32, #tpu.memory_space<hbm>>
    %dma_wait3A_2421 = arith.constant 0 : i32
    %dma_wait3A_2422 = arith.constant 0 : i32
    %dma_wait3A_2423 = tpu.memref_slice %arg6[%dma_wait3A_2412, %dma_wait3A_2421, %dma_wait3A_2422] : memref<3x32x1024xf32, #tpu.memory_space<vmem>> -> memref<1x32x1024xf32, #tpu.memory_space<vmem>>
    %dma_wait3A_2424 = tpu.memref_squeeze %dma_wait3A_2423 : memref<1x32x1024xf32, #tpu.memory_space<vmem>> -> memref<32x1024xf32, #tpu.memory_space<vmem>>
    tpu.wait_dma2 semaphore(%arg12 : memref<!tpu.dma_semaphore, #tpu.memory_space<semaphore_mem>>) src(%dma_wait3A_2424 : memref<32x1024xf32, #tpu.memory_space<vmem>>) dst(%dma_wait3A_2420 : memref<32x1024xf32, #tpu.memory_space<hbm>>)
    %dma_wait3A_2425 = arith.constant 0 : i32
    %dma_wait3A_2426 = arith.constant 0 : i32
    %dma_wait3A_2427 = arith.constant 0 : i32
    %dma_wait3A_2428 = tpu.memref_slice %arg6[%dma_wait3A_2425, %dma_wait3A_2426, %dma_wait3A_2427] : memref<3x32x1024xf32, #tpu.memory_space<vmem>> -> memref<1x32x1024xf32, #tpu.memory_space<vmem>>
    %dma_wait3A_2429 = tpu.memref_squeeze %dma_wait3A_2428 : memref<1x32x1024xf32, #tpu.memory_space<vmem>> -> memref<32x1024xf32, #tpu.memory_space<vmem>>
    %dma_wait3A_2430 = arith.constant 0 : i32
    %dma_wait3A_2431 = tpu.memref_slice %arg4[%add3A_2371, %dma_wait3A_2430] : memref<32768x1024xf32, #tpu.memory_space<hbm>> -> memref<32x1024xf32, #tpu.memory_space<hbm>>
    %dma_wait3A_2432 = arith.constant 0 : i32
    %dma_wait3A_2433 = tpu.memref_slice %arg4[%add3A_2371, %dma_wait3A_2432] : memref<32768x1024xf32, #tpu.memory_space<hbm>> -> memref<32x1024xf32, #tpu.memory_space<hbm>>
    %dma_wait3A_2434 = arith.constant 0 : i32
    %dma_wait3A_2435 = arith.constant 0 : i32
    %dma_wait3A_2436 = tpu.memref_slice %arg6[%dma_wait3A_2425, %dma_wait3A_2434, %dma_wait3A_2435] : memref<3x32x1024xf32, #tpu.memory_space<vmem>> -> memref<1x32x1024xf32, #tpu.memory_space<vmem>>
    %dma_wait3A_2437 = tpu.memref_squeeze %dma_wait3A_2436 : memref<1x32x1024xf32, #tpu.memory_space<vmem>> -> memref<32x1024xf32, #tpu.memory_space<vmem>>
    tpu.wait_dma2 semaphore(%arg10 : memref<!tpu.dma_semaphore, #tpu.memory_space<semaphore_mem>>) src(%dma_wait3A_2437 : memref<32x1024xf32, #tpu.memory_space<vmem>>) dst(%dma_wait3A_2433 : memref<32x1024xf32, #tpu.memory_space<hbm>>)
    %dma_wait3A_2438 = arith.constant 1 : i32
    %dma_wait3A_2439 = arith.constant 0 : i32
    %dma_wait3A_2440 = arith.constant 0 : i32
    %dma_wait3A_2441 = tpu.memref_slice %arg6[%dma_wait3A_2438, %dma_wait3A_2439, %dma_wait3A_2440] : memref<3x32x1024xf32, #tpu.memory_space<vmem>> -> memref<1x32x1024xf32, #tpu.memory_space<vmem>>
    %dma_wait3A_2442 = tpu.memref_squeeze %dma_wait3A_2441 : memref<1x32x1024xf32, #tpu.memory_space<vmem>> -> memref<32x1024xf32, #tpu.memory_space<vmem>>
    %dma_wait3A_2443 = arith.constant 0 : i32
    %dma_wait3A_2444 = tpu.memref_slice %arg4[%add3A_2398, %dma_wait3A_2443] : memref<32768x1024xf32, #tpu.memory_space<hbm>> -> memref<32x1024xf32, #tpu.memory_space<hbm>>
    %dma_wait3A_2445 = arith.constant 0 : i32
    %dma_wait3A_2446 = tpu.memref_slice %arg4[%add3A_2398, %dma_wait3A_2445] : memref<32768x1024xf32, #tpu.memory_space<hbm>> -> memref<32x1024xf32, #tpu.memory_space<hbm>>
    %dma_wait3A_2447 = arith.constant 0 : i32
    %dma_wait3A_2448 = arith.constant 0 : i32
    %dma_wait3A_2449 = tpu.memref_slice %arg6[%dma_wait3A_2438, %dma_wait3A_2447, %dma_wait3A_2448] : memref<3x32x1024xf32, #tpu.memory_space<vmem>> -> memref<1x32x1024xf32, #tpu.memory_space<vmem>>
    %dma_wait3A_2450 = tpu.memref_squeeze %dma_wait3A_2449 : memref<1x32x1024xf32, #tpu.memory_space<vmem>> -> memref<32x1024xf32, #tpu.memory_space<vmem>>
    tpu.wait_dma2 semaphore(%arg11 : memref<!tpu.dma_semaphore, #tpu.memory_space<semaphore_mem>>) src(%dma_wait3A_2450 : memref<32x1024xf32, #tpu.memory_space<vmem>>) dst(%dma_wait3A_2446 : memref<32x1024xf32, #tpu.memory_space<hbm>>)
    return
  }
}

</mosaic_0001>

<sc_bundles>
// kernel: _run.3.cloned.1.call-start
scs
__scs_entry_jumppad:
0x0: {  	(pc) =	sbr.rel $0x88, $3  }
0x1: {  	(tag) =	ssettag $0x0;
	lr =	simm.s32 $0x1  }
0x2: {  	[smem:$0x3F9F] =	sst lr;
	_ =	strace $0xD0000000  }
0x3: {  	_ = 	snop  }
0x4: {  	_ = 	snop  }
0x5: {  	_ = 	snop  }
0x6: {  	_ = 	snop  }
0x7: {  	_ = 	snop  }
__scs_overlays_trampoline_lowered:
0x8: {  	[smem:$0x3FAE] =	sst s0  }
0x9: {  	[smem:$0x3FAF] =	sst s1  }
0xa: {  	[smem:$0x3FB0] =	sst s2  }
0xb: {  	[smem:$0x3FB1] =	sst s3  }
0xc: {  	[smem:$0x3FB2] =	sst s4  }
0xd: {  	[smem:$0x3FB3] =	sst s5  }
0xe: {  	[smem:$0x3FB4] =	sst s6  }
0xf: {  	[smem:$0x3FB5] =	sst s7  }
0x10: {  	[smem:$0x3FB6] =	sst s8  }
0x11: {  	[smem:$0x3FB7] =	sst s9;
	s0 =	simm.s32 @!p0 $0x0  }
0x12: {  	s1 =	sld [smem:$0x3F9D];
	s0 =	simm.s32 @p0 $0x1  }
0x13: {  	[smem:$0x3FB8] =	sst s0;
	s0 =	simm.s32 @!p1 $0x0  }
0x14: {  	s2 =	sld [smem:$0x3F9C];
	s0 =	simm.s32 @p1 $0x1  }
0x15: {  	[smem:$0x3FB9] =	sst s0;
	s0 =	simm.s32 @!p2 $0x0  }
0x16: {  	s3 =	sld [smem:$0x3FDB];
	s0 =	simm.s32 @p2 $0x1  }
0x17: {  	s4 =	simm.s32 $0x1BF5;
	[smem:$0x3FBB] =	sst s0  }
0x18: {  	s0 =	sld [smem:$0x3F9E];
	_ =	swait.ge [sflag:s4], $0x0  }
0x19: {  	s7 =	sld [smem:$0x3F9F]  }
0x1a: {  	s8 =	sadd.s32 $0xFFFFE003, lr  }
0x1b: {  	s9 =	sadd.s32 $0xFFFFFEF7, lr;
	s5 =	simm.s32 $0xFFFFFFFF;
	p2 =	slt.u32 s8, $0xFFFFF086  }
0x1c: {  	p1 =	slt.u32 s9, $0xF7A;
	s5 =	simm.s32 @!p2 $0x0  }
0x1d: {  	s5 =	simm.s32 @p1 $0x1;
	p0 =	seq.s32 s7, s2  }
0x1e: {  	s7 =	smul.u32 @!p0 $0xF7A, s2;
	p2 =	seq.s32 @!p0 s5, $0x0  }
0x1f: {  	s9 =	smul.u32 $0xF7A, s1;
	s8 =	simm.s32 @!p0 $0x1BF5;
	p2 =	por !p2, p0  }
0x20: {  	[sflag:s8] =	ssyncset.s32 @!p0 $0xFFFFF086;
	s6 =	sadd.s32 @!p0 s3, s7;
	s7 =	simm.s32 @!p0 $0x108  }
0x21: {  	s3 =	sadd.s32 s3, s9;
	s6 =	sadd.s32 @!p0 $0x88, s6;
	s7 =	simm.s32 @p2 $0x1082  }
0x22: {  	[simem:s7], [sflag:s8] =	dma.local @!p0 [hbm:s6], $0xF7A  }
0x23: {  	s9 =	sor.u32 $0xD0000000, s2;
	s6 =	simm.s32 $0x108;
	_ =	swait.ge @!p0 [sflag:s8], $0x0  }
0x24: {  	s3 =	sadd.s32 $0x88, s3;
	s6 =	simm.s32 @!p1 $0x1082;
	[sflag:s4] =	ssyncset.s32 $0xFFFFF086  }
0x25: {  	[simem:s6], [sflag:s4] =	dma.local [hbm:s3], $0xF7A  }
0x26: {  	[smem:$0x3F9F] =	sst s1;
	(tag) =	ssettag s2;
	_ =	strace s9  }
0x27: {  	s1 =	sld [smem:$0x3FAF]  }
0x28: {  	s2 =	sld [smem:$0x3FB0]  }
0x29: {  	s4 =	sld [smem:$0x3FB2]  }
0x2a: {  	p0 =	seq.s32 s5, $0x0;
	s5 =	sld [smem:$0x3FB3]  }
0x2b: {  	s6 =	sld [smem:$0x3FB4]  }
0x2c: {  	s7 =	sld [smem:$0x3FB5]  }
0x2d: {  	s3 =	simm.s32 $0x108;
	s8 =	sld [smem:$0x3FB6]  }
0x2e: {  	s3 =	simm.s32 @!p0 $0x1082;
	s9 =	sld [smem:$0x3FB7]  }
0x2f: {  	lr =	sadd.s32 s0, s3;
	s0 =	sld [smem:$0x3FAE]  }
0x30: {  	s3 =	sld [smem:$0x3FB1]  }
0x31: {  	[smem:$0x3FBA] =	sst s10  }
0x32: {  	s10 =	sld [smem:$0x3FB8];
	_ =	sdelay $0x3  }
0x33: {  	p0 =	seq.s32 s10, $0x1;
	s10 =	sld [smem:$0x3FBA];
	_ =	sdelay $0x3  }
0x34: {  	[smem:$0x3FBA] =	sst s10  }
0x35: {  	s10 =	sld [smem:$0x3FB9];
	_ =	sdelay $0x3  }
0x36: {  	p1 =	seq.s32 s10, $0x1;
	s10 =	sld [smem:$0x3FBA];
	_ =	sdelay $0x3  }
0x37: {  	[smem:$0x3FBA] =	sst s10  }
0x38: {  	s10 =	sld [smem:$0x3FBB]  }
0x39: {  	_ = 	snop;
	(pc) =	sbr.ind lr, $3  }
0x3a: {  	_ = 	snop  }
0x3b: {  	_ = 	snop  }
0x3c: {  	p2 =	seq.s32 s10, $0x1;
	s10 =	sld [smem:$0x3FBA]  }
0x3d: {  	_ =	shalt  }
0x3e: {  	_ =	shalt  }
0x3f: {  	_ =	shalt  }
0x40: {  	_ =	shalt  }
0x41: {  	_ =	shalt  }
0x42: {  	_ =	shalt  }
0x43: {  	_ =	shalt  }
0x44: {  	_ =	shalt  }
0x45: {  	_ =	shalt  }
0x46: {  	_ =	shalt  }
0x47: {  	_ =	shalt  }
0x48: {  	_ =	shalt  }
0x49: {  	_ =	shalt  }
0x4a: {  	_ =	shalt  }
0x4b: {  	_ =	shalt  }
0x4c: {  	_ =	shalt  }
0x4d: {  	_ =	shalt  }
0x4e: {  	_ =	shalt  }
0x4f: {  	_ =	shalt  }
0x50: {  	_ =	shalt  }
0x51: {  	_ =	shalt  }
0x52: {  	_ =	shalt  }
0x53: {  	_ =	shalt  }
0x54: {  	_ =	shalt  }
0x55: {  	_ =	shalt  }
0x56: {  	_ =	shalt  }
0x57: {  	_ =	shalt  }
0x58: {  	_ =	shalt  }
0x59: {  	_ =	shalt  }
0x5a: {  	_ =	shalt  }
0x5b: {  	_ =	shalt  }
0x5c: {  	_ =	shalt  }
0x5d: {  	_ =	shalt  }
0x5e: {  	_ =	shalt  }
0x5f: {  	_ =	shalt  }
0x60: {  	_ =	shalt  }
0x61: {  	_ =	shalt  }
0x62: {  	_ =	shalt  }
0x63: {  	_ =	shalt  }
0x64: {  	_ =	shalt  }
0x65: {  	_ =	shalt  }
0x66: {  	_ =	shalt  }
0x67: {  	_ =	shalt  }
0x68: {  	_ =	shalt  }
0x69: {  	_ =	shalt  }
0x6a: {  	_ =	shalt  }
0x6b: {  	_ =	shalt  }
0x6c: {  	_ =	shalt  }
0x6d: {  	_ =	shalt  }
0x6e: {  	_ =	shalt  }
0x6f: {  	_ =	shalt  }
0x70: {  	_ =	shalt  }
0x71: {  	_ =	shalt  }
0x72: {  	_ =	shalt  }
0x73: {  	_ =	shalt  }
0x74: {  	_ =	shalt  }
0x75: {  	_ =	shalt  }
0x76: {  	_ =	shalt  }
0x77: {  	_ =	shalt  }
0x78: {  	_ =	shalt  }
0x79: {  	_ =	shalt  }
0x7a: {  	_ =	shalt  }
0x7b: {  	_ =	shalt  }
0x7c: {  	_ =	shalt  }
0x7d: {  	_ =	shalt  }
0x7e: {  	_ =	shalt  }
0x7f: {  	_ =	shalt  }
0x80: {  	_ =	shalt  }
0x81: {  	_ =	shalt  }
0x82: {  	_ =	shalt  }
0x83: {  	_ =	shalt  }
0x84: {  	_ =	shalt  }
0x85: {  	_ =	shalt  }
0x86: {  	_ =	shalt  }
0x87: {  	_ =	shalt  }
.Lfunc_end0:
.L_simem_size_0:
called_computation_lowered:
.L_overlay_start_0:
0x88: {  	s2 =	sld [smem:$0x3FD9]  }
0x89: {  	s3 =	sld [smem:$0x3FFE];
	_ =	sdelay $0x1  }
0x8a: {  	s1 =	srdreg.scid  }
0x8b: {  	s0 =	sand.u32 $0x1, s1  }
0x8c: {  	s17 =	sshll.u32 s0, $0xA;
	s2 =	sadd.s32 s3, s2  }
0x8d: {  	s2 =	sadd.s32 s2, s17  }
0x8e: {  	[smem:$0x3FC6] =	sst s2  }
0x8f: {  	_ = 	snop  }
0x90: {  	s2 =	sld [smem:$0x3FC9]  }
0x91: {  	s18 =	sld [smem:$0x3FD0];
	(tm) =	ssettm $0x1  }
0x92: {  	s4 =	sld [smem:$0x3FFB];
	_ =	sdelay $0x3  }
0x93: {  	_ =	strace s4  }
0x94: {  	s4 =	sld [smem:$0x3FFC];
	_ =	sdelay $0x3  }
0x95: {  	_ =	strace s4  }
0x96: {  	s4 =	sld [smem:$0x3FFD];
	_ =	sdelay $0x3  }
0x97: {  	_ =	strace s4  }
0x98: {  	_ =	strace $0x8FFFFFFF  }
0x99: {  	s19 =	sld [smem:$0x3FDB];
	_ =	sdelay $0x1  }
0x9a: {  	s5 =	simm.s32 $_scs_section_size  }
0x9b: {  	s6 =	simm.s32 $_size__tile_overlayer_lowered;
	s7 =	simm.s32 $_tile_overlayer_lowered  }
0x9c: {  	s22 =	simm.s32 $0x1BFF;
	s21 =	sshll.u32 s7, $0x1;
	s4 =	sadd.s32 s5, s19  }
0x9d: {  	s8 =	simm.s32 $0x0;
	s20 =	sshll.u32 s6, $0x1;
	s6 =	sadd.s32 s21, s4  }
0x9e: {  	[timem:s8], [sflag:s22] =	dma.local [hbm:s6], s20  }
0x9f: {  	_ =	swait.ge [sflag:s22], s20  }
0xa0: {  	s5 =	ssub.s32 $0x0, s20;
	[sflag:s22] =	ssyncset.done $0x0  }
0xa1: {  	[sflag:s22] =	ssyncadd.s32 s5;
	_ =	sdelay $0x1  }
0xa2: {  	s23 =	simm.s32 $0x1B8B  }
0xa3: {  	_ =	swait.ge [sflag:s23], $0x1  }
0xa4: {  	[sflag:s23] =	ssyncset.done $0x0  }
0xa5: {  	s25 =	simm.s32 $0x1B8E;
	s24 =	sld [smem:$0x3FFE];
	[sflag:s23] =	ssyncadd.s32 $0xFFFFFFFF  }
0xa6: {  	s26 =	simm.s32 $execute0_lowered;
	[smem:$0x3FD2] =	sst s25  }
0xa7: {  	s6 =	sshll.u32 s26, $0x1;
	_ =	strace $0x80000046;
	[dreg:$0x1] =	wrdreg $0xFFFFFFFF  }
0xa8: {  	s28 =	simm.s32 $_size_execute0_lowered;
	s4 =	sadd.s32 s4, s6;
	[dreg:$0x0] =	wrdreg $0x0  }
0xa9: {  	s6 =	sshll.u32 s28, $0x1;
	[dreg:$0x2] =	wrdreg s4  }
0xaa: {  	[dreg:$0x3] =	wrdreg s6  }
0xab: {  	[dreg:$0x4] =	wrdreg $0xC0  }
0xac: {  	_ =	task [dreg:s8], $0x5FFFF  }
0xad: {  	[dreg:$0x1] =	wrdreg $0xFFFFFFFF  }
0xae: {  	[dreg:$0x0] =	wrdreg $0x60  }
0xaf: {  	[dreg:$0x2] =	wrdreg s2  }
0xb0: {  	[dreg:$0x3] =	wrdreg s24  }
0xb1: {  	[dreg:$0x4] =	wrdreg s18  }
0xb2: {  	[dreg:$0x5] =	wrdreg $0x9  }
0xb3: {  	_ =	task.clear_ibuf [dreg:s8], $0x6FFFF;
	_ =	strace $0x90000046  }
0xb4: {  	s29 =	simm.s32 $0x9;
	_ =	strace $0x80000048  }
0xb5: {  	_ =	swait.ge [sflag:s29], $0x1  }
0xb6: {  	[sflag:s29] =	ssyncadd.s32 $0xFFFFFFFF  }
0xb7: {  	_ =	strace $0x90000048  }
0xb8: {  	_ =	sfence  }
0xb9: {  	s30 =	sld [smem:$0x0];
	_ =	sdelay $0x2  }
0xba: {  	s31 =	sshll.u32 s1, $0xD;
	s1 =	sshrl.u32 s1, $0x2  }
0xbb: {  	s3 =	sand.u32 $0x4000, s31;
	s1 =	sadd.s32 s1, s30  }
0xbc: {  	s0 =	sor.u32 s3, s0;
	s1 =	sshll.u32 s1, $0x11  }
0xbd: {  	s0 =	sor.u32 s1, s0  }
0xbe: {  	s0 =	sadd.s32 $0x8F2B, s0  }
0xbf: {  	[sflag:s0] =	ssyncadd.remote.s32 $0x1  }
0xc0: {  	_ =	sfence.sel $0xFFFF  }
0xc1: {  	[dreg:$0x0] =	wrdreg $0xFFFFFFFF;
	(pc) =	sbr.abs _section_cstart, $3  }
0xc2: {  	[dreg:$0x1] =	wrdreg $0xFFFFFFFF  }
0xc3: {  	_ =	task.clear_ibuf [dreg:s8], $0x2FFFF;
	_ =	strace $0x9FFFFFFF  }
0xc4: {  	(tm) =	ssettm $0x7FFFFFFF  }
0xc5: {  	_ =	shalt  }
tec
execute0_lowered:
.L_overlay_start_1:
0x0: {  	(tag) =	ssettag $0x1  }
0x1: {  	s0 =	srdreg.scid  }
0x2: {  	s1 =	rddreg [dreg:$0x0];
	s0 =	sand.u32 $0x1, s0  }
0x3: {  	s2 =	rddreg [dreg:$0x1];
	s7 =	stileid.u32;
	s3 =	sshll.u32 s0, $0x4  }
0x4: {  	s4 =	rddreg [dreg:$0x2];
	s5 =	sor.u32 s7, s3  }
0x5: {  	s3 =	simm.s32 $0x0;
	s6 =	sshll.u32 s5, $0x9;
	s20 =	sshll.u32 s5, $0x11  }
0x6: {  	[smem:$0x7FF] =	sst s3;
	s2 =	sadd.s32 s6, s2;
	s8 =	sadd.s32 s4, s20  }
0x7: {  	_ =	strace $0x80000047;
	s2 =	sadd.s32 $0x400, s2;
	[smem:$0x7FC] =	sst s8  }
0x8: {  	s21 =	sadd.s32 $0x1000, s8;
	[dreg:$0x4] =	wrdreg s2  }
0x9: {  	s22 =	sadd.s32 $0x2000, s8;
	[dreg:$0x5] =	wrdreg s21  }
0xa: {  	s23 =	sadd.s32 $0x3000, s8;
	[dreg:$0x6] =	wrdreg s22  }
0xb: {  	s24 =	sadd.s32 $0x4000, s8;
	[dreg:$0x7] =	wrdreg s23  }
0xc: {  	s25 =	sadd.s32 $0x5000, s8;
	[dreg:$0x8] =	wrdreg s24  }
0xd: {  	s26 =	sadd.s32 $0x6000, s8;
	[dreg:$0x9] =	wrdreg s25  }
0xe: {  	s28 =	sadd.s32 $0x7000, s8;
	[dreg:$0xa] =	wrdreg s26  }
0xf: {  	s29 =	sadd.s32 $0x8000, s8;
	[dreg:$0xb] =	wrdreg s28  }
0x10: {  	s30 =	sadd.s32 $0x9000, s8;
	[dreg:$0xc] =	wrdreg s29  }
0x11: {  	s31 =	sadd.s32 $0xA000, s8;
	[dreg:$0xd] =	wrdreg s30  }
0x12: {  	s4 =	sadd.s32 $0xB000, s8;
	[dreg:$0xe] =	wrdreg s31  }
0x13: {  	s6 =	sadd.s32 $0xC000, s8;
	[dreg:$0xf] =	wrdreg s4  }
0x14: {  	s9 =	sadd.s32 $0xD000, s8;
	[dreg:$0x10] =	wrdreg s6  }
0x15: {  	s10 =	sadd.s32 $0xE000, s8;
	[dreg:$0x11] =	wrdreg s9  }
0x16: {  	s11 =	sadd.s32 $0xF000, s8;
	[dreg:$0x12] =	wrdreg s10  }
0x17: {  	s12 =	sadd.s32 $0x10000, s8;
	[dreg:$0x13] =	wrdreg s11  }
0x18: {  	s19 =	sand.u32 $0x7, s7;
	s14 =	sadd.s32 $0x11000, s8;
	[dreg:$0x14] =	wrdreg s12  }
0x19: {  	s0 =	ssub.s32 $0x2, s0;
	s15 =	sadd.s32 $0x12000, s8;
	[dreg:$0x15] =	wrdreg s14  }
0x1a: {  	p1 =	sne.s32 s19, $0x0;
	s17 =	sadd.s32 $0x13000, s8;
	[dreg:$0x16] =	wrdreg s15  }
0x1b: {  	s13 =	sshrl.u32 s0, $0x1;
	s18 =	sadd.s32 $0x14000, s8;
	[dreg:$0x17] =	wrdreg s17  }
0x1c: {  	s7 =	sadd.s32 $0x200, s1;
	s20 =	sadd.s32 $0x15000, s8;
	[dreg:$0x18] =	wrdreg s18  }
0x1d: {  	s0 =	ssub.s32 s0, s13;
	[dreg:$0x19] =	wrdreg s20;
	s21 =	sadd.s32 $0x16000, s8  }
0x1e: {  	s16 =	sshrl.u32 s5, $0x3;
	s22 =	sadd.s32 $0x17000, s8;
	[dreg:$0x1a] =	wrdreg s21  }
0x1f: {  	p0 =	seq.s32 s5, $0x0;
	s23 =	sadd.s32 $0x18000, s8;
	[dreg:$0x1b] =	wrdreg s22  }
0x20: {  	s5 =	simm.s32 $0x1;
	s24 =	sadd.s32 $0x19000, s8;
	[dreg:$0x1c] =	wrdreg s23  }
0x21: {  	p0 =	por !p1, !p0;
	s25 =	sadd.s32 $0x1A000, s8;
	[dreg:$0x1d] =	wrdreg s24  }
0x22: {  	s0 =	smax.u32 s0, $0x1;
	s26 =	sadd.s32 $0x1B000, s8;
	[dreg:$0x1e] =	wrdreg s25  }
0x23: {  	p0 =	por !p0, !p0;
	s28 =	sadd.s32 $0x1C000, s8;
	[dreg:$0x1f] =	wrdreg s26  }
0x24: {  	s6 =	simm.s32 $0x1;
	s29 =	sadd.s32 $0x1D000, s8;
	[smem:$0x7F9] =	sst s28  }
0x25: {  	s30 =	sadd.s32 $0x1E000, s8;
	s31 =	sadd.s32 $0x1F000, s8;
	[smem:$0x7FA] =	sst s29  }
0x26: {  	s8 =	sadd.s32 $0x300, s1;
	s6 =	simm.s32 @!p0 $0x0;
	[smem:$0x7FB] =	sst s30  }
0x27: {  	v3 =	vlaneseq.u32;
	[smem:$0x7FD] =	sst s31;
	s22 =	simm.s32 $0x2;
	s4 =	ssub.s32 s16, s6  }
0x28: {  	vm0 =	vmmov $0xffff;
	v1 =	vand.u32 $0x7, v3;
	v2 =	vshrl.u32 v3, $0x3;
	s23 =	simm.s32 $0x5;
	s24 =	simm.s32 $0x3;
	s21 =	sshll.u32 s4, $0xB  }
0x29: {  	v3 =	vor.u32 $0x8, v3;
	v2 =	vmul.u32 $0x8, v2;
	s25 =	simm.s32 $0x6;
	s6 =	sadd.s32 $0x100, s1;
	v0 =	vmov s21;
	s21 =	simm.s32 $0x4  }
.LBB2_1:
0x2a: {  	[smem:$0x7F8] =	sst s0  }
0x2b: {  	s26 =	rddreg [dreg:$0x4];
	s0 =	simm.s32 $0x7  }
0x2c: {  	[tilespmem:s3], [sflag:$0x7] =	stream.linear.gather [hbm4b:s26+s3], $0x1000, $0x38;
	[tilespmem:$0x19000] =	vst v63  }
0x2d: {  	_ =	swait.ge [sflag:s0], $0x1000  }
0x2e: {  	[sflag:s0] =	ssyncset.done $0x0  }
0x2f: {  	[sflag:s0] =	ssyncadd.s32 $0xFFFFF000  }
0x30: {  	v4 =	vld [tilespmem:$0x0];
	_ =	sdelay $0x4  }
0x31: {  	v5 =	vadd.s32 v0, v4  }
0x32: {  	v6 =	vshll.u32 v5, $0x3  }
0x33: {  	v4 =	vand.u32 $0x7, v4;
	v6 =	vand.u32 $0xFFFFFFC0, v6  }
0x34: {  	v4 =	vor.u32 v4, v6  }
0x35: {  	v57 =	vld [tilespmem:$0x10];
	v7 =	vperm.xlane v4, v1;
	_ =	sdelay $0x1  }
0x36: {  	v7 =	vadd.s32 v2, v7;
	_ =	sdelay $0x2  }
0x37: {  	[tilespmem:$0x0] =	vst v5;
	v5 =	vadd.s32 v0, v57  }
0x38: {  	s2 =	simm.s32 $0x1000;
	[tilespmem:$0x10] =	vst v5  }
0x39: {  	[tilespmem:s2], [sflag:$0x1] =	stream.indirect_vreg.gather [hbm4b:s1+s3], $0x80, v7, vm0, $0xb8;
	[tilespmem:$0x19000] =	vst v63  }
0x3a: {  	s4 =	simm.s32 $0x1800;
	v4 =	vperm.xlane v4, v3  }
0x3b: {  	[tilespmem:s4], [sflag:$0x1] =	stream.indirect_vreg.gather [hbm4b:s6+s3], $0x80, v7, vm0, $0xb8;
	[tilespmem:$0x19000] =	vst v63  }
0x3c: {  	s9 =	simm.s32 $0x2000;
	v4 =	vadd.s32 v2, v4  }
0x3d: {  	[tilespmem:s9], [sflag:$0x1] =	stream.indirect_vreg.gather [hbm4b:s7+s3], $0x80, v7, vm0, $0xb8;
	[tilespmem:$0x19000] =	vst v63  }
0x3e: {  	s10 =	simm.s32 $0x2800  }
0x3f: {  	[tilespmem:s10], [sflag:$0x1] =	stream.indirect_vreg.gather [hbm4b:s8+s3], $0x80, v7, vm0, $0xb8;
	[tilespmem:$0x19000] =	vst v63  }
0x40: {  	s11 =	simm.s32 $0x3000  }
0x41: {  	[tilespmem:s11], [sflag:$0x1] =	stream.indirect_vreg.gather [hbm4b:s1+s3], $0x80, v4, vm0, $0xb8;
	[tilespmem:$0x19000] =	vst v63  }
0x42: {  	s12 =	simm.s32 $0x3800  }
0x43: {  	[tilespmem:s12], [sflag:$0x1] =	stream.indirect_vreg.gather [hbm4b:s6+s3], $0x80, v4, vm0, $0xb8;
	[tilespmem:$0x19000] =	vst v63  }
0x44: {  	s13 =	simm.s32 $0x4000  }
0x45: {  	[tilespmem:s13], [sflag:$0x1] =	stream.indirect_vreg.gather [hbm4b:s7+s3], $0x80, v4, vm0, $0xb8;
	[tilespmem:$0x19000] =	vst v63  }
0x46: {  	s14 =	simm.s32 $0x4800  }
0x47: {  	[tilespmem:s14], [sflag:$0x1] =	stream.indirect_vreg.gather [hbm4b:s8+s3], $0x80, v4, vm0, $0xb8;
	[tilespmem:$0x19000] =	vst v63  }
0x48: {  	v4 =	vld [tilespmem:$0x10];
	_ =	sdelay $0x4  }
0x49: {  	v5 =	vshll.u32 v4, $0x3  }
0x4a: {  	v4 =	vand.u32 $0x7, v4;
	v5 =	vand.u32 $0xFFFFFFC0, v5  }
0x4b: {  	v4 =	vor.u32 v4, v5  }
0x4c: {  	v5 =	vperm.xlane v4, v1;
	_ =	sdelay $0x1  }
0x4d: {  	v5 =	vadd.s32 v2, v5;
	_ =	sdelay $0x3  }
0x4e: {  	s15 =	simm.s32 $0x5000  }
0x4f: {  	[tilespmem:s15], [sflag:$0x1] =	stream.indirect_vreg.gather [hbm4b:s1+s3], $0x80, v5, vm0, $0xb8;
	[tilespmem:$0x19000] =	vst v63  }
0x50: {  	s16 =	simm.s32 $0x5800;
	v4 =	vperm.xlane v4, v3  }
0x51: {  	[tilespmem:s16], [sflag:$0x1] =	stream.indirect_vreg.gather [hbm4b:s6+s3], $0x80, v5, vm0, $0xb8;
	[tilespmem:$0x19000] =	vst v63  }
0x52: {  	s17 =	simm.s32 $0x6000;
	v4 =	vadd.s32 v2, v4  }
0x53: {  	[tilespmem:s17], [sflag:$0x1] =	stream.indirect_vreg.gather [hbm4b:s7+s3], $0x80, v5, vm0, $0xb8;
	[tilespmem:$0x19000] =	vst v63  }
0x54: {  	s18 =	simm.s32 $0x6800  }
0x55: {  	[tilespmem:s18], [sflag:$0x1] =	stream.indirect_vreg.gather [hbm4b:s8+s3], $0x80, v5, vm0, $0xb8;
	[tilespmem:$0x19000] =	vst v63  }
0x56: {  	s19 =	simm.s32 $0x7000  }
0x57: {  	[tilespmem:s19], [sflag:$0x1] =	stream.indirect_vreg.gather [hbm4b:s1+s3], $0x80, v4, vm0, $0xb8;
	[tilespmem:$0x19000] =	vst v63  }
0x58: {  	s20 =	simm.s32 $0x7800  }
0x59: {  	[tilespmem:s20], [sflag:$0x1] =	stream.indirect_vreg.gather [hbm4b:s6+s3], $0x80, v4, vm0, $0xb8;
	[tilespmem:$0x19000] =	vst v63  }
0x5a: {  	s26 =	simm.s32 $0x8000  }
0x5b: {  	[tilespmem:s26], [sflag:$0x1] =	stream.indirect_vreg.gather [hbm4b:s7+s3], $0x80, v4, vm0, $0xb8;
	[tilespmem:$0x19000] =	vst v63  }
0x5c: {  	s28 =	simm.s32 $0x8800  }
0x5d: {  	[tilespmem:s28], [sflag:$0x1] =	stream.indirect_vreg.gather [hbm4b:s8+s3], $0x80, v4, vm0, $0xb8;
	[tilespmem:$0x19000] =	vst v63  }
0x5e: {  	v4 =	vld [tilespmem:$0x80];
	_ =	sdelay $0x4  }
0x5f: {  	v5 =	vadd.s32 v0, v4  }
0x60: {  	v58 =	vshll.u32 v5, $0x3  }
0x61: {  	v4 =	vand.u32 $0x7, v4;
	v6 =	vand.u32 $0xFFFFFFC0, v58  }
0x62: {  	v4 =	vor.u32 v4, v6  }
0x63: {  	v59 =	vld [tilespmem:$0x90];
	v60 =	vperm.xlane v4, v1;
	_ =	sdelay $0x1  }
0x64: {  	v7 =	vadd.s32 v2, v60;
	_ =	sdelay $0x2  }
0x65: {  	[tilespmem:$0x80] =	vst v5;
	v5 =	vadd.s32 v0, v59  }
0x66: {  	s29 =	simm.s32 $0x9000;
	[tilespmem:$0x90] =	vst v5  }
0x67: {  	[tilespmem:s29], [sflag:$0x2] =	stream.indirect_vreg.gather [hbm4b:s1+s3], $0x80, v7, vm0, $0xb8;
	[tilespmem:$0x19000] =	vst v63  }
0x68: {  	s30 =	simm.s32 $0x9800;
	v4 =	vperm.xlane v4, v3  }
0x69: {  	[tilespmem:s30], [sflag:$0x2] =	stream.indirect_vreg.gather [hbm4b:s6+s3], $0x80, v7, vm0, $0xb8;
	[tilespmem:$0x19000] =	vst v63  }
0x6a: {  	s11 =	simm.s32 $0xA000;
	v4 =	vadd.s32 v2, v4  }
0x6b: {  	[tilespmem:s11], [sflag:$0x2] =	stream.indirect_vreg.gather [hbm4b:s7+s3], $0x80, v7, vm0, $0xb8;
	[tilespmem:$0x19000] =	vst v63  }
0x6c: {  	s13 =	simm.s32 $0xA800  }
0x6d: {  	[tilespmem:s13], [sflag:$0x2] =	stream.indirect_vreg.gather [hbm4b:s8+s3], $0x80, v7, vm0, $0xb8;
	[tilespmem:$0x19000] =	vst v63  }
0x6e: {  	s14 =	simm.s32 $0xB000  }
0x6f: {  	[tilespmem:s14], [sflag:$0x2] =	stream.indirect_vreg.gather [hbm4b:s1+s3], $0x80, v4, vm0, $0xb8;
	[tilespmem:$0x19000] =	vst v63  }
0x70: {  	s15 =	simm.s32 $0xB800  }
0x71: {  	[tilespmem:s15], [sflag:$0x2] =	stream.indirect_vreg.gather [hbm4b:s6+s3], $0x80, v4, vm0, $0xb8;
	[tilespmem:$0x19000] =	vst v63  }
0x72: {  	s17 =	simm.s32 $0xC000  }
0x73: {  	[tilespmem:s17], [sflag:$0x2] =	stream.indirect_vreg.gather [hbm4b:s7+s3], $0x80, v4, vm0, $0xb8;
	[tilespmem:$0x19000] =	vst v63  }
0x74: {  	s18 =	simm.s32 $0xC800  }
0x75: {  	[tilespmem:s18], [sflag:$0x2] =	stream.indirect_vreg.gather [hbm4b:s8+s3], $0x80, v4, vm0, $0xb8;
	[tilespmem:$0x19000] =	vst v63  }
0x76: {  	v4 =	vld [tilespmem:$0x90];
	_ =	sdelay $0x4  }
0x77: {  	v5 =	vshll.u32 v4, $0x3  }
0x78: {  	v4 =	vand.u32 $0x7, v4;
	v5 =	vand.u32 $0xFFFFFFC0, v5  }
0x79: {  	v4 =	vor.u32 v4, v5  }
0x7a: {  	v5 =	vperm.xlane v4, v1;
	_ =	sdelay $0x1  }
0x7b: {  	v5 =	vadd.s32 v2, v5;
	_ =	sdelay $0x3  }
0x7c: {  	s19 =	simm.s32 $0xD000  }
0x7d: {  	[tilespmem:s19], [sflag:$0x2] =	stream.indirect_vreg.gather [hbm4b:s1+s3], $0x80, v5, vm0, $0xb8;
	[tilespmem:$0x19000] =	vst v63  }
0x7e: {  	s20 =	simm.s32 $0xD800;
	v4 =	vperm.xlane v4, v3  }
0x7f: {  	[tilespmem:s20], [sflag:$0x2] =	stream.indirect_vreg.gather [hbm4b:s6+s3], $0x80, v5, vm0, $0xb8;
	[tilespmem:$0x19000] =	vst v63  }
0x80: {  	s26 =	simm.s32 $0xE000;
	v4 =	vadd.s32 v2, v4  }
0x81: {  	[tilespmem:s26], [sflag:$0x2] =	stream.indirect_vreg.gather [hbm4b:s7+s3], $0x80, v5, vm0, $0xb8;
	[tilespmem:$0x19000] =	vst v63  }
0x82: {  	s28 =	simm.s32 $0xE800  }
0x83: {  	[tilespmem:s28], [sflag:$0x2] =	stream.indirect_vreg.gather [hbm4b:s8+s3], $0x80, v5, vm0, $0xb8;
	[tilespmem:$0x19000] =	vst v63  }
0x84: {  	s29 =	simm.s32 $0xF000  }
0x85: {  	[tilespmem:s29], [sflag:$0x2] =	stream.indirect_vreg.gather [hbm4b:s1+s3], $0x80, v4, vm0, $0xb8;
	[tilespmem:$0x19000] =	vst v63  }
0x86: {  	s30 =	simm.s32 $0xF800  }
0x87: {  	[tilespmem:s30], [sflag:$0x2] =	stream.indirect_vreg.gather [hbm4b:s6+s3], $0x80, v4, vm0, $0xb8;
	[tilespmem:$0x19000] =	vst v63  }
0x88: {  	s11 =	simm.s32 $0x10000  }
0x89: {  	[tilespmem:s11], [sflag:$0x2] =	stream.indirect_vreg.gather [hbm4b:s7+s3], $0x80, v4, vm0, $0xb8;
	[tilespmem:$0x19000] =	vst v63  }
0x8a: {  	s13 =	simm.s32 $0x10800  }
0x8b: {  	[tilespmem:s13], [sflag:$0x2] =	stream.indirect_vreg.gather [hbm4b:s8+s3], $0x80, v4, vm0, $0xb8;
	[tilespmem:$0x19000] =	vst v63  }
0x8c: {  	v4 =	vld [tilespmem:$0x100];
	_ =	sdelay $0x4  }
0x8d: {  	v5 =	vadd.s32 v0, v4  }
0x8e: {  	v61 =	vshll.u32 v5, $0x3  }
0x8f: {  	v4 =	vand.u32 $0x7, v4;
	v6 =	vand.u32 $0xFFFFFFC0, v61  }
0x90: {  	v4 =	vor.u32 v4, v6  }
0x91: {  	v62 =	vld [tilespmem:$0x110];
	v63 =	vperm.xlane v4, v1;
	_ =	sdelay $0x1  }
0x92: {  	v7 =	vadd.s32 v2, v63;
	_ =	sdelay $0x2  }
0x93: {  	[tilespmem:$0x100] =	vst v5;
	v5 =	vadd.s32 v0, v62  }
0x94: {  	s14 =	simm.s32 $0x11000;
	[tilespmem:$0x110] =	vst v5  }
0x95: {  	[tilespmem:s14], [sflag:$0x3] =	stream.indirect_vreg.gather [hbm4b:s1+s3], $0x80, v7, vm0, $0xb8;
	[tilespmem:$0x19000] =	vst v63  }
0x96: {  	s15 =	simm.s32 $0x11800;
	v4 =	vperm.xlane v4, v3  }
0x97: {  	[tilespmem:s15], [sflag:$0x3] =	stream.indirect_vreg.gather [hbm4b:s6+s3], $0x80, v7, vm0, $0xb8;
	[tilespmem:$0x19000] =	vst v63  }
0x98: {  	s20 =	simm.s32 $0x12000;
	v4 =	vadd.s32 v2, v4  }
0x99: {  	[tilespmem:s20], [sflag:$0x3] =	stream.indirect_vreg.gather [hbm4b:s7+s3], $0x80, v7, vm0, $0xb8;
	[tilespmem:$0x19000] =	vst v63  }
0x9a: {  	s26 =	simm.s32 $0x12800  }
0x9b: {  	[tilespmem:s26], [sflag:$0x3] =	stream.indirect_vreg.gather [hbm4b:s8+s3], $0x80, v7, vm0, $0xb8;
	[tilespmem:$0x19000] =	vst v63  }
0x9c: {  	s28 =	simm.s32 $0x13000  }
0x9d: {  	[tilespmem:s28], [sflag:$0x3] =	stream.indirect_vreg.gather [hbm4b:s1+s3], $0x80, v4, vm0, $0xb8;
	[tilespmem:$0x19000] =	vst v63  }
0x9e: {  	s11 =	simm.s32 $0x13800  }
0x9f: {  	[tilespmem:s11], [sflag:$0x3] =	stream.indirect_vreg.gather [hbm4b:s6+s3], $0x80, v4, vm0, $0xb8;
	[tilespmem:$0x19000] =	vst v63  }
0xa0: {  	s13 =	simm.s32 $0x14000  }
0xa1: {  	[tilespmem:s13], [sflag:$0x3] =	stream.indirect_vreg.gather [hbm4b:s7+s3], $0x80, v4, vm0, $0xb8;
	[tilespmem:$0x19000] =	vst v63  }
0xa2: {  	s14 =	simm.s32 $0x14800  }
0xa3: {  	[tilespmem:s14], [sflag:$0x3] =	stream.indirect_vreg.gather [hbm4b:s8+s3], $0x80, v4, vm0, $0xb8;
	[tilespmem:$0x19000] =	vst v63  }
0xa4: {  	v4 =	vld [tilespmem:$0x110];
	_ =	sdelay $0x4  }
0xa5: {  	v5 =	vshll.u32 v4, $0x3  }
0xa6: {  	v4 =	vand.u32 $0x7, v4;
	v5 =	vand.u32 $0xFFFFFFC0, v5  }
0xa7: {  	v4 =	vor.u32 v4, v5  }
0xa8: {  	v5 =	vperm.xlane v4, v1;
	_ =	sdelay $0x1  }
0xa9: {  	v5 =	vadd.s32 v2, v5;
	_ =	sdelay $0x3  }
0xaa: {  	s15 =	simm.s32 $0x15000  }
0xab: {  	[tilespmem:s15], [sflag:$0x3] =	stream.indirect_vreg.gather [hbm4b:s1+s3], $0x80, v5, vm0, $0xb8;
	[tilespmem:$0x19000] =	vst v63  }
0xac: {  	s20 =	simm.s32 $0x15800;
	v4 =	vperm.xlane v4, v3  }
0xad: {  	[tilespmem:s20], [sflag:$0x3] =	stream.indirect_vreg.gather [hbm4b:s6+s3], $0x80, v5, vm0, $0xb8;
	[tilespmem:$0x19000] =	vst v63  }
0xae: {  	s26 =	simm.s32 $0x16000;
	v4 =	vadd.s32 v2, v4  }
0xaf: {  	[tilespmem:s26], [sflag:$0x3] =	stream.indirect_vreg.gather [hbm4b:s7+s3], $0x80, v5, vm0, $0xb8;
	[tilespmem:$0x19000] =	vst v63  }
0xb0: {  	s28 =	simm.s32 $0x16800  }
0xb1: {  	[tilespmem:s28], [sflag:$0x3] =	stream.indirect_vreg.gather [hbm4b:s8+s3], $0x80, v5, vm0, $0xb8;
	[tilespmem:$0x19000] =	vst v63  }
0xb2: {  	s11 =	simm.s32 $0x17000  }
0xb3: {  	[tilespmem:s11], [sflag:$0x3] =	stream.indirect_vreg.gather [hbm4b:s1+s3], $0x80, v4, vm0, $0xb8;
	[tilespmem:$0x19000] =	vst v63  }
0xb4: {  	s13 =	simm.s32 $0x17800  }
0xb5: {  	[tilespmem:s13], [sflag:$0x3] =	stream.indirect_vreg.gather [hbm4b:s6+s3], $0x80, v4, vm0, $0xb8;
	[tilespmem:$0x19000] =	vst v63  }
0xb6: {  	s14 =	simm.s32 $0x18000  }
0xb7: {  	[tilespmem:s14], [sflag:$0x3] =	stream.indirect_vreg.gather [hbm4b:s7+s3], $0x80, v4, vm0, $0xb8;
	[tilespmem:$0x19000] =	vst v63  }
0xb8: {  	s15 =	simm.s32 $0x18800  }
0xb9: {  	[tilespmem:s15], [sflag:$0x3] =	stream.indirect_vreg.gather [hbm4b:s8+s3], $0x80, v4, vm0, $0xb8;
	[tilespmem:$0x19000] =	vst v63  }
0xba: {  	v4 =	vld [tilespmem:$0x180]  }
0xbb: {  	v5 =	vld [tilespmem:$0x190];
	_ =	sdelay $0x3  }
0xbc: {  	v4 =	vadd.s32 v0, v4  }
0xbd: {  	[tilespmem:$0x180] =	vst v4;
	v4 =	vadd.s32 v0, v5  }
0xbe: {  	[tilespmem:$0x190] =	vst v4  }
0xbf: {  	_ =	swait.ge [sflag:s5], $0x8000  }
0xc0: {  	s20 =	sld [smem:$0x7FC]  }
0xc1: {  	[sflag:s5] =	ssyncset.done $0x0  }
0xc2: {  	s28 =	simm.s32 $0x1000;
	[sflag:s5] =	ssyncadd.s32 $0xFFFF8000  }
0xc3: {  	[hbm4b:s20+s3] =	stream.linear.scatter [tilespmem:s28], [sflag:$0x4], $0x8000, $0x38;
	[tilespmem:$0x19000] =	vst v63  }
0xc4: {  	_ =	swait.ge [sflag:s21], $0x8000  }
0xc5: {  	[sflag:s21] =	ssyncset.done $0x0  }
0xc6: {  	[sflag:s21] =	ssyncadd.s32 $0xFFFF8000  }
0xc7: {  	v4 =	vld [tilespmem:$0x180];
	_ =	sdelay $0x4  }
0xc8: {  	v5 =	vshll.u32 v4, $0x3  }
0xc9: {  	v4 =	vand.u32 $0x7, v4;
	v5 =	vand.u32 $0xFFFFFFC0, v5  }
0xca: {  	v4 =	vor.u32 v4, v5  }
0xcb: {  	v5 =	vperm.xlane v4, v1;
	_ =	sdelay $0x1  }
0xcc: {  	v5 =	vadd.s32 v2, v5;
	_ =	sdelay $0x4  }
0xcd: {  	[tilespmem:s28], [sflag:$0x1] =	stream.indirect_vreg.gather [hbm4b:s1+s3], $0x80, v5, vm0, $0xb8;
	[tilespmem:$0x19000] =	vst v63  }
0xce: {  	s4 =	simm.s32 $0x1800;
	v4 =	vperm.xlane v4, v3  }
0xcf: {  	[tilespmem:s4], [sflag:$0x1] =	stream.indirect_vreg.gather [hbm4b:s6+s3], $0x80, v5, vm0, $0xb8;
	[tilespmem:$0x19000] =	vst v63  }
0xd0: {  	s31 =	simm.s32 $0x2000;
	v4 =	vadd.s32 v2, v4  }
0xd1: {  	[tilespmem:s31], [sflag:$0x1] =	stream.indirect_vreg.gather [hbm4b:s7+s3], $0x80, v5, vm0, $0xb8;
	[tilespmem:$0x19000] =	vst v63  }
0xd2: {  	s31 =	simm.s32 $0x2800  }
0xd3: {  	[tilespmem:s31], [sflag:$0x1] =	stream.indirect_vreg.gather [hbm4b:s8+s3], $0x80, v5, vm0, $0xb8;
	[tilespmem:$0x19000] =	vst v63  }
0xd4: {  	s20 =	simm.s32 $0x3000  }
0xd5: {  	[tilespmem:s20], [sflag:$0x1] =	stream.indirect_vreg.gather [hbm4b:s1+s3], $0x80, v4, vm0, $0xb8;
	[tilespmem:$0x19000] =	vst v63  }
0xd6: {  	s11 =	simm.s32 $0x3800  }
0xd7: {  	[tilespmem:s11], [sflag:$0x1] =	stream.indirect_vreg.gather [hbm4b:s6+s3], $0x80, v4, vm0, $0xb8;
	[tilespmem:$0x19000] =	vst v63  }
0xd8: {  	s4 =	simm.s32 $0x4000  }
0xd9: {  	[tilespmem:s4], [sflag:$0x1] =	stream.indirect_vreg.gather [hbm4b:s7+s3], $0x80, v4, vm0, $0xb8;
	[tilespmem:$0x19000] =	vst v63  }
0xda: {  	s9 =	simm.s32 $0x4800  }
0xdb: {  	[tilespmem:s9], [sflag:$0x1] =	stream.indirect_vreg.gather [hbm4b:s8+s3], $0x80, v4, vm0, $0xb8;
	[tilespmem:$0x19000] =	vst v63  }
0xdc: {  	v4 =	vld [tilespmem:$0x190];
	_ =	sdelay $0x4  }
0xdd: {  	v5 =	vshll.u32 v4, $0x3  }
0xde: {  	v4 =	vand.u32 $0x7, v4;
	v5 =	vand.u32 $0xFFFFFFC0, v5  }
0xdf: {  	v4 =	vor.u32 v4, v5  }
0xe0: {  	v5 =	vperm.xlane v4, v1;
	_ =	sdelay $0x1  }
0xe1: {  	v5 =	vadd.s32 v2, v5;
	_ =	sdelay $0x3  }
0xe2: {  	s10 =	simm.s32 $0x5000  }
0xe3: {  	[tilespmem:s10], [sflag:$0x1] =	stream.indirect_vreg.gather [hbm4b:s1+s3], $0x80, v5, vm0, $0xb8;
	[tilespmem:$0x19000] =	vst v63  }
0xe4: {  	s12 =	simm.s32 $0x5800;
	v4 =	vperm.xlane v4, v3  }
0xe5: {  	[tilespmem:s12], [sflag:$0x1] =	stream.indirect_vreg.gather [hbm4b:s6+s3], $0x80, v5, vm0, $0xb8;
	[tilespmem:$0x19000] =	vst v63  }
0xe6: {  	s9 =	simm.s32 $0x6000;
	v4 =	vadd.s32 v2, v4  }
0xe7: {  	[tilespmem:s9], [sflag:$0x1] =	stream.indirect_vreg.gather [hbm4b:s7+s3], $0x80, v5, vm0, $0xb8;
	[tilespmem:$0x19000] =	vst v63  }
0xe8: {  	s10 =	simm.s32 $0x6800  }
0xe9: {  	[tilespmem:s10], [sflag:$0x1] =	stream.indirect_vreg.gather [hbm4b:s8+s3], $0x80, v5, vm0, $0xb8;
	[tilespmem:$0x19000] =	vst v63  }
0xea: {  	s12 =	simm.s32 $0x7000  }
0xeb: {  	[tilespmem:s12], [sflag:$0x1] =	stream.indirect_vreg.gather [hbm4b:s1+s3], $0x80, v4, vm0, $0xb8;
	[tilespmem:$0x19000] =	vst v63  }
0xec: {  	s13 =	simm.s32 $0x7800  }
0xed: {  	[tilespmem:s13], [sflag:$0x1] =	stream.indirect_vreg.gather [hbm4b:s6+s3], $0x80, v4, vm0, $0xb8;
	[tilespmem:$0x19000] =	vst v63  }
0xee: {  	s14 =	simm.s32 $0x8000  }
0xef: {  	[tilespmem:s14], [sflag:$0x1] =	stream.indirect_vreg.gather [hbm4b:s7+s3], $0x80, v4, vm0, $0xb8;
	[tilespmem:$0x19000] =	vst v63  }
0xf0: {  	s15 =	simm.s32 $0x8800  }
0xf1: {  	[tilespmem:s15], [sflag:$0x1] =	stream.indirect_vreg.gather [hbm4b:s8+s3], $0x80, v4, vm0, $0xb8;
	[tilespmem:$0x19000] =	vst v63  }
0xf2: {  	v4 =	vld [tilespmem:$0x200]  }
0xf3: {  	v5 =	vld [tilespmem:$0x210];
	_ =	sdelay $0x3  }
0xf4: {  	v4 =	vadd.s32 v0, v4  }
0xf5: {  	[tilespmem:$0x200] =	vst v4;
	v4 =	vadd.s32 v0, v5  }
0xf6: {  	[tilespmem:$0x210] =	vst v4  }
0xf7: {  	_ =	swait.ge [sflag:s22], $0x8000  }
0xf8: {  	[sflag:s22] =	ssyncset.done $0x0  }
0xf9: {  	s2 =	simm.s32 $0x9000;
	s0 =	rddreg [dreg:$0x5];
	[sflag:s22] =	ssyncadd.s32 $0xFFFF8000  }
0xfa: {  	[hbm4b:s0+s3] =	stream.linear.scatter [tilespmem:s2], [sflag:$0x5], $0x8000, $0x38;
	[tilespmem:$0x19000] =	vst v63  }
0xfb: {  	_ =	swait.ge [sflag:s23], $0x8000  }
0xfc: {  	[sflag:s23] =	ssyncset.done $0x0  }
0xfd: {  	[sflag:s23] =	ssyncadd.s32 $0xFFFF8000  }
0xfe: {  	v4 =	vld [tilespmem:$0x200];
	_ =	sdelay $0x4  }
0xff: {  	v5 =	vshll.u32 v4, $0x3  }
0x100: {  	v4 =	vand.u32 $0x7, v4;
	v5 =	vand.u32 $0xFFFFFFC0, v5  }
0x101: {  	v4 =	vor.u32 v4, v5  }
0x102: {  	v5 =	vperm.xlane v4, v1;
	_ =	sdelay $0x1  }
0x103: {  	v5 =	vadd.s32 v2, v5;
	_ =	sdelay $0x4  }
0x104: {  	[tilespmem:s2], [sflag:$0x2] =	stream.indirect_vreg.gather [hbm4b:s1+s3], $0x80, v5, vm0, $0xb8;
	[tilespmem:$0x19000] =	vst v63  }
0x105: {  	s16 =	simm.s32 $0x9800;
	v4 =	vperm.xlane v4, v3  }
0x106: {  	[tilespmem:s16], [sflag:$0x2] =	stream.indirect_vreg.gather [hbm4b:s6+s3], $0x80, v5, vm0, $0xb8;
	[tilespmem:$0x19000] =	vst v63  }
0x107: {  	s28 =	simm.s32 $0xA000;
	v4 =	vadd.s32 v2, v4  }
0x108: {  	[tilespmem:s28], [sflag:$0x2] =	stream.indirect_vreg.gather [hbm4b:s7+s3], $0x80, v5, vm0, $0xb8;
	[tilespmem:$0x19000] =	vst v63  }
0x109: {  	s16 =	simm.s32 $0xA800  }
0x10a: {  	[tilespmem:s16], [sflag:$0x2] =	stream.indirect_vreg.gather [hbm4b:s8+s3], $0x80, v5, vm0, $0xb8;
	[tilespmem:$0x19000] =	vst v63  }
0x10b: {  	s26 =	simm.s32 $0xB000  }
0x10c: {  	[tilespmem:s26], [sflag:$0x2] =	stream.indirect_vreg.gather [hbm4b:s1+s3], $0x80, v4, vm0, $0xb8;
	[tilespmem:$0x19000] =	vst v63  }
0x10d: {  	s2 =	simm.s32 $0xB800  }
0x10e: {  	[tilespmem:s2], [sflag:$0x2] =	stream.indirect_vreg.gather [hbm4b:s6+s3], $0x80, v4, vm0, $0xb8;
	[tilespmem:$0x19000] =	vst v63  }
0x10f: {  	s16 =	simm.s32 $0xC000  }
0x110: {  	[tilespmem:s16], [sflag:$0x2] =	stream.indirect_vreg.gather [hbm4b:s7+s3], $0x80, v4, vm0, $0xb8;
	[tilespmem:$0x19000] =	vst v63  }
0x111: {  	s17 =	simm.s32 $0xC800  }
0x112: {  	[tilespmem:s17], [sflag:$0x2] =	stream.indirect_vreg.gather [hbm4b:s8+s3], $0x80, v4, vm0, $0xb8;
	[tilespmem:$0x19000] =	vst v63  }
0x113: {  	v4 =	vld [tilespmem:$0x210];
	_ =	sdelay $0x4  }
0x114: {  	v5 =	vshll.u32 v4, $0x3  }
0x115: {  	v4 =	vand.u32 $0x7, v4;
	v5 =	vand.u32 $0xFFFFFFC0, v5  }
0x116: {  	v4 =	vor.u32 v4, v5  }
0x117: {  	v5 =	vperm.xlane v4, v1;
	_ =	sdelay $0x1  }
0x118: {  	v5 =	vadd.s32 v2, v5;
	_ =	sdelay $0x3  }
0x119: {  	s18 =	simm.s32 $0xD000  }
0x11a: {  	[tilespmem:s18], [sflag:$0x2] =	stream.indirect_vreg.gather [hbm4b:s1+s3], $0x80, v5, vm0, $0xb8;
	[tilespmem:$0x19000] =	vst v63  }
0x11b: {  	s19 =	simm.s32 $0xD800;
	v4 =	vperm.xlane v4, v3  }
0x11c: {  	[tilespmem:s19], [sflag:$0x2] =	stream.indirect_vreg.gather [hbm4b:s6+s3], $0x80, v5, vm0, $0xb8;
	[tilespmem:$0x19000] =	vst v63  }
0x11d: {  	v4 =	vadd.s32 v2, v4;
	s19 =	simm.s32 $0xE000  }
0x11e: {  	[tilespmem:s19], [sflag:$0x2] =	stream.indirect_vreg.gather [hbm4b:s7+s3], $0x80, v5, vm0, $0xb8;
	[tilespmem:$0x19000] =	vst v63  }
0x11f: {  	s26 =	simm.s32 $0xE800  }
0x120: {  	[tilespmem:s26], [sflag:$0x2] =	stream.indirect_vreg.gather [hbm4b:s8+s3], $0x80, v5, vm0, $0xb8;
	[tilespmem:$0x19000] =	vst v63  }
0x121: {  	s2 =	simm.s32 $0xF000  }
0x122: {  	[tilespmem:s2], [sflag:$0x2] =	stream.indirect_vreg.gather [hbm4b:s1+s3], $0x80, v4, vm0, $0xb8;
	[tilespmem:$0x19000] =	vst v63  }
0x123: {  	s16 =	simm.s32 $0xF800  }
0x124: {  	[tilespmem:s16], [sflag:$0x2] =	stream.indirect_vreg.gather [hbm4b:s6+s3], $0x80, v4, vm0, $0xb8;
	[tilespmem:$0x19000] =	vst v63  }
0x125: {  	s17 =	simm.s32 $0x10000  }
0x126: {  	[tilespmem:s17], [sflag:$0x2] =	stream.indirect_vreg.gather [hbm4b:s7+s3], $0x80, v4, vm0, $0xb8;
	[tilespmem:$0x19000] =	vst v63  }
0x127: {  	s29 =	simm.s32 $0x10800  }
0x128: {  	[tilespmem:s29], [sflag:$0x2] =	stream.indirect_vreg.gather [hbm4b:s8+s3], $0x80, v4, vm0, $0xb8;
	[tilespmem:$0x19000] =	vst v63  }
0x129: {  	v4 =	vld [tilespmem:$0x280]  }
0x12a: {  	v5 =	vld [tilespmem:$0x290];
	_ =	sdelay $0x3  }
0x12b: {  	v4 =	vadd.s32 v0, v4  }
0x12c: {  	[tilespmem:$0x280] =	vst v4;
	v4 =	vadd.s32 v0, v5  }
0x12d: {  	[tilespmem:$0x290] =	vst v4  }
0x12e: {  	_ =	swait.ge [sflag:s24], $0x8000  }
0x12f: {  	[sflag:s24] =	ssyncset.done $0x0  }
0x130: {  	s19 =	simm.s32 $0x11000;
	s18 =	rddreg [dreg:$0x6];
	[sflag:s24] =	ssyncadd.s32 $0xFFFF8000  }
0x131: {  	[hbm4b:s18+s3] =	stream.linear.scatter [tilespmem:s19], [sflag:$0x6], $0x8000, $0x38;
	[tilespmem:$0x19000] =	vst v63  }
0x132: {  	_ =	swait.ge [sflag:s25], $0x8000  }
0x133: {  	[sflag:s25] =	ssyncset.done $0x0  }
0x134: {  	[sflag:s25] =	ssyncadd.s32 $0xFFFF8000  }
0x135: {  	v4 =	vld [tilespmem:$0x280];
	_ =	sdelay $0x4  }
0x136: {  	v5 =	vshll.u32 v4, $0x3  }
0x137: {  	v4 =	vand.u32 $0x7, v4;
	v5 =	vand.u32 $0xFFFFFFC0, v5  }
0x138: {  	v4 =	vor.u32 v4, v5  }
0x139: {  	v5 =	vperm.xlane v4, v1;
	_ =	sdelay $0x1  }
0x13a: {  	v5 =	vadd.s32 v2, v5;
	_ =	sdelay $0x4  }
0x13b: {  	[tilespmem:s19], [sflag:$0x3] =	stream.indirect_vreg.gather [hbm4b:s1+s3], $0x80, v5, vm0, $0xb8;
	[tilespmem:$0x19000] =	vst v63  }
0x13c: {  	s30 =	simm.s32 $0x11800;
	v4 =	vperm.xlane v4, v3  }
0x13d: {  	[tilespmem:s30], [sflag:$0x3] =	stream.indirect_vreg.gather [hbm4b:s6+s3], $0x80, v5, vm0, $0xb8;
	[tilespmem:$0x19000] =	vst v63  }
0x13e: {  	s16 =	simm.s32 $0x12000;
	v4 =	vadd.s32 v2, v4  }
0x13f: {  	[tilespmem:s16], [sflag:$0x3] =	stream.indirect_vreg.gather [hbm4b:s7+s3], $0x80, v5, vm0, $0xb8;
	[tilespmem:$0x19000] =	vst v63  }
0x140: {  	s17 =	simm.s32 $0x12800  }
0x141: {  	[tilespmem:s17], [sflag:$0x3] =	stream.indirect_vreg.gather [hbm4b:s8+s3], $0x80, v5, vm0, $0xb8;
	[tilespmem:$0x19000] =	vst v63  }
0x142: {  	s18 =	simm.s32 $0x13000  }
0x143: {  	[tilespmem:s18], [sflag:$0x3] =	stream.indirect_vreg.gather [hbm4b:s1+s3], $0x80, v4, vm0, $0xb8;
	[tilespmem:$0x19000] =	vst v63  }
0x144: {  	s19 =	simm.s32 $0x13800  }
0x145: {  	[tilespmem:s19], [sflag:$0x3] =	stream.indirect_vreg.gather [hbm4b:s6+s3], $0x80, v4, vm0, $0xb8;
	[tilespmem:$0x19000] =	vst v63  }
0x146: {  	s29 =	simm.s32 $0x14000  }
0x147: {  	[tilespmem:s29], [sflag:$0x3] =	stream.indirect_vreg.gather [hbm4b:s7+s3], $0x80, v4, vm0, $0xb8;
	[tilespmem:$0x19000] =	vst v63  }
0x148: {  	s26 =	simm.s32 $0x14800  }
0x149: {  	[tilespmem:s26], [sflag:$0x3] =	stream.indirect_vreg.gather [hbm4b:s8+s3], $0x80, v4, vm0, $0xb8;
	[tilespmem:$0x19000] =	vst v63  }
0x14a: {  	v4 =	vld [tilespmem:$0x290];
	_ =	sdelay $0x4  }
0x14b: {  	v5 =	vshll.u32 v4, $0x3  }
0x14c: {  	v4 =	vand.u32 $0x7, v4;
	v5 =	vand.u32 $0xFFFFFFC0, v5  }
0x14d: {  	v4 =	vor.u32 v4, v5  }
0x14e: {  	v5 =	vperm.xlane v4, v1;
	_ =	sdelay $0x1  }
0x14f: {  	v5 =	vadd.s32 v2, v5;
	_ =	sdelay $0x3  }
0x150: {  	s30 =	simm.s32 $0x15000  }
0x151: {  	[tilespmem:s30], [sflag:$0x3] =	stream.indirect_vreg.gather [hbm4b:s1+s3], $0x80, v5, vm0, $0xb8;
	[tilespmem:$0x19000] =	vst v63  }
0x152: {  	s2 =	simm.s32 $0x15800;
	v4 =	vperm.xlane v4, v3  }
0x153: {  	[tilespmem:s2], [sflag:$0x3] =	stream.indirect_vreg.gather [hbm4b:s6+s3], $0x80, v5, vm0, $0xb8;
	[tilespmem:$0x19000] =	vst v63  }
0x154: {  	v4 =	vadd.s32 v2, v4;
	s30 =	simm.s32 $0x16000  }
0x155: {  	[tilespmem:s30], [sflag:$0x3] =	stream.indirect_vreg.gather [hbm4b:s7+s3], $0x80, v5, vm0, $0xb8;
	[tilespmem:$0x19000] =	vst v63  }
0x156: {  	s2 =	simm.s32 $0x16800  }
0x157: {  	[tilespmem:s2], [sflag:$0x3] =	stream.indirect_vreg.gather [hbm4b:s8+s3], $0x80, v5, vm0, $0xb8;
	[tilespmem:$0x19000] =	vst v63  }
0x158: {  	s26 =	simm.s32 $0x17000  }
0x159: {  	[tilespmem:s26], [sflag:$0x3] =	stream.indirect_vreg.gather [hbm4b:s1+s3], $0x80, v4, vm0, $0xb8;
	[tilespmem:$0x19000] =	vst v63  }
0x15a: {  	s26 =	simm.s32 $0x17800  }
0x15b: {  	[tilespmem:s26], [sflag:$0x3] =	stream.indirect_vreg.gather [hbm4b:s6+s3], $0x80, v4, vm0, $0xb8;
	[tilespmem:$0x19000] =	vst v63  }
0x15c: {  	s26 =	simm.s32 $0x18000  }
0x15d: {  	[tilespmem:s26], [sflag:$0x3] =	stream.indirect_vreg.gather [hbm4b:s7+s3], $0x80, v4, vm0, $0xb8;
	[tilespmem:$0x19000] =	vst v63  }
0x15e: {  	s26 =	simm.s32 $0x18800  }
0x15f: {  	[tilespmem:s26], [sflag:$0x3] =	stream.indirect_vreg.gather [hbm4b:s8+s3], $0x80, v4, vm0, $0xb8;
	[tilespmem:$0x19000] =	vst v63  }
0x160: {  	v4 =	vld [tilespmem:$0x300]  }
0x161: {  	v5 =	vld [tilespmem:$0x310];
	_ =	sdelay $0x3  }
0x162: {  	v4 =	vadd.s32 v0, v4  }
0x163: {  	[tilespmem:$0x300] =	vst v4;
	v4 =	vadd.s32 v0, v5  }
0x164: {  	[tilespmem:$0x310] =	vst v4  }
0x165: {  	_ =	swait.ge [sflag:s5], $0x8000  }
0x166: {  	[sflag:s5] =	ssyncset.done $0x0  }
0x167: {  	s0 =	simm.s32 $0x1000;
	s26 =	rddreg [dreg:$0x7];
	[sflag:s5] =	ssyncadd.s32 $0xFFFF8000  }
0x168: {  	[hbm4b:s26+s3] =	stream.linear.scatter [tilespmem:s0], [sflag:$0x4], $0x8000, $0x38;
	[tilespmem:$0x19000] =	vst v63  }
0x169: {  	_ =	swait.ge [sflag:s21], $0x8000  }
0x16a: {  	[sflag:s21] =	ssyncset.done $0x0  }
0x16b: {  	[sflag:s21] =	ssyncadd.s32 $0xFFFF8000  }
0x16c: {  	v4 =	vld [tilespmem:$0x300];
	_ =	sdelay $0x4  }
0x16d: {  	v5 =	vshll.u32 v4, $0x3  }
0x16e: {  	v4 =	vand.u32 $0x7, v4;
	v5 =	vand.u32 $0xFFFFFFC0, v5  }
0x16f: {  	v4 =	vor.u32 v4, v5  }
0x170: {  	v5 =	vperm.xlane v4, v1;
	_ =	sdelay $0x1  }
0x171: {  	v5 =	vadd.s32 v2, v5;
	_ =	sdelay $0x4  }
0x172: {  	[tilespmem:s0], [sflag:$0x1] =	stream.indirect_vreg.gather [hbm4b:s1+s3], $0x80, v5, vm0, $0xb8;
	[tilespmem:$0x19000] =	vst v63  }
0x173: {  	s26 =	simm.s32 $0x1800;
	v4 =	vperm.xlane v4, v3  }
0x174: {  	[tilespmem:s26], [sflag:$0x1] =	stream.indirect_vreg.gather [hbm4b:s6+s3], $0x80, v5, vm0, $0xb8;
	[tilespmem:$0x19000] =	vst v63  }
0x175: {  	v4 =	vadd.s32 v2, v4;
	s26 =	simm.s32 $0x2000  }
0x176: {  	[tilespmem:s26], [sflag:$0x1] =	stream.indirect_vreg.gather [hbm4b:s7+s3], $0x80, v5, vm0, $0xb8;
	[tilespmem:$0x19000] =	vst v63  }
0x177: {  	_ = 	snop  }
0x178: {  	[tilespmem:s31], [sflag:$0x1] =	stream.indirect_vreg.gather [hbm4b:s8+s3], $0x80, v5, vm0, $0xb8;
	[tilespmem:$0x19000] =	vst v63  }
0x179: {  	_ = 	snop  }
0x17a: {  	[tilespmem:s20], [sflag:$0x1] =	stream.indirect_vreg.gather [hbm4b:s1+s3], $0x80, v4, vm0, $0xb8;
	[tilespmem:$0x19000] =	vst v63  }
0x17b: {  	_ = 	snop  }
0x17c: {  	[tilespmem:s11], [sflag:$0x1] =	stream.indirect_vreg.gather [hbm4b:s6+s3], $0x80, v4, vm0, $0xb8;
	[tilespmem:$0x19000] =	vst v63  }
0x17d: {  	_ = 	snop  }
0x17e: {  	[tilespmem:s4], [sflag:$0x1] =	stream.indirect_vreg.gather [hbm4b:s7+s3], $0x80, v4, vm0, $0xb8;
	[tilespmem:$0x19000] =	vst v63  }
0x17f: {  	s11 =	simm.s32 $0x4800  }
0x180: {  	[tilespmem:s11], [sflag:$0x1] =	stream.indirect_vreg.gather [hbm4b:s8+s3], $0x80, v4, vm0, $0xb8;
	[tilespmem:$0x19000] =	vst v63  }
0x181: {  	v4 =	vld [tilespmem:$0x310];
	_ =	sdelay $0x4  }
0x182: {  	v5 =	vshll.u32 v4, $0x3  }
0x183: {  	v4 =	vand.u32 $0x7, v4;
	v5 =	vand.u32 $0xFFFFFFC0, v5  }
0x184: {  	v4 =	vor.u32 v4, v5  }
0x185: {  	v5 =	vperm.xlane v4, v1;
	_ =	sdelay $0x1  }
0x186: {  	v5 =	vadd.s32 v2, v5;
	_ =	sdelay $0x3  }
0x187: {  	s20 =	simm.s32 $0x5000  }
0x188: {  	[tilespmem:s20], [sflag:$0x1] =	stream.indirect_vreg.gather [hbm4b:s1+s3], $0x80, v5, vm0, $0xb8;
	[tilespmem:$0x19000] =	vst v63  }
0x189: {  	s26 =	simm.s32 $0x5800;
	v4 =	vperm.xlane v4, v3  }
0x18a: {  	[tilespmem:s26], [sflag:$0x1] =	stream.indirect_vreg.gather [hbm4b:s6+s3], $0x80, v5, vm0, $0xb8;
	[tilespmem:$0x19000] =	vst v63  }
0x18b: {  	v4 =	vadd.s32 v2, v4  }
0x18c: {  	[tilespmem:s9], [sflag:$0x1] =	stream.indirect_vreg.gather [hbm4b:s7+s3], $0x80, v5, vm0, $0xb8;
	[tilespmem:$0x19000] =	vst v63  }
0x18d: {  	_ = 	snop  }
0x18e: {  	[tilespmem:s10], [sflag:$0x1] =	stream.indirect_vreg.gather [hbm4b:s8+s3], $0x80, v5, vm0, $0xb8;
	[tilespmem:$0x19000] =	vst v63  }
0x18f: {  	_ = 	snop  }
0x190: {  	[tilespmem:s12], [sflag:$0x1] =	stream.indirect_vreg.gather [hbm4b:s1+s3], $0x80, v4, vm0, $0xb8;
	[tilespmem:$0x19000] =	vst v63  }
0x191: {  	_ = 	snop  }
0x192: {  	[tilespmem:s13], [sflag:$0x1] =	stream.indirect_vreg.gather [hbm4b:s6+s3], $0x80, v4, vm0, $0xb8;
	[tilespmem:$0x19000] =	vst v63  }
0x193: {  	_ = 	snop  }
0x194: {  	[tilespmem:s14], [sflag:$0x1] =	stream.indirect_vreg.gather [hbm4b:s7+s3], $0x80, v4, vm0, $0xb8;
	[tilespmem:$0x19000] =	vst v63  }
0x195: {  	_ = 	snop  }
0x196: {  	[tilespmem:s15], [sflag:$0x1] =	stream.indirect_vreg.gather [hbm4b:s8+s3], $0x80, v4, vm0, $0xb8;
	[tilespmem:$0x19000] =	vst v63  }
0x197: {  	v4 =	vld [tilespmem:$0x380]  }
0x198: {  	v5 =	vld [tilespmem:$0x390];
	_ =	sdelay $0x3  }
0x199: {  	v4 =	vadd.s32 v0, v4  }
0x19a: {  	[tilespmem:$0x380] =	vst v4;
	v4 =	vadd.s32 v0, v5  }
0x19b: {  	[tilespmem:$0x390] =	vst v4  }
0x19c: {  	_ =	swait.ge [sflag:s22], $0x8000  }
0x19d: {  	[sflag:s22] =	ssyncset.done $0x0  }
0x19e: {  	s4 =	simm.s32 $0x9000;
	s0 =	rddreg [dreg:$0x8];
	[sflag:s22] =	ssyncadd.s32 $0xFFFF8000  }
0x19f: {  	[hbm4b:s0+s3] =	stream.linear.scatter [tilespmem:s4], [sflag:$0x5], $0x8000, $0x38;
	[tilespmem:$0x19000] =	vst v63  }
0x1a0: {  	_ =	swait.ge [sflag:s23], $0x8000  }
0x1a1: {  	[sflag:s23] =	ssyncset.done $0x0  }
0x1a2: {  	[sflag:s23] =	ssyncadd.s32 $0xFFFF8000  }
0x1a3: {  	v4 =	vld [tilespmem:$0x380];
	_ =	sdelay $0x4  }
0x1a4: {  	v5 =	vshll.u32 v4, $0x3  }
0x1a5: {  	v4 =	vand.u32 $0x7, v4;
	v5 =	vand.u32 $0xFFFFFFC0, v5  }
0x1a6: {  	v4 =	vor.u32 v4, v5  }
0x1a7: {  	v5 =	vperm.xlane v4, v1;
	_ =	sdelay $0x1  }
0x1a8: {  	v5 =	vadd.s32 v2, v5;
	_ =	sdelay $0x4  }
0x1a9: {  	[tilespmem:s4], [sflag:$0x2] =	stream.indirect_vreg.gather [hbm4b:s1+s3], $0x80, v5, vm0, $0xb8;
	[tilespmem:$0x19000] =	vst v63  }
0x1aa: {  	s9 =	simm.s32 $0x9800;
	v4 =	vperm.xlane v4, v3  }
0x1ab: {  	[tilespmem:s9], [sflag:$0x2] =	stream.indirect_vreg.gather [hbm4b:s6+s3], $0x80, v5, vm0, $0xb8;
	[tilespmem:$0x19000] =	vst v63  }
0x1ac: {  	v4 =	vadd.s32 v2, v4  }
0x1ad: {  	[tilespmem:s28], [sflag:$0x2] =	stream.indirect_vreg.gather [hbm4b:s7+s3], $0x80, v5, vm0, $0xb8;
	[tilespmem:$0x19000] =	vst v63  }
0x1ae: {  	s10 =	simm.s32 $0xA800  }
0x1af: {  	[tilespmem:s10], [sflag:$0x2] =	stream.indirect_vreg.gather [hbm4b:s8+s3], $0x80, v5, vm0, $0xb8;
	[tilespmem:$0x19000] =	vst v63  }
0x1b0: {  	s11 =	simm.s32 $0xB000  }
0x1b1: {  	[tilespmem:s11], [sflag:$0x2] =	stream.indirect_vreg.gather [hbm4b:s1+s3], $0x80, v4, vm0, $0xb8;
	[tilespmem:$0x19000] =	vst v63  }
0x1b2: {  	s12 =	simm.s32 $0xB800  }
0x1b3: {  	[tilespmem:s12], [sflag:$0x2] =	stream.indirect_vreg.gather [hbm4b:s6+s3], $0x80, v4, vm0, $0xb8;
	[tilespmem:$0x19000] =	vst v63  }
0x1b4: {  	s13 =	simm.s32 $0xC000  }
0x1b5: {  	[tilespmem:s13], [sflag:$0x2] =	stream.indirect_vreg.gather [hbm4b:s7+s3], $0x80, v4, vm0, $0xb8;
	[tilespmem:$0x19000] =	vst v63  }
0x1b6: {  	s14 =	simm.s32 $0xC800  }
0x1b7: {  	[tilespmem:s14], [sflag:$0x2] =	stream.indirect_vreg.gather [hbm4b:s8+s3], $0x80, v4, vm0, $0xb8;
	[tilespmem:$0x19000] =	vst v63  }
0x1b8: {  	v4 =	vld [tilespmem:$0x390];
	_ =	sdelay $0x4  }
0x1b9: {  	v5 =	vshll.u32 v4, $0x3  }
0x1ba: {  	v4 =	vand.u32 $0x7, v4;
	v5 =	vand.u32 $0xFFFFFFC0, v5  }
0x1bb: {  	v4 =	vor.u32 v4, v5  }
0x1bc: {  	v5 =	vperm.xlane v4, v1;
	_ =	sdelay $0x1  }
0x1bd: {  	v5 =	vadd.s32 v2, v5;
	_ =	sdelay $0x3  }
0x1be: {  	s15 =	simm.s32 $0xD000  }
0x1bf: {  	[tilespmem:s15], [sflag:$0x2] =	stream.indirect_vreg.gather [hbm4b:s1+s3], $0x80, v5, vm0, $0xb8;
	[tilespmem:$0x19000] =	vst v63  }
0x1c0: {  	s26 =	simm.s32 $0xD800;
	v4 =	vperm.xlane v4, v3  }
0x1c1: {  	[tilespmem:s26], [sflag:$0x2] =	stream.indirect_vreg.gather [hbm4b:s6+s3], $0x80, v5, vm0, $0xb8;
	[tilespmem:$0x19000] =	vst v63  }
0x1c2: {  	s28 =	simm.s32 $0xE000;
	v4 =	vadd.s32 v2, v4  }
0x1c3: {  	[tilespmem:s28], [sflag:$0x2] =	stream.indirect_vreg.gather [hbm4b:s7+s3], $0x80, v5, vm0, $0xb8;
	[tilespmem:$0x19000] =	vst v63  }
0x1c4: {  	s4 =	simm.s32 $0xE800  }
0x1c5: {  	[tilespmem:s4], [sflag:$0x2] =	stream.indirect_vreg.gather [hbm4b:s8+s3], $0x80, v5, vm0, $0xb8;
	[tilespmem:$0x19000] =	vst v63  }
0x1c6: {  	s9 =	simm.s32 $0xF000  }
0x1c7: {  	[tilespmem:s9], [sflag:$0x2] =	stream.indirect_vreg.gather [hbm4b:s1+s3], $0x80, v4, vm0, $0xb8;
	[tilespmem:$0x19000] =	vst v63  }
0x1c8: {  	s10 =	simm.s32 $0xF800  }
0x1c9: {  	[tilespmem:s10], [sflag:$0x2] =	stream.indirect_vreg.gather [hbm4b:s6+s3], $0x80, v4, vm0, $0xb8;
	[tilespmem:$0x19000] =	vst v63  }
0x1ca: {  	s11 =	simm.s32 $0x10000  }
0x1cb: {  	[tilespmem:s11], [sflag:$0x2] =	stream.indirect_vreg.gather [hbm4b:s7+s3], $0x80, v4, vm0, $0xb8;
	[tilespmem:$0x19000] =	vst v63  }
0x1cc: {  	s12 =	simm.s32 $0x10800  }
0x1cd: {  	[tilespmem:s12], [sflag:$0x2] =	stream.indirect_vreg.gather [hbm4b:s8+s3], $0x80, v4, vm0, $0xb8;
	[tilespmem:$0x19000] =	vst v63  }
0x1ce: {  	v4 =	vld [tilespmem:$0x400]  }
0x1cf: {  	v5 =	vld [tilespmem:$0x410];
	_ =	sdelay $0x3  }
0x1d0: {  	v4 =	vadd.s32 v0, v4  }
0x1d1: {  	[tilespmem:$0x400] =	vst v4;
	v4 =	vadd.s32 v0, v5  }
0x1d2: {  	[tilespmem:$0x410] =	vst v4  }
0x1d3: {  	_ =	swait.ge [sflag:s24], $0x8000  }
0x1d4: {  	[sflag:s24] =	ssyncset.done $0x0  }
0x1d5: {  	s14 =	simm.s32 $0x11000;
	s13 =	rddreg [dreg:$0x9];
	[sflag:s24] =	ssyncadd.s32 $0xFFFF8000  }
0x1d6: {  	[hbm4b:s13+s3] =	stream.linear.scatter [tilespmem:s14], [sflag:$0x6], $0x8000, $0x38;
	[tilespmem:$0x19000] =	vst v63  }
0x1d7: {  	_ =	swait.ge [sflag:s25], $0x8000  }
0x1d8: {  	[sflag:s25] =	ssyncset.done $0x0  }
0x1d9: {  	[sflag:s25] =	ssyncadd.s32 $0xFFFF8000  }
0x1da: {  	v4 =	vld [tilespmem:$0x400];
	_ =	sdelay $0x4  }
0x1db: {  	v5 =	vshll.u32 v4, $0x3  }
0x1dc: {  	v4 =	vand.u32 $0x7, v4;
	v5 =	vand.u32 $0xFFFFFFC0, v5  }
0x1dd: {  	v4 =	vor.u32 v4, v5  }
0x1de: {  	v5 =	vperm.xlane v4, v1;
	_ =	sdelay $0x1  }
0x1df: {  	v5 =	vadd.s32 v2, v5;
	_ =	sdelay $0x4  }
0x1e0: {  	[tilespmem:s14], [sflag:$0x3] =	stream.indirect_vreg.gather [hbm4b:s1+s3], $0x80, v5, vm0, $0xb8;
	[tilespmem:$0x19000] =	vst v63  }
0x1e1: {  	s15 =	simm.s32 $0x11800;
	v4 =	vperm.xlane v4, v3  }
0x1e2: {  	[tilespmem:s15], [sflag:$0x3] =	stream.indirect_vreg.gather [hbm4b:s6+s3], $0x80, v5, vm0, $0xb8;
	[tilespmem:$0x19000] =	vst v63  }
0x1e3: {  	v4 =	vadd.s32 v2, v4  }
0x1e4: {  	[tilespmem:s16], [sflag:$0x3] =	stream.indirect_vreg.gather [hbm4b:s7+s3], $0x80, v5, vm0, $0xb8;
	[tilespmem:$0x19000] =	vst v63  }
0x1e5: {  	_ = 	snop  }
0x1e6: {  	[tilespmem:s17], [sflag:$0x3] =	stream.indirect_vreg.gather [hbm4b:s8+s3], $0x80, v5, vm0, $0xb8;
	[tilespmem:$0x19000] =	vst v63  }
0x1e7: {  	_ = 	snop  }
0x1e8: {  	[tilespmem:s18], [sflag:$0x3] =	stream.indirect_vreg.gather [hbm4b:s1+s3], $0x80, v4, vm0, $0xb8;
	[tilespmem:$0x19000] =	vst v63  }
0x1e9: {  	_ = 	snop  }
0x1ea: {  	[tilespmem:s19], [sflag:$0x3] =	stream.indirect_vreg.gather [hbm4b:s6+s3], $0x80, v4, vm0, $0xb8;
	[tilespmem:$0x19000] =	vst v63  }
0x1eb: {  	_ = 	snop  }
0x1ec: {  	[tilespmem:s29], [sflag:$0x3] =	stream.indirect_vreg.gather [hbm4b:s7+s3], $0x80, v4, vm0, $0xb8;
	[tilespmem:$0x19000] =	vst v63  }
0x1ed: {  	s10 =	simm.s32 $0x14800  }
0x1ee: {  	[tilespmem:s10], [sflag:$0x3] =	stream.indirect_vreg.gather [hbm4b:s8+s3], $0x80, v4, vm0, $0xb8;
	[tilespmem:$0x19000] =	vst v63  }
0x1ef: {  	v4 =	vld [tilespmem:$0x410];
	_ =	sdelay $0x4  }
0x1f0: {  	v5 =	vshll.u32 v4, $0x3  }
0x1f1: {  	v4 =	vand.u32 $0x7, v4;
	v5 =	vand.u32 $0xFFFFFFC0, v5  }
0x1f2: {  	v4 =	vor.u32 v4, v5  }
0x1f3: {  	v5 =	vperm.xlane v4, v1;
	_ =	sdelay $0x1  }
0x1f4: {  	v5 =	vadd.s32 v2, v5;
	_ =	sdelay $0x3  }
0x1f5: {  	s11 =	simm.s32 $0x15000  }
0x1f6: {  	[tilespmem:s11], [sflag:$0x3] =	stream.indirect_vreg.gather [hbm4b:s1+s3], $0x80, v5, vm0, $0xb8;
	[tilespmem:$0x19000] =	vst v63  }
0x1f7: {  	s12 =	simm.s32 $0x15800;
	v4 =	vperm.xlane v4, v3  }
0x1f8: {  	[tilespmem:s12], [sflag:$0x3] =	stream.indirect_vreg.gather [hbm4b:s6+s3], $0x80, v5, vm0, $0xb8;
	[tilespmem:$0x19000] =	vst v63  }
0x1f9: {  	v4 =	vadd.s32 v2, v4  }
0x1fa: {  	[tilespmem:s30], [sflag:$0x3] =	stream.indirect_vreg.gather [hbm4b:s7+s3], $0x80, v5, vm0, $0xb8;
	[tilespmem:$0x19000] =	vst v63  }
0x1fb: {  	_ = 	snop  }
0x1fc: {  	[tilespmem:s2], [sflag:$0x3] =	stream.indirect_vreg.gather [hbm4b:s8+s3], $0x80, v5, vm0, $0xb8;
	[tilespmem:$0x19000] =	vst v63  }
0x1fd: {  	s2 =	simm.s32 $0x17000  }
0x1fe: {  	[tilespmem:s2], [sflag:$0x3] =	stream.indirect_vreg.gather [hbm4b:s1+s3], $0x80, v4, vm0, $0xb8;
	[tilespmem:$0x19000] =	vst v63  }
0x1ff: {  	s4 =	simm.s32 $0x17800  }
0x200: {  	[tilespmem:s4], [sflag:$0x3] =	stream.indirect_vreg.gather [hbm4b:s6+s3], $0x80, v4, vm0, $0xb8;
	[tilespmem:$0x19000] =	vst v63  }
0x201: {  	s9 =	simm.s32 $0x18000  }
0x202: {  	[tilespmem:s9], [sflag:$0x3] =	stream.indirect_vreg.gather [hbm4b:s7+s3], $0x80, v4, vm0, $0xb8;
	[tilespmem:$0x19000] =	vst v63  }
0x203: {  	s13 =	simm.s32 $0x18800  }
0x204: {  	[tilespmem:s13], [sflag:$0x3] =	stream.indirect_vreg.gather [hbm4b:s8+s3], $0x80, v4, vm0, $0xb8;
	[tilespmem:$0x19000] =	vst v63  }
0x205: {  	v4 =	vld [tilespmem:$0x480]  }
0x206: {  	v5 =	vld [tilespmem:$0x490];
	_ =	sdelay $0x3  }
0x207: {  	v4 =	vadd.s32 v0, v4  }
0x208: {  	[tilespmem:$0x480] =	vst v4;
	v4 =	vadd.s32 v0, v5  }
0x209: {  	[tilespmem:$0x490] =	vst v4  }
0x20a: {  	_ =	swait.ge [sflag:s5], $0x8000  }
0x20b: {  	[sflag:s5] =	ssyncset.done $0x0  }
0x20c: {  	s28 =	simm.s32 $0x1000;
	s19 =	rddreg [dreg:$0xa];
	[sflag:s5] =	ssyncadd.s32 $0xFFFF8000  }
0x20d: {  	[hbm4b:s19+s3] =	stream.linear.scatter [tilespmem:s28], [sflag:$0x4], $0x8000, $0x38;
	[tilespmem:$0x19000] =	vst v63  }
0x20e: {  	_ =	swait.ge [sflag:s21], $0x8000  }
0x20f: {  	[sflag:s21] =	ssyncset.done $0x0  }
0x210: {  	[sflag:s21] =	ssyncadd.s32 $0xFFFF8000  }
0x211: {  	v4 =	vld [tilespmem:$0x480];
	_ =	sdelay $0x4  }
0x212: {  	v5 =	vshll.u32 v4, $0x3  }
0x213: {  	v4 =	vand.u32 $0x7, v4;
	v5 =	vand.u32 $0xFFFFFFC0, v5  }
0x214: {  	v4 =	vor.u32 v4, v5  }
0x215: {  	v5 =	vperm.xlane v4, v1;
	_ =	sdelay $0x1  }
0x216: {  	v5 =	vadd.s32 v2, v5;
	_ =	sdelay $0x4  }
0x217: {  	[tilespmem:s28], [sflag:$0x1] =	stream.indirect_vreg.gather [hbm4b:s1+s3], $0x80, v5, vm0, $0xb8;
	[tilespmem:$0x19000] =	vst v63  }
0x218: {  	s29 =	simm.s32 $0x1800;
	v4 =	vperm.xlane v4, v3  }
0x219: {  	[tilespmem:s29], [sflag:$0x1] =	stream.indirect_vreg.gather [hbm4b:s6+s3], $0x80, v5, vm0, $0xb8;
	[tilespmem:$0x19000] =	vst v63  }
0x21a: {  	s30 =	simm.s32 $0x2000;
	v4 =	vadd.s32 v2, v4  }
0x21b: {  	[tilespmem:s30], [sflag:$0x1] =	stream.indirect_vreg.gather [hbm4b:s7+s3], $0x80, v5, vm0, $0xb8;
	[tilespmem:$0x19000] =	vst v63  }
0x21c: {  	s17 =	simm.s32 $0x2800  }
0x21d: {  	[tilespmem:s17], [sflag:$0x1] =	stream.indirect_vreg.gather [hbm4b:s8+s3], $0x80, v5, vm0, $0xb8;
	[tilespmem:$0x19000] =	vst v63  }
0x21e: {  	s18 =	simm.s32 $0x3000  }
0x21f: {  	[tilespmem:s18], [sflag:$0x1] =	stream.indirect_vreg.gather [hbm4b:s1+s3], $0x80, v4, vm0, $0xb8;
	[tilespmem:$0x19000] =	vst v63  }
0x220: {  	s19 =	simm.s32 $0x3800  }
0x221: {  	[tilespmem:s19], [sflag:$0x1] =	stream.indirect_vreg.gather [hbm4b:s6+s3], $0x80, v4, vm0, $0xb8;
	[tilespmem:$0x19000] =	vst v63  }
0x222: {  	s28 =	simm.s32 $0x4000  }
0x223: {  	[tilespmem:s28], [sflag:$0x1] =	stream.indirect_vreg.gather [hbm4b:s7+s3], $0x80, v4, vm0, $0xb8;
	[tilespmem:$0x19000] =	vst v63  }
0x224: {  	s31 =	simm.s32 $0x4800  }
0x225: {  	[tilespmem:s31], [sflag:$0x1] =	stream.indirect_vreg.gather [hbm4b:s8+s3], $0x80, v4, vm0, $0xb8;
	[tilespmem:$0x19000] =	vst v63  }
0x226: {  	v4 =	vld [tilespmem:$0x490];
	_ =	sdelay $0x4  }
0x227: {  	v5 =	vshll.u32 v4, $0x3  }
0x228: {  	v4 =	vand.u32 $0x7, v4;
	v5 =	vand.u32 $0xFFFFFFC0, v5  }
0x229: {  	v4 =	vor.u32 v4, v5  }
0x22a: {  	v5 =	vperm.xlane v4, v1;
	_ =	sdelay $0x1  }
0x22b: {  	v5 =	vadd.s32 v2, v5;
	_ =	sdelay $0x3  }
0x22c: {  	s31 =	simm.s32 $0x5000  }
0x22d: {  	[tilespmem:s31], [sflag:$0x1] =	stream.indirect_vreg.gather [hbm4b:s1+s3], $0x80, v5, vm0, $0xb8;
	[tilespmem:$0x19000] =	vst v63  }
0x22e: {  	s14 =	simm.s32 $0x5800;
	v4 =	vperm.xlane v4, v3  }
0x22f: {  	[tilespmem:s14], [sflag:$0x1] =	stream.indirect_vreg.gather [hbm4b:s6+s3], $0x80, v5, vm0, $0xb8;
	[tilespmem:$0x19000] =	vst v63  }
0x230: {  	s29 =	simm.s32 $0x6000;
	v4 =	vadd.s32 v2, v4  }
0x231: {  	[tilespmem:s29], [sflag:$0x1] =	stream.indirect_vreg.gather [hbm4b:s7+s3], $0x80, v5, vm0, $0xb8;
	[tilespmem:$0x19000] =	vst v63  }
0x232: {  	s30 =	simm.s32 $0x6800  }
0x233: {  	[tilespmem:s30], [sflag:$0x1] =	stream.indirect_vreg.gather [hbm4b:s8+s3], $0x80, v5, vm0, $0xb8;
	[tilespmem:$0x19000] =	vst v63  }
0x234: {  	s31 =	simm.s32 $0x7000  }
0x235: {  	[tilespmem:s31], [sflag:$0x1] =	stream.indirect_vreg.gather [hbm4b:s1+s3], $0x80, v4, vm0, $0xb8;
	[tilespmem:$0x19000] =	vst v63  }
0x236: {  	s15 =	simm.s32 $0x7800  }
0x237: {  	[tilespmem:s15], [sflag:$0x1] =	stream.indirect_vreg.gather [hbm4b:s6+s3], $0x80, v4, vm0, $0xb8;
	[tilespmem:$0x19000] =	vst v63  }
0x238: {  	s14 =	simm.s32 $0x8000  }
0x239: {  	[tilespmem:s14], [sflag:$0x1] =	stream.indirect_vreg.gather [hbm4b:s7+s3], $0x80, v4, vm0, $0xb8;
	[tilespmem:$0x19000] =	vst v63  }
0x23a: {  	s15 =	simm.s32 $0x8800  }
0x23b: {  	[tilespmem:s15], [sflag:$0x1] =	stream.indirect_vreg.gather [hbm4b:s8+s3], $0x80, v4, vm0, $0xb8;
	[tilespmem:$0x19000] =	vst v63  }
0x23c: {  	v4 =	vld [tilespmem:$0x500]  }
0x23d: {  	v5 =	vld [tilespmem:$0x510];
	_ =	sdelay $0x3  }
0x23e: {  	v4 =	vadd.s32 v0, v4  }
0x23f: {  	[tilespmem:$0x500] =	vst v4;
	v4 =	vadd.s32 v0, v5  }
0x240: {  	[tilespmem:$0x510] =	vst v4  }
0x241: {  	_ =	swait.ge [sflag:s22], $0x8000  }
0x242: {  	[sflag:s22] =	ssyncset.done $0x0  }
0x243: {  	s0 =	simm.s32 $0x9000;
	s16 =	rddreg [dreg:$0xb];
	[sflag:s22] =	ssyncadd.s32 $0xFFFF8000  }
0x244: {  	[hbm4b:s16+s3] =	stream.linear.scatter [tilespmem:s0], [sflag:$0x5], $0x8000, $0x38;
	[tilespmem:$0x19000] =	vst v63  }
0x245: {  	_ =	swait.ge [sflag:s23], $0x8000  }
0x246: {  	[sflag:s23] =	ssyncset.done $0x0  }
0x247: {  	[sflag:s23] =	ssyncadd.s32 $0xFFFF8000  }
0x248: {  	v4 =	vld [tilespmem:$0x500];
	_ =	sdelay $0x4  }
0x249: {  	v5 =	vshll.u32 v4, $0x3  }
0x24a: {  	v4 =	vand.u32 $0x7, v4;
	v5 =	vand.u32 $0xFFFFFFC0, v5  }
0x24b: {  	v4 =	vor.u32 v4, v5  }
0x24c: {  	v5 =	vperm.xlane v4, v1;
	_ =	sdelay $0x1  }
0x24d: {  	v5 =	vadd.s32 v2, v5;
	_ =	sdelay $0x4  }
0x24e: {  	[tilespmem:s0], [sflag:$0x2] =	stream.indirect_vreg.gather [hbm4b:s1+s3], $0x80, v5, vm0, $0xb8;
	[tilespmem:$0x19000] =	vst v63  }
0x24f: {  	s20 =	simm.s32 $0x9800;
	v4 =	vperm.xlane v4, v3  }
0x250: {  	[tilespmem:s20], [sflag:$0x2] =	stream.indirect_vreg.gather [hbm4b:s6+s3], $0x80, v5, vm0, $0xb8;
	[tilespmem:$0x19000] =	vst v63  }
0x251: {  	s16 =	simm.s32 $0xA000;
	v4 =	vadd.s32 v2, v4  }
0x252: {  	[tilespmem:s16], [sflag:$0x2] =	stream.indirect_vreg.gather [hbm4b:s7+s3], $0x80, v5, vm0, $0xb8;
	[tilespmem:$0x19000] =	vst v63  }
0x253: {  	s20 =	simm.s32 $0xA800  }
0x254: {  	[tilespmem:s20], [sflag:$0x2] =	stream.indirect_vreg.gather [hbm4b:s8+s3], $0x80, v5, vm0, $0xb8;
	[tilespmem:$0x19000] =	vst v63  }
0x255: {  	s26 =	simm.s32 $0xB000  }
0x256: {  	[tilespmem:s26], [sflag:$0x2] =	stream.indirect_vreg.gather [hbm4b:s1+s3], $0x80, v4, vm0, $0xb8;
	[tilespmem:$0x19000] =	vst v63  }
0x257: {  	s26 =	simm.s32 $0xB800  }
0x258: {  	[tilespmem:s26], [sflag:$0x2] =	stream.indirect_vreg.gather [hbm4b:s6+s3], $0x80, v4, vm0, $0xb8;
	[tilespmem:$0x19000] =	vst v63  }
0x259: {  	s26 =	simm.s32 $0xC000  }
0x25a: {  	[tilespmem:s26], [sflag:$0x2] =	stream.indirect_vreg.gather [hbm4b:s7+s3], $0x80, v4, vm0, $0xb8;
	[tilespmem:$0x19000] =	vst v63  }
0x25b: {  	s26 =	simm.s32 $0xC800  }
0x25c: {  	[tilespmem:s26], [sflag:$0x2] =	stream.indirect_vreg.gather [hbm4b:s8+s3], $0x80, v4, vm0, $0xb8;
	[tilespmem:$0x19000] =	vst v63  }
0x25d: {  	v4 =	vld [tilespmem:$0x510];
	_ =	sdelay $0x4  }
0x25e: {  	v5 =	vshll.u32 v4, $0x3  }
0x25f: {  	v4 =	vand.u32 $0x7, v4;
	v5 =	vand.u32 $0xFFFFFFC0, v5  }
0x260: {  	v4 =	vor.u32 v4, v5  }
0x261: {  	v5 =	vperm.xlane v4, v1;
	_ =	sdelay $0x1  }
0x262: {  	v5 =	vadd.s32 v2, v5;
	_ =	sdelay $0x3  }
0x263: {  	s26 =	simm.s32 $0xD000  }
0x264: {  	[tilespmem:s26], [sflag:$0x2] =	stream.indirect_vreg.gather [hbm4b:s1+s3], $0x80, v5, vm0, $0xb8;
	[tilespmem:$0x19000] =	vst v63  }
0x265: {  	v4 =	vperm.xlane v4, v3;
	s26 =	simm.s32 $0xD800  }
0x266: {  	[tilespmem:s26], [sflag:$0x2] =	stream.indirect_vreg.gather [hbm4b:s6+s3], $0x80, v5, vm0, $0xb8;
	[tilespmem:$0x19000] =	vst v63  }
0x267: {  	v4 =	vadd.s32 v2, v4;
	s26 =	simm.s32 $0xE000  }
0x268: {  	[tilespmem:s26], [sflag:$0x2] =	stream.indirect_vreg.gather [hbm4b:s7+s3], $0x80, v5, vm0, $0xb8;
	[tilespmem:$0x19000] =	vst v63  }
0x269: {  	s26 =	simm.s32 $0xE800  }
0x26a: {  	[tilespmem:s26], [sflag:$0x2] =	stream.indirect_vreg.gather [hbm4b:s8+s3], $0x80, v5, vm0, $0xb8;
	[tilespmem:$0x19000] =	vst v63  }
0x26b: {  	s26 =	simm.s32 $0xF000  }
0x26c: {  	[tilespmem:s26], [sflag:$0x2] =	stream.indirect_vreg.gather [hbm4b:s1+s3], $0x80, v4, vm0, $0xb8;
	[tilespmem:$0x19000] =	vst v63  }
0x26d: {  	s26 =	simm.s32 $0xF800  }
0x26e: {  	[tilespmem:s26], [sflag:$0x2] =	stream.indirect_vreg.gather [hbm4b:s6+s3], $0x80, v4, vm0, $0xb8;
	[tilespmem:$0x19000] =	vst v63  }
0x26f: {  	s26 =	simm.s32 $0x10000  }
0x270: {  	[tilespmem:s26], [sflag:$0x2] =	stream.indirect_vreg.gather [hbm4b:s7+s3], $0x80, v4, vm0, $0xb8;
	[tilespmem:$0x19000] =	vst v63  }
0x271: {  	s26 =	simm.s32 $0x10800  }
0x272: {  	[tilespmem:s26], [sflag:$0x2] =	stream.indirect_vreg.gather [hbm4b:s8+s3], $0x80, v4, vm0, $0xb8;
	[tilespmem:$0x19000] =	vst v63  }
0x273: {  	v4 =	vld [tilespmem:$0x580]  }
0x274: {  	v5 =	vld [tilespmem:$0x590];
	_ =	sdelay $0x3  }
0x275: {  	v4 =	vadd.s32 v0, v4  }
0x276: {  	[tilespmem:$0x580] =	vst v4;
	v4 =	vadd.s32 v0, v5  }
0x277: {  	[tilespmem:$0x590] =	vst v4  }
0x278: {  	_ =	swait.ge [sflag:s24], $0x8000  }
0x279: {  	[sflag:s24] =	ssyncset.done $0x0  }
0x27a: {  	s0 =	simm.s32 $0x11000;
	s26 =	rddreg [dreg:$0xc];
	[sflag:s24] =	ssyncadd.s32 $0xFFFF8000  }
0x27b: {  	[hbm4b:s26+s3] =	stream.linear.scatter [tilespmem:s0], [sflag:$0x6], $0x8000, $0x38;
	[tilespmem:$0x19000] =	vst v63  }
0x27c: {  	_ =	swait.ge [sflag:s25], $0x8000  }
0x27d: {  	[sflag:s25] =	ssyncset.done $0x0  }
0x27e: {  	[sflag:s25] =	ssyncadd.s32 $0xFFFF8000  }
0x27f: {  	v4 =	vld [tilespmem:$0x580];
	_ =	sdelay $0x4  }
0x280: {  	v5 =	vshll.u32 v4, $0x3  }
0x281: {  	v4 =	vand.u32 $0x7, v4;
	v5 =	vand.u32 $0xFFFFFFC0, v5  }
0x282: {  	v4 =	vor.u32 v4, v5  }
0x283: {  	v5 =	vperm.xlane v4, v1;
	_ =	sdelay $0x1  }
0x284: {  	v5 =	vadd.s32 v2, v5;
	_ =	sdelay $0x4  }
0x285: {  	[tilespmem:s0], [sflag:$0x3] =	stream.indirect_vreg.gather [hbm4b:s1+s3], $0x80, v5, vm0, $0xb8;
	[tilespmem:$0x19000] =	vst v63  }
0x286: {  	s26 =	simm.s32 $0x11800;
	v4 =	vperm.xlane v4, v3  }
0x287: {  	[tilespmem:s26], [sflag:$0x3] =	stream.indirect_vreg.gather [hbm4b:s6+s3], $0x80, v5, vm0, $0xb8;
	[tilespmem:$0x19000] =	vst v63  }
0x288: {  	v4 =	vadd.s32 v2, v4;
	s26 =	simm.s32 $0x12000  }
0x289: {  	[tilespmem:s26], [sflag:$0x3] =	stream.indirect_vreg.gather [hbm4b:s7+s3], $0x80, v5, vm0, $0xb8;
	[tilespmem:$0x19000] =	vst v63  }
0x28a: {  	s26 =	simm.s32 $0x12800  }
0x28b: {  	[tilespmem:s26], [sflag:$0x3] =	stream.indirect_vreg.gather [hbm4b:s8+s3], $0x80, v5, vm0, $0xb8;
	[tilespmem:$0x19000] =	vst v63  }
0x28c: {  	s26 =	simm.s32 $0x13000  }
0x28d: {  	[tilespmem:s26], [sflag:$0x3] =	stream.indirect_vreg.gather [hbm4b:s1+s3], $0x80, v4, vm0, $0xb8;
	[tilespmem:$0x19000] =	vst v63  }
0x28e: {  	s26 =	simm.s32 $0x13800  }
0x28f: {  	[tilespmem:s26], [sflag:$0x3] =	stream.indirect_vreg.gather [hbm4b:s6+s3], $0x80, v4, vm0, $0xb8;
	[tilespmem:$0x19000] =	vst v63  }
0x290: {  	s26 =	simm.s32 $0x14000  }
0x291: {  	[tilespmem:s26], [sflag:$0x3] =	stream.indirect_vreg.gather [hbm4b:s7+s3], $0x80, v4, vm0, $0xb8;
	[tilespmem:$0x19000] =	vst v63  }
0x292: {  	_ = 	snop  }
0x293: {  	[tilespmem:s10], [sflag:$0x3] =	stream.indirect_vreg.gather [hbm4b:s8+s3], $0x80, v4, vm0, $0xb8;
	[tilespmem:$0x19000] =	vst v63  }
0x294: {  	v4 =	vld [tilespmem:$0x590];
	_ =	sdelay $0x4  }
0x295: {  	v5 =	vshll.u32 v4, $0x3  }
0x296: {  	v4 =	vand.u32 $0x7, v4;
	v5 =	vand.u32 $0xFFFFFFC0, v5  }
0x297: {  	v4 =	vor.u32 v4, v5  }
0x298: {  	v5 =	vperm.xlane v4, v1;
	_ =	sdelay $0x1  }
0x299: {  	v5 =	vadd.s32 v2, v5;
	_ =	sdelay $0x4  }
0x29a: {  	[tilespmem:s11], [sflag:$0x3] =	stream.indirect_vreg.gather [hbm4b:s1+s3], $0x80, v5, vm0, $0xb8;
	[tilespmem:$0x19000] =	vst v63  }
0x29b: {  	v4 =	vperm.xlane v4, v3  }
0x29c: {  	[tilespmem:s12], [sflag:$0x3] =	stream.indirect_vreg.gather [hbm4b:s6+s3], $0x80, v5, vm0, $0xb8;
	[tilespmem:$0x19000] =	vst v63  }
0x29d: {  	v4 =	vadd.s32 v2, v4;
	s11 =	simm.s32 $0x16000  }
0x29e: {  	[tilespmem:s11], [sflag:$0x3] =	stream.indirect_vreg.gather [hbm4b:s7+s3], $0x80, v5, vm0, $0xb8;
	[tilespmem:$0x19000] =	vst v63  }
0x29f: {  	s12 =	simm.s32 $0x16800  }
0x2a0: {  	[tilespmem:s12], [sflag:$0x3] =	stream.indirect_vreg.gather [hbm4b:s8+s3], $0x80, v5, vm0, $0xb8;
	[tilespmem:$0x19000] =	vst v63  }
0x2a1: {  	_ = 	snop  }
0x2a2: {  	[tilespmem:s2], [sflag:$0x3] =	stream.indirect_vreg.gather [hbm4b:s1+s3], $0x80, v4, vm0, $0xb8;
	[tilespmem:$0x19000] =	vst v63  }
0x2a3: {  	_ = 	snop  }
0x2a4: {  	[tilespmem:s4], [sflag:$0x3] =	stream.indirect_vreg.gather [hbm4b:s6+s3], $0x80, v4, vm0, $0xb8;
	[tilespmem:$0x19000] =	vst v63  }
0x2a5: {  	_ = 	snop  }
0x2a6: {  	[tilespmem:s9], [sflag:$0x3] =	stream.indirect_vreg.gather [hbm4b:s7+s3], $0x80, v4, vm0, $0xb8;
	[tilespmem:$0x19000] =	vst v63  }
0x2a7: {  	_ = 	snop  }
0x2a8: {  	[tilespmem:s13], [sflag:$0x3] =	stream.indirect_vreg.gather [hbm4b:s8+s3], $0x80, v4, vm0, $0xb8;
	[tilespmem:$0x19000] =	vst v63  }
0x2a9: {  	v4 =	vld [tilespmem:$0x600]  }
0x2aa: {  	v5 =	vld [tilespmem:$0x610];
	_ =	sdelay $0x3  }
0x2ab: {  	v4 =	vadd.s32 v0, v4  }
0x2ac: {  	[tilespmem:$0x600] =	vst v4;
	v4 =	vadd.s32 v0, v5  }
0x2ad: {  	[tilespmem:$0x610] =	vst v4  }
0x2ae: {  	_ =	swait.ge [sflag:s5], $0x8000  }
0x2af: {  	[sflag:s5] =	ssyncset.done $0x0  }
0x2b0: {  	s9 =	simm.s32 $0x1000;
	s4 =	rddreg [dreg:$0xd];
	[sflag:s5] =	ssyncadd.s32 $0xFFFF8000  }
0x2b1: {  	[hbm4b:s4+s3] =	stream.linear.scatter [tilespmem:s9], [sflag:$0x4], $0x8000, $0x38;
	[tilespmem:$0x19000] =	vst v63  }
0x2b2: {  	_ =	swait.ge [sflag:s21], $0x8000  }
0x2b3: {  	[sflag:s21] =	ssyncset.done $0x0  }
0x2b4: {  	[sflag:s21] =	ssyncadd.s32 $0xFFFF8000  }
0x2b5: {  	v4 =	vld [tilespmem:$0x600];
	_ =	sdelay $0x4  }
0x2b6: {  	v5 =	vshll.u32 v4, $0x3  }
0x2b7: {  	v4 =	vand.u32 $0x7, v4;
	v5 =	vand.u32 $0xFFFFFFC0, v5  }
0x2b8: {  	v4 =	vor.u32 v4, v5  }
0x2b9: {  	v5 =	vperm.xlane v4, v1;
	_ =	sdelay $0x1  }
0x2ba: {  	v5 =	vadd.s32 v2, v5;
	_ =	sdelay $0x4  }
0x2bb: {  	[tilespmem:s9], [sflag:$0x1] =	stream.indirect_vreg.gather [hbm4b:s1+s3], $0x80, v5, vm0, $0xb8;
	[tilespmem:$0x19000] =	vst v63  }
0x2bc: {  	s4 =	simm.s32 $0x1800;
	v4 =	vperm.xlane v4, v3  }
0x2bd: {  	[tilespmem:s4], [sflag:$0x1] =	stream.indirect_vreg.gather [hbm4b:s6+s3], $0x80, v5, vm0, $0xb8;
	[tilespmem:$0x19000] =	vst v63  }
0x2be: {  	s10 =	simm.s32 $0x2000;
	v4 =	vadd.s32 v2, v4  }
0x2bf: {  	[tilespmem:s10], [sflag:$0x1] =	stream.indirect_vreg.gather [hbm4b:s7+s3], $0x80, v5, vm0, $0xb8;
	[tilespmem:$0x19000] =	vst v63  }
0x2c0: {  	_ = 	snop  }
0x2c1: {  	[tilespmem:s17], [sflag:$0x1] =	stream.indirect_vreg.gather [hbm4b:s8+s3], $0x80, v5, vm0, $0xb8;
	[tilespmem:$0x19000] =	vst v63  }
0x2c2: {  	_ = 	snop  }
0x2c3: {  	[tilespmem:s18], [sflag:$0x1] =	stream.indirect_vreg.gather [hbm4b:s1+s3], $0x80, v4, vm0, $0xb8;
	[tilespmem:$0x19000] =	vst v63  }
0x2c4: {  	_ = 	snop  }
0x2c5: {  	[tilespmem:s19], [sflag:$0x1] =	stream.indirect_vreg.gather [hbm4b:s6+s3], $0x80, v4, vm0, $0xb8;
	[tilespmem:$0x19000] =	vst v63  }
0x2c6: {  	_ = 	snop  }
0x2c7: {  	[tilespmem:s28], [sflag:$0x1] =	stream.indirect_vreg.gather [hbm4b:s7+s3], $0x80, v4, vm0, $0xb8;
	[tilespmem:$0x19000] =	vst v63  }
0x2c8: {  	s2 =	simm.s32 $0x4800  }
0x2c9: {  	[tilespmem:s2], [sflag:$0x1] =	stream.indirect_vreg.gather [hbm4b:s8+s3], $0x80, v4, vm0, $0xb8;
	[tilespmem:$0x19000] =	vst v63  }
0x2ca: {  	v4 =	vld [tilespmem:$0x610];
	_ =	sdelay $0x4  }
0x2cb: {  	v5 =	vshll.u32 v4, $0x3  }
0x2cc: {  	v4 =	vand.u32 $0x7, v4;
	v5 =	vand.u32 $0xFFFFFFC0, v5  }
0x2cd: {  	v4 =	vor.u32 v4, v5  }
0x2ce: {  	v5 =	vperm.xlane v4, v1;
	_ =	sdelay $0x1  }
0x2cf: {  	v5 =	vadd.s32 v2, v5;
	_ =	sdelay $0x3  }
0x2d0: {  	s9 =	simm.s32 $0x5000  }
0x2d1: {  	[tilespmem:s9], [sflag:$0x1] =	stream.indirect_vreg.gather [hbm4b:s1+s3], $0x80, v5, vm0, $0xb8;
	[tilespmem:$0x19000] =	vst v63  }
0x2d2: {  	s10 =	simm.s32 $0x5800;
	v4 =	vperm.xlane v4, v3  }
0x2d3: {  	[tilespmem:s10], [sflag:$0x1] =	stream.indirect_vreg.gather [hbm4b:s6+s3], $0x80, v5, vm0, $0xb8;
	[tilespmem:$0x19000] =	vst v63  }
0x2d4: {  	v4 =	vadd.s32 v2, v4  }
0x2d5: {  	[tilespmem:s29], [sflag:$0x1] =	stream.indirect_vreg.gather [hbm4b:s7+s3], $0x80, v5, vm0, $0xb8;
	[tilespmem:$0x19000] =	vst v63  }
0x2d6: {  	_ = 	snop  }
0x2d7: {  	[tilespmem:s30], [sflag:$0x1] =	stream.indirect_vreg.gather [hbm4b:s8+s3], $0x80, v5, vm0, $0xb8;
	[tilespmem:$0x19000] =	vst v63  }
0x2d8: {  	_ = 	snop  }
0x2d9: {  	[tilespmem:s31], [sflag:$0x1] =	stream.indirect_vreg.gather [hbm4b:s1+s3], $0x80, v4, vm0, $0xb8;
	[tilespmem:$0x19000] =	vst v63  }
0x2da: {  	s13 =	simm.s32 $0x7800  }
0x2db: {  	[tilespmem:s13], [sflag:$0x1] =	stream.indirect_vreg.gather [hbm4b:s6+s3], $0x80, v4, vm0, $0xb8;
	[tilespmem:$0x19000] =	vst v63  }
0x2dc: {  	_ = 	snop  }
0x2dd: {  	[tilespmem:s14], [sflag:$0x1] =	stream.indirect_vreg.gather [hbm4b:s7+s3], $0x80, v4, vm0, $0xb8;
	[tilespmem:$0x19000] =	vst v63  }
0x2de: {  	_ = 	snop  }
0x2df: {  	[tilespmem:s15], [sflag:$0x1] =	stream.indirect_vreg.gather [hbm4b:s8+s3], $0x80, v4, vm0, $0xb8;
	[tilespmem:$0x19000] =	vst v63  }
0x2e0: {  	v4 =	vld [tilespmem:$0x680]  }
0x2e1: {  	v5 =	vld [tilespmem:$0x690];
	_ =	sdelay $0x3  }
0x2e2: {  	v4 =	vadd.s32 v0, v4  }
0x2e3: {  	[tilespmem:$0x680] =	vst v4;
	v4 =	vadd.s32 v0, v5  }
0x2e4: {  	[tilespmem:$0x690] =	vst v4  }
0x2e5: {  	_ =	swait.ge [sflag:s22], $0x8000  }
0x2e6: {  	[sflag:s22] =	ssyncset.done $0x0  }
0x2e7: {  	s18 =	simm.s32 $0x9000;
	s17 =	rddreg [dreg:$0xe];
	[sflag:s22] =	ssyncadd.s32 $0xFFFF8000  }
0x2e8: {  	[hbm4b:s17+s3] =	stream.linear.scatter [tilespmem:s18], [sflag:$0x5], $0x8000, $0x38;
	[tilespmem:$0x19000] =	vst v63  }
0x2e9: {  	_ =	swait.ge [sflag:s23], $0x8000  }
0x2ea: {  	[sflag:s23] =	ssyncset.done $0x0  }
0x2eb: {  	[sflag:s23] =	ssyncadd.s32 $0xFFFF8000  }
0x2ec: {  	v4 =	vld [tilespmem:$0x680];
	_ =	sdelay $0x4  }
0x2ed: {  	v5 =	vshll.u32 v4, $0x3  }
0x2ee: {  	v4 =	vand.u32 $0x7, v4;
	v5 =	vand.u32 $0xFFFFFFC0, v5  }
0x2ef: {  	v4 =	vor.u32 v4, v5  }
0x2f0: {  	v5 =	vperm.xlane v4, v1;
	_ =	sdelay $0x1  }
0x2f1: {  	v5 =	vadd.s32 v2, v5;
	_ =	sdelay $0x4  }
0x2f2: {  	[tilespmem:s18], [sflag:$0x2] =	stream.indirect_vreg.gather [hbm4b:s1+s3], $0x80, v5, vm0, $0xb8;
	[tilespmem:$0x19000] =	vst v63  }
0x2f3: {  	s13 =	simm.s32 $0x9800;
	v4 =	vperm.xlane v4, v3  }
0x2f4: {  	[tilespmem:s13], [sflag:$0x2] =	stream.indirect_vreg.gather [hbm4b:s6+s3], $0x80, v5, vm0, $0xb8;
	[tilespmem:$0x19000] =	vst v63  }
0x2f5: {  	v4 =	vadd.s32 v2, v4  }
0x2f6: {  	[tilespmem:s16], [sflag:$0x2] =	stream.indirect_vreg.gather [hbm4b:s7+s3], $0x80, v5, vm0, $0xb8;
	[tilespmem:$0x19000] =	vst v63  }
0x2f7: {  	_ = 	snop  }
0x2f8: {  	[tilespmem:s20], [sflag:$0x2] =	stream.indirect_vreg.gather [hbm4b:s8+s3], $0x80, v5, vm0, $0xb8;
	[tilespmem:$0x19000] =	vst v63  }
0x2f9: {  	s19 =	simm.s32 $0xB000  }
0x2fa: {  	[tilespmem:s19], [sflag:$0x2] =	stream.indirect_vreg.gather [hbm4b:s1+s3], $0x80, v4, vm0, $0xb8;
	[tilespmem:$0x19000] =	vst v63  }
0x2fb: {  	s20 =	simm.s32 $0xB800  }
0x2fc: {  	[tilespmem:s20], [sflag:$0x2] =	stream.indirect_vreg.gather [hbm4b:s6+s3], $0x80, v4, vm0, $0xb8;
	[tilespmem:$0x19000] =	vst v63  }
0x2fd: {  	s26 =	simm.s32 $0xC000  }
0x2fe: {  	[tilespmem:s26], [sflag:$0x2] =	stream.indirect_vreg.gather [hbm4b:s7+s3], $0x80, v4, vm0, $0xb8;
	[tilespmem:$0x19000] =	vst v63  }
0x2ff: {  	s28 =	simm.s32 $0xC800  }
0x300: {  	[tilespmem:s28], [sflag:$0x2] =	stream.indirect_vreg.gather [hbm4b:s8+s3], $0x80, v4, vm0, $0xb8;
	[tilespmem:$0x19000] =	vst v63  }
0x301: {  	v4 =	vld [tilespmem:$0x690];
	_ =	sdelay $0x4  }
0x302: {  	v5 =	vshll.u32 v4, $0x3  }
0x303: {  	v4 =	vand.u32 $0x7, v4;
	v5 =	vand.u32 $0xFFFFFFC0, v5  }
0x304: {  	v4 =	vor.u32 v4, v5  }
0x305: {  	v5 =	vperm.xlane v4, v1;
	_ =	sdelay $0x1  }
0x306: {  	v5 =	vadd.s32 v2, v5;
	_ =	sdelay $0x3  }
0x307: {  	s29 =	simm.s32 $0xD000  }
0x308: {  	[tilespmem:s29], [sflag:$0x2] =	stream.indirect_vreg.gather [hbm4b:s1+s3], $0x80, v5, vm0, $0xb8;
	[tilespmem:$0x19000] =	vst v63  }
0x309: {  	s30 =	simm.s32 $0xD800;
	v4 =	vperm.xlane v4, v3  }
0x30a: {  	[tilespmem:s30], [sflag:$0x2] =	stream.indirect_vreg.gather [hbm4b:s6+s3], $0x80, v5, vm0, $0xb8;
	[tilespmem:$0x19000] =	vst v63  }
0x30b: {  	s31 =	simm.s32 $0xE000;
	v4 =	vadd.s32 v2, v4  }
0x30c: {  	[tilespmem:s31], [sflag:$0x2] =	stream.indirect_vreg.gather [hbm4b:s7+s3], $0x80, v5, vm0, $0xb8;
	[tilespmem:$0x19000] =	vst v63  }
0x30d: {  	s14 =	simm.s32 $0xE800  }
0x30e: {  	[tilespmem:s14], [sflag:$0x2] =	stream.indirect_vreg.gather [hbm4b:s8+s3], $0x80, v5, vm0, $0xb8;
	[tilespmem:$0x19000] =	vst v63  }
0x30f: {  	s15 =	simm.s32 $0xF000  }
0x310: {  	[tilespmem:s15], [sflag:$0x2] =	stream.indirect_vreg.gather [hbm4b:s1+s3], $0x80, v4, vm0, $0xb8;
	[tilespmem:$0x19000] =	vst v63  }
0x311: {  	s17 =	simm.s32 $0xF800  }
0x312: {  	[tilespmem:s17], [sflag:$0x2] =	stream.indirect_vreg.gather [hbm4b:s6+s3], $0x80, v4, vm0, $0xb8;
	[tilespmem:$0x19000] =	vst v63  }
0x313: {  	s18 =	simm.s32 $0x10000  }
0x314: {  	[tilespmem:s18], [sflag:$0x2] =	stream.indirect_vreg.gather [hbm4b:s7+s3], $0x80, v4, vm0, $0xb8;
	[tilespmem:$0x19000] =	vst v63  }
0x315: {  	s19 =	simm.s32 $0x10800  }
0x316: {  	[tilespmem:s19], [sflag:$0x2] =	stream.indirect_vreg.gather [hbm4b:s8+s3], $0x80, v4, vm0, $0xb8;
	[tilespmem:$0x19000] =	vst v63  }
0x317: {  	v4 =	vld [tilespmem:$0x700]  }
0x318: {  	v5 =	vld [tilespmem:$0x710];
	_ =	sdelay $0x3  }
0x319: {  	v4 =	vadd.s32 v0, v4  }
0x31a: {  	[tilespmem:$0x700] =	vst v4;
	v4 =	vadd.s32 v0, v5  }
0x31b: {  	[tilespmem:$0x710] =	vst v4  }
0x31c: {  	_ =	swait.ge [sflag:s24], $0x8000  }
0x31d: {  	[sflag:s24] =	ssyncset.done $0x0  }
0x31e: {  	s28 =	simm.s32 $0x11000;
	s20 =	rddreg [dreg:$0xf];
	[sflag:s24] =	ssyncadd.s32 $0xFFFF8000  }
0x31f: {  	[hbm4b:s20+s3] =	stream.linear.scatter [tilespmem:s28], [sflag:$0x6], $0x8000, $0x38;
	[tilespmem:$0x19000] =	vst v63  }
0x320: {  	_ =	swait.ge [sflag:s25], $0x8000  }
0x321: {  	[sflag:s25] =	ssyncset.done $0x0  }
0x322: {  	[sflag:s25] =	ssyncadd.s32 $0xFFFF8000  }
0x323: {  	v4 =	vld [tilespmem:$0x700];
	_ =	sdelay $0x4  }
0x324: {  	v5 =	vshll.u32 v4, $0x3  }
0x325: {  	v4 =	vand.u32 $0x7, v4;
	v5 =	vand.u32 $0xFFFFFFC0, v5  }
0x326: {  	v4 =	vor.u32 v4, v5  }
0x327: {  	v5 =	vperm.xlane v4, v1;
	_ =	sdelay $0x1  }
0x328: {  	v5 =	vadd.s32 v2, v5;
	_ =	sdelay $0x4  }
0x329: {  	[tilespmem:s28], [sflag:$0x3] =	stream.indirect_vreg.gather [hbm4b:s1+s3], $0x80, v5, vm0, $0xb8;
	[tilespmem:$0x19000] =	vst v63  }
0x32a: {  	s29 =	simm.s32 $0x11800;
	v4 =	vperm.xlane v4, v3  }
0x32b: {  	[tilespmem:s29], [sflag:$0x3] =	stream.indirect_vreg.gather [hbm4b:s6+s3], $0x80, v5, vm0, $0xb8;
	[tilespmem:$0x19000] =	vst v63  }
0x32c: {  	s15 =	simm.s32 $0x12000;
	v4 =	vadd.s32 v2, v4  }
0x32d: {  	[tilespmem:s15], [sflag:$0x3] =	stream.indirect_vreg.gather [hbm4b:s7+s3], $0x80, v5, vm0, $0xb8;
	[tilespmem:$0x19000] =	vst v63  }
0x32e: {  	s30 =	simm.s32 $0x12800  }
0x32f: {  	[tilespmem:s30], [sflag:$0x3] =	stream.indirect_vreg.gather [hbm4b:s8+s3], $0x80, v5, vm0, $0xb8;
	[tilespmem:$0x19000] =	vst v63  }
0x330: {  	s31 =	simm.s32 $0x13000  }
0x331: {  	[tilespmem:s31], [sflag:$0x3] =	stream.indirect_vreg.gather [hbm4b:s1+s3], $0x80, v4, vm0, $0xb8;
	[tilespmem:$0x19000] =	vst v63  }
0x332: {  	s14 =	simm.s32 $0x13800  }
0x333: {  	[tilespmem:s14], [sflag:$0x3] =	stream.indirect_vreg.gather [hbm4b:s6+s3], $0x80, v4, vm0, $0xb8;
	[tilespmem:$0x19000] =	vst v63  }
0x334: {  	s17 =	simm.s32 $0x14000  }
0x335: {  	[tilespmem:s17], [sflag:$0x3] =	stream.indirect_vreg.gather [hbm4b:s7+s3], $0x80, v4, vm0, $0xb8;
	[tilespmem:$0x19000] =	vst v63  }
0x336: {  	s18 =	simm.s32 $0x14800  }
0x337: {  	[tilespmem:s18], [sflag:$0x3] =	stream.indirect_vreg.gather [hbm4b:s8+s3], $0x80, v4, vm0, $0xb8;
	[tilespmem:$0x19000] =	vst v63  }
0x338: {  	v4 =	vld [tilespmem:$0x710];
	_ =	sdelay $0x4  }
0x339: {  	v5 =	vshll.u32 v4, $0x3  }
0x33a: {  	v4 =	vand.u32 $0x7, v4;
	v5 =	vand.u32 $0xFFFFFFC0, v5  }
0x33b: {  	v4 =	vor.u32 v4, v5  }
0x33c: {  	v5 =	vperm.xlane v4, v1;
	_ =	sdelay $0x1  }
0x33d: {  	v5 =	vadd.s32 v2, v5;
	_ =	sdelay $0x3  }
0x33e: {  	s19 =	simm.s32 $0x15000  }
0x33f: {  	[tilespmem:s19], [sflag:$0x3] =	stream.indirect_vreg.gather [hbm4b:s1+s3], $0x80, v5, vm0, $0xb8;
	[tilespmem:$0x19000] =	vst v63  }
0x340: {  	s20 =	simm.s32 $0x15800;
	v4 =	vperm.xlane v4, v3  }
0x341: {  	[tilespmem:s20], [sflag:$0x3] =	stream.indirect_vreg.gather [hbm4b:s6+s3], $0x80, v5, vm0, $0xb8;
	[tilespmem:$0x19000] =	vst v63  }
0x342: {  	v4 =	vadd.s32 v2, v4  }
0x343: {  	[tilespmem:s11], [sflag:$0x3] =	stream.indirect_vreg.gather [hbm4b:s7+s3], $0x80, v5, vm0, $0xb8;
	[tilespmem:$0x19000] =	vst v63  }
0x344: {  	_ = 	snop  }
0x345: {  	[tilespmem:s12], [sflag:$0x3] =	stream.indirect_vreg.gather [hbm4b:s8+s3], $0x80, v5, vm0, $0xb8;
	[tilespmem:$0x19000] =	vst v63  }
0x346: {  	s26 =	simm.s32 $0x17000  }
0x347: {  	[tilespmem:s26], [sflag:$0x3] =	stream.indirect_vreg.gather [hbm4b:s1+s3], $0x80, v4, vm0, $0xb8;
	[tilespmem:$0x19000] =	vst v63  }
0x348: {  	s28 =	simm.s32 $0x17800  }
0x349: {  	[tilespmem:s28], [sflag:$0x3] =	stream.indirect_vreg.gather [hbm4b:s6+s3], $0x80, v4, vm0, $0xb8;
	[tilespmem:$0x19000] =	vst v63  }
0x34a: {  	s29 =	simm.s32 $0x18000  }
0x34b: {  	[tilespmem:s29], [sflag:$0x3] =	stream.indirect_vreg.gather [hbm4b:s7+s3], $0x80, v4, vm0, $0xb8;
	[tilespmem:$0x19000] =	vst v63  }
0x34c: {  	s30 =	simm.s32 $0x18800  }
0x34d: {  	[tilespmem:s30], [sflag:$0x3] =	stream.indirect_vreg.gather [hbm4b:s8+s3], $0x80, v4, vm0, $0xb8;
	[tilespmem:$0x19000] =	vst v63  }
0x34e: {  	v4 =	vld [tilespmem:$0x780]  }
0x34f: {  	v5 =	vld [tilespmem:$0x790];
	_ =	sdelay $0x3  }
0x350: {  	v4 =	vadd.s32 v0, v4  }
0x351: {  	[tilespmem:$0x780] =	vst v4;
	v4 =	vadd.s32 v0, v5  }
0x352: {  	[tilespmem:$0x790] =	vst v4  }
0x353: {  	_ =	swait.ge [sflag:s5], $0x8000  }
0x354: {  	[sflag:s5] =	ssyncset.done $0x0  }
0x355: {  	s0 =	simm.s32 $0x1000;
	s31 =	rddreg [dreg:$0x10];
	[sflag:s5] =	ssyncadd.s32 $0xFFFF8000  }
0x356: {  	[hbm4b:s31+s3] =	stream.linear.scatter [tilespmem:s0], [sflag:$0x4], $0x8000, $0x38;
	[tilespmem:$0x19000] =	vst v63  }
0x357: {  	_ =	swait.ge [sflag:s21], $0x8000  }
0x358: {  	[sflag:s21] =	ssyncset.done $0x0  }
0x359: {  	[sflag:s21] =	ssyncadd.s32 $0xFFFF8000  }
0x35a: {  	v4 =	vld [tilespmem:$0x780];
	_ =	sdelay $0x4  }
0x35b: {  	v5 =	vshll.u32 v4, $0x3  }
0x35c: {  	v4 =	vand.u32 $0x7, v4;
	v5 =	vand.u32 $0xFFFFFFC0, v5  }
0x35d: {  	v4 =	vor.u32 v4, v5  }
0x35e: {  	v5 =	vperm.xlane v4, v1;
	_ =	sdelay $0x1  }
0x35f: {  	v5 =	vadd.s32 v2, v5;
	_ =	sdelay $0x4  }
0x360: {  	[tilespmem:s0], [sflag:$0x1] =	stream.indirect_vreg.gather [hbm4b:s1+s3], $0x80, v5, vm0, $0xb8;
	[tilespmem:$0x19000] =	vst v63  }
0x361: {  	v4 =	vperm.xlane v4, v3  }
0x362: {  	[tilespmem:s4], [sflag:$0x1] =	stream.indirect_vreg.gather [hbm4b:s6+s3], $0x80, v5, vm0, $0xb8;
	[tilespmem:$0x19000] =	vst v63  }
0x363: {  	v4 =	vadd.s32 v2, v4;
	s4 =	simm.s32 $0x2000  }
0x364: {  	[tilespmem:s4], [sflag:$0x1] =	stream.indirect_vreg.gather [hbm4b:s7+s3], $0x80, v5, vm0, $0xb8;
	[tilespmem:$0x19000] =	vst v63  }
0x365: {  	s17 =	simm.s32 $0x2800  }
0x366: {  	[tilespmem:s17], [sflag:$0x1] =	stream.indirect_vreg.gather [hbm4b:s8+s3], $0x80, v5, vm0, $0xb8;
	[tilespmem:$0x19000] =	vst v63  }
0x367: {  	s18 =	simm.s32 $0x3000  }
0x368: {  	[tilespmem:s18], [sflag:$0x1] =	stream.indirect_vreg.gather [hbm4b:s1+s3], $0x80, v4, vm0, $0xb8;
	[tilespmem:$0x19000] =	vst v63  }
0x369: {  	s19 =	simm.s32 $0x3800  }
0x36a: {  	[tilespmem:s19], [sflag:$0x1] =	stream.indirect_vreg.gather [hbm4b:s6+s3], $0x80, v4, vm0, $0xb8;
	[tilespmem:$0x19000] =	vst v63  }
0x36b: {  	s20 =	simm.s32 $0x4000  }
0x36c: {  	[tilespmem:s20], [sflag:$0x1] =	stream.indirect_vreg.gather [hbm4b:s7+s3], $0x80, v4, vm0, $0xb8;
	[tilespmem:$0x19000] =	vst v63  }
0x36d: {  	_ = 	snop  }
0x36e: {  	[tilespmem:s2], [sflag:$0x1] =	stream.indirect_vreg.gather [hbm4b:s8+s3], $0x80, v4, vm0, $0xb8;
	[tilespmem:$0x19000] =	vst v63  }
0x36f: {  	v4 =	vld [tilespmem:$0x790];
	_ =	sdelay $0x4  }
0x370: {  	v5 =	vshll.u32 v4, $0x3  }
0x371: {  	v4 =	vand.u32 $0x7, v4;
	v5 =	vand.u32 $0xFFFFFFC0, v5  }
0x372: {  	v4 =	vor.u32 v4, v5  }
0x373: {  	v5 =	vperm.xlane v4, v1;
	_ =	sdelay $0x1  }
0x374: {  	v5 =	vadd.s32 v2, v5;
	_ =	sdelay $0x4  }
0x375: {  	[tilespmem:s9], [sflag:$0x1] =	stream.indirect_vreg.gather [hbm4b:s1+s3], $0x80, v5, vm0, $0xb8;
	[tilespmem:$0x19000] =	vst v63  }
0x376: {  	v4 =	vperm.xlane v4, v3  }
0x377: {  	[tilespmem:s10], [sflag:$0x1] =	stream.indirect_vreg.gather [hbm4b:s6+s3], $0x80, v5, vm0, $0xb8;
	[tilespmem:$0x19000] =	vst v63  }
0x378: {  	s28 =	simm.s32 $0x6000;
	v4 =	vadd.s32 v2, v4  }
0x379: {  	[tilespmem:s28], [sflag:$0x1] =	stream.indirect_vreg.gather [hbm4b:s7+s3], $0x80, v5, vm0, $0xb8;
	[tilespmem:$0x19000] =	vst v63  }
0x37a: {  	s29 =	simm.s32 $0x6800  }
0x37b: {  	[tilespmem:s29], [sflag:$0x1] =	stream.indirect_vreg.gather [hbm4b:s8+s3], $0x80, v5, vm0, $0xb8;
	[tilespmem:$0x19000] =	vst v63  }
0x37c: {  	s30 =	simm.s32 $0x7000  }
0x37d: {  	[tilespmem:s30], [sflag:$0x1] =	stream.indirect_vreg.gather [hbm4b:s1+s3], $0x80, v4, vm0, $0xb8;
	[tilespmem:$0x19000] =	vst v63  }
0x37e: {  	s31 =	simm.s32 $0x7800  }
0x37f: {  	[tilespmem:s31], [sflag:$0x1] =	stream.indirect_vreg.gather [hbm4b:s6+s3], $0x80, v4, vm0, $0xb8;
	[tilespmem:$0x19000] =	vst v63  }
0x380: {  	s11 =	simm.s32 $0x8000  }
0x381: {  	[tilespmem:s11], [sflag:$0x1] =	stream.indirect_vreg.gather [hbm4b:s7+s3], $0x80, v4, vm0, $0xb8;
	[tilespmem:$0x19000] =	vst v63  }
0x382: {  	s14 =	simm.s32 $0x8800  }
0x383: {  	[tilespmem:s14], [sflag:$0x1] =	stream.indirect_vreg.gather [hbm4b:s8+s3], $0x80, v4, vm0, $0xb8;
	[tilespmem:$0x19000] =	vst v63  }
0x384: {  	v4 =	vld [tilespmem:$0x800]  }
0x385: {  	v5 =	vld [tilespmem:$0x810];
	_ =	sdelay $0x3  }
0x386: {  	v4 =	vadd.s32 v0, v4  }
0x387: {  	[tilespmem:$0x800] =	vst v4;
	v4 =	vadd.s32 v0, v5  }
0x388: {  	[tilespmem:$0x810] =	vst v4  }
0x389: {  	_ =	swait.ge [sflag:s22], $0x8000  }
0x38a: {  	[sflag:s22] =	ssyncset.done $0x0  }
0x38b: {  	s10 =	simm.s32 $0x9000;
	s9 =	rddreg [dreg:$0x11];
	[sflag:s22] =	ssyncadd.s32 $0xFFFF8000  }
0x38c: {  	[hbm4b:s9+s3] =	stream.linear.scatter [tilespmem:s10], [sflag:$0x5], $0x8000, $0x38;
	[tilespmem:$0x19000] =	vst v63  }
0x38d: {  	_ =	swait.ge [sflag:s23], $0x8000  }
0x38e: {  	[sflag:s23] =	ssyncset.done $0x0  }
0x38f: {  	[sflag:s23] =	ssyncadd.s32 $0xFFFF8000  }
0x390: {  	v4 =	vld [tilespmem:$0x800];
	_ =	sdelay $0x4  }
0x391: {  	v5 =	vshll.u32 v4, $0x3  }
0x392: {  	v4 =	vand.u32 $0x7, v4;
	v5 =	vand.u32 $0xFFFFFFC0, v5  }
0x393: {  	v4 =	vor.u32 v4, v5  }
0x394: {  	v5 =	vperm.xlane v4, v1;
	_ =	sdelay $0x1  }
0x395: {  	v5 =	vadd.s32 v2, v5;
	_ =	sdelay $0x4  }
0x396: {  	[tilespmem:s10], [sflag:$0x2] =	stream.indirect_vreg.gather [hbm4b:s1+s3], $0x80, v5, vm0, $0xb8;
	[tilespmem:$0x19000] =	vst v63  }
0x397: {  	v4 =	vperm.xlane v4, v3  }
0x398: {  	[tilespmem:s13], [sflag:$0x2] =	stream.indirect_vreg.gather [hbm4b:s6+s3], $0x80, v5, vm0, $0xb8;
	[tilespmem:$0x19000] =	vst v63  }
0x399: {  	s16 =	simm.s32 $0xA000;
	v4 =	vadd.s32 v2, v4  }
0x39a: {  	[tilespmem:s16], [sflag:$0x2] =	stream.indirect_vreg.gather [hbm4b:s7+s3], $0x80, v5, vm0, $0xb8;
	[tilespmem:$0x19000] =	vst v63  }
0x39b: {  	s4 =	simm.s32 $0xA800  }
0x39c: {  	[tilespmem:s4], [sflag:$0x2] =	stream.indirect_vreg.gather [hbm4b:s8+s3], $0x80, v5, vm0, $0xb8;
	[tilespmem:$0x19000] =	vst v63  }
0x39d: {  	s16 =	simm.s32 $0xB000  }
0x39e: {  	[tilespmem:s16], [sflag:$0x2] =	stream.indirect_vreg.gather [hbm4b:s1+s3], $0x80, v4, vm0, $0xb8;
	[tilespmem:$0x19000] =	vst v63  }
0x39f: {  	s2 =	simm.s32 $0xB800  }
0x3a0: {  	[tilespmem:s2], [sflag:$0x2] =	stream.indirect_vreg.gather [hbm4b:s6+s3], $0x80, v4, vm0, $0xb8;
	[tilespmem:$0x19000] =	vst v63  }
0x3a1: {  	s9 =	simm.s32 $0xC000  }
0x3a2: {  	[tilespmem:s9], [sflag:$0x2] =	stream.indirect_vreg.gather [hbm4b:s7+s3], $0x80, v4, vm0, $0xb8;
	[tilespmem:$0x19000] =	vst v63  }
0x3a3: {  	s10 =	simm.s32 $0xC800  }
0x3a4: {  	[tilespmem:s10], [sflag:$0x2] =	stream.indirect_vreg.gather [hbm4b:s8+s3], $0x80, v4, vm0, $0xb8;
	[tilespmem:$0x19000] =	vst v63  }
0x3a5: {  	v4 =	vld [tilespmem:$0x810];
	_ =	sdelay $0x4  }
0x3a6: {  	v5 =	vshll.u32 v4, $0x3  }
0x3a7: {  	v4 =	vand.u32 $0x7, v4;
	v5 =	vand.u32 $0xFFFFFFC0, v5  }
0x3a8: {  	v4 =	vor.u32 v4, v5  }
0x3a9: {  	v5 =	vperm.xlane v4, v1;
	_ =	sdelay $0x1  }
0x3aa: {  	v5 =	vadd.s32 v2, v5;
	_ =	sdelay $0x3  }
0x3ab: {  	s13 =	simm.s32 $0xD000  }
0x3ac: {  	[tilespmem:s13], [sflag:$0x2] =	stream.indirect_vreg.gather [hbm4b:s1+s3], $0x80, v5, vm0, $0xb8;
	[tilespmem:$0x19000] =	vst v63  }
0x3ad: {  	s26 =	simm.s32 $0xD800;
	v4 =	vperm.xlane v4, v3  }
0x3ae: {  	[tilespmem:s26], [sflag:$0x2] =	stream.indirect_vreg.gather [hbm4b:s6+s3], $0x80, v5, vm0, $0xb8;
	[tilespmem:$0x19000] =	vst v63  }
0x3af: {  	s2 =	simm.s32 $0xE000;
	v4 =	vadd.s32 v2, v4  }
0x3b0: {  	[tilespmem:s2], [sflag:$0x2] =	stream.indirect_vreg.gather [hbm4b:s7+s3], $0x80, v5, vm0, $0xb8;
	[tilespmem:$0x19000] =	vst v63  }
0x3b1: {  	s9 =	simm.s32 $0xE800  }
0x3b2: {  	[tilespmem:s9], [sflag:$0x2] =	stream.indirect_vreg.gather [hbm4b:s8+s3], $0x80, v5, vm0, $0xb8;
	[tilespmem:$0x19000] =	vst v63  }
0x3b3: {  	s10 =	simm.s32 $0xF000  }
0x3b4: {  	[tilespmem:s10], [sflag:$0x2] =	stream.indirect_vreg.gather [hbm4b:s1+s3], $0x80, v4, vm0, $0xb8;
	[tilespmem:$0x19000] =	vst v63  }
0x3b5: {  	s13 =	simm.s32 $0xF800  }
0x3b6: {  	[tilespmem:s13], [sflag:$0x2] =	stream.indirect_vreg.gather [hbm4b:s6+s3], $0x80, v4, vm0, $0xb8;
	[tilespmem:$0x19000] =	vst v63  }
0x3b7: {  	s26 =	simm.s32 $0x10000  }
0x3b8: {  	[tilespmem:s26], [sflag:$0x2] =	stream.indirect_vreg.gather [hbm4b:s7+s3], $0x80, v4, vm0, $0xb8;
	[tilespmem:$0x19000] =	vst v63  }
0x3b9: {  	s2 =	simm.s32 $0x10800  }
0x3ba: {  	[tilespmem:s2], [sflag:$0x2] =	stream.indirect_vreg.gather [hbm4b:s8+s3], $0x80, v4, vm0, $0xb8;
	[tilespmem:$0x19000] =	vst v63  }
0x3bb: {  	v4 =	vld [tilespmem:$0x880]  }
0x3bc: {  	v5 =	vld [tilespmem:$0x890];
	_ =	sdelay $0x3  }
0x3bd: {  	v4 =	vadd.s32 v0, v4  }
0x3be: {  	[tilespmem:$0x880] =	vst v4;
	v4 =	vadd.s32 v0, v5  }
0x3bf: {  	[tilespmem:$0x890] =	vst v4  }
0x3c0: {  	_ =	swait.ge [sflag:s24], $0x8000  }
0x3c1: {  	[sflag:s24] =	ssyncset.done $0x0  }
0x3c2: {  	s10 =	simm.s32 $0x11000;
	s9 =	rddreg [dreg:$0x12];
	[sflag:s24] =	ssyncadd.s32 $0xFFFF8000  }
0x3c3: {  	[hbm4b:s9+s3] =	stream.linear.scatter [tilespmem:s10], [sflag:$0x6], $0x8000, $0x38;
	[tilespmem:$0x19000] =	vst v63  }
0x3c4: {  	_ =	swait.ge [sflag:s25], $0x8000  }
0x3c5: {  	[sflag:s25] =	ssyncset.done $0x0  }
0x3c6: {  	[sflag:s25] =	ssyncadd.s32 $0xFFFF8000  }
0x3c7: {  	v4 =	vld [tilespmem:$0x880];
	_ =	sdelay $0x4  }
0x3c8: {  	v5 =	vshll.u32 v4, $0x3  }
0x3c9: {  	v4 =	vand.u32 $0x7, v4;
	v5 =	vand.u32 $0xFFFFFFC0, v5  }
0x3ca: {  	v4 =	vor.u32 v4, v5  }
0x3cb: {  	v5 =	vperm.xlane v4, v1;
	_ =	sdelay $0x1  }
0x3cc: {  	v5 =	vadd.s32 v2, v5;
	_ =	sdelay $0x4  }
0x3cd: {  	[tilespmem:s10], [sflag:$0x3] =	stream.indirect_vreg.gather [hbm4b:s1+s3], $0x80, v5, vm0, $0xb8;
	[tilespmem:$0x19000] =	vst v63  }
0x3ce: {  	s13 =	simm.s32 $0x11800;
	v4 =	vperm.xlane v4, v3  }
0x3cf: {  	[tilespmem:s13], [sflag:$0x3] =	stream.indirect_vreg.gather [hbm4b:s6+s3], $0x80, v5, vm0, $0xb8;
	[tilespmem:$0x19000] =	vst v63  }
0x3d0: {  	v4 =	vadd.s32 v2, v4  }
0x3d1: {  	[tilespmem:s15], [sflag:$0x3] =	stream.indirect_vreg.gather [hbm4b:s7+s3], $0x80, v5, vm0, $0xb8;
	[tilespmem:$0x19000] =	vst v63  }
0x3d2: {  	s26 =	simm.s32 $0x12800  }
0x3d3: {  	[tilespmem:s26], [sflag:$0x3] =	stream.indirect_vreg.gather [hbm4b:s8+s3], $0x80, v5, vm0, $0xb8;
	[tilespmem:$0x19000] =	vst v63  }
0x3d4: {  	s2 =	simm.s32 $0x13000  }
0x3d5: {  	[tilespmem:s2], [sflag:$0x3] =	stream.indirect_vreg.gather [hbm4b:s1+s3], $0x80, v4, vm0, $0xb8;
	[tilespmem:$0x19000] =	vst v63  }
0x3d6: {  	s9 =	simm.s32 $0x13800  }
0x3d7: {  	[tilespmem:s9], [sflag:$0x3] =	stream.indirect_vreg.gather [hbm4b:s6+s3], $0x80, v4, vm0, $0xb8;
	[tilespmem:$0x19000] =	vst v63  }
0x3d8: {  	s10 =	simm.s32 $0x14000  }
0x3d9: {  	[tilespmem:s10], [sflag:$0x3] =	stream.indirect_vreg.gather [hbm4b:s7+s3], $0x80, v4, vm0, $0xb8;
	[tilespmem:$0x19000] =	vst v63  }
0x3da: {  	s13 =	simm.s32 $0x14800  }
0x3db: {  	[tilespmem:s13], [sflag:$0x3] =	stream.indirect_vreg.gather [hbm4b:s8+s3], $0x80, v4, vm0, $0xb8;
	[tilespmem:$0x19000] =	vst v63  }
0x3dc: {  	v4 =	vld [tilespmem:$0x890];
	_ =	sdelay $0x4  }
0x3dd: {  	v5 =	vshll.u32 v4, $0x3  }
0x3de: {  	v4 =	vand.u32 $0x7, v4;
	v5 =	vand.u32 $0xFFFFFFC0, v5  }
0x3df: {  	v4 =	vor.u32 v4, v5  }
0x3e0: {  	v5 =	vperm.xlane v4, v1;
	_ =	sdelay $0x1  }
0x3e1: {  	v5 =	vadd.s32 v2, v5;
	_ =	sdelay $0x3  }
0x3e2: {  	s9 =	simm.s32 $0x15000  }
0x3e3: {  	[tilespmem:s9], [sflag:$0x3] =	stream.indirect_vreg.gather [hbm4b:s1+s3], $0x80, v5, vm0, $0xb8;
	[tilespmem:$0x19000] =	vst v63  }
0x3e4: {  	s10 =	simm.s32 $0x15800;
	v4 =	vperm.xlane v4, v3  }
0x3e5: {  	[tilespmem:s10], [sflag:$0x3] =	stream.indirect_vreg.gather [hbm4b:s6+s3], $0x80, v5, vm0, $0xb8;
	[tilespmem:$0x19000] =	vst v63  }
0x3e6: {  	s15 =	simm.s32 $0x16000;
	v4 =	vadd.s32 v2, v4  }
0x3e7: {  	[tilespmem:s15], [sflag:$0x3] =	stream.indirect_vreg.gather [hbm4b:s7+s3], $0x80, v5, vm0, $0xb8;
	[tilespmem:$0x19000] =	vst v63  }
0x3e8: {  	s12 =	simm.s32 $0x16800  }
0x3e9: {  	[tilespmem:s12], [sflag:$0x3] =	stream.indirect_vreg.gather [hbm4b:s8+s3], $0x80, v5, vm0, $0xb8;
	[tilespmem:$0x19000] =	vst v63  }
0x3ea: {  	s15 =	simm.s32 $0x17000  }
0x3eb: {  	[tilespmem:s15], [sflag:$0x3] =	stream.indirect_vreg.gather [hbm4b:s1+s3], $0x80, v4, vm0, $0xb8;
	[tilespmem:$0x19000] =	vst v63  }
0x3ec: {  	s13 =	simm.s32 $0x17800  }
0x3ed: {  	[tilespmem:s13], [sflag:$0x3] =	stream.indirect_vreg.gather [hbm4b:s6+s3], $0x80, v4, vm0, $0xb8;
	[tilespmem:$0x19000] =	vst v63  }
0x3ee: {  	s26 =	simm.s32 $0x18000  }
0x3ef: {  	[tilespmem:s26], [sflag:$0x3] =	stream.indirect_vreg.gather [hbm4b:s7+s3], $0x80, v4, vm0, $0xb8;
	[tilespmem:$0x19000] =	vst v63  }
0x3f0: {  	s12 =	simm.s32 $0x18800  }
0x3f1: {  	[tilespmem:s12], [sflag:$0x3] =	stream.indirect_vreg.gather [hbm4b:s8+s3], $0x80, v4, vm0, $0xb8;
	[tilespmem:$0x19000] =	vst v63  }
0x3f2: {  	v4 =	vld [tilespmem:$0x900]  }
0x3f3: {  	v5 =	vld [tilespmem:$0x910];
	_ =	sdelay $0x3  }
0x3f4: {  	v4 =	vadd.s32 v0, v4  }
0x3f5: {  	[tilespmem:$0x900] =	vst v4;
	v4 =	vadd.s32 v0, v5  }
0x3f6: {  	[tilespmem:$0x910] =	vst v4  }
0x3f7: {  	_ =	swait.ge [sflag:s5], $0x8000  }
0x3f8: {  	[sflag:s5] =	ssyncset.done $0x0  }
0x3f9: {  	s2 =	simm.s32 $0x1000;
	s0 =	rddreg [dreg:$0x13];
	[sflag:s5] =	ssyncadd.s32 $0xFFFF8000  }
0x3fa: {  	[hbm4b:s0+s3] =	stream.linear.scatter [tilespmem:s2], [sflag:$0x4], $0x8000, $0x38;
	[tilespmem:$0x19000] =	vst v63  }
0x3fb: {  	_ =	swait.ge [sflag:s21], $0x8000  }
0x3fc: {  	[sflag:s21] =	ssyncset.done $0x0  }
0x3fd: {  	[sflag:s21] =	ssyncadd.s32 $0xFFFF8000  }
0x3fe: {  	v4 =	vld [tilespmem:$0x900];
	_ =	sdelay $0x4  }
0x3ff: {  	v5 =	vshll.u32 v4, $0x3  }
0x400: {  	v4 =	vand.u32 $0x7, v4;
	v5 =	vand.u32 $0xFFFFFFC0, v5  }
0x401: {  	v4 =	vor.u32 v4, v5  }
0x402: {  	v5 =	vperm.xlane v4, v1;
	_ =	sdelay $0x1  }
0x403: {  	v5 =	vadd.s32 v2, v5;
	_ =	sdelay $0x4  }
0x404: {  	[tilespmem:s2], [sflag:$0x1] =	stream.indirect_vreg.gather [hbm4b:s1+s3], $0x80, v5, vm0, $0xb8;
	[tilespmem:$0x19000] =	vst v63  }
0x405: {  	s26 =	simm.s32 $0x1800;
	v4 =	vperm.xlane v4, v3  }
0x406: {  	[tilespmem:s26], [sflag:$0x1] =	stream.indirect_vreg.gather [hbm4b:s6+s3], $0x80, v5, vm0, $0xb8;
	[tilespmem:$0x19000] =	vst v63  }
0x407: {  	v4 =	vadd.s32 v2, v4;
	s2 =	simm.s32 $0x2000  }
0x408: {  	[tilespmem:s2], [sflag:$0x1] =	stream.indirect_vreg.gather [hbm4b:s7+s3], $0x80, v5, vm0, $0xb8;
	[tilespmem:$0x19000] =	vst v63  }
0x409: {  	_ = 	snop  }
0x40a: {  	[tilespmem:s17], [sflag:$0x1] =	stream.indirect_vreg.gather [hbm4b:s8+s3], $0x80, v5, vm0, $0xb8;
	[tilespmem:$0x19000] =	vst v63  }
0x40b: {  	_ = 	snop  }
0x40c: {  	[tilespmem:s18], [sflag:$0x1] =	stream.indirect_vreg.gather [hbm4b:s1+s3], $0x80, v4, vm0, $0xb8;
	[tilespmem:$0x19000] =	vst v63  }
0x40d: {  	_ = 	snop  }
0x40e: {  	[tilespmem:s19], [sflag:$0x1] =	stream.indirect_vreg.gather [hbm4b:s6+s3], $0x80, v4, vm0, $0xb8;
	[tilespmem:$0x19000] =	vst v63  }
0x40f: {  	_ = 	snop  }
0x410: {  	[tilespmem:s20], [sflag:$0x1] =	stream.indirect_vreg.gather [hbm4b:s7+s3], $0x80, v4, vm0, $0xb8;
	[tilespmem:$0x19000] =	vst v63  }
0x411: {  	s2 =	simm.s32 $0x4800  }
0x412: {  	[tilespmem:s2], [sflag:$0x1] =	stream.indirect_vreg.gather [hbm4b:s8+s3], $0x80, v4, vm0, $0xb8;
	[tilespmem:$0x19000] =	vst v63  }
0x413: {  	v4 =	vld [tilespmem:$0x910];
	_ =	sdelay $0x4  }
0x414: {  	v5 =	vshll.u32 v4, $0x3  }
0x415: {  	v4 =	vand.u32 $0x7, v4;
	v5 =	vand.u32 $0xFFFFFFC0, v5  }
0x416: {  	v4 =	vor.u32 v4, v5  }
0x417: {  	v5 =	vperm.xlane v4, v1;
	_ =	sdelay $0x1  }
0x418: {  	v5 =	vadd.s32 v2, v5;
	_ =	sdelay $0x3  }
0x419: {  	s17 =	simm.s32 $0x5000  }
0x41a: {  	[tilespmem:s17], [sflag:$0x1] =	stream.indirect_vreg.gather [hbm4b:s1+s3], $0x80, v5, vm0, $0xb8;
	[tilespmem:$0x19000] =	vst v63  }
0x41b: {  	s18 =	simm.s32 $0x5800;
	v4 =	vperm.xlane v4, v3  }
0x41c: {  	[tilespmem:s18], [sflag:$0x1] =	stream.indirect_vreg.gather [hbm4b:s6+s3], $0x80, v5, vm0, $0xb8;
	[tilespmem:$0x19000] =	vst v63  }
0x41d: {  	v4 =	vadd.s32 v2, v4  }
0x41e: {  	[tilespmem:s28], [sflag:$0x1] =	stream.indirect_vreg.gather [hbm4b:s7+s3], $0x80, v5, vm0, $0xb8;
	[tilespmem:$0x19000] =	vst v63  }
0x41f: {  	_ = 	snop  }
0x420: {  	[tilespmem:s29], [sflag:$0x1] =	stream.indirect_vreg.gather [hbm4b:s8+s3], $0x80, v5, vm0, $0xb8;
	[tilespmem:$0x19000] =	vst v63  }
0x421: {  	_ = 	snop  }
0x422: {  	[tilespmem:s30], [sflag:$0x1] =	stream.indirect_vreg.gather [hbm4b:s1+s3], $0x80, v4, vm0, $0xb8;
	[tilespmem:$0x19000] =	vst v63  }
0x423: {  	_ = 	snop  }
0x424: {  	[tilespmem:s31], [sflag:$0x1] =	stream.indirect_vreg.gather [hbm4b:s6+s3], $0x80, v4, vm0, $0xb8;
	[tilespmem:$0x19000] =	vst v63  }
0x425: {  	_ = 	snop  }
0x426: {  	[tilespmem:s11], [sflag:$0x1] =	stream.indirect_vreg.gather [hbm4b:s7+s3], $0x80, v4, vm0, $0xb8;
	[tilespmem:$0x19000] =	vst v63  }
0x427: {  	_ = 	snop  }
0x428: {  	[tilespmem:s14], [sflag:$0x1] =	stream.indirect_vreg.gather [hbm4b:s8+s3], $0x80, v4, vm0, $0xb8;
	[tilespmem:$0x19000] =	vst v63  }
0x429: {  	v4 =	vld [tilespmem:$0x980]  }
0x42a: {  	v5 =	vld [tilespmem:$0x990];
	_ =	sdelay $0x3  }
0x42b: {  	v4 =	vadd.s32 v0, v4  }
0x42c: {  	[tilespmem:$0x980] =	vst v4;
	v4 =	vadd.s32 v0, v5  }
0x42d: {  	[tilespmem:$0x990] =	vst v4  }
0x42e: {  	_ =	swait.ge [sflag:s22], $0x8000  }
0x42f: {  	[sflag:s22] =	ssyncset.done $0x0  }
0x430: {  	s20 =	simm.s32 $0x9000;
	s19 =	rddreg [dreg:$0x14];
	[sflag:s22] =	ssyncadd.s32 $0xFFFF8000  }
0x431: {  	[hbm4b:s19+s3] =	stream.linear.scatter [tilespmem:s20], [sflag:$0x5], $0x8000, $0x38;
	[tilespmem:$0x19000] =	vst v63  }
0x432: {  	_ =	swait.ge [sflag:s23], $0x8000  }
0x433: {  	[sflag:s23] =	ssyncset.done $0x0  }
0x434: {  	[sflag:s23] =	ssyncadd.s32 $0xFFFF8000  }
0x435: {  	v4 =	vld [tilespmem:$0x980];
	_ =	sdelay $0x4  }
0x436: {  	v5 =	vshll.u32 v4, $0x3  }
0x437: {  	v4 =	vand.u32 $0x7, v4;
	v5 =	vand.u32 $0xFFFFFFC0, v5  }
0x438: {  	v4 =	vor.u32 v4, v5  }
0x439: {  	v5 =	vperm.xlane v4, v1;
	_ =	sdelay $0x1  }
0x43a: {  	v5 =	vadd.s32 v2, v5;
	_ =	sdelay $0x4  }
0x43b: {  	[tilespmem:s20], [sflag:$0x2] =	stream.indirect_vreg.gather [hbm4b:s1+s3], $0x80, v5, vm0, $0xb8;
	[tilespmem:$0x19000] =	vst v63  }
0x43c: {  	s14 =	simm.s32 $0x9800;
	v4 =	vperm.xlane v4, v3  }
0x43d: {  	[tilespmem:s14], [sflag:$0x2] =	stream.indirect_vreg.gather [hbm4b:s6+s3], $0x80, v5, vm0, $0xb8;
	[tilespmem:$0x19000] =	vst v63  }
0x43e: {  	s17 =	simm.s32 $0xA000;
	v4 =	vadd.s32 v2, v4  }
0x43f: {  	[tilespmem:s17], [sflag:$0x2] =	stream.indirect_vreg.gather [hbm4b:s7+s3], $0x80, v5, vm0, $0xb8;
	[tilespmem:$0x19000] =	vst v63  }
0x440: {  	_ = 	snop  }
0x441: {  	[tilespmem:s4], [sflag:$0x2] =	stream.indirect_vreg.gather [hbm4b:s8+s3], $0x80, v5, vm0, $0xb8;
	[tilespmem:$0x19000] =	vst v63  }
0x442: {  	_ = 	snop  }
0x443: {  	[tilespmem:s16], [sflag:$0x2] =	stream.indirect_vreg.gather [hbm4b:s1+s3], $0x80, v4, vm0, $0xb8;
	[tilespmem:$0x19000] =	vst v63  }
0x444: {  	s28 =	simm.s32 $0xB800  }
0x445: {  	[tilespmem:s28], [sflag:$0x2] =	stream.indirect_vreg.gather [hbm4b:s6+s3], $0x80, v4, vm0, $0xb8;
	[tilespmem:$0x19000] =	vst v63  }
0x446: {  	s29 =	simm.s32 $0xC000  }
0x447: {  	[tilespmem:s29], [sflag:$0x2] =	stream.indirect_vreg.gather [hbm4b:s7+s3], $0x80, v4, vm0, $0xb8;
	[tilespmem:$0x19000] =	vst v63  }
0x448: {  	s30 =	simm.s32 $0xC800  }
0x449: {  	[tilespmem:s30], [sflag:$0x2] =	stream.indirect_vreg.gather [hbm4b:s8+s3], $0x80, v4, vm0, $0xb8;
	[tilespmem:$0x19000] =	vst v63  }
0x44a: {  	v4 =	vld [tilespmem:$0x990];
	_ =	sdelay $0x4  }
0x44b: {  	v5 =	vshll.u32 v4, $0x3  }
0x44c: {  	v4 =	vand.u32 $0x7, v4;
	v5 =	vand.u32 $0xFFFFFFC0, v5  }
0x44d: {  	v4 =	vor.u32 v4, v5  }
0x44e: {  	v5 =	vperm.xlane v4, v1;
	_ =	sdelay $0x1  }
0x44f: {  	v5 =	vadd.s32 v2, v5;
	_ =	sdelay $0x3  }
0x450: {  	s31 =	simm.s32 $0xD000  }
0x451: {  	[tilespmem:s31], [sflag:$0x2] =	stream.indirect_vreg.gather [hbm4b:s1+s3], $0x80, v5, vm0, $0xb8;
	[tilespmem:$0x19000] =	vst v63  }
0x452: {  	s4 =	simm.s32 $0xD800;
	v4 =	vperm.xlane v4, v3  }
0x453: {  	[tilespmem:s4], [sflag:$0x2] =	stream.indirect_vreg.gather [hbm4b:s6+s3], $0x80, v5, vm0, $0xb8;
	[tilespmem:$0x19000] =	vst v63  }
0x454: {  	s11 =	simm.s32 $0xE000;
	v4 =	vadd.s32 v2, v4  }
0x455: {  	[tilespmem:s11], [sflag:$0x2] =	stream.indirect_vreg.gather [hbm4b:s7+s3], $0x80, v5, vm0, $0xb8;
	[tilespmem:$0x19000] =	vst v63  }
0x456: {  	s16 =	simm.s32 $0xE800  }
0x457: {  	[tilespmem:s16], [sflag:$0x2] =	stream.indirect_vreg.gather [hbm4b:s8+s3], $0x80, v5, vm0, $0xb8;
	[tilespmem:$0x19000] =	vst v63  }
0x458: {  	s18 =	simm.s32 $0xF000  }
0x459: {  	[tilespmem:s18], [sflag:$0x2] =	stream.indirect_vreg.gather [hbm4b:s1+s3], $0x80, v4, vm0, $0xb8;
	[tilespmem:$0x19000] =	vst v63  }
0x45a: {  	s19 =	simm.s32 $0xF800  }
0x45b: {  	[tilespmem:s19], [sflag:$0x2] =	stream.indirect_vreg.gather [hbm4b:s6+s3], $0x80, v4, vm0, $0xb8;
	[tilespmem:$0x19000] =	vst v63  }
0x45c: {  	s20 =	simm.s32 $0x10000  }
0x45d: {  	[tilespmem:s20], [sflag:$0x2] =	stream.indirect_vreg.gather [hbm4b:s7+s3], $0x80, v4, vm0, $0xb8;
	[tilespmem:$0x19000] =	vst v63  }
0x45e: {  	s26 =	simm.s32 $0x10800  }
0x45f: {  	[tilespmem:s26], [sflag:$0x2] =	stream.indirect_vreg.gather [hbm4b:s8+s3], $0x80, v4, vm0, $0xb8;
	[tilespmem:$0x19000] =	vst v63  }
0x460: {  	v4 =	vld [tilespmem:$0xA00]  }
0x461: {  	v5 =	vld [tilespmem:$0xA10];
	_ =	sdelay $0x3  }
0x462: {  	v4 =	vadd.s32 v0, v4  }
0x463: {  	[tilespmem:$0xA00] =	vst v4;
	v4 =	vadd.s32 v0, v5  }
0x464: {  	[tilespmem:$0xA10] =	vst v4  }
0x465: {  	_ =	swait.ge [sflag:s24], $0x8000  }
0x466: {  	[sflag:s24] =	ssyncset.done $0x0  }
0x467: {  	s29 =	simm.s32 $0x11000;
	s28 =	rddreg [dreg:$0x15];
	[sflag:s24] =	ssyncadd.s32 $0xFFFF8000  }
0x468: {  	[hbm4b:s28+s3] =	stream.linear.scatter [tilespmem:s29], [sflag:$0x6], $0x8000, $0x38;
	[tilespmem:$0x19000] =	vst v63  }
0x469: {  	_ =	swait.ge [sflag:s25], $0x8000  }
0x46a: {  	[sflag:s25] =	ssyncset.done $0x0  }
0x46b: {  	[sflag:s25] =	ssyncadd.s32 $0xFFFF8000  }
0x46c: {  	v4 =	vld [tilespmem:$0xA00];
	_ =	sdelay $0x4  }
0x46d: {  	v5 =	vshll.u32 v4, $0x3  }
0x46e: {  	v4 =	vand.u32 $0x7, v4;
	v5 =	vand.u32 $0xFFFFFFC0, v5  }
0x46f: {  	v4 =	vor.u32 v4, v5  }
0x470: {  	v5 =	vperm.xlane v4, v1;
	_ =	sdelay $0x1  }
0x471: {  	v5 =	vadd.s32 v2, v5;
	_ =	sdelay $0x4  }
0x472: {  	[tilespmem:s29], [sflag:$0x3] =	stream.indirect_vreg.gather [hbm4b:s1+s3], $0x80, v5, vm0, $0xb8;
	[tilespmem:$0x19000] =	vst v63  }
0x473: {  	s11 =	simm.s32 $0x11800;
	v4 =	vperm.xlane v4, v3  }
0x474: {  	[tilespmem:s11], [sflag:$0x3] =	stream.indirect_vreg.gather [hbm4b:s6+s3], $0x80, v5, vm0, $0xb8;
	[tilespmem:$0x19000] =	vst v63  }
0x475: {  	s30 =	simm.s32 $0x12000;
	v4 =	vadd.s32 v2, v4  }
0x476: {  	[tilespmem:s30], [sflag:$0x3] =	stream.indirect_vreg.gather [hbm4b:s7+s3], $0x80, v5, vm0, $0xb8;
	[tilespmem:$0x19000] =	vst v63  }
0x477: {  	s31 =	simm.s32 $0x12800  }
0x478: {  	[tilespmem:s31], [sflag:$0x3] =	stream.indirect_vreg.gather [hbm4b:s8+s3], $0x80, v5, vm0, $0xb8;
	[tilespmem:$0x19000] =	vst v63  }
0x479: {  	s4 =	simm.s32 $0x13000  }
0x47a: {  	[tilespmem:s4], [sflag:$0x3] =	stream.indirect_vreg.gather [hbm4b:s1+s3], $0x80, v4, vm0, $0xb8;
	[tilespmem:$0x19000] =	vst v63  }
0x47b: {  	s16 =	simm.s32 $0x13800  }
0x47c: {  	[tilespmem:s16], [sflag:$0x3] =	stream.indirect_vreg.gather [hbm4b:s6+s3], $0x80, v4, vm0, $0xb8;
	[tilespmem:$0x19000] =	vst v63  }
0x47d: {  	s18 =	simm.s32 $0x14000  }
0x47e: {  	[tilespmem:s18], [sflag:$0x3] =	stream.indirect_vreg.gather [hbm4b:s7+s3], $0x80, v4, vm0, $0xb8;
	[tilespmem:$0x19000] =	vst v63  }
0x47f: {  	s19 =	simm.s32 $0x14800  }
0x480: {  	[tilespmem:s19], [sflag:$0x3] =	stream.indirect_vreg.gather [hbm4b:s8+s3], $0x80, v4, vm0, $0xb8;
	[tilespmem:$0x19000] =	vst v63  }
0x481: {  	v4 =	vld [tilespmem:$0xA10];
	_ =	sdelay $0x4  }
0x482: {  	v5 =	vshll.u32 v4, $0x3  }
0x483: {  	v4 =	vand.u32 $0x7, v4;
	v5 =	vand.u32 $0xFFFFFFC0, v5  }
0x484: {  	v4 =	vor.u32 v4, v5  }
0x485: {  	v5 =	vperm.xlane v4, v1;
	_ =	sdelay $0x1  }
0x486: {  	v5 =	vadd.s32 v2, v5;
	_ =	sdelay $0x4  }
0x487: {  	[tilespmem:s9], [sflag:$0x3] =	stream.indirect_vreg.gather [hbm4b:s1+s3], $0x80, v5, vm0, $0xb8;
	[tilespmem:$0x19000] =	vst v63  }
0x488: {  	v4 =	vperm.xlane v4, v3  }
0x489: {  	[tilespmem:s10], [sflag:$0x3] =	stream.indirect_vreg.gather [hbm4b:s6+s3], $0x80, v5, vm0, $0xb8;
	[tilespmem:$0x19000] =	vst v63  }
0x48a: {  	s20 =	simm.s32 $0x16000;
	v4 =	vadd.s32 v2, v4  }
0x48b: {  	[tilespmem:s20], [sflag:$0x3] =	stream.indirect_vreg.gather [hbm4b:s7+s3], $0x80, v5, vm0, $0xb8;
	[tilespmem:$0x19000] =	vst v63  }
0x48c: {  	s26 =	simm.s32 $0x16800  }
0x48d: {  	[tilespmem:s26], [sflag:$0x3] =	stream.indirect_vreg.gather [hbm4b:s8+s3], $0x80, v5, vm0, $0xb8;
	[tilespmem:$0x19000] =	vst v63  }
0x48e: {  	_ = 	snop  }
0x48f: {  	[tilespmem:s15], [sflag:$0x3] =	stream.indirect_vreg.gather [hbm4b:s1+s3], $0x80, v4, vm0, $0xb8;
	[tilespmem:$0x19000] =	vst v63  }
0x490: {  	_ = 	snop  }
0x491: {  	[tilespmem:s13], [sflag:$0x3] =	stream.indirect_vreg.gather [hbm4b:s6+s3], $0x80, v4, vm0, $0xb8;
	[tilespmem:$0x19000] =	vst v63  }
0x492: {  	s28 =	simm.s32 $0x18000  }
0x493: {  	[tilespmem:s28], [sflag:$0x3] =	stream.indirect_vreg.gather [hbm4b:s7+s3], $0x80, v4, vm0, $0xb8;
	[tilespmem:$0x19000] =	vst v63  }
0x494: {  	_ = 	snop  }
0x495: {  	[tilespmem:s12], [sflag:$0x3] =	stream.indirect_vreg.gather [hbm4b:s8+s3], $0x80, v4, vm0, $0xb8;
	[tilespmem:$0x19000] =	vst v63  }
0x496: {  	v4 =	vld [tilespmem:$0xA80]  }
0x497: {  	v5 =	vld [tilespmem:$0xA90];
	_ =	sdelay $0x3  }
0x498: {  	v4 =	vadd.s32 v0, v4  }
0x499: {  	[tilespmem:$0xA80] =	vst v4;
	v4 =	vadd.s32 v0, v5  }
0x49a: {  	[tilespmem:$0xA90] =	vst v4  }
0x49b: {  	_ =	swait.ge [sflag:s5], $0x8000  }
0x49c: {  	[sflag:s5] =	ssyncset.done $0x0  }
0x49d: {  	s30 =	simm.s32 $0x1000;
	s29 =	rddreg [dreg:$0x16];
	[sflag:s5] =	ssyncadd.s32 $0xFFFF8000  }
0x49e: {  	[hbm4b:s29+s3] =	stream.linear.scatter [tilespmem:s30], [sflag:$0x4], $0x8000, $0x38;
	[tilespmem:$0x19000] =	vst v63  }
0x49f: {  	_ =	swait.ge [sflag:s21], $0x8000  }
0x4a0: {  	[sflag:s21] =	ssyncset.done $0x0  }
0x4a1: {  	[sflag:s21] =	ssyncadd.s32 $0xFFFF8000  }
0x4a2: {  	v4 =	vld [tilespmem:$0xA80];
	_ =	sdelay $0x4  }
0x4a3: {  	v5 =	vshll.u32 v4, $0x3  }
0x4a4: {  	v4 =	vand.u32 $0x7, v4;
	v5 =	vand.u32 $0xFFFFFFC0, v5  }
0x4a5: {  	v4 =	vor.u32 v4, v5  }
0x4a6: {  	v5 =	vperm.xlane v4, v1;
	_ =	sdelay $0x1  }
0x4a7: {  	v5 =	vadd.s32 v2, v5;
	_ =	sdelay $0x4  }
0x4a8: {  	[tilespmem:s30], [sflag:$0x1] =	stream.indirect_vreg.gather [hbm4b:s1+s3], $0x80, v5, vm0, $0xb8;
	[tilespmem:$0x19000] =	vst v63  }
0x4a9: {  	s4 =	simm.s32 $0x1800;
	v4 =	vperm.xlane v4, v3  }
0x4aa: {  	[tilespmem:s4], [sflag:$0x1] =	stream.indirect_vreg.gather [hbm4b:s6+s3], $0x80, v5, vm0, $0xb8;
	[tilespmem:$0x19000] =	vst v63  }
0x4ab: {  	s12 =	simm.s32 $0x2000;
	v4 =	vadd.s32 v2, v4  }
0x4ac: {  	[tilespmem:s12], [sflag:$0x1] =	stream.indirect_vreg.gather [hbm4b:s7+s3], $0x80, v5, vm0, $0xb8;
	[tilespmem:$0x19000] =	vst v63  }
0x4ad: {  	s10 =	simm.s32 $0x2800  }
0x4ae: {  	[tilespmem:s10], [sflag:$0x1] =	stream.indirect_vreg.gather [hbm4b:s8+s3], $0x80, v5, vm0, $0xb8;
	[tilespmem:$0x19000] =	vst v63  }
0x4af: {  	s19 =	simm.s32 $0x3000  }
0x4b0: {  	[tilespmem:s19], [sflag:$0x1] =	stream.indirect_vreg.gather [hbm4b:s1+s3], $0x80, v4, vm0, $0xb8;
	[tilespmem:$0x19000] =	vst v63  }
0x4b1: {  	s20 =	simm.s32 $0x3800  }
0x4b2: {  	[tilespmem:s20], [sflag:$0x1] =	stream.indirect_vreg.gather [hbm4b:s6+s3], $0x80, v4, vm0, $0xb8;
	[tilespmem:$0x19000] =	vst v63  }
0x4b3: {  	s28 =	simm.s32 $0x4000  }
0x4b4: {  	[tilespmem:s28], [sflag:$0x1] =	stream.indirect_vreg.gather [hbm4b:s7+s3], $0x80, v4, vm0, $0xb8;
	[tilespmem:$0x19000] =	vst v63  }
0x4b5: {  	_ = 	snop  }
0x4b6: {  	[tilespmem:s2], [sflag:$0x1] =	stream.indirect_vreg.gather [hbm4b:s8+s3], $0x80, v4, vm0, $0xb8;
	[tilespmem:$0x19000] =	vst v63  }
0x4b7: {  	v4 =	vld [tilespmem:$0xA90];
	_ =	sdelay $0x4  }
0x4b8: {  	v5 =	vshll.u32 v4, $0x3  }
0x4b9: {  	v4 =	vand.u32 $0x7, v4;
	v5 =	vand.u32 $0xFFFFFFC0, v5  }
0x4ba: {  	v4 =	vor.u32 v4, v5  }
0x4bb: {  	v5 =	vperm.xlane v4, v1;
	_ =	sdelay $0x1  }
0x4bc: {  	v5 =	vadd.s32 v2, v5;
	_ =	sdelay $0x3  }
0x4bd: {  	s9 =	simm.s32 $0x5000  }
0x4be: {  	[tilespmem:s9], [sflag:$0x1] =	stream.indirect_vreg.gather [hbm4b:s1+s3], $0x80, v5, vm0, $0xb8;
	[tilespmem:$0x19000] =	vst v63  }
0x4bf: {  	s31 =	simm.s32 $0x5800;
	v4 =	vperm.xlane v4, v3  }
0x4c0: {  	[tilespmem:s31], [sflag:$0x1] =	stream.indirect_vreg.gather [hbm4b:s6+s3], $0x80, v5, vm0, $0xb8;
	[tilespmem:$0x19000] =	vst v63  }
0x4c1: {  	s29 =	simm.s32 $0x6000;
	v4 =	vadd.s32 v2, v4  }
0x4c2: {  	[tilespmem:s29], [sflag:$0x1] =	stream.indirect_vreg.gather [hbm4b:s7+s3], $0x80, v5, vm0, $0xb8;
	[tilespmem:$0x19000] =	vst v63  }
0x4c3: {  	s30 =	simm.s32 $0x6800  }
0x4c4: {  	[tilespmem:s30], [sflag:$0x1] =	stream.indirect_vreg.gather [hbm4b:s8+s3], $0x80, v5, vm0, $0xb8;
	[tilespmem:$0x19000] =	vst v63  }
0x4c5: {  	s31 =	simm.s32 $0x7000  }
0x4c6: {  	[tilespmem:s31], [sflag:$0x1] =	stream.indirect_vreg.gather [hbm4b:s1+s3], $0x80, v4, vm0, $0xb8;
	[tilespmem:$0x19000] =	vst v63  }
0x4c7: {  	s13 =	simm.s32 $0x7800  }
0x4c8: {  	[tilespmem:s13], [sflag:$0x1] =	stream.indirect_vreg.gather [hbm4b:s6+s3], $0x80, v4, vm0, $0xb8;
	[tilespmem:$0x19000] =	vst v63  }
0x4c9: {  	s16 =	simm.s32 $0x8000  }
0x4ca: {  	[tilespmem:s16], [sflag:$0x1] =	stream.indirect_vreg.gather [hbm4b:s7+s3], $0x80, v4, vm0, $0xb8;
	[tilespmem:$0x19000] =	vst v63  }
0x4cb: {  	s18 =	simm.s32 $0x8800  }
0x4cc: {  	[tilespmem:s18], [sflag:$0x1] =	stream.indirect_vreg.gather [hbm4b:s8+s3], $0x80, v4, vm0, $0xb8;
	[tilespmem:$0x19000] =	vst v63  }
0x4cd: {  	v4 =	vld [tilespmem:$0xB00]  }
0x4ce: {  	v5 =	vld [tilespmem:$0xB10];
	_ =	sdelay $0x3  }
0x4cf: {  	v4 =	vadd.s32 v0, v4  }
0x4d0: {  	[tilespmem:$0xB00] =	vst v4;
	v4 =	vadd.s32 v0, v5  }
0x4d1: {  	[tilespmem:$0xB10] =	vst v4  }
0x4d2: {  	_ =	swait.ge [sflag:s22], $0x8000  }
0x4d3: {  	[sflag:s22] =	ssyncset.done $0x0  }
0x4d4: {  	s15 =	simm.s32 $0x9000;
	s2 =	rddreg [dreg:$0x17];
	[sflag:s22] =	ssyncadd.s32 $0xFFFF8000  }
0x4d5: {  	[hbm4b:s2+s3] =	stream.linear.scatter [tilespmem:s15], [sflag:$0x5], $0x8000, $0x38;
	[tilespmem:$0x19000] =	vst v63  }
0x4d6: {  	_ =	swait.ge [sflag:s23], $0x8000  }
0x4d7: {  	[sflag:s23] =	ssyncset.done $0x0  }
0x4d8: {  	[sflag:s23] =	ssyncadd.s32 $0xFFFF8000  }
0x4d9: {  	v4 =	vld [tilespmem:$0xB00];
	_ =	sdelay $0x4  }
0x4da: {  	v5 =	vshll.u32 v4, $0x3  }
0x4db: {  	v4 =	vand.u32 $0x7, v4;
	v5 =	vand.u32 $0xFFFFFFC0, v5  }
0x4dc: {  	v4 =	vor.u32 v4, v5  }
0x4dd: {  	v5 =	vperm.xlane v4, v1;
	_ =	sdelay $0x1  }
0x4de: {  	v5 =	vadd.s32 v2, v5;
	_ =	sdelay $0x4  }
0x4df: {  	[tilespmem:s15], [sflag:$0x2] =	stream.indirect_vreg.gather [hbm4b:s1+s3], $0x80, v5, vm0, $0xb8;
	[tilespmem:$0x19000] =	vst v63  }
0x4e0: {  	v4 =	vperm.xlane v4, v3  }
0x4e1: {  	[tilespmem:s14], [sflag:$0x2] =	stream.indirect_vreg.gather [hbm4b:s6+s3], $0x80, v5, vm0, $0xb8;
	[tilespmem:$0x19000] =	vst v63  }
0x4e2: {  	v4 =	vadd.s32 v2, v4  }
0x4e3: {  	[tilespmem:s17], [sflag:$0x2] =	stream.indirect_vreg.gather [hbm4b:s7+s3], $0x80, v5, vm0, $0xb8;
	[tilespmem:$0x19000] =	vst v63  }
0x4e4: {  	s0 =	simm.s32 $0xA800  }
0x4e5: {  	[tilespmem:s0], [sflag:$0x2] =	stream.indirect_vreg.gather [hbm4b:s8+s3], $0x80, v5, vm0, $0xb8;
	[tilespmem:$0x19000] =	vst v63  }
0x4e6: {  	s14 =	simm.s32 $0xB000  }
0x4e7: {  	[tilespmem:s14], [sflag:$0x2] =	stream.indirect_vreg.gather [hbm4b:s1+s3], $0x80, v4, vm0, $0xb8;
	[tilespmem:$0x19000] =	vst v63  }
0x4e8: {  	s17 =	simm.s32 $0xB800  }
0x4e9: {  	[tilespmem:s17], [sflag:$0x2] =	stream.indirect_vreg.gather [hbm4b:s6+s3], $0x80, v4, vm0, $0xb8;
	[tilespmem:$0x19000] =	vst v63  }
0x4ea: {  	s26 =	simm.s32 $0xC000  }
0x4eb: {  	[tilespmem:s26], [sflag:$0x2] =	stream.indirect_vreg.gather [hbm4b:s7+s3], $0x80, v4, vm0, $0xb8;
	[tilespmem:$0x19000] =	vst v63  }
0x4ec: {  	s15 =	simm.s32 $0xC800  }
0x4ed: {  	[tilespmem:s15], [sflag:$0x2] =	stream.indirect_vreg.gather [hbm4b:s8+s3], $0x80, v4, vm0, $0xb8;
	[tilespmem:$0x19000] =	vst v63  }
0x4ee: {  	v4 =	vld [tilespmem:$0xB10];
	_ =	sdelay $0x4  }
0x4ef: {  	v5 =	vshll.u32 v4, $0x3  }
0x4f0: {  	v4 =	vand.u32 $0x7, v4;
	v5 =	vand.u32 $0xFFFFFFC0, v5  }
0x4f1: {  	v4 =	vor.u32 v4, v5  }
0x4f2: {  	v5 =	vperm.xlane v4, v1;
	_ =	sdelay $0x1  }
0x4f3: {  	v5 =	vadd.s32 v2, v5;
	_ =	sdelay $0x3  }
0x4f4: {  	s17 =	simm.s32 $0xD000  }
0x4f5: {  	[tilespmem:s17], [sflag:$0x2] =	stream.indirect_vreg.gather [hbm4b:s1+s3], $0x80, v5, vm0, $0xb8;
	[tilespmem:$0x19000] =	vst v63  }
0x4f6: {  	s26 =	simm.s32 $0xD800;
	v4 =	vperm.xlane v4, v3  }
0x4f7: {  	[tilespmem:s26], [sflag:$0x2] =	stream.indirect_vreg.gather [hbm4b:s6+s3], $0x80, v5, vm0, $0xb8;
	[tilespmem:$0x19000] =	vst v63  }
0x4f8: {  	s15 =	simm.s32 $0xE000;
	v4 =	vadd.s32 v2, v4  }
0x4f9: {  	[tilespmem:s15], [sflag:$0x2] =	stream.indirect_vreg.gather [hbm4b:s7+s3], $0x80, v5, vm0, $0xb8;
	[tilespmem:$0x19000] =	vst v63  }
0x4fa: {  	s17 =	simm.s32 $0xE800  }
0x4fb: {  	[tilespmem:s17], [sflag:$0x2] =	stream.indirect_vreg.gather [hbm4b:s8+s3], $0x80, v5, vm0, $0xb8;
	[tilespmem:$0x19000] =	vst v63  }
0x4fc: {  	s26 =	simm.s32 $0xF000  }
0x4fd: {  	[tilespmem:s26], [sflag:$0x2] =	stream.indirect_vreg.gather [hbm4b:s1+s3], $0x80, v4, vm0, $0xb8;
	[tilespmem:$0x19000] =	vst v63  }
0x4fe: {  	s15 =	simm.s32 $0xF800  }
0x4ff: {  	[tilespmem:s15], [sflag:$0x2] =	stream.indirect_vreg.gather [hbm4b:s6+s3], $0x80, v4, vm0, $0xb8;
	[tilespmem:$0x19000] =	vst v63  }
0x500: {  	s17 =	simm.s32 $0x10000  }
0x501: {  	[tilespmem:s17], [sflag:$0x2] =	stream.indirect_vreg.gather [hbm4b:s7+s3], $0x80, v4, vm0, $0xb8;
	[tilespmem:$0x19000] =	vst v63  }
0x502: {  	s26 =	simm.s32 $0x10800  }
0x503: {  	[tilespmem:s26], [sflag:$0x2] =	stream.indirect_vreg.gather [hbm4b:s8+s3], $0x80, v4, vm0, $0xb8;
	[tilespmem:$0x19000] =	vst v63  }
0x504: {  	v4 =	vld [tilespmem:$0xB80]  }
0x505: {  	v5 =	vld [tilespmem:$0xB90];
	_ =	sdelay $0x3  }
0x506: {  	v4 =	vadd.s32 v0, v4  }
0x507: {  	[tilespmem:$0xB80] =	vst v4;
	v4 =	vadd.s32 v0, v5  }
0x508: {  	[tilespmem:$0xB90] =	vst v4  }
0x509: {  	_ =	swait.ge [sflag:s24], $0x8000  }
0x50a: {  	[sflag:s24] =	ssyncset.done $0x0  }
0x50b: {  	s17 =	simm.s32 $0x11000;
	s15 =	rddreg [dreg:$0x18];
	[sflag:s24] =	ssyncadd.s32 $0xFFFF8000  }
0x50c: {  	[hbm4b:s15+s3] =	stream.linear.scatter [tilespmem:s17], [sflag:$0x6], $0x8000, $0x38;
	[tilespmem:$0x19000] =	vst v63  }
0x50d: {  	_ =	swait.ge [sflag:s25], $0x8000  }
0x50e: {  	[sflag:s25] =	ssyncset.done $0x0  }
0x50f: {  	[sflag:s25] =	ssyncadd.s32 $0xFFFF8000  }
0x510: {  	v4 =	vld [tilespmem:$0xB80];
	_ =	sdelay $0x4  }
0x511: {  	v5 =	vshll.u32 v4, $0x3  }
0x512: {  	v4 =	vand.u32 $0x7, v4;
	v5 =	vand.u32 $0xFFFFFFC0, v5  }
0x513: {  	v4 =	vor.u32 v4, v5  }
0x514: {  	v5 =	vperm.xlane v4, v1;
	_ =	sdelay $0x1  }
0x515: {  	v5 =	vadd.s32 v2, v5;
	_ =	sdelay $0x4  }
0x516: {  	[tilespmem:s17], [sflag:$0x3] =	stream.indirect_vreg.gather [hbm4b:s1+s3], $0x80, v5, vm0, $0xb8;
	[tilespmem:$0x19000] =	vst v63  }
0x517: {  	v4 =	vperm.xlane v4, v3  }
0x518: {  	[tilespmem:s11], [sflag:$0x3] =	stream.indirect_vreg.gather [hbm4b:s6+s3], $0x80, v5, vm0, $0xb8;
	[tilespmem:$0x19000] =	vst v63  }
0x519: {  	v4 =	vadd.s32 v2, v4;
	s11 =	simm.s32 $0x12000  }
0x51a: {  	[tilespmem:s11], [sflag:$0x3] =	stream.indirect_vreg.gather [hbm4b:s7+s3], $0x80, v5, vm0, $0xb8;
	[tilespmem:$0x19000] =	vst v63  }
0x51b: {  	s17 =	simm.s32 $0x12800  }
0x51c: {  	[tilespmem:s17], [sflag:$0x3] =	stream.indirect_vreg.gather [hbm4b:s8+s3], $0x80, v5, vm0, $0xb8;
	[tilespmem:$0x19000] =	vst v63  }
0x51d: {  	s2 =	simm.s32 $0x13000  }
0x51e: {  	[tilespmem:s2], [sflag:$0x3] =	stream.indirect_vreg.gather [hbm4b:s1+s3], $0x80, v4, vm0, $0xb8;
	[tilespmem:$0x19000] =	vst v63  }
0x51f: {  	s26 =	simm.s32 $0x13800  }
0x520: {  	[tilespmem:s26], [sflag:$0x3] =	stream.indirect_vreg.gather [hbm4b:s6+s3], $0x80, v4, vm0, $0xb8;
	[tilespmem:$0x19000] =	vst v63  }
0x521: {  	s17 =	simm.s32 $0x14000  }
0x522: {  	[tilespmem:s17], [sflag:$0x3] =	stream.indirect_vreg.gather [hbm4b:s7+s3], $0x80, v4, vm0, $0xb8;
	[tilespmem:$0x19000] =	vst v63  }
0x523: {  	s26 =	simm.s32 $0x14800  }
0x524: {  	[tilespmem:s26], [sflag:$0x3] =	stream.indirect_vreg.gather [hbm4b:s8+s3], $0x80, v4, vm0, $0xb8;
	[tilespmem:$0x19000] =	vst v63  }
0x525: {  	v4 =	vld [tilespmem:$0xB90];
	_ =	sdelay $0x4  }
0x526: {  	v5 =	vshll.u32 v4, $0x3  }
0x527: {  	v4 =	vand.u32 $0x7, v4;
	v5 =	vand.u32 $0xFFFFFFC0, v5  }
0x528: {  	v4 =	vor.u32 v4, v5  }
0x529: {  	v5 =	vperm.xlane v4, v1;
	_ =	sdelay $0x1  }
0x52a: {  	v5 =	vadd.s32 v2, v5;
	_ =	sdelay $0x3  }
0x52b: {  	s17 =	simm.s32 $0x15000  }
0x52c: {  	[tilespmem:s17], [sflag:$0x3] =	stream.indirect_vreg.gather [hbm4b:s1+s3], $0x80, v5, vm0, $0xb8;
	[tilespmem:$0x19000] =	vst v63  }
0x52d: {  	s26 =	simm.s32 $0x15800;
	v4 =	vperm.xlane v4, v3  }
0x52e: {  	[tilespmem:s26], [sflag:$0x3] =	stream.indirect_vreg.gather [hbm4b:s6+s3], $0x80, v5, vm0, $0xb8;
	[tilespmem:$0x19000] =	vst v63  }
0x52f: {  	v4 =	vadd.s32 v2, v4;
	s17 =	simm.s32 $0x16000  }
0x530: {  	[tilespmem:s17], [sflag:$0x3] =	stream.indirect_vreg.gather [hbm4b:s7+s3], $0x80, v5, vm0, $0xb8;
	[tilespmem:$0x19000] =	vst v63  }
0x531: {  	s17 =	simm.s32 $0x16800  }
0x532: {  	[tilespmem:s17], [sflag:$0x3] =	stream.indirect_vreg.gather [hbm4b:s8+s3], $0x80, v5, vm0, $0xb8;
	[tilespmem:$0x19000] =	vst v63  }
0x533: {  	s26 =	simm.s32 $0x17000  }
0x534: {  	[tilespmem:s26], [sflag:$0x3] =	stream.indirect_vreg.gather [hbm4b:s1+s3], $0x80, v4, vm0, $0xb8;
	[tilespmem:$0x19000] =	vst v63  }
0x535: {  	s26 =	simm.s32 $0x17800  }
0x536: {  	[tilespmem:s26], [sflag:$0x3] =	stream.indirect_vreg.gather [hbm4b:s6+s3], $0x80, v4, vm0, $0xb8;
	[tilespmem:$0x19000] =	vst v63  }
0x537: {  	s26 =	simm.s32 $0x18000  }
0x538: {  	[tilespmem:s26], [sflag:$0x3] =	stream.indirect_vreg.gather [hbm4b:s7+s3], $0x80, v4, vm0, $0xb8;
	[tilespmem:$0x19000] =	vst v63  }
0x539: {  	s26 =	simm.s32 $0x18800  }
0x53a: {  	[tilespmem:s26], [sflag:$0x3] =	stream.indirect_vreg.gather [hbm4b:s8+s3], $0x80, v4, vm0, $0xb8;
	[tilespmem:$0x19000] =	vst v63  }
0x53b: {  	v4 =	vld [tilespmem:$0xC00]  }
0x53c: {  	v5 =	vld [tilespmem:$0xC10];
	_ =	sdelay $0x3  }
0x53d: {  	v4 =	vadd.s32 v0, v4  }
0x53e: {  	[tilespmem:$0xC00] =	vst v4;
	v4 =	vadd.s32 v0, v5  }
0x53f: {  	[tilespmem:$0xC10] =	vst v4  }
0x540: {  	_ =	swait.ge [sflag:s5], $0x8000  }
0x541: {  	[sflag:s5] =	ssyncset.done $0x0  }
0x542: {  	s11 =	simm.s32 $0x1000;
	s26 =	rddreg [dreg:$0x19];
	[sflag:s5] =	ssyncadd.s32 $0xFFFF8000  }
0x543: {  	[hbm4b:s26+s3] =	stream.linear.scatter [tilespmem:s11], [sflag:$0x4], $0x8000, $0x38;
	[tilespmem:$0x19000] =	vst v63  }
0x544: {  	_ =	swait.ge [sflag:s21], $0x8000  }
0x545: {  	[sflag:s21] =	ssyncset.done $0x0  }
0x546: {  	[sflag:s21] =	ssyncadd.s32 $0xFFFF8000  }
0x547: {  	v4 =	vld [tilespmem:$0xC00];
	_ =	sdelay $0x4  }
0x548: {  	v5 =	vshll.u32 v4, $0x3  }
0x549: {  	v4 =	vand.u32 $0x7, v4;
	v5 =	vand.u32 $0xFFFFFFC0, v5  }
0x54a: {  	v4 =	vor.u32 v4, v5  }
0x54b: {  	v5 =	vperm.xlane v4, v1;
	_ =	sdelay $0x1  }
0x54c: {  	v5 =	vadd.s32 v2, v5;
	_ =	sdelay $0x4  }
0x54d: {  	[tilespmem:s11], [sflag:$0x1] =	stream.indirect_vreg.gather [hbm4b:s1+s3], $0x80, v5, vm0, $0xb8;
	[tilespmem:$0x19000] =	vst v63  }
0x54e: {  	v4 =	vperm.xlane v4, v3  }
0x54f: {  	[tilespmem:s4], [sflag:$0x1] =	stream.indirect_vreg.gather [hbm4b:s6+s3], $0x80, v5, vm0, $0xb8;
	[tilespmem:$0x19000] =	vst v63  }
0x550: {  	v4 =	vadd.s32 v2, v4  }
0x551: {  	[tilespmem:s12], [sflag:$0x1] =	stream.indirect_vreg.gather [hbm4b:s7+s3], $0x80, v5, vm0, $0xb8;
	[tilespmem:$0x19000] =	vst v63  }
0x552: {  	_ = 	snop  }
0x553: {  	[tilespmem:s10], [sflag:$0x1] =	stream.indirect_vreg.gather [hbm4b:s8+s3], $0x80, v5, vm0, $0xb8;
	[tilespmem:$0x19000] =	vst v63  }
0x554: {  	_ = 	snop  }
0x555: {  	[tilespmem:s19], [sflag:$0x1] =	stream.indirect_vreg.gather [hbm4b:s1+s3], $0x80, v4, vm0, $0xb8;
	[tilespmem:$0x19000] =	vst v63  }
0x556: {  	_ = 	snop  }
0x557: {  	[tilespmem:s20], [sflag:$0x1] =	stream.indirect_vreg.gather [hbm4b:s6+s3], $0x80, v4, vm0, $0xb8;
	[tilespmem:$0x19000] =	vst v63  }
0x558: {  	_ = 	snop  }
0x559: {  	[tilespmem:s28], [sflag:$0x1] =	stream.indirect_vreg.gather [hbm4b:s7+s3], $0x80, v4, vm0, $0xb8;
	[tilespmem:$0x19000] =	vst v63  }
0x55a: {  	s10 =	simm.s32 $0x4800  }
0x55b: {  	[tilespmem:s10], [sflag:$0x1] =	stream.indirect_vreg.gather [hbm4b:s8+s3], $0x80, v4, vm0, $0xb8;
	[tilespmem:$0x19000] =	vst v63  }
0x55c: {  	v4 =	vld [tilespmem:$0xC10];
	_ =	sdelay $0x4  }
0x55d: {  	v5 =	vshll.u32 v4, $0x3  }
0x55e: {  	v4 =	vand.u32 $0x7, v4;
	v5 =	vand.u32 $0xFFFFFFC0, v5  }
0x55f: {  	v4 =	vor.u32 v4, v5  }
0x560: {  	v5 =	vperm.xlane v4, v1;
	_ =	sdelay $0x1  }
0x561: {  	v5 =	vadd.s32 v2, v5;
	_ =	sdelay $0x4  }
0x562: {  	[tilespmem:s9], [sflag:$0x1] =	stream.indirect_vreg.gather [hbm4b:s1+s3], $0x80, v5, vm0, $0xb8;
	[tilespmem:$0x19000] =	vst v63  }
0x563: {  	s26 =	simm.s32 $0x5800;
	v4 =	vperm.xlane v4, v3  }
0x564: {  	[tilespmem:s26], [sflag:$0x1] =	stream.indirect_vreg.gather [hbm4b:s6+s3], $0x80, v5, vm0, $0xb8;
	[tilespmem:$0x19000] =	vst v63  }
0x565: {  	v4 =	vadd.s32 v2, v4  }
0x566: {  	[tilespmem:s29], [sflag:$0x1] =	stream.indirect_vreg.gather [hbm4b:s7+s3], $0x80, v5, vm0, $0xb8;
	[tilespmem:$0x19000] =	vst v63  }
0x567: {  	_ = 	snop  }
0x568: {  	[tilespmem:s30], [sflag:$0x1] =	stream.indirect_vreg.gather [hbm4b:s8+s3], $0x80, v5, vm0, $0xb8;
	[tilespmem:$0x19000] =	vst v63  }
0x569: {  	_ = 	snop  }
0x56a: {  	[tilespmem:s31], [sflag:$0x1] =	stream.indirect_vreg.gather [hbm4b:s1+s3], $0x80, v4, vm0, $0xb8;
	[tilespmem:$0x19000] =	vst v63  }
0x56b: {  	_ = 	snop  }
0x56c: {  	[tilespmem:s13], [sflag:$0x1] =	stream.indirect_vreg.gather [hbm4b:s6+s3], $0x80, v4, vm0, $0xb8;
	[tilespmem:$0x19000] =	vst v63  }
0x56d: {  	_ = 	snop  }
0x56e: {  	[tilespmem:s16], [sflag:$0x1] =	stream.indirect_vreg.gather [hbm4b:s7+s3], $0x80, v4, vm0, $0xb8;
	[tilespmem:$0x19000] =	vst v63  }
0x56f: {  	_ = 	snop  }
0x570: {  	[tilespmem:s18], [sflag:$0x1] =	stream.indirect_vreg.gather [hbm4b:s8+s3], $0x80, v4, vm0, $0xb8;
	[tilespmem:$0x19000] =	vst v63  }
0x571: {  	v4 =	vld [tilespmem:$0xC80]  }
0x572: {  	v5 =	vld [tilespmem:$0xC90];
	_ =	sdelay $0x3  }
0x573: {  	v4 =	vadd.s32 v0, v4  }
0x574: {  	[tilespmem:$0xC80] =	vst v4;
	v4 =	vadd.s32 v0, v5  }
0x575: {  	[tilespmem:$0xC90] =	vst v4  }
0x576: {  	_ =	swait.ge [sflag:s22], $0x8000  }
0x577: {  	[sflag:s22] =	ssyncset.done $0x0  }
0x578: {  	s29 =	simm.s32 $0x9000;
	s28 =	rddreg [dreg:$0x1a];
	[sflag:s22] =	ssyncadd.s32 $0xFFFF8000  }
0x579: {  	[hbm4b:s28+s3] =	stream.linear.scatter [tilespmem:s29], [sflag:$0x5], $0x8000, $0x38;
	[tilespmem:$0x19000] =	vst v63  }
0x57a: {  	_ =	swait.ge [sflag:s23], $0x8000  }
0x57b: {  	[sflag:s23] =	ssyncset.done $0x0  }
0x57c: {  	[sflag:s23] =	ssyncadd.s32 $0xFFFF8000  }
0x57d: {  	v4 =	vld [tilespmem:$0xC80];
	_ =	sdelay $0x4  }
0x57e: {  	v5 =	vshll.u32 v4, $0x3  }
0x57f: {  	v4 =	vand.u32 $0x7, v4;
	v5 =	vand.u32 $0xFFFFFFC0, v5  }
0x580: {  	v4 =	vor.u32 v4, v5  }
0x581: {  	v5 =	vperm.xlane v4, v1;
	_ =	sdelay $0x1  }
0x582: {  	v5 =	vadd.s32 v2, v5;
	_ =	sdelay $0x4  }
0x583: {  	[tilespmem:s29], [sflag:$0x2] =	stream.indirect_vreg.gather [hbm4b:s1+s3], $0x80, v5, vm0, $0xb8;
	[tilespmem:$0x19000] =	vst v63  }
0x584: {  	s4 =	simm.s32 $0x9800;
	v4 =	vperm.xlane v4, v3  }
0x585: {  	[tilespmem:s4], [sflag:$0x2] =	stream.indirect_vreg.gather [hbm4b:s6+s3], $0x80, v5, vm0, $0xb8;
	[tilespmem:$0x19000] =	vst v63  }
0x586: {  	s11 =	simm.s32 $0xA000;
	v4 =	vadd.s32 v2, v4  }
0x587: {  	[tilespmem:s11], [sflag:$0x2] =	stream.indirect_vreg.gather [hbm4b:s7+s3], $0x80, v5, vm0, $0xb8;
	[tilespmem:$0x19000] =	vst v63  }
0x588: {  	_ = 	snop  }
0x589: {  	[tilespmem:s0], [sflag:$0x2] =	stream.indirect_vreg.gather [hbm4b:s8+s3], $0x80, v5, vm0, $0xb8;
	[tilespmem:$0x19000] =	vst v63  }
0x58a: {  	_ = 	snop  }
0x58b: {  	[tilespmem:s14], [sflag:$0x2] =	stream.indirect_vreg.gather [hbm4b:s1+s3], $0x80, v4, vm0, $0xb8;
	[tilespmem:$0x19000] =	vst v63  }
0x58c: {  	s30 =	simm.s32 $0xB800  }
0x58d: {  	[tilespmem:s30], [sflag:$0x2] =	stream.indirect_vreg.gather [hbm4b:s6+s3], $0x80, v4, vm0, $0xb8;
	[tilespmem:$0x19000] =	vst v63  }
0x58e: {  	s31 =	simm.s32 $0xC000  }
0x58f: {  	[tilespmem:s31], [sflag:$0x2] =	stream.indirect_vreg.gather [hbm4b:s7+s3], $0x80, v4, vm0, $0xb8;
	[tilespmem:$0x19000] =	vst v63  }
0x590: {  	s9 =	simm.s32 $0xC800  }
0x591: {  	[tilespmem:s9], [sflag:$0x2] =	stream.indirect_vreg.gather [hbm4b:s8+s3], $0x80, v4, vm0, $0xb8;
	[tilespmem:$0x19000] =	vst v63  }
0x592: {  	v4 =	vld [tilespmem:$0xC90];
	_ =	sdelay $0x4  }
0x593: {  	v5 =	vshll.u32 v4, $0x3  }
0x594: {  	v4 =	vand.u32 $0x7, v4;
	v5 =	vand.u32 $0xFFFFFFC0, v5  }
0x595: {  	v4 =	vor.u32 v4, v5  }
0x596: {  	v5 =	vperm.xlane v4, v1;
	_ =	sdelay $0x1  }
0x597: {  	v5 =	vadd.s32 v2, v5;
	_ =	sdelay $0x3  }
0x598: {  	s12 =	simm.s32 $0xD000  }
0x599: {  	[tilespmem:s12], [sflag:$0x2] =	stream.indirect_vreg.gather [hbm4b:s1+s3], $0x80, v5, vm0, $0xb8;
	[tilespmem:$0x19000] =	vst v63  }
0x59a: {  	s14 =	simm.s32 $0xD800;
	v4 =	vperm.xlane v4, v3  }
0x59b: {  	[tilespmem:s14], [sflag:$0x2] =	stream.indirect_vreg.gather [hbm4b:s6+s3], $0x80, v5, vm0, $0xb8;
	[tilespmem:$0x19000] =	vst v63  }
0x59c: {  	s16 =	simm.s32 $0xE000;
	v4 =	vadd.s32 v2, v4  }
0x59d: {  	[tilespmem:s16], [sflag:$0x2] =	stream.indirect_vreg.gather [hbm4b:s7+s3], $0x80, v5, vm0, $0xb8;
	[tilespmem:$0x19000] =	vst v63  }
0x59e: {  	s18 =	simm.s32 $0xE800  }
0x59f: {  	[tilespmem:s18], [sflag:$0x2] =	stream.indirect_vreg.gather [hbm4b:s8+s3], $0x80, v5, vm0, $0xb8;
	[tilespmem:$0x19000] =	vst v63  }
0x5a0: {  	s19 =	simm.s32 $0xF000  }
0x5a1: {  	[tilespmem:s19], [sflag:$0x2] =	stream.indirect_vreg.gather [hbm4b:s1+s3], $0x80, v4, vm0, $0xb8;
	[tilespmem:$0x19000] =	vst v63  }
0x5a2: {  	s20 =	simm.s32 $0xF800  }
0x5a3: {  	[tilespmem:s20], [sflag:$0x2] =	stream.indirect_vreg.gather [hbm4b:s6+s3], $0x80, v4, vm0, $0xb8;
	[tilespmem:$0x19000] =	vst v63  }
0x5a4: {  	s26 =	simm.s32 $0x10000  }
0x5a5: {  	[tilespmem:s26], [sflag:$0x2] =	stream.indirect_vreg.gather [hbm4b:s7+s3], $0x80, v4, vm0, $0xb8;
	[tilespmem:$0x19000] =	vst v63  }
0x5a6: {  	s28 =	simm.s32 $0x10800  }
0x5a7: {  	[tilespmem:s28], [sflag:$0x2] =	stream.indirect_vreg.gather [hbm4b:s8+s3], $0x80, v4, vm0, $0xb8;
	[tilespmem:$0x19000] =	vst v63  }
0x5a8: {  	v4 =	vld [tilespmem:$0xD00]  }
0x5a9: {  	v5 =	vld [tilespmem:$0xD10];
	_ =	sdelay $0x3  }
0x5aa: {  	v4 =	vadd.s32 v0, v4  }
0x5ab: {  	[tilespmem:$0xD00] =	vst v4;
	v4 =	vadd.s32 v0, v5  }
0x5ac: {  	[tilespmem:$0xD10] =	vst v4  }
0x5ad: {  	_ =	swait.ge [sflag:s24], $0x8000  }
0x5ae: {  	[sflag:s24] =	ssyncset.done $0x0  }
0x5af: {  	s15 =	simm.s32 $0x11000;
	s29 =	rddreg [dreg:$0x1b];
	[sflag:s24] =	ssyncadd.s32 $0xFFFF8000  }
0x5b0: {  	[hbm4b:s29+s3] =	stream.linear.scatter [tilespmem:s15], [sflag:$0x6], $0x8000, $0x38;
	[tilespmem:$0x19000] =	vst v63  }
0x5b1: {  	_ =	swait.ge [sflag:s25], $0x8000  }
0x5b2: {  	[sflag:s25] =	ssyncset.done $0x0  }
0x5b3: {  	[sflag:s25] =	ssyncadd.s32 $0xFFFF8000  }
0x5b4: {  	v4 =	vld [tilespmem:$0xD00];
	_ =	sdelay $0x4  }
0x5b5: {  	v5 =	vshll.u32 v4, $0x3  }
0x5b6: {  	v4 =	vand.u32 $0x7, v4;
	v5 =	vand.u32 $0xFFFFFFC0, v5  }
0x5b7: {  	v4 =	vor.u32 v4, v5  }
0x5b8: {  	v5 =	vperm.xlane v4, v1;
	_ =	sdelay $0x1  }
0x5b9: {  	v5 =	vadd.s32 v2, v5;
	_ =	sdelay $0x4  }
0x5ba: {  	[tilespmem:s15], [sflag:$0x3] =	stream.indirect_vreg.gather [hbm4b:s1+s3], $0x80, v5, vm0, $0xb8;
	[tilespmem:$0x19000] =	vst v63  }
0x5bb: {  	s30 =	simm.s32 $0x11800;
	v4 =	vperm.xlane v4, v3  }
0x5bc: {  	[tilespmem:s30], [sflag:$0x3] =	stream.indirect_vreg.gather [hbm4b:s6+s3], $0x80, v5, vm0, $0xb8;
	[tilespmem:$0x19000] =	vst v63  }
0x5bd: {  	s31 =	simm.s32 $0x12000;
	v4 =	vadd.s32 v2, v4  }
0x5be: {  	[tilespmem:s31], [sflag:$0x3] =	stream.indirect_vreg.gather [hbm4b:s7+s3], $0x80, v5, vm0, $0xb8;
	[tilespmem:$0x19000] =	vst v63  }
0x5bf: {  	s9 =	simm.s32 $0x12800  }
0x5c0: {  	[tilespmem:s9], [sflag:$0x3] =	stream.indirect_vreg.gather [hbm4b:s8+s3], $0x80, v5, vm0, $0xb8;
	[tilespmem:$0x19000] =	vst v63  }
0x5c1: {  	_ = 	snop  }
0x5c2: {  	[tilespmem:s2], [sflag:$0x3] =	stream.indirect_vreg.gather [hbm4b:s1+s3], $0x80, v4, vm0, $0xb8;
	[tilespmem:$0x19000] =	vst v63  }
0x5c3: {  	s12 =	simm.s32 $0x13800  }
0x5c4: {  	[tilespmem:s12], [sflag:$0x3] =	stream.indirect_vreg.gather [hbm4b:s6+s3], $0x80, v4, vm0, $0xb8;
	[tilespmem:$0x19000] =	vst v63  }
0x5c5: {  	s14 =	simm.s32 $0x14000  }
0x5c6: {  	[tilespmem:s14], [sflag:$0x3] =	stream.indirect_vreg.gather [hbm4b:s7+s3], $0x80, v4, vm0, $0xb8;
	[tilespmem:$0x19000] =	vst v63  }
0x5c7: {  	s15 =	simm.s32 $0x14800  }
0x5c8: {  	[tilespmem:s15], [sflag:$0x3] =	stream.indirect_vreg.gather [hbm4b:s8+s3], $0x80, v4, vm0, $0xb8;
	[tilespmem:$0x19000] =	vst v63  }
0x5c9: {  	v4 =	vld [tilespmem:$0xD10];
	_ =	sdelay $0x4  }
0x5ca: {  	v5 =	vshll.u32 v4, $0x3  }
0x5cb: {  	v4 =	vand.u32 $0x7, v4;
	v5 =	vand.u32 $0xFFFFFFC0, v5  }
0x5cc: {  	v4 =	vor.u32 v4, v5  }
0x5cd: {  	v5 =	vperm.xlane v4, v1;
	_ =	sdelay $0x1  }
0x5ce: {  	v5 =	vadd.s32 v2, v5;
	_ =	sdelay $0x3  }
0x5cf: {  	s19 =	simm.s32 $0x15000  }
0x5d0: {  	[tilespmem:s19], [sflag:$0x3] =	stream.indirect_vreg.gather [hbm4b:s1+s3], $0x80, v5, vm0, $0xb8;
	[tilespmem:$0x19000] =	vst v63  }
0x5d1: {  	s26 =	simm.s32 $0x15800;
	v4 =	vperm.xlane v4, v3  }
0x5d2: {  	[tilespmem:s26], [sflag:$0x3] =	stream.indirect_vreg.gather [hbm4b:s6+s3], $0x80, v5, vm0, $0xb8;
	[tilespmem:$0x19000] =	vst v63  }
0x5d3: {  	s28 =	simm.s32 $0x16000;
	v4 =	vadd.s32 v2, v4  }
0x5d4: {  	[tilespmem:s28], [sflag:$0x3] =	stream.indirect_vreg.gather [hbm4b:s7+s3], $0x80, v5, vm0, $0xb8;
	[tilespmem:$0x19000] =	vst v63  }
0x5d5: {  	_ = 	snop  }
0x5d6: {  	[tilespmem:s17], [sflag:$0x3] =	stream.indirect_vreg.gather [hbm4b:s8+s3], $0x80, v5, vm0, $0xb8;
	[tilespmem:$0x19000] =	vst v63  }
0x5d7: {  	s29 =	simm.s32 $0x17000  }
0x5d8: {  	[tilespmem:s29], [sflag:$0x3] =	stream.indirect_vreg.gather [hbm4b:s1+s3], $0x80, v4, vm0, $0xb8;
	[tilespmem:$0x19000] =	vst v63  }
0x5d9: {  	s31 =	simm.s32 $0x17800  }
0x5da: {  	[tilespmem:s31], [sflag:$0x3] =	stream.indirect_vreg.gather [hbm4b:s6+s3], $0x80, v4, vm0, $0xb8;
	[tilespmem:$0x19000] =	vst v63  }
0x5db: {  	s2 =	simm.s32 $0x18000  }
0x5dc: {  	[tilespmem:s2], [sflag:$0x3] =	stream.indirect_vreg.gather [hbm4b:s7+s3], $0x80, v4, vm0, $0xb8;
	[tilespmem:$0x19000] =	vst v63  }
0x5dd: {  	s9 =	simm.s32 $0x18800  }
0x5de: {  	[tilespmem:s9], [sflag:$0x3] =	stream.indirect_vreg.gather [hbm4b:s8+s3], $0x80, v4, vm0, $0xb8;
	[tilespmem:$0x19000] =	vst v63  }
0x5df: {  	v4 =	vld [tilespmem:$0xD80]  }
0x5e0: {  	v5 =	vld [tilespmem:$0xD90];
	_ =	sdelay $0x3  }
0x5e1: {  	v4 =	vadd.s32 v0, v4  }
0x5e2: {  	[tilespmem:$0xD80] =	vst v4;
	v4 =	vadd.s32 v0, v5  }
0x5e3: {  	[tilespmem:$0xD90] =	vst v4  }
0x5e4: {  	_ =	swait.ge [sflag:s5], $0x8000  }
0x5e5: {  	[sflag:s5] =	ssyncset.done $0x0  }
0x5e6: {  	s14 =	simm.s32 $0x1000;
	s12 =	rddreg [dreg:$0x1c];
	[sflag:s5] =	ssyncadd.s32 $0xFFFF8000  }
0x5e7: {  	[hbm4b:s12+s3] =	stream.linear.scatter [tilespmem:s14], [sflag:$0x4], $0x8000, $0x38;
	[tilespmem:$0x19000] =	vst v63  }
0x5e8: {  	_ =	swait.ge [sflag:s21], $0x8000  }
0x5e9: {  	[sflag:s21] =	ssyncset.done $0x0  }
0x5ea: {  	[sflag:s21] =	ssyncadd.s32 $0xFFFF8000  }
0x5eb: {  	v4 =	vld [tilespmem:$0xD80];
	_ =	sdelay $0x4  }
0x5ec: {  	v5 =	vshll.u32 v4, $0x3  }
0x5ed: {  	v4 =	vand.u32 $0x7, v4;
	v5 =	vand.u32 $0xFFFFFFC0, v5  }
0x5ee: {  	v4 =	vor.u32 v4, v5  }
0x5ef: {  	v5 =	vperm.xlane v4, v1;
	_ =	sdelay $0x1  }
0x5f0: {  	v5 =	vadd.s32 v2, v5;
	_ =	sdelay $0x4  }
0x5f1: {  	[tilespmem:s14], [sflag:$0x1] =	stream.indirect_vreg.gather [hbm4b:s1+s3], $0x80, v5, vm0, $0xb8;
	[tilespmem:$0x19000] =	vst v63  }
0x5f2: {  	s9 =	simm.s32 $0x1800;
	v4 =	vperm.xlane v4, v3  }
0x5f3: {  	[tilespmem:s9], [sflag:$0x1] =	stream.indirect_vreg.gather [hbm4b:s6+s3], $0x80, v5, vm0, $0xb8;
	[tilespmem:$0x19000] =	vst v63  }
0x5f4: {  	s2 =	simm.s32 $0x2000;
	v4 =	vadd.s32 v2, v4  }
0x5f5: {  	[tilespmem:s2], [sflag:$0x1] =	stream.indirect_vreg.gather [hbm4b:s7+s3], $0x80, v5, vm0, $0xb8;
	[tilespmem:$0x19000] =	vst v63  }
0x5f6: {  	s12 =	simm.s32 $0x2800  }
0x5f7: {  	[tilespmem:s12], [sflag:$0x1] =	stream.indirect_vreg.gather [hbm4b:s8+s3], $0x80, v5, vm0, $0xb8;
	[tilespmem:$0x19000] =	vst v63  }
0x5f8: {  	s26 =	simm.s32 $0x3000  }
0x5f9: {  	[tilespmem:s26], [sflag:$0x1] =	stream.indirect_vreg.gather [hbm4b:s1+s3], $0x80, v4, vm0, $0xb8;
	[tilespmem:$0x19000] =	vst v63  }
0x5fa: {  	s26 =	simm.s32 $0x3800  }
0x5fb: {  	[tilespmem:s26], [sflag:$0x1] =	stream.indirect_vreg.gather [hbm4b:s6+s3], $0x80, v4, vm0, $0xb8;
	[tilespmem:$0x19000] =	vst v63  }
0x5fc: {  	s26 =	simm.s32 $0x4000  }
0x5fd: {  	[tilespmem:s26], [sflag:$0x1] =	stream.indirect_vreg.gather [hbm4b:s7+s3], $0x80, v4, vm0, $0xb8;
	[tilespmem:$0x19000] =	vst v63  }
0x5fe: {  	_ = 	snop  }
0x5ff: {  	[tilespmem:s10], [sflag:$0x1] =	stream.indirect_vreg.gather [hbm4b:s8+s3], $0x80, v4, vm0, $0xb8;
	[tilespmem:$0x19000] =	vst v63  }
0x600: {  	v4 =	vld [tilespmem:$0xD90];
	_ =	sdelay $0x4  }
0x601: {  	v5 =	vshll.u32 v4, $0x3  }
0x602: {  	v4 =	vand.u32 $0x7, v4;
	v5 =	vand.u32 $0xFFFFFFC0, v5  }
0x603: {  	v4 =	vor.u32 v4, v5  }
0x604: {  	v5 =	vperm.xlane v4, v1;
	_ =	sdelay $0x1  }
0x605: {  	v5 =	vadd.s32 v2, v5;
	_ =	sdelay $0x3  }
0x606: {  	s26 =	simm.s32 $0x5000  }
0x607: {  	[tilespmem:s26], [sflag:$0x1] =	stream.indirect_vreg.gather [hbm4b:s1+s3], $0x80, v5, vm0, $0xb8;
	[tilespmem:$0x19000] =	vst v63  }
0x608: {  	v4 =	vperm.xlane v4, v3;
	s26 =	simm.s32 $0x5800  }
0x609: {  	[tilespmem:s26], [sflag:$0x1] =	stream.indirect_vreg.gather [hbm4b:s6+s3], $0x80, v5, vm0, $0xb8;
	[tilespmem:$0x19000] =	vst v63  }
0x60a: {  	v4 =	vadd.s32 v2, v4;
	s26 =	simm.s32 $0x6000  }
0x60b: {  	[tilespmem:s26], [sflag:$0x1] =	stream.indirect_vreg.gather [hbm4b:s7+s3], $0x80, v5, vm0, $0xb8;
	[tilespmem:$0x19000] =	vst v63  }
0x60c: {  	s26 =	simm.s32 $0x6800  }
0x60d: {  	[tilespmem:s26], [sflag:$0x1] =	stream.indirect_vreg.gather [hbm4b:s8+s3], $0x80, v5, vm0, $0xb8;
	[tilespmem:$0x19000] =	vst v63  }
0x60e: {  	s26 =	simm.s32 $0x7000  }
0x60f: {  	[tilespmem:s26], [sflag:$0x1] =	stream.indirect_vreg.gather [hbm4b:s1+s3], $0x80, v4, vm0, $0xb8;
	[tilespmem:$0x19000] =	vst v63  }
0x610: {  	s26 =	simm.s32 $0x7800  }
0x611: {  	[tilespmem:s26], [sflag:$0x1] =	stream.indirect_vreg.gather [hbm4b:s6+s3], $0x80, v4, vm0, $0xb8;
	[tilespmem:$0x19000] =	vst v63  }
0x612: {  	s26 =	simm.s32 $0x8000  }
0x613: {  	[tilespmem:s26], [sflag:$0x1] =	stream.indirect_vreg.gather [hbm4b:s7+s3], $0x80, v4, vm0, $0xb8;
	[tilespmem:$0x19000] =	vst v63  }
0x614: {  	s26 =	simm.s32 $0x8800  }
0x615: {  	[tilespmem:s26], [sflag:$0x1] =	stream.indirect_vreg.gather [hbm4b:s8+s3], $0x80, v4, vm0, $0xb8;
	[tilespmem:$0x19000] =	vst v63  }
0x616: {  	v4 =	vld [tilespmem:$0xE00]  }
0x617: {  	v5 =	vld [tilespmem:$0xE10];
	_ =	sdelay $0x3  }
0x618: {  	v4 =	vadd.s32 v0, v4  }
0x619: {  	[tilespmem:$0xE00] =	vst v4;
	v4 =	vadd.s32 v0, v5  }
0x61a: {  	[tilespmem:$0xE10] =	vst v4  }
0x61b: {  	_ =	swait.ge [sflag:s22], $0x8000  }
0x61c: {  	[sflag:s22] =	ssyncset.done $0x0  }
0x61d: {  	s13 =	simm.s32 $0x9000;
	s0 =	rddreg [dreg:$0x1d];
	[sflag:s22] =	ssyncadd.s32 $0xFFFF8000  }
0x61e: {  	[hbm4b:s0+s3] =	stream.linear.scatter [tilespmem:s13], [sflag:$0x5], $0x8000, $0x38;
	[tilespmem:$0x19000] =	vst v63  }
0x61f: {  	_ =	swait.ge [sflag:s23], $0x8000  }
0x620: {  	[sflag:s23] =	ssyncset.done $0x0  }
0x621: {  	[sflag:s23] =	ssyncadd.s32 $0xFFFF8000  }
0x622: {  	v4 =	vld [tilespmem:$0xE00];
	_ =	sdelay $0x4  }
0x623: {  	v5 =	vshll.u32 v4, $0x3  }
0x624: {  	v4 =	vand.u32 $0x7, v4;
	v5 =	vand.u32 $0xFFFFFFC0, v5  }
0x625: {  	v4 =	vor.u32 v4, v5  }
0x626: {  	v5 =	vperm.xlane v4, v1;
	_ =	sdelay $0x1  }
0x627: {  	v5 =	vadd.s32 v2, v5;
	_ =	sdelay $0x4  }
0x628: {  	[tilespmem:s13], [sflag:$0x2] =	stream.indirect_vreg.gather [hbm4b:s1+s3], $0x80, v5, vm0, $0xb8;
	[tilespmem:$0x19000] =	vst v63  }
0x629: {  	v4 =	vperm.xlane v4, v3  }
0x62a: {  	[tilespmem:s4], [sflag:$0x2] =	stream.indirect_vreg.gather [hbm4b:s6+s3], $0x80, v5, vm0, $0xb8;
	[tilespmem:$0x19000] =	vst v63  }
0x62b: {  	v4 =	vadd.s32 v2, v4  }
0x62c: {  	[tilespmem:s11], [sflag:$0x2] =	stream.indirect_vreg.gather [hbm4b:s7+s3], $0x80, v5, vm0, $0xb8;
	[tilespmem:$0x19000] =	vst v63  }
0x62d: {  	s26 =	simm.s32 $0xA800  }
0x62e: {  	[tilespmem:s26], [sflag:$0x2] =	stream.indirect_vreg.gather [hbm4b:s8+s3], $0x80, v5, vm0, $0xb8;
	[tilespmem:$0x19000] =	vst v63  }
0x62f: {  	s26 =	simm.s32 $0xB000  }
0x630: {  	[tilespmem:s26], [sflag:$0x2] =	stream.indirect_vreg.gather [hbm4b:s1+s3], $0x80, v4, vm0, $0xb8;
	[tilespmem:$0x19000] =	vst v63  }
0x631: {  	s26 =	simm.s32 $0xB800  }
0x632: {  	[tilespmem:s26], [sflag:$0x2] =	stream.indirect_vreg.gather [hbm4b:s6+s3], $0x80, v4, vm0, $0xb8;
	[tilespmem:$0x19000] =	vst v63  }
0x633: {  	s26 =	simm.s32 $0xC000  }
0x634: {  	[tilespmem:s26], [sflag:$0x2] =	stream.indirect_vreg.gather [hbm4b:s7+s3], $0x80, v4, vm0, $0xb8;
	[tilespmem:$0x19000] =	vst v63  }
0x635: {  	s26 =	simm.s32 $0xC800  }
0x636: {  	[tilespmem:s26], [sflag:$0x2] =	stream.indirect_vreg.gather [hbm4b:s8+s3], $0x80, v4, vm0, $0xb8;
	[tilespmem:$0x19000] =	vst v63  }
0x637: {  	v4 =	vld [tilespmem:$0xE10];
	_ =	sdelay $0x4  }
0x638: {  	v5 =	vshll.u32 v4, $0x3  }
0x639: {  	v4 =	vand.u32 $0x7, v4;
	v5 =	vand.u32 $0xFFFFFFC0, v5  }
0x63a: {  	v4 =	vor.u32 v4, v5  }
0x63b: {  	v5 =	vperm.xlane v4, v1;
	_ =	sdelay $0x1  }
0x63c: {  	v5 =	vadd.s32 v2, v5;
	_ =	sdelay $0x3  }
0x63d: {  	s26 =	simm.s32 $0xD000  }
0x63e: {  	[tilespmem:s26], [sflag:$0x2] =	stream.indirect_vreg.gather [hbm4b:s1+s3], $0x80, v5, vm0, $0xb8;
	[tilespmem:$0x19000] =	vst v63  }
0x63f: {  	v4 =	vperm.xlane v4, v3;
	s26 =	simm.s32 $0xD800  }
0x640: {  	[tilespmem:s26], [sflag:$0x2] =	stream.indirect_vreg.gather [hbm4b:s6+s3], $0x80, v5, vm0, $0xb8;
	[tilespmem:$0x19000] =	vst v63  }
0x641: {  	v4 =	vadd.s32 v2, v4;
	s26 =	simm.s32 $0xE000  }
0x642: {  	[tilespmem:s26], [sflag:$0x2] =	stream.indirect_vreg.gather [hbm4b:s7+s3], $0x80, v5, vm0, $0xb8;
	[tilespmem:$0x19000] =	vst v63  }
0x643: {  	s26 =	simm.s32 $0xE800  }
0x644: {  	[tilespmem:s26], [sflag:$0x2] =	stream.indirect_vreg.gather [hbm4b:s8+s3], $0x80, v5, vm0, $0xb8;
	[tilespmem:$0x19000] =	vst v63  }
0x645: {  	s26 =	simm.s32 $0xF000  }
0x646: {  	[tilespmem:s26], [sflag:$0x2] =	stream.indirect_vreg.gather [hbm4b:s1+s3], $0x80, v4, vm0, $0xb8;
	[tilespmem:$0x19000] =	vst v63  }
0x647: {  	s26 =	simm.s32 $0xF800  }
0x648: {  	[tilespmem:s26], [sflag:$0x2] =	stream.indirect_vreg.gather [hbm4b:s6+s3], $0x80, v4, vm0, $0xb8;
	[tilespmem:$0x19000] =	vst v63  }
0x649: {  	s26 =	simm.s32 $0x10000  }
0x64a: {  	[tilespmem:s26], [sflag:$0x2] =	stream.indirect_vreg.gather [hbm4b:s7+s3], $0x80, v4, vm0, $0xb8;
	[tilespmem:$0x19000] =	vst v63  }
0x64b: {  	s26 =	simm.s32 $0x10800  }
0x64c: {  	[tilespmem:s26], [sflag:$0x2] =	stream.indirect_vreg.gather [hbm4b:s8+s3], $0x80, v4, vm0, $0xb8;
	[tilespmem:$0x19000] =	vst v63  }
0x64d: {  	v4 =	vld [tilespmem:$0xE80]  }
0x64e: {  	v5 =	vld [tilespmem:$0xE90];
	_ =	sdelay $0x3  }
0x64f: {  	v4 =	vadd.s32 v0, v4  }
0x650: {  	[tilespmem:$0xE80] =	vst v4;
	v4 =	vadd.s32 v0, v5  }
0x651: {  	[tilespmem:$0xE90] =	vst v4  }
0x652: {  	_ =	swait.ge [sflag:s24], $0x8000  }
0x653: {  	[sflag:s24] =	ssyncset.done $0x0  }
0x654: {  	s0 =	simm.s32 $0x11000;
	s26 =	rddreg [dreg:$0x1e];
	[sflag:s24] =	ssyncadd.s32 $0xFFFF8000  }
0x655: {  	[hbm4b:s26+s3] =	stream.linear.scatter [tilespmem:s0], [sflag:$0x6], $0x8000, $0x38;
	[tilespmem:$0x19000] =	vst v63  }
0x656: {  	_ =	swait.ge [sflag:s25], $0x8000  }
0x657: {  	[sflag:s25] =	ssyncset.done $0x0  }
0x658: {  	[sflag:s25] =	ssyncadd.s32 $0xFFFF8000  }
0x659: {  	v4 =	vld [tilespmem:$0xE80];
	_ =	sdelay $0x4  }
0x65a: {  	v5 =	vshll.u32 v4, $0x3  }
0x65b: {  	v4 =	vand.u32 $0x7, v4;
	v5 =	vand.u32 $0xFFFFFFC0, v5  }
0x65c: {  	v4 =	vor.u32 v4, v5  }
0x65d: {  	v5 =	vperm.xlane v4, v1;
	_ =	sdelay $0x1  }
0x65e: {  	v5 =	vadd.s32 v2, v5;
	_ =	sdelay $0x4  }
0x65f: {  	[tilespmem:s0], [sflag:$0x3] =	stream.indirect_vreg.gather [hbm4b:s1+s3], $0x80, v5, vm0, $0xb8;
	[tilespmem:$0x19000] =	vst v63  }
0x660: {  	s26 =	simm.s32 $0x11800;
	v4 =	vperm.xlane v4, v3  }
0x661: {  	[tilespmem:s26], [sflag:$0x3] =	stream.indirect_vreg.gather [hbm4b:s6+s3], $0x80, v5, vm0, $0xb8;
	[tilespmem:$0x19000] =	vst v63  }
0x662: {  	s16 =	simm.s32 $0x12000;
	v4 =	vadd.s32 v2, v4  }
0x663: {  	[tilespmem:s16], [sflag:$0x3] =	stream.indirect_vreg.gather [hbm4b:s7+s3], $0x80, v5, vm0, $0xb8;
	[tilespmem:$0x19000] =	vst v63  }
0x664: {  	s26 =	simm.s32 $0x12800  }
0x665: {  	[tilespmem:s26], [sflag:$0x3] =	stream.indirect_vreg.gather [hbm4b:s8+s3], $0x80, v5, vm0, $0xb8;
	[tilespmem:$0x19000] =	vst v63  }
0x666: {  	s30 =	simm.s32 $0x13000  }
0x667: {  	[tilespmem:s30], [sflag:$0x3] =	stream.indirect_vreg.gather [hbm4b:s1+s3], $0x80, v4, vm0, $0xb8;
	[tilespmem:$0x19000] =	vst v63  }
0x668: {  	s18 =	simm.s32 $0x13800  }
0x669: {  	[tilespmem:s18], [sflag:$0x3] =	stream.indirect_vreg.gather [hbm4b:s6+s3], $0x80, v4, vm0, $0xb8;
	[tilespmem:$0x19000] =	vst v63  }
0x66a: {  	s18 =	simm.s32 $0x14000  }
0x66b: {  	[tilespmem:s18], [sflag:$0x3] =	stream.indirect_vreg.gather [hbm4b:s7+s3], $0x80, v4, vm0, $0xb8;
	[tilespmem:$0x19000] =	vst v63  }
0x66c: {  	s20 =	simm.s32 $0x14800  }
0x66d: {  	[tilespmem:s20], [sflag:$0x3] =	stream.indirect_vreg.gather [hbm4b:s8+s3], $0x80, v4, vm0, $0xb8;
	[tilespmem:$0x19000] =	vst v63  }
0x66e: {  	v4 =	vld [tilespmem:$0xE90];
	_ =	sdelay $0x4  }
0x66f: {  	v5 =	vshll.u32 v4, $0x3  }
0x670: {  	v4 =	vand.u32 $0x7, v4;
	v5 =	vand.u32 $0xFFFFFFC0, v5  }
0x671: {  	v4 =	vor.u32 v4, v5  }
0x672: {  	v5 =	vperm.xlane v4, v1;
	_ =	sdelay $0x1  }
0x673: {  	v5 =	vadd.s32 v2, v5;
	_ =	sdelay $0x3  }
0x674: {  	s26 =	simm.s32 $0x15000  }
0x675: {  	[tilespmem:s26], [sflag:$0x3] =	stream.indirect_vreg.gather [hbm4b:s1+s3], $0x80, v5, vm0, $0xb8;
	[tilespmem:$0x19000] =	vst v63  }
0x676: {  	s30 =	simm.s32 $0x15800;
	v4 =	vperm.xlane v4, v3  }
0x677: {  	[tilespmem:s30], [sflag:$0x3] =	stream.indirect_vreg.gather [hbm4b:s6+s3], $0x80, v5, vm0, $0xb8;
	[tilespmem:$0x19000] =	vst v63  }
0x678: {  	s19 =	simm.s32 $0x16000;
	v4 =	vadd.s32 v2, v4  }
0x679: {  	[tilespmem:s19], [sflag:$0x3] =	stream.indirect_vreg.gather [hbm4b:s7+s3], $0x80, v5, vm0, $0xb8;
	[tilespmem:$0x19000] =	vst v63  }
0x67a: {  	s28 =	simm.s32 $0x16800  }
0x67b: {  	[tilespmem:s28], [sflag:$0x3] =	stream.indirect_vreg.gather [hbm4b:s8+s3], $0x80, v5, vm0, $0xb8;
	[tilespmem:$0x19000] =	vst v63  }
0x67c: {  	s17 =	simm.s32 $0x17000  }
0x67d: {  	[tilespmem:s17], [sflag:$0x3] =	stream.indirect_vreg.gather [hbm4b:s1+s3], $0x80, v4, vm0, $0xb8;
	[tilespmem:$0x19000] =	vst v63  }
0x67e: {  	s29 =	simm.s32 $0x17800  }
0x67f: {  	[tilespmem:s29], [sflag:$0x3] =	stream.indirect_vreg.gather [hbm4b:s6+s3], $0x80, v4, vm0, $0xb8;
	[tilespmem:$0x19000] =	vst v63  }
0x680: {  	s31 =	simm.s32 $0x18000  }
0x681: {  	[tilespmem:s31], [sflag:$0x3] =	stream.indirect_vreg.gather [hbm4b:s7+s3], $0x80, v4, vm0, $0xb8;
	[tilespmem:$0x19000] =	vst v63  }
0x682: {  	s15 =	simm.s32 $0x18800  }
0x683: {  	[tilespmem:s15], [sflag:$0x3] =	stream.indirect_vreg.gather [hbm4b:s8+s3], $0x80, v4, vm0, $0xb8;
	[tilespmem:$0x19000] =	vst v63  }
0x684: {  	v4 =	vld [tilespmem:$0xF00]  }
0x685: {  	v5 =	vld [tilespmem:$0xF10];
	_ =	sdelay $0x3  }
0x686: {  	v4 =	vadd.s32 v0, v4  }
0x687: {  	[tilespmem:$0xF00] =	vst v4;
	v4 =	vadd.s32 v0, v5  }
0x688: {  	[tilespmem:$0xF10] =	vst v4  }
0x689: {  	_ =	swait.ge [sflag:s5], $0x8000  }
0x68a: {  	[sflag:s5] =	ssyncset.done $0x0  }
0x68b: {  	s14 =	simm.s32 $0x1000;
	s31 =	rddreg [dreg:$0x1f];
	[sflag:s5] =	ssyncadd.s32 $0xFFFF8000  }
0x68c: {  	[hbm4b:s31+s3] =	stream.linear.scatter [tilespmem:s14], [sflag:$0x4], $0x8000, $0x38;
	[tilespmem:$0x19000] =	vst v63  }
0x68d: {  	_ =	swait.ge [sflag:s21], $0x8000  }
0x68e: {  	[sflag:s21] =	ssyncset.done $0x0  }
0x68f: {  	[sflag:s21] =	ssyncadd.s32 $0xFFFF8000  }
0x690: {  	v4 =	vld [tilespmem:$0xF00];
	_ =	sdelay $0x4  }
0x691: {  	v5 =	vshll.u32 v4, $0x3  }
0x692: {  	v4 =	vand.u32 $0x7, v4;
	v5 =	vand.u32 $0xFFFFFFC0, v5  }
0x693: {  	v4 =	vor.u32 v4, v5  }
0x694: {  	v5 =	vperm.xlane v4, v1;
	_ =	sdelay $0x1  }
0x695: {  	v5 =	vadd.s32 v2, v5;
	_ =	sdelay $0x4  }
0x696: {  	[tilespmem:s14], [sflag:$0x1] =	stream.indirect_vreg.gather [hbm4b:s1+s3], $0x80, v5, vm0, $0xb8;
	[tilespmem:$0x19000] =	vst v63  }
0x697: {  	v4 =	vperm.xlane v4, v3  }
0x698: {  	[tilespmem:s9], [sflag:$0x1] =	stream.indirect_vreg.gather [hbm4b:s6+s3], $0x80, v5, vm0, $0xb8;
	[tilespmem:$0x19000] =	vst v63  }
0x699: {  	v4 =	vadd.s32 v2, v4  }
0x69a: {  	[tilespmem:s2], [sflag:$0x1] =	stream.indirect_vreg.gather [hbm4b:s7+s3], $0x80, v5, vm0, $0xb8;
	[tilespmem:$0x19000] =	vst v63  }
0x69b: {  	_ = 	snop  }
0x69c: {  	[tilespmem:s12], [sflag:$0x1] =	stream.indirect_vreg.gather [hbm4b:s8+s3], $0x80, v5, vm0, $0xb8;
	[tilespmem:$0x19000] =	vst v63  }
0x69d: {  	s9 =	simm.s32 $0x3000  }
0x69e: {  	[tilespmem:s9], [sflag:$0x1] =	stream.indirect_vreg.gather [hbm4b:s1+s3], $0x80, v4, vm0, $0xb8;
	[tilespmem:$0x19000] =	vst v63  }
0x69f: {  	s12 =	simm.s32 $0x3800  }
0x6a0: {  	[tilespmem:s12], [sflag:$0x1] =	stream.indirect_vreg.gather [hbm4b:s6+s3], $0x80, v4, vm0, $0xb8;
	[tilespmem:$0x19000] =	vst v63  }
0x6a1: {  	s15 =	simm.s32 $0x4000  }
0x6a2: {  	[tilespmem:s15], [sflag:$0x1] =	stream.indirect_vreg.gather [hbm4b:s7+s3], $0x80, v4, vm0, $0xb8;
	[tilespmem:$0x19000] =	vst v63  }
0x6a3: {  	s10 =	simm.s32 $0x4800  }
0x6a4: {  	[tilespmem:s10], [sflag:$0x1] =	stream.indirect_vreg.gather [hbm4b:s8+s3], $0x80, v4, vm0, $0xb8;
	[tilespmem:$0x19000] =	vst v63  }
0x6a5: {  	v4 =	vld [tilespmem:$0xF10];
	_ =	sdelay $0x4  }
0x6a6: {  	v5 =	vshll.u32 v4, $0x3  }
0x6a7: {  	v4 =	vand.u32 $0x7, v4;
	v5 =	vand.u32 $0xFFFFFFC0, v5  }
0x6a8: {  	v4 =	vor.u32 v4, v5  }
0x6a9: {  	v5 =	vperm.xlane v4, v1;
	_ =	sdelay $0x1  }
0x6aa: {  	v5 =	vadd.s32 v2, v5;
	_ =	sdelay $0x3  }
0x6ab: {  	s16 =	simm.s32 $0x5000  }
0x6ac: {  	[tilespmem:s16], [sflag:$0x1] =	stream.indirect_vreg.gather [hbm4b:s1+s3], $0x80, v5, vm0, $0xb8;
	[tilespmem:$0x19000] =	vst v63  }
0x6ad: {  	s17 =	simm.s32 $0x5800;
	v4 =	vperm.xlane v4, v3  }
0x6ae: {  	[tilespmem:s17], [sflag:$0x1] =	stream.indirect_vreg.gather [hbm4b:s6+s3], $0x80, v5, vm0, $0xb8;
	[tilespmem:$0x19000] =	vst v63  }
0x6af: {  	s18 =	simm.s32 $0x6000;
	v4 =	vadd.s32 v2, v4  }
0x6b0: {  	[tilespmem:s18], [sflag:$0x1] =	stream.indirect_vreg.gather [hbm4b:s7+s3], $0x80, v5, vm0, $0xb8;
	[tilespmem:$0x19000] =	vst v63  }
0x6b1: {  	s19 =	simm.s32 $0x6800  }
0x6b2: {  	[tilespmem:s19], [sflag:$0x1] =	stream.indirect_vreg.gather [hbm4b:s8+s3], $0x80, v5, vm0, $0xb8;
	[tilespmem:$0x19000] =	vst v63  }
0x6b3: {  	s20 =	simm.s32 $0x7000  }
0x6b4: {  	[tilespmem:s20], [sflag:$0x1] =	stream.indirect_vreg.gather [hbm4b:s1+s3], $0x80, v4, vm0, $0xb8;
	[tilespmem:$0x19000] =	vst v63  }
0x6b5: {  	s26 =	simm.s32 $0x7800  }
0x6b6: {  	[tilespmem:s26], [sflag:$0x1] =	stream.indirect_vreg.gather [hbm4b:s6+s3], $0x80, v4, vm0, $0xb8;
	[tilespmem:$0x19000] =	vst v63  }
0x6b7: {  	s28 =	simm.s32 $0x8000  }
0x6b8: {  	[tilespmem:s28], [sflag:$0x1] =	stream.indirect_vreg.gather [hbm4b:s7+s3], $0x80, v4, vm0, $0xb8;
	[tilespmem:$0x19000] =	vst v63  }
0x6b9: {  	s29 =	simm.s32 $0x8800  }
0x6ba: {  	[tilespmem:s29], [sflag:$0x1] =	stream.indirect_vreg.gather [hbm4b:s8+s3], $0x80, v4, vm0, $0xb8;
	[tilespmem:$0x19000] =	vst v63  }
0x6bb: {  	v4 =	vld [tilespmem:$0xF80]  }
0x6bc: {  	v5 =	vld [tilespmem:$0xF90];
	_ =	sdelay $0x3  }
0x6bd: {  	v4 =	vadd.s32 v0, v4  }
0x6be: {  	[tilespmem:$0xF80] =	vst v4;
	v4 =	vadd.s32 v0, v5  }
0x6bf: {  	[tilespmem:$0xF90] =	vst v4  }
0x6c0: {  	_ =	swait.ge [sflag:s22], $0x8000  }
0x6c1: {  	s30 =	sld [smem:$0x7F9]  }
0x6c2: {  	[sflag:s22] =	ssyncset.done $0x0  }
0x6c3: {  	[sflag:s22] =	ssyncadd.s32 $0xFFFF8000  }
0x6c4: {  	[hbm4b:s30+s3] =	stream.linear.scatter [tilespmem:s13], [sflag:$0x5], $0x8000, $0x38;
	[tilespmem:$0x19000] =	vst v63  }
0x6c5: {  	_ =	swait.ge [sflag:s23], $0x8000  }
0x6c6: {  	[sflag:s23] =	ssyncset.done $0x0  }
0x6c7: {  	[sflag:s23] =	ssyncadd.s32 $0xFFFF8000  }
0x6c8: {  	v4 =	vld [tilespmem:$0xF80];
	_ =	sdelay $0x4  }
0x6c9: {  	v5 =	vshll.u32 v4, $0x3  }
0x6ca: {  	v4 =	vand.u32 $0x7, v4;
	v5 =	vand.u32 $0xFFFFFFC0, v5  }
0x6cb: {  	v4 =	vor.u32 v4, v5  }
0x6cc: {  	v5 =	vperm.xlane v4, v1;
	_ =	sdelay $0x1  }
0x6cd: {  	v5 =	vadd.s32 v2, v5;
	_ =	sdelay $0x4  }
0x6ce: {  	[tilespmem:s13], [sflag:$0x2] =	stream.indirect_vreg.gather [hbm4b:s1+s3], $0x80, v5, vm0, $0xb8;
	[tilespmem:$0x19000] =	vst v63  }
0x6cf: {  	s4 =	simm.s32 $0x9800;
	v4 =	vperm.xlane v4, v3  }
0x6d0: {  	[tilespmem:s4], [sflag:$0x2] =	stream.indirect_vreg.gather [hbm4b:s6+s3], $0x80, v5, vm0, $0xb8;
	[tilespmem:$0x19000] =	vst v63  }
0x6d1: {  	s11 =	simm.s32 $0xA000;
	v4 =	vadd.s32 v2, v4  }
0x6d2: {  	[tilespmem:s11], [sflag:$0x2] =	stream.indirect_vreg.gather [hbm4b:s7+s3], $0x80, v5, vm0, $0xb8;
	[tilespmem:$0x19000] =	vst v63  }
0x6d3: {  	s31 =	simm.s32 $0xA800  }
0x6d4: {  	[tilespmem:s31], [sflag:$0x2] =	stream.indirect_vreg.gather [hbm4b:s8+s3], $0x80, v5, vm0, $0xb8;
	[tilespmem:$0x19000] =	vst v63  }
0x6d5: {  	s4 =	simm.s32 $0xB000  }
0x6d6: {  	[tilespmem:s4], [sflag:$0x2] =	stream.indirect_vreg.gather [hbm4b:s1+s3], $0x80, v4, vm0, $0xb8;
	[tilespmem:$0x19000] =	vst v63  }
0x6d7: {  	s9 =	simm.s32 $0xB800  }
0x6d8: {  	[tilespmem:s9], [sflag:$0x2] =	stream.indirect_vreg.gather [hbm4b:s6+s3], $0x80, v4, vm0, $0xb8;
	[tilespmem:$0x19000] =	vst v63  }
0x6d9: {  	s10 =	simm.s32 $0xC000  }
0x6da: {  	[tilespmem:s10], [sflag:$0x2] =	stream.indirect_vreg.gather [hbm4b:s7+s3], $0x80, v4, vm0, $0xb8;
	[tilespmem:$0x19000] =	vst v63  }
0x6db: {  	s11 =	simm.s32 $0xC800  }
0x6dc: {  	[tilespmem:s11], [sflag:$0x2] =	stream.indirect_vreg.gather [hbm4b:s8+s3], $0x80, v4, vm0, $0xb8;
	[tilespmem:$0x19000] =	vst v63  }
0x6dd: {  	v4 =	vld [tilespmem:$0xF90];
	_ =	sdelay $0x4  }
0x6de: {  	v5 =	vshll.u32 v4, $0x3  }
0x6df: {  	v4 =	vand.u32 $0x7, v4;
	v5 =	vand.u32 $0xFFFFFFC0, v5  }
0x6e0: {  	v4 =	vor.u32 v4, v5  }
0x6e1: {  	v5 =	vperm.xlane v4, v1;
	_ =	sdelay $0x1  }
0x6e2: {  	v5 =	vadd.s32 v2, v5;
	_ =	sdelay $0x3  }
0x6e3: {  	s12 =	simm.s32 $0xD000  }
0x6e4: {  	[tilespmem:s12], [sflag:$0x2] =	stream.indirect_vreg.gather [hbm4b:s1+s3], $0x80, v5, vm0, $0xb8;
	[tilespmem:$0x19000] =	vst v63  }
0x6e5: {  	s15 =	simm.s32 $0xD800;
	v4 =	vperm.xlane v4, v3  }
0x6e6: {  	[tilespmem:s15], [sflag:$0x2] =	stream.indirect_vreg.gather [hbm4b:s6+s3], $0x80, v5, vm0, $0xb8;
	[tilespmem:$0x19000] =	vst v63  }
0x6e7: {  	s16 =	simm.s32 $0xE000;
	v4 =	vadd.s32 v2, v4  }
0x6e8: {  	[tilespmem:s16], [sflag:$0x2] =	stream.indirect_vreg.gather [hbm4b:s7+s3], $0x80, v5, vm0, $0xb8;
	[tilespmem:$0x19000] =	vst v63  }
0x6e9: {  	s17 =	simm.s32 $0xE800  }
0x6ea: {  	[tilespmem:s17], [sflag:$0x2] =	stream.indirect_vreg.gather [hbm4b:s8+s3], $0x80, v5, vm0, $0xb8;
	[tilespmem:$0x19000] =	vst v63  }
0x6eb: {  	s18 =	simm.s32 $0xF000  }
0x6ec: {  	[tilespmem:s18], [sflag:$0x2] =	stream.indirect_vreg.gather [hbm4b:s1+s3], $0x80, v4, vm0, $0xb8;
	[tilespmem:$0x19000] =	vst v63  }
0x6ed: {  	s19 =	simm.s32 $0xF800  }
0x6ee: {  	[tilespmem:s19], [sflag:$0x2] =	stream.indirect_vreg.gather [hbm4b:s6+s3], $0x80, v4, vm0, $0xb8;
	[tilespmem:$0x19000] =	vst v63  }
0x6ef: {  	s20 =	simm.s32 $0x10000  }
0x6f0: {  	[tilespmem:s20], [sflag:$0x2] =	stream.indirect_vreg.gather [hbm4b:s7+s3], $0x80, v4, vm0, $0xb8;
	[tilespmem:$0x19000] =	vst v63  }
0x6f1: {  	s26 =	simm.s32 $0x10800  }
0x6f2: {  	[tilespmem:s26], [sflag:$0x2] =	stream.indirect_vreg.gather [hbm4b:s8+s3], $0x80, v4, vm0, $0xb8;
	[tilespmem:$0x19000] =	vst v63  }
0x6f3: {  	_ =	swait.ge [sflag:s24], $0x8000  }
0x6f4: {  	s28 =	sld [smem:$0x7FA]  }
0x6f5: {  	[sflag:s24] =	ssyncset.done $0x0  }
0x6f6: {  	s0 =	simm.s32 $0x11000;
	[sflag:s24] =	ssyncadd.s32 $0xFFFF8000  }
0x6f7: {  	[hbm4b:s28+s3] =	stream.linear.scatter [tilespmem:s0], [sflag:$0x6], $0x8000, $0x38;
	[tilespmem:$0x19000] =	vst v63  }
0x6f8: {  	_ =	swait.ge [sflag:s5], $0x8000  }
0x6f9: {  	s29 =	sld [smem:$0x7FB]  }
0x6fa: {  	[sflag:s5] =	ssyncset.done $0x0  }
0x6fb: {  	[sflag:s5] =	ssyncadd.s32 $0xFFFF8000  }
0x6fc: {  	[hbm4b:s29+s3] =	stream.linear.scatter [tilespmem:s14], [sflag:$0x4], $0x8000, $0x38;
	[tilespmem:$0x19000] =	vst v63  }
0x6fd: {  	_ =	swait.ge [sflag:s22], $0x8000  }
0x6fe: {  	s30 =	sld [smem:$0x7FD]  }
0x6ff: {  	[sflag:s22] =	ssyncset.done $0x0  }
0x700: {  	[sflag:s22] =	ssyncadd.s32 $0xFFFF8000  }
0x701: {  	[hbm4b:s30+s3] =	stream.linear.scatter [tilespmem:s13], [sflag:$0x5], $0x8000, $0x38;
	[tilespmem:$0x19000] =	vst v63  }
0x702: {  	_ =	swait.ge [sflag:s25], $0x8000  }
0x703: {  	[sflag:s25] =	ssyncset.done $0x0  }
0x704: {  	[sflag:s25] =	ssyncadd.s32 $0xFFFF8000  }
0x705: {  	_ =	swait.ge [sflag:s21], $0x8000  }
0x706: {  	[sflag:s21] =	ssyncset.done $0x0  }
0x707: {  	[sflag:s21] =	ssyncadd.s32 $0xFFFF8000  }
0x708: {  	_ =	swait.ge [sflag:s23], $0x8000  }
0x709: {  	s31 =	sld [smem:$0x7F8];
	_ =	sdelay $0x2  }
0x70a: {  	p0 =	sne.s32 s31, $0x1  }
.Ltmp0:
0x70b: {  	_ = 	snop;
	(pc) =	sbr.rel @p0 .LBB2_1-.Ltmp0, $3  }
0x70c: {  	_ =	sdelay $0x1  }
0x70d: {  	[sflag:s23] =	ssyncset.done $0x0  }
0x70e: {  	[sflag:s23] =	ssyncadd.s32 $0xFFFF8000;
	s0 =	sadd.s32 $0xFFFFFFFF, s31  }
0x70f: {  	_ =	sfence.sel $0x180000  }
0x710: {  	[bflag:$0x0] =	sbarrier.arrive $0xFFFF  }
0x711: {  	_ =	strace $0x90000047  }
0x712: {  	s0 =	stileid.u32;
	[bflag:$0x2] =	sbarrier.arrive $0xFFFF  }
0x713: {  	p0 =	sne.s32 s0, $0x0;
	s0 =	rddreg [dreg:$0x3]  }
0x714: {  	s0 =	sadd.s32 @!p0 $0x100000, s0  }
0x715: {  	[sflag:s0] =	ssyncadd.tile.s32 @!p0 $0x1;
	_ =	shalt  }
.Lfunc_end2:
_tile_overlayer_lowered:
.L_overlay_start_2:
0x716: {  	(tag) =	ssettag $0x2  }
0x717: {  	s0 =	rddreg [dreg:$0x0];
	s2 =	stileid.u32  }
0x718: {  	s1 =	rddreg [dreg:$0x1];
	p0 =	sne.s32 s2, $0x0  }
0x719: {  	s3 =	rddreg [dreg:$0x2];
	[bflag:$0x3] =	sbarrier.arrive $0xFFFF;
	s2 =	simm.s32 @!p0 $0x1C07  }
0x71a: {  	[timem:s3], [sflag:s2] =	dma.local @!p0 [hbm:s0], s1  }
0x71b: {  	s0 =	simm.s32 @!p0 $0x7  }
0x71c: {  	_ =	swait.ge @!p0 [sflag:s0], s1  }
0x71d: {  	s1 =	ssub.s32 @!p0 $0x0, s1;
	[sflag:s0] =	ssyncset.done @!p0 $0x0  }
0x71e: {  	[sflag:s0] =	ssyncadd.s32 @!p0 s1  }
0x71f: {  	[bflag:$0x3] =	sbarrier.arrive $0xFFFF  }
0x720: {  	_ =	shalt  }

</sc_bundles>
